<compile_context>
chip_gen: v7x
topology: tpu7x:2x2x1
jax: 0.10.2.dev20260603
libtpu: 0.0.44.dev20260713+nightly
codegen_flags: <defaults>
</compile_context>

<pallas_src>
import functools

import jax
import jax.numpy as jnp
from jax import lax
from jax.experimental import pallas as pl
from jax.experimental.pallas import tpu as pltpu
from jax.experimental.pallas import tpu_sc as plsc

N = 10000
E = 320000
H = 128
OUT = 2
NUM_LAYERS = 4
EPS = 1e-5

GROUP = 128
NGROUPS = E // GROUP
NWORK = 32
ITERS = -(-NGROUPS // NWORK)
NSUB = 16
NPAD = 10240
ROWS_PER_SUB = NPAD // NSUB
DEGW = 16

BR = 400


HH = H // 2

@functools.lru_cache(maxsize=None)
def _make_agg_sc():
    mesh = plsc.VectorSubcoreMesh(core_axis_name="c", subcore_axis_name="s")
    NB = 2
    G2 = 512
    NG2 = E // G2
    GPW = 40

    @functools.partial(
        pl.kernel,
        out_type=jax.ShapeDtypeStruct((2, NPAD, HH), jnp.float32),
        scratch_types=[
            pltpu.VMEM((NB, 2, G2), jnp.int32),
            pltpu.VMEM((NB, G2, HH), jnp.float32),
            pltpu.VMEM_SHARED((NPAD, HH), jnp.float32),
        ] + [pltpu.SemaphoreType.DMA] * (2 * NB),
        mesh=mesh,
        compiler_params=pltpu.CompilerParams(use_tc_tiling_on_sc=False),
    )
    def agg(u_hbm, ei_hbm, out_hbm, idx_v, rows_v, acc_sh, *sems):
        gsems = sems[:NB]
        ssems = sems[NB:]
        c = lax.axis_index("c")
        s = lax.axis_index("s")
        g0 = s * GPW
        nw = jnp.clip(NG2 - g0, 0, GPW)

        stripe = pl.ds(s * ROWS_PER_SUB, ROWS_PER_SUB)
        pltpu.sync_copy(u_hbm.at[c, stripe], acc_sh.at[stripe])
        plsc.subcore_barrier()

        def start(b, i):
            g = g0 + i
            pltpu.sync_copy(ei_hbm.at[:, pl.ds(g * G2, G2)], idx_v.at[b])

            @pl.when(c == 0)
            def _():
                pltpu.async_copy(u_hbm.at[0].at[idx_v.at[b].at[0]],
                                 rows_v.at[b], gsems[b])

            @pl.when(c == 1)
            def _():
                pltpu.async_copy(u_hbm.at[1].at[idx_v.at[b].at[0]],
                                 rows_v.at[b], gsems[b])

        def wait(b):
            pltpu.make_async_copy(
                u_hbm.at[0].at[pl.ds(0, G2)], rows_v.at[b], gsems[b]).wait()

        def scat(b):
            pltpu.async_copy(rows_v.at[b], acc_sh.at[idx_v.at[b].at[1]],
                             ssems[b], add=True)

        def wait_scat(b):
            pltpu.make_async_copy(rows_v.at[b], acc_sh.at[pl.ds(0, G2)],
                                  ssems[b]).wait()

        for j in range(NB):
            @pl.when(j < nw)
            def _(j=j):
                start(j, j)

        def body(k, _):
            base = k * NB
            for b in range(NB):
                i = base + b

                @pl.when(i < nw)
                def _(b=b, i=i):
                    wait(b)
                    scat(b)

                    @pl.when(i + NB < nw)
                    def _(b=b, i=i):
                        wait_scat(b)
                        start(b, i + NB)

            return ()

        lax.fori_loop(0, GPW // NB, body, ())
        for j in range(NB):
            @pl.when(j < jnp.minimum(nw, NB))
            def _(j=j):
                wait_scat(j)
        plsc.subcore_barrier()
        pltpu.sync_copy(acc_sh.at[stripe], out_hbm.at[c, stripe])

    return agg


def _agg_sc(u2, ei):
    return _make_agg_sc()(u2, ei)


@functools.lru_cache(maxsize=None)
def _make_deg_sc():
    mesh = plsc.VectorSubcoreMesh(core_axis_name="c", subcore_axis_name="s")
    NB = 2
    GPW = 80

    @functools.partial(
        pl.kernel,
        out_type=jax.ShapeDtypeStruct((2, NPAD, DEGW), jnp.float32),
        scratch_types=[
            pltpu.VMEM((NB, 2, GROUP), jnp.int32),
            pltpu.VMEM((GROUP, DEGW), jnp.float32),
            pltpu.VMEM_SHARED((NPAD, DEGW), jnp.float32),
        ] + [pltpu.SemaphoreType.DMA] * (2 * NB),
        mesh=mesh,
        compiler_params=pltpu.CompilerParams(use_tc_tiling_on_sc=False),
    )
    def degk(ei_hbm, ones_hbm, zeros_hbm, out_hbm, idx_v, ones_v, acc_sh, *sems):
        isems = sems[:NB]
        ssems = sems[NB:]
        c = lax.axis_index("c")
        s = lax.axis_index("s")
        w = s * 2 + c
        g0 = w * GPW
        nw = jnp.clip(NGROUPS - g0, 0, GPW)

        pltpu.sync_copy(zeros_hbm, acc_sh.at[pl.ds(s * ROWS_PER_SUB, ROWS_PER_SUB)])
        pltpu.sync_copy(ones_hbm, ones_v)
        plsc.subcore_barrier()

        def load(b, i):
            pltpu.async_copy(ei_hbm.at[:, pl.ds((g0 + i) * GROUP, GROUP)],
                             idx_v.at[b], isems[b])

        def wait_load(b):
            pltpu.make_async_copy(ei_hbm.at[:, pl.ds(0, GROUP)],
                                  idx_v.at[b], isems[b]).wait()

        def scat(b):
            pltpu.async_copy(ones_v, acc_sh.at[idx_v.at[b].at[1]],
                             ssems[b], add=True)

        def wait_scat(b):
            pltpu.make_async_copy(ones_v, acc_sh.at[pl.ds(0, GROUP)],
                                  ssems[b]).wait()

        for j in range(NB):
            @pl.when(j < nw)
            def _(j=j):
                load(j, j)

        def body(k, _):
            base = k * NB
            for b in range(NB):
                i = base + b

                @pl.when(i < nw)
                def _(b=b, i=i):
                    wait_load(b)
                    scat(b)

                    @pl.when(i + NB < nw)
                    def _(b=b, i=i):
                        wait_scat(b)
                        load(b, i + NB)

            return ()

        lax.fori_loop(0, GPW // NB, body, ())
        for j in range(NB):
            @pl.when(j < jnp.minimum(nw, NB))
            def _(j=j):
                wait_scat(j)
        plsc.subcore_barrier()
        pltpu.sync_copy(
            acc_sh.at[pl.ds(s * ROWS_PER_SUB, ROWS_PER_SUB)],
            out_hbm.at[c, pl.ds(s * ROWS_PER_SUB, ROWS_PER_SUB)],
        )

    return degk


def _deg_sc(ei, ones_d, zeros_d):
    return _make_deg_sc()(ei, ones_d, zeros_d)



def _mm_body(h_ref, w_ref, b_ref, s_ref, o_ref):
    acc = jnp.dot(h_ref[...], w_ref[...], preferred_element_type=jnp.float32)
    o_ref[...] = (acc + b_ref[...]) * s_ref[...]


def _mm(h, w, b, scale):
    return pl.pallas_call(
        _mm_body,
        grid=(N // BR,),
        in_specs=[
            pl.BlockSpec((BR, H), lambda i: (i, 0)),
            pl.BlockSpec((H, H), lambda i: (0, 0)),
            pl.BlockSpec((1, H), lambda i: (0, 0)),
            pl.BlockSpec((BR, 1), lambda i: (i, 0)),
        ],
        out_specs=pl.BlockSpec((BR, H), lambda i: (i, 0)),
        out_shape=jax.ShapeDtypeStruct((N, H), jnp.float32),
    )(h, w, b, scale)


def _mmu_body(h_ref, w_ref, s_ref, o_ref):
    acc = jnp.dot(h_ref[...], w_ref[...], preferred_element_type=jnp.float32)
    acc = acc * s_ref[...]
    o_ref[0] = acc[:, :HH]
    o_ref[1] = acc[:, HH:]


def _mmu(h, w, scale):
    return pl.pallas_call(
        _mmu_body,
        grid=(N // BR,),
        in_specs=[
            pl.BlockSpec((BR, H), lambda i: (i, 0)),
            pl.BlockSpec((H, H), lambda i: (0, 0)),
            pl.BlockSpec((BR, 1), lambda i: (i, 0)),
        ],
        out_specs=pl.BlockSpec((2, BR, HH), lambda i: (0, i, 0)),
        out_shape=jax.ShapeDtypeStruct((2, NPAD, HH), jnp.float32),
    )(h, w, scale)


def _dis_body(d_ref, o_ref):
    deg = 1.0 + d_ref[0, :, 0:1] + d_ref[1, :, 0:1]
    o_ref[...] = lax.rsqrt(deg)


def _dis(degp):
    return pl.pallas_call(
        _dis_body,
        grid=(N // BR,),
        in_specs=[pl.BlockSpec((2, BR, DEGW), lambda i: (0, i, 0))],
        out_specs=pl.BlockSpec((BR, 1), lambda i: (i, 0)),
        out_shape=jax.ShapeDtypeStruct((N, 1), jnp.float32),
    )(degp)


def _post_body(p_ref, dis_ref, b_ref, g_ref, bb_ref, r_ref, o_ref):
    t = jnp.concatenate([p_ref[0], p_ref[1]], axis=-1) * dis_ref[...] + b_ref[...]
    mu = jnp.mean(t, axis=-1, keepdims=True)
    d = t - mu
    var = jnp.mean(d * d, axis=-1, keepdims=True)
    y = d * lax.rsqrt(var + EPS) * g_ref[...] + bb_ref[...]
    o_ref[...] = jnp.maximum(y, 0.0) + r_ref[...]


def _post(p, dis, b, g, bb, r):
    return pl.pallas_call(
        _post_body,
        grid=(N // BR,),
        in_specs=[
            pl.BlockSpec((2, BR, HH), lambda i: (0, i, 0)),
            pl.BlockSpec((BR, 1), lambda i: (i, 0)),
            pl.BlockSpec((1, H), lambda i: (0, 0)),
            pl.BlockSpec((1, H), lambda i: (0, 0)),
            pl.BlockSpec((1, H), lambda i: (0, 0)),
            pl.BlockSpec((BR, H), lambda i: (i, 0)),
        ],
        out_specs=pl.BlockSpec((BR, H), lambda i: (i, 0)),
        out_shape=jax.ShapeDtypeStruct((N, H), jnp.float32),
    )(p, dis, b, g, bb, r)


def _femb_body(x_ref, we_ref, be_ref, d_ref, w0_ref, h_ref, dis_ref, u_ref):
    h = jnp.dot(x_ref[...], we_ref[...], preferred_element_type=jnp.float32) + be_ref[...]
    dis = lax.rsqrt(1.0 + d_ref[0, :, 0:1] + d_ref[1, :, 0:1])
    h_ref[...] = h
    dis_ref[...] = dis
    acc = jnp.dot(h, w0_ref[...], preferred_element_type=jnp.float32) * dis
    u_ref[0] = acc[:, :HH]
    u_ref[1] = acc[:, HH:]


def _femb(x, we, be, degp, w0):
    return pl.pallas_call(
        _femb_body,
        grid=(N // BR,),
        in_specs=[
            pl.BlockSpec((BR, H), lambda i: (i, 0)),
            pl.BlockSpec((H, H), lambda i: (0, 0)),
            pl.BlockSpec((1, H), lambda i: (0, 0)),
            pl.BlockSpec((2, BR, DEGW), lambda i: (0, i, 0)),
            pl.BlockSpec((H, H), lambda i: (0, 0)),
        ],
        out_specs=[
            pl.BlockSpec((BR, H), lambda i: (i, 0)),
            pl.BlockSpec((BR, 1), lambda i: (i, 0)),
            pl.BlockSpec((2, BR, HH), lambda i: (0, i, 0)),
        ],
        out_shape=[
            jax.ShapeDtypeStruct((N, H), jnp.float32),
            jax.ShapeDtypeStruct((N, 1), jnp.float32),
            jax.ShapeDtypeStruct((2, NPAD, HH), jnp.float32),
        ],
    )(x, we, be, degp, w0)


def _ln_relu(p_ref, dis_ref, b_ref, g_ref, bb_ref, r_ref):
    t = jnp.concatenate([p_ref[0], p_ref[1]], axis=-1) * dis_ref[...] + b_ref[...]
    mu = jnp.mean(t, axis=-1, keepdims=True)
    d = t - mu
    var = jnp.mean(d * d, axis=-1, keepdims=True)
    y = d * lax.rsqrt(var + EPS) * g_ref[...] + bb_ref[...]
    return jnp.maximum(y, 0.0) + r_ref[...]


def _fpost_body(p_ref, dis_ref, b_ref, g_ref, bb_ref, r_ref, w_ref,
                h_ref, u_ref):
    h = _ln_relu(p_ref, dis_ref, b_ref, g_ref, bb_ref, r_ref)
    h_ref[...] = h
    acc = jnp.dot(h, w_ref[...], preferred_element_type=jnp.float32) * dis_ref[...]
    u_ref[0] = acc[:, :HH]
    u_ref[1] = acc[:, HH:]


_FPOST_SPECS = dict(
    grid=(N // BR,),
    in_specs=[
        pl.BlockSpec((2, BR, HH), lambda i: (0, i, 0)),
        pl.BlockSpec((BR, 1), lambda i: (i, 0)),
        pl.BlockSpec((1, H), lambda i: (0, 0)),
        pl.BlockSpec((1, H), lambda i: (0, 0)),
        pl.BlockSpec((1, H), lambda i: (0, 0)),
        pl.BlockSpec((BR, H), lambda i: (i, 0)),
        pl.BlockSpec((H, H), lambda i: (0, 0)),
    ],
)


def _fpost(p, dis, b, g, bb, r, w):
    return pl.pallas_call(
        _fpost_body,
        out_specs=[
            pl.BlockSpec((BR, H), lambda i: (i, 0)),
            pl.BlockSpec((2, BR, HH), lambda i: (0, i, 0)),
        ],
        out_shape=[
            jax.ShapeDtypeStruct((N, H), jnp.float32),
            jax.ShapeDtypeStruct((2, NPAD, HH), jnp.float32),
        ],
        **_FPOST_SPECS,
    )(p, dis, b, g, bb, r, w)


def _fpost_res_body(p_ref, dis_ref, b_ref, g_ref, bb_ref, r_ref, w_ref,
                    rw_ref, rb_ref, h_ref, u_ref, r2_ref):
    h = _ln_relu(p_ref, dis_ref, b_ref, g_ref, bb_ref, r_ref)
    h_ref[...] = h
    acc = jnp.dot(h, w_ref[...], preferred_element_type=jnp.float32) * dis_ref[...]
    u_ref[0] = acc[:, :HH]
    u_ref[1] = acc[:, HH:]
    r2_ref[...] = jnp.dot(h, rw_ref[...], preferred_element_type=jnp.float32) + rb_ref[...]


def _fpost_res(p, dis, b, g, bb, r, w, rw, rb):
    sp = dict(_FPOST_SPECS)
    sp["in_specs"] = sp["in_specs"] + [
        pl.BlockSpec((H, H), lambda i: (0, 0)),
        pl.BlockSpec((1, H), lambda i: (0, 0)),
    ]
    return pl.pallas_call(
        _fpost_res_body,
        out_specs=[
            pl.BlockSpec((BR, H), lambda i: (i, 0)),
            pl.BlockSpec((2, BR, HH), lambda i: (0, i, 0)),
            pl.BlockSpec((BR, H), lambda i: (i, 0)),
        ],
        out_shape=[
            jax.ShapeDtypeStruct((N, H), jnp.float32),
            jax.ShapeDtypeStruct((2, NPAD, HH), jnp.float32),
            jax.ShapeDtypeStruct((N, H), jnp.float32),
        ],
        **sp,
    )(p, dis, b, g, bb, r, w, rw, rb)


def _fsum_body(p_ref, dis_ref, b_ref, g_ref, bb_ref, r_ref, o_ref):
    h = _ln_relu(p_ref, dis_ref, b_ref, g_ref, bb_ref, r_ref)

    @pl.when(pl.program_id(0) == 0)
    def _():
        o_ref[...] = jnp.zeros_like(o_ref)

    o_ref[...] += jnp.sum(h, axis=0, keepdims=True)


def _fsum(p, dis, b, g, bb, r):
    sp = dict(_FPOST_SPECS)
    sp["in_specs"] = sp["in_specs"][:-1]
    return pl.pallas_call(
        _fsum_body,
        out_specs=pl.BlockSpec((1, H), lambda i: (0, 0)),
        out_shape=jax.ShapeDtypeStruct((1, H), jnp.float32),
        **sp,
    )(p, dis, b, g, bb, r)


def _sum_body(h_ref, o_ref):
    @pl.when(pl.program_id(0) == 0)
    def _():
        o_ref[...] = jnp.zeros_like(o_ref)

    o_ref[...] += jnp.sum(h_ref[...], axis=0, keepdims=True)


def _colsum(h):
    return pl.pallas_call(
        _sum_body,
        grid=(N // BR,),
        in_specs=[pl.BlockSpec((BR, H), lambda i: (i, 0))],
        out_specs=pl.BlockSpec((1, H), lambda i: (0, 0)),
        out_shape=jax.ShapeDtypeStruct((1, H), jnp.float32),
    )(h)


def _head_body(m_ref, w1_ref, b1_ref, g_ref, b_ref, w2_ref, b2_ref, o_ref):
    m = m_ref[...] * (1.0 / N)
    t = jnp.dot(m, w1_ref[...], preferred_element_type=jnp.float32) + b1_ref[...]
    mu = jnp.mean(t, axis=-1, keepdims=True)
    d = t - mu
    var = jnp.mean(d * d, axis=-1, keepdims=True)
    y = d * lax.rsqrt(var + EPS) * g_ref[...] + b_ref[...]
    y = jnp.maximum(y, 0.0)
    o_ref[...] = jnp.dot(y, w2_ref[...], preferred_element_type=jnp.float32) + b2_ref[...]


def _head(m, w1, b1, g, b, w2, b2):
    return pl.pallas_call(
        _head_body,
        grid=(1,),
        in_specs=[
            pl.BlockSpec((1, H), lambda i: (0, 0)),
            pl.BlockSpec((H, H), lambda i: (0, 0)),
            pl.BlockSpec((1, H), lambda i: (0, 0)),
            pl.BlockSpec((1, H), lambda i: (0, 0)),
            pl.BlockSpec((1, H), lambda i: (0, 0)),
            pl.BlockSpec((H, OUT), lambda i: (0, 0)),
            pl.BlockSpec((1, OUT), lambda i: (0, 0)),
        ],
        out_specs=pl.BlockSpec((1, OUT), lambda i: (0, 0)),
        out_shape=jax.ShapeDtypeStruct((1, OUT), jnp.float32),
    )(m, w1, b1, g, b, w2, b2)



def kernel(x, edge_index, params):
    p = params
    ei = edge_index.astype(jnp.int32)

    ones_d = jnp.ones((GROUP, DEGW), jnp.float32)
    zeros_d = jnp.zeros((ROWS_PER_SUB, DEGW), jnp.float32)

    degp = _deg_sc(ei, ones_d, zeros_d)
    h, dis, u2 = _femb(x, p["emb_W"], p["emb_b"][None], degp, p["conv_W"][0])

    r = h
    for i in range(NUM_LAYERS):
        agg = _agg_sc(u2, ei)
        lnp = (p["conv_b"][i][None], p["ln_g"][i][None], p["ln_b"][i][None])
        if i == NUM_LAYERS - 1:
            hs = _fsum(agg, dis, *lnp, r)
        elif i == 1:
            h, u2, r = _fpost_res(agg, dis, *lnp, r, p["conv_W"][i + 1],
                                  p["res_W"], p["res_b"][None])
        else:
            h, u2 = _fpost(agg, dis, *lnp, r, p["conv_W"][i + 1])
            r = h

    out = _head(hs, p["fc1_W"], p["fc1_b"][None], p["fcn_g"][None],
                p["fcn_b"][None], p["fc2_W"], p["fc2_b"][None])
    return out

# --- scband reference (transcript-rebuilt; emitter-appended) ---
"""Pipeline reference for scband-direct-prediction-gnn-12317966205313 (READ-ONLY COPY).

The authoritative reference and input builder live on the scoring server;
editing this copy changes nothing except your own understanding.
"""

import jax, jax.numpy as jnp
import numpy as np

N = 10000
E = 320000
D = 128
H = 128
OUT = 2
NUM_LAYERS = 4
EPS = 1e-5


def _xavier(key, fi, fo):
    a = float(np.sqrt(6.0 / (fi + fo)))
    return jax.random.uniform(key, (fi, fo), minval=-a, maxval=a, dtype=jnp.float32)


def setup_inputs(seed: int = 0) -> dict:
    key = jax.random.key(seed)
    ks = jax.random.split(key, 12)
    x = jax.random.normal(ks[0], (N, D), dtype=jnp.float32)
    edge_index = jax.random.randint(ks[1], (2, E), 0, N, dtype=jnp.int32)
    params = {
        "emb_W": _xavier(ks[2], D, H),
        "emb_b": jnp.zeros((H,), jnp.float32),
        "conv_W": jnp.stack([_xavier(jax.random.fold_in(ks[3], i), H, H) for i in range(NUM_LAYERS)]),
        "conv_b": jnp.zeros((NUM_LAYERS, H), jnp.float32),
        "ln_g": jnp.ones((NUM_LAYERS, H), jnp.float32),
        "ln_b": jnp.zeros((NUM_LAYERS, H), jnp.float32),
        "res_W": _xavier(ks[4], H, H),
        "res_b": jnp.zeros((H,), jnp.float32),
        "fc1_W": _xavier(ks[5], H, H),
        "fc1_b": jnp.zeros((H,), jnp.float32),
        "fcn_g": jnp.ones((H,), jnp.float32),
        "fcn_b": jnp.zeros((H,), jnp.float32),
        "fc2_W": _xavier(ks[6], H, OUT),
        "fc2_b": jnp.zeros((OUT,), jnp.float32),
    }
    return {"x": x, "edge_index": edge_index, "params": params}


def _layer_norm(h, g, b):
    mu = jnp.mean(h, axis=-1, keepdims=True)
    var = jnp.var(h, axis=-1, keepdims=True)
    return (h - mu) / jnp.sqrt(var + EPS) * g + b


def _gcn_conv(h, src, dst, norm, W, b):
    hw = h @ W
    msg = hw[src] * norm[:, None]
    return jax.ops.segment_sum(msg, dst, num_segments=N) + b


def _forward(x, edge_index, params):
    # GCNConv: add self loops, symmetric normalization D^-1/2 (A+I) D^-1/2
    loop = jnp.arange(N, dtype=edge_index.dtype)
    src = jnp.concatenate([edge_index[0], loop])
    dst = jnp.concatenate([edge_index[1], loop])
    deg = jnp.zeros((N,), jnp.float32).at[dst].add(1.0)
    dis = jnp.where(deg > 0, 1.0 / jnp.sqrt(deg), 0.0)
    norm = dis[src] * dis[dst]
    h = x @ params["emb_W"] + params["emb_b"]
    for i in range(NUM_LAYERS):
        if i % 2 == 0 and i > 0:
            residual = h @ params["res_W"] + params["res_b"]
        else:
            residual = h
        h = _gcn_conv(h, src, dst, norm, params["conv_W"][i], params["conv_b"][i])
        h = _layer_norm(h, params["ln_g"][i], params["ln_b"][i])
        h = jax.nn.relu(h)
        # dropout is identity in eval mode
        h = h + residual
    h = jnp.mean(h, axis=0, keepdims=True)
    h = h @ params["fc1_W"] + params["fc1_b"]
    h = _layer_norm(h, params["fcn_g"], params["fcn_b"])
    h = jax.nn.relu(h)
    h = h @ params["fc2_W"] + params["fc2_b"]
    return h


def reference(x, edge_index, params):
    return _forward(x, edge_index, params)

if __name__ == "__main__":
    import jax
    _d = setup_inputs()
    print(jax.jit(kernel)(*tuple(_d.values())))

</pallas_src>

<mosaic_0001>
#map = affine_map<(d0, d1) -> (0, 0, 0)>
#map1 = affine_map<(d0, d1) -> (0, 0)>
module attributes {stable_mosaic.version = 14 : i64} {
  func.func @agg(%arg0: i32, %arg1: i32, %arg2: memref<2x10240x64xf32, #tpu.memory_space<hbm>>, %arg3: memref<2x320000xi32, #tpu.memory_space<hbm>>, %arg4: memref<2x10240x64xf32, #tpu.memory_space<hbm>>, %arg5: memref<2x2x512xi32, #tpu.memory_space<vmem>>, %arg6: memref<2x512x64xf32, #tpu.memory_space<vmem>>, %arg7: memref<10240x64xf32, #tpu.memory_space<vmem_shared>>, %arg8: memref<!tpu.dma_semaphore, #tpu.memory_space<semaphore_mem>>, %arg9: memref<!tpu.dma_semaphore, #tpu.memory_space<semaphore_mem>>, %arg10: memref<!tpu.dma_semaphore, #tpu.memory_space<semaphore_mem>>, %arg11: memref<!tpu.dma_semaphore, #tpu.memory_space<semaphore_mem>>) attributes {dimension_semantics = [#tpu.dimension_semantics<core_parallel>, #tpu.dimension_semantics<subcore_parallel>], iteration_bounds = array<i64: 2, 16>, scalar_prefetch = 0 : i64, scratch_operands = 7 : i64, tpu.core_type = #tpu.core_type<sc_vector_subcore>, window_params = [{transform_indices = #map}, {transform_indices = #map1}, {transform_indices = #map}]} {
    %mul3A = arith.constant 40 : i32
    %mul3A_0 = arith.muli %arg1, %mul3A : i32
    %sub3A = arith.constant 625 : i32
    %sub3A_1 = arith.subi %sub3A, %mul3A_0 : i32
    %jit3A = arith.constant 0 : i32
    %jit3A_2 = arith.constant 40 : i32
    %max3A = arith.maxsi %jit3A, %sub3A_1 : i32
    %min3A = arith.minsi %jit3A_2, %max3A : i32
    %mul3A_3 = arith.constant 640 : i32
    %mul3A_4 = arith.muli %arg1, %mul3A_3 : i32
    "tpu.region"() ({
      %run_scoped3A = tpu.sem_alloc : memref<!tpu.dma_semaphore, #tpu.memory_space<semaphore_mem>>
      %dma_start3A = arith.constant 0 : i32
      %dma_start3A_31 = tpu.memref_slice %arg7[%mul3A_4, %dma_start3A] : memref<10240x64xf32, #tpu.memory_space<vmem_shared>> -> memref<640x64xf32, #tpu.memory_space<vmem_shared>>
      %dma_start3A_32 = arith.constant 0 : i32
      %dma_start3A_33 = tpu.memref_slice %arg2[%arg0, %mul3A_4, %dma_start3A_32] : memref<2x10240x64xf32, #tpu.memory_space<hbm>> -> memref<1x640x64xf32, #tpu.memory_space<hbm>>
      %dma_start3A_34 = tpu.memref_squeeze %dma_start3A_33 : memref<1x640x64xf32, #tpu.memory_space<hbm>> -> memref<640x64xf32, #tpu.memory_space<hbm>>
      tpu.enqueue_dma source(%dma_start3A_34 : memref<640x64xf32, #tpu.memory_space<hbm>>) target(%dma_start3A_31 : memref<640x64xf32, #tpu.memory_space<vmem_shared>>) target_semaphore(%run_scoped3A : memref<!tpu.dma_semaphore, #tpu.memory_space<semaphore_mem>>)
      %dma_wait3A = arith.constant 0 : i32
      %dma_wait3A_35 = tpu.memref_slice %arg7[%mul3A_4, %dma_wait3A] : memref<10240x64xf32, #tpu.memory_space<vmem_shared>> -> memref<640x64xf32, #tpu.memory_space<vmem_shared>>
      %dma_wait3A_36 = arith.constant 0 : i32
      %dma_wait3A_37 = tpu.memref_slice %arg2[%arg0, %mul3A_4, %dma_wait3A_36] : memref<2x10240x64xf32, #tpu.memory_space<hbm>> -> memref<1x640x64xf32, #tpu.memory_space<hbm>>
      %dma_wait3A_38 = tpu.memref_squeeze %dma_wait3A_37 : memref<1x640x64xf32, #tpu.memory_space<hbm>> -> memref<640x64xf32, #tpu.memory_space<hbm>>
      tpu.wait_dma2 semaphore(%run_scoped3A : memref<!tpu.dma_semaphore, #tpu.memory_space<semaphore_mem>>) src(%dma_wait3A_38 : memref<640x64xf32, #tpu.memory_space<hbm>>) dst(%dma_wait3A_35 : memref<640x64xf32, #tpu.memory_space<vmem_shared>>)
      tpu.yield
    }) : () -> ()
    %barrier3A = arith.constant 0 : index
    tpu.barrier barrier_id(%barrier3A)
    %gt3A = arith.constant 0 : i32
    %gt3A_5 = arith.cmpi sgt, %min3A, %gt3A : i32
    %convert_element_type3A = arith.extui %gt3A_5 : i1 to i32
    %cond3A = arith.constant 0 : i32
    %cond3A_6 = arith.cmpi ne, %convert_element_type3A, %cond3A : i32
    scf.if %cond3A_6 {
      %add3A = arith.constant 0 : i32
      %add3A_31 = arith.addi %mul3A_0, %add3A : i32
      %mul3A_32 = arith.constant 512 : i32
      %mul3A_33 = arith.muli %add3A_31, %mul3A_32 : i32
      %run_scoped3A = arith.constant 0 : i32
      "tpu.region"() ({
        %run_scoped3A_43 = tpu.sem_alloc : memref<!tpu.dma_semaphore, #tpu.memory_space<semaphore_mem>>
        %dma_start3A = arith.constant 0 : i32
        %dma_start3A_44 = arith.constant 0 : i32
        %dma_start3A_45 = tpu.memref_slice %arg5[%run_scoped3A, %dma_start3A, %dma_start3A_44] : memref<2x2x512xi32, #tpu.memory_space<vmem>> -> memref<1x2x512xi32, #tpu.memory_space<vmem>>
        %dma_start3A_46 = tpu.memref_squeeze %dma_start3A_45 : memref<1x2x512xi32, #tpu.memory_space<vmem>> -> memref<2x512xi32, #tpu.memory_space<vmem>>
        %dma_start3A_47 = arith.constant 0 : i32
        %dma_start3A_48 = tpu.memref_slice %arg3[%dma_start3A_47, %mul3A_33] : memref<2x320000xi32, #tpu.memory_space<hbm>> -> memref<2x512xi32, #tpu.memory_space<hbm>>
        %dma_start3A_49 = arith.constant 0 : i32
        %dma_start3A_50 = arith.constant 0 : i32
        %dma_start3A_51 = tpu.memref_slice %arg5[%run_scoped3A, %dma_start3A_49, %dma_start3A_50] : memref<2x2x512xi32, #tpu.memory_space<vmem>> -> memref<1x2x512xi32, #tpu.memory_space<vmem>>
        %dma_start3A_52 = tpu.memref_squeeze %dma_start3A_51 : memref<1x2x512xi32, #tpu.memory_space<vmem>> -> memref<2x512xi32, #tpu.memory_space<vmem>>
        %dma_start3A_53 = arith.constant 0 : i32
        %dma_start3A_54 = tpu.memref_slice %arg3[%dma_start3A_53, %mul3A_33] : memref<2x320000xi32, #tpu.memory_space<hbm>> -> memref<2x512xi32, #tpu.memory_space<hbm>>
        tpu.enqueue_dma source(%dma_start3A_54 : memref<2x512xi32, #tpu.memory_space<hbm>>) target(%dma_start3A_52 : memref<2x512xi32, #tpu.memory_space<vmem>>) target_semaphore(%run_scoped3A_43 : memref<!tpu.dma_semaphore, #tpu.memory_space<semaphore_mem>>)
        %dma_wait3A = arith.constant 0 : i32
        %dma_wait3A_55 = arith.constant 0 : i32
        %dma_wait3A_56 = tpu.memref_slice %arg5[%run_scoped3A, %dma_wait3A, %dma_wait3A_55] : memref<2x2x512xi32, #tpu.memory_space<vmem>> -> memref<1x2x512xi32, #tpu.memory_space<vmem>>
        %dma_wait3A_57 = tpu.memref_squeeze %dma_wait3A_56 : memref<1x2x512xi32, #tpu.memory_space<vmem>> -> memref<2x512xi32, #tpu.memory_space<vmem>>
        %dma_wait3A_58 = arith.constant 0 : i32
        %dma_wait3A_59 = tpu.memref_slice %arg3[%dma_wait3A_58, %mul3A_33] : memref<2x320000xi32, #tpu.memory_space<hbm>> -> memref<2x512xi32, #tpu.memory_space<hbm>>
        %dma_wait3A_60 = arith.constant 0 : i32
        %dma_wait3A_61 = arith.constant 0 : i32
        %dma_wait3A_62 = tpu.memref_slice %arg5[%run_scoped3A, %dma_wait3A_60, %dma_wait3A_61] : memref<2x2x512xi32, #tpu.memory_space<vmem>> -> memref<1x2x512xi32, #tpu.memory_space<vmem>>
        %dma_wait3A_63 = tpu.memref_squeeze %dma_wait3A_62 : memref<1x2x512xi32, #tpu.memory_space<vmem>> -> memref<2x512xi32, #tpu.memory_space<vmem>>
        %dma_wait3A_64 = arith.constant 0 : i32
        %dma_wait3A_65 = tpu.memref_slice %arg3[%dma_wait3A_64, %mul3A_33] : memref<2x320000xi32, #tpu.memory_space<hbm>> -> memref<2x512xi32, #tpu.memory_space<hbm>>
        tpu.wait_dma2 semaphore(%run_scoped3A_43 : memref<!tpu.dma_semaphore, #tpu.memory_space<semaphore_mem>>) src(%dma_wait3A_65 : memref<2x512xi32, #tpu.memory_space<hbm>>) dst(%dma_wait3A_63 : memref<2x512xi32, #tpu.memory_space<vmem>>)
        tpu.yield
      }) : () -> ()
      %eq3A = arith.constant 0 : i32
      %eq3A_34 = arith.cmpi eq, %arg0, %eq3A : i32
      %convert_element_type3A_35 = arith.extui %eq3A_34 : i1 to i32
      %cond3A_36 = arith.constant 0 : i32
      %cond3A_37 = arith.cmpi ne, %convert_element_type3A_35, %cond3A_36 : i32
      scf.if %cond3A_37 {
        %dma_start3A = arith.constant 0 : i32
        %dma_start3A_43 = arith.constant 0 : i32
        %dma_start3A_44 = arith.constant 0 : i32
        %dma_start3A_45 = arith.constant 0 : i32
        %dma_start3A_46 = arith.constant 0 : i32
        %dma_start3A_47 = arith.constant 0 : i32
        %dma_start3A_48 = tpu.memref_slice %arg6[%dma_start3A_45, %dma_start3A_46, %dma_start3A_47] : memref<2x512x64xf32, #tpu.memory_space<vmem>> -> memref<1x512x64xf32, #tpu.memory_space<vmem>>
        %dma_start3A_49 = tpu.memref_squeeze %dma_start3A_48 : memref<1x512x64xf32, #tpu.memory_space<vmem>> -> memref<512x64xf32, #tpu.memory_space<vmem>>
        %dma_start3A_50 = arith.constant 0 : i32
        %dma_start3A_51 = arith.constant 0 : i32
        %dma_start3A_52 = tpu.memref_slice %arg5[%dma_start3A_43, %dma_start3A_50, %dma_start3A_51] : memref<2x2x512xi32, #tpu.memory_space<vmem>> -> memref<1x2x512xi32, #tpu.memory_space<vmem>>
        %dma_start3A_53 = tpu.memref_squeeze %dma_start3A_52 : memref<1x2x512xi32, #tpu.memory_space<vmem>> -> memref<2x512xi32, #tpu.memory_space<vmem>>
        %dma_start3A_54 = arith.constant 0 : i32
        %dma_start3A_55 = tpu.memref_slice %dma_start3A_53[%dma_start3A_44, %dma_start3A_54] : memref<2x512xi32, #tpu.memory_space<vmem>> -> memref<1x512xi32, #tpu.memory_space<vmem>>
        %dma_start3A_56 = tpu.memref_squeeze %dma_start3A_55 : memref<1x512xi32, #tpu.memory_space<vmem>> -> memref<512xi32, #tpu.memory_space<vmem>>
        %dma_start3A_57 = arith.constant 0 : i32
        %dma_start3A_58 = arith.constant 0 : i32
        %dma_start3A_59 = tpu.memref_slice %arg2[%dma_start3A, %dma_start3A_57, %dma_start3A_58] : memref<2x10240x64xf32, #tpu.memory_space<hbm>> -> memref<1x10240x64xf32, #tpu.memory_space<hbm>>
        %dma_start3A_60 = tpu.memref_squeeze %dma_start3A_59 : memref<1x10240x64xf32, #tpu.memory_space<hbm>> -> memref<10240x64xf32, #tpu.memory_space<hbm>>
        %dma_start3A_61 = arith.constant 0 : i32
        %dma_start3A_62 = arith.constant 0 : i32
        %dma_start3A_63 = tpu.memref_slice %dma_start3A_60[%dma_start3A_61, %dma_start3A_62] : memref<10240x64xf32, #tpu.memory_space<hbm>> -> memref<10240x64xf32, #tpu.memory_space<hbm>>
        tpu.enqueue_indirect_dma source(%dma_start3A_63 : memref<10240x64xf32, #tpu.memory_space<hbm>>) target(%dma_start3A_49 : memref<512x64xf32, #tpu.memory_space<vmem>>) offsets(%dma_start3A_56 : memref<512xi32, #tpu.memory_space<vmem>>) semaphore(%arg8 : memref<!tpu.dma_semaphore, #tpu.memory_space<semaphore_mem>>)
      } else {
      }
      %eq3A_38 = arith.constant 1 : i32
      %eq3A_39 = arith.cmpi eq, %arg0, %eq3A_38 : i32
      %convert_element_type3A_40 = arith.extui %eq3A_39 : i1 to i32
      %cond3A_41 = arith.constant 0 : i32
      %cond3A_42 = arith.cmpi ne, %convert_element_type3A_40, %cond3A_41 : i32
      scf.if %cond3A_42 {
        %dma_start3A = arith.constant 1 : i32
        %dma_start3A_43 = arith.constant 0 : i32
        %dma_start3A_44 = arith.constant 0 : i32
        %dma_start3A_45 = arith.constant 0 : i32
        %dma_start3A_46 = arith.constant 0 : i32
        %dma_start3A_47 = arith.constant 0 : i32
        %dma_start3A_48 = tpu.memref_slice %arg6[%dma_start3A_45, %dma_start3A_46, %dma_start3A_47] : memref<2x512x64xf32, #tpu.memory_space<vmem>> -> memref<1x512x64xf32, #tpu.memory_space<vmem>>
        %dma_start3A_49 = tpu.memref_squeeze %dma_start3A_48 : memref<1x512x64xf32, #tpu.memory_space<vmem>> -> memref<512x64xf32, #tpu.memory_space<vmem>>
        %dma_start3A_50 = arith.constant 0 : i32
        %dma_start3A_51 = arith.constant 0 : i32
        %dma_start3A_52 = tpu.memref_slice %arg5[%dma_start3A_43, %dma_start3A_50, %dma_start3A_51] : memref<2x2x512xi32, #tpu.memory_space<vmem>> -> memref<1x2x512xi32, #tpu.memory_space<vmem>>
        %dma_start3A_53 = tpu.memref_squeeze %dma_start3A_52 : memref<1x2x512xi32, #tpu.memory_space<vmem>> -> memref<2x512xi32, #tpu.memory_space<vmem>>
        %dma_start3A_54 = arith.constant 0 : i32
        %dma_start3A_55 = tpu.memref_slice %dma_start3A_53[%dma_start3A_44, %dma_start3A_54] : memref<2x512xi32, #tpu.memory_space<vmem>> -> memref<1x512xi32, #tpu.memory_space<vmem>>
        %dma_start3A_56 = tpu.memref_squeeze %dma_start3A_55 : memref<1x512xi32, #tpu.memory_space<vmem>> -> memref<512xi32, #tpu.memory_space<vmem>>
        %dma_start3A_57 = arith.constant 0 : i32
        %dma_start3A_58 = arith.constant 0 : i32
        %dma_start3A_59 = tpu.memref_slice %arg2[%dma_start3A, %dma_start3A_57, %dma_start3A_58] : memref<2x10240x64xf32, #tpu.memory_space<hbm>> -> memref<1x10240x64xf32, #tpu.memory_space<hbm>>
        %dma_start3A_60 = tpu.memref_squeeze %dma_start3A_59 : memref<1x10240x64xf32, #tpu.memory_space<hbm>> -> memref<10240x64xf32, #tpu.memory_space<hbm>>
        %dma_start3A_61 = arith.constant 0 : i32
        %dma_start3A_62 = arith.constant 0 : i32
        %dma_start3A_63 = tpu.memref_slice %dma_start3A_60[%dma_start3A_61, %dma_start3A_62] : memref<10240x64xf32, #tpu.memory_space<hbm>> -> memref<10240x64xf32, #tpu.memory_space<hbm>>
        tpu.enqueue_indirect_dma source(%dma_start3A_63 : memref<10240x64xf32, #tpu.memory_space<hbm>>) target(%dma_start3A_49 : memref<512x64xf32, #tpu.memory_space<vmem>>) offsets(%dma_start3A_56 : memref<512xi32, #tpu.memory_space<vmem>>) semaphore(%arg8 : memref<!tpu.dma_semaphore, #tpu.memory_space<semaphore_mem>>)
      } else {
      }
    } else {
    }
    %gt3A_7 = arith.constant 1 : i32
    %gt3A_8 = arith.cmpi sgt, %min3A, %gt3A_7 : i32
    %convert_element_type3A_9 = arith.extui %gt3A_8 : i1 to i32
    %cond3A_10 = arith.constant 0 : i32
    %cond3A_11 = arith.cmpi ne, %convert_element_type3A_9, %cond3A_10 : i32
    scf.if %cond3A_11 {
      %add3A = arith.constant 1 : i32
      %add3A_31 = arith.addi %mul3A_0, %add3A : i32
      %mul3A_32 = arith.constant 512 : i32
      %mul3A_33 = arith.muli %add3A_31, %mul3A_32 : i32
      %run_scoped3A = arith.constant 1 : i32
      "tpu.region"() ({
        %run_scoped3A_43 = tpu.sem_alloc : memref<!tpu.dma_semaphore, #tpu.memory_space<semaphore_mem>>
        %dma_start3A = arith.constant 0 : i32
        %dma_start3A_44 = arith.constant 0 : i32
        %dma_start3A_45 = tpu.memref_slice %arg5[%run_scoped3A, %dma_start3A, %dma_start3A_44] : memref<2x2x512xi32, #tpu.memory_space<vmem>> -> memref<1x2x512xi32, #tpu.memory_space<vmem>>
        %dma_start3A_46 = tpu.memref_squeeze %dma_start3A_45 : memref<1x2x512xi32, #tpu.memory_space<vmem>> -> memref<2x512xi32, #tpu.memory_space<vmem>>
        %dma_start3A_47 = arith.constant 0 : i32
        %dma_start3A_48 = tpu.memref_slice %arg3[%dma_start3A_47, %mul3A_33] : memref<2x320000xi32, #tpu.memory_space<hbm>> -> memref<2x512xi32, #tpu.memory_space<hbm>>
        %dma_start3A_49 = arith.constant 0 : i32
        %dma_start3A_50 = arith.constant 0 : i32
        %dma_start3A_51 = tpu.memref_slice %arg5[%run_scoped3A, %dma_start3A_49, %dma_start3A_50] : memref<2x2x512xi32, #tpu.memory_space<vmem>> -> memref<1x2x512xi32, #tpu.memory_space<vmem>>
        %dma_start3A_52 = tpu.memref_squeeze %dma_start3A_51 : memref<1x2x512xi32, #tpu.memory_space<vmem>> -> memref<2x512xi32, #tpu.memory_space<vmem>>
        %dma_start3A_53 = arith.constant 0 : i32
        %dma_start3A_54 = tpu.memref_slice %arg3[%dma_start3A_53, %mul3A_33] : memref<2x320000xi32, #tpu.memory_space<hbm>> -> memref<2x512xi32, #tpu.memory_space<hbm>>
        tpu.enqueue_dma source(%dma_start3A_54 : memref<2x512xi32, #tpu.memory_space<hbm>>) target(%dma_start3A_52 : memref<2x512xi32, #tpu.memory_space<vmem>>) target_semaphore(%run_scoped3A_43 : memref<!tpu.dma_semaphore, #tpu.memory_space<semaphore_mem>>)
        %dma_wait3A = arith.constant 0 : i32
        %dma_wait3A_55 = arith.constant 0 : i32
        %dma_wait3A_56 = tpu.memref_slice %arg5[%run_scoped3A, %dma_wait3A, %dma_wait3A_55] : memref<2x2x512xi32, #tpu.memory_space<vmem>> -> memref<1x2x512xi32, #tpu.memory_space<vmem>>
        %dma_wait3A_57 = tpu.memref_squeeze %dma_wait3A_56 : memref<1x2x512xi32, #tpu.memory_space<vmem>> -> memref<2x512xi32, #tpu.memory_space<vmem>>
        %dma_wait3A_58 = arith.constant 0 : i32
        %dma_wait3A_59 = tpu.memref_slice %arg3[%dma_wait3A_58, %mul3A_33] : memref<2x320000xi32, #tpu.memory_space<hbm>> -> memref<2x512xi32, #tpu.memory_space<hbm>>
        %dma_wait3A_60 = arith.constant 0 : i32
        %dma_wait3A_61 = arith.constant 0 : i32
        %dma_wait3A_62 = tpu.memref_slice %arg5[%run_scoped3A, %dma_wait3A_60, %dma_wait3A_61] : memref<2x2x512xi32, #tpu.memory_space<vmem>> -> memref<1x2x512xi32, #tpu.memory_space<vmem>>
        %dma_wait3A_63 = tpu.memref_squeeze %dma_wait3A_62 : memref<1x2x512xi32, #tpu.memory_space<vmem>> -> memref<2x512xi32, #tpu.memory_space<vmem>>
        %dma_wait3A_64 = arith.constant 0 : i32
        %dma_wait3A_65 = tpu.memref_slice %arg3[%dma_wait3A_64, %mul3A_33] : memref<2x320000xi32, #tpu.memory_space<hbm>> -> memref<2x512xi32, #tpu.memory_space<hbm>>
        tpu.wait_dma2 semaphore(%run_scoped3A_43 : memref<!tpu.dma_semaphore, #tpu.memory_space<semaphore_mem>>) src(%dma_wait3A_65 : memref<2x512xi32, #tpu.memory_space<hbm>>) dst(%dma_wait3A_63 : memref<2x512xi32, #tpu.memory_space<vmem>>)
        tpu.yield
      }) : () -> ()
      %eq3A = arith.constant 0 : i32
      %eq3A_34 = arith.cmpi eq, %arg0, %eq3A : i32
      %convert_element_type3A_35 = arith.extui %eq3A_34 : i1 to i32
      %cond3A_36 = arith.constant 0 : i32
      %cond3A_37 = arith.cmpi ne, %convert_element_type3A_35, %cond3A_36 : i32
      scf.if %cond3A_37 {
        %dma_start3A = arith.constant 0 : i32
        %dma_start3A_43 = arith.constant 1 : i32
        %dma_start3A_44 = arith.constant 0 : i32
        %dma_start3A_45 = arith.constant 1 : i32
        %dma_start3A_46 = arith.constant 0 : i32
        %dma_start3A_47 = arith.constant 0 : i32
        %dma_start3A_48 = tpu.memref_slice %arg6[%dma_start3A_45, %dma_start3A_46, %dma_start3A_47] : memref<2x512x64xf32, #tpu.memory_space<vmem>> -> memref<1x512x64xf32, #tpu.memory_space<vmem>>
        %dma_start3A_49 = tpu.memref_squeeze %dma_start3A_48 : memref<1x512x64xf32, #tpu.memory_space<vmem>> -> memref<512x64xf32, #tpu.memory_space<vmem>>
        %dma_start3A_50 = arith.constant 0 : i32
        %dma_start3A_51 = arith.constant 0 : i32
        %dma_start3A_52 = tpu.memref_slice %arg5[%dma_start3A_43, %dma_start3A_50, %dma_start3A_51] : memref<2x2x512xi32, #tpu.memory_space<vmem>> -> memref<1x2x512xi32, #tpu.memory_space<vmem>>
        %dma_start3A_53 = tpu.memref_squeeze %dma_start3A_52 : memref<1x2x512xi32, #tpu.memory_space<vmem>> -> memref<2x512xi32, #tpu.memory_space<vmem>>
        %dma_start3A_54 = arith.constant 0 : i32
        %dma_start3A_55 = tpu.memref_slice %dma_start3A_53[%dma_start3A_44, %dma_start3A_54] : memref<2x512xi32, #tpu.memory_space<vmem>> -> memref<1x512xi32, #tpu.memory_space<vmem>>
        %dma_start3A_56 = tpu.memref_squeeze %dma_start3A_55 : memref<1x512xi32, #tpu.memory_space<vmem>> -> memref<512xi32, #tpu.memory_space<vmem>>
        %dma_start3A_57 = arith.constant 0 : i32
        %dma_start3A_58 = arith.constant 0 : i32
        %dma_start3A_59 = tpu.memref_slice %arg2[%dma_start3A, %dma_start3A_57, %dma_start3A_58] : memref<2x10240x64xf32, #tpu.memory_space<hbm>> -> memref<1x10240x64xf32, #tpu.memory_space<hbm>>
        %dma_start3A_60 = tpu.memref_squeeze %dma_start3A_59 : memref<1x10240x64xf32, #tpu.memory_space<hbm>> -> memref<10240x64xf32, #tpu.memory_space<hbm>>
        %dma_start3A_61 = arith.constant 0 : i32
        %dma_start3A_62 = arith.constant 0 : i32
        %dma_start3A_63 = tpu.memref_slice %dma_start3A_60[%dma_start3A_61, %dma_start3A_62] : memref<10240x64xf32, #tpu.memory_space<hbm>> -> memref<10240x64xf32, #tpu.memory_space<hbm>>
        tpu.enqueue_indirect_dma source(%dma_start3A_63 : memref<10240x64xf32, #tpu.memory_space<hbm>>) target(%dma_start3A_49 : memref<512x64xf32, #tpu.memory_space<vmem>>) offsets(%dma_start3A_56 : memref<512xi32, #tpu.memory_space<vmem>>) semaphore(%arg9 : memref<!tpu.dma_semaphore, #tpu.memory_space<semaphore_mem>>)
      } else {
      }
      %eq3A_38 = arith.constant 1 : i32
      %eq3A_39 = arith.cmpi eq, %arg0, %eq3A_38 : i32
      %convert_element_type3A_40 = arith.extui %eq3A_39 : i1 to i32
      %cond3A_41 = arith.constant 0 : i32
      %cond3A_42 = arith.cmpi ne, %convert_element_type3A_40, %cond3A_41 : i32
      scf.if %cond3A_42 {
        %dma_start3A = arith.constant 1 : i32
        %dma_start3A_43 = arith.constant 1 : i32
        %dma_start3A_44 = arith.constant 0 : i32
        %dma_start3A_45 = arith.constant 1 : i32
        %dma_start3A_46 = arith.constant 0 : i32
        %dma_start3A_47 = arith.constant 0 : i32
        %dma_start3A_48 = tpu.memref_slice %arg6[%dma_start3A_45, %dma_start3A_46, %dma_start3A_47] : memref<2x512x64xf32, #tpu.memory_space<vmem>> -> memref<1x512x64xf32, #tpu.memory_space<vmem>>
        %dma_start3A_49 = tpu.memref_squeeze %dma_start3A_48 : memref<1x512x64xf32, #tpu.memory_space<vmem>> -> memref<512x64xf32, #tpu.memory_space<vmem>>
        %dma_start3A_50 = arith.constant 0 : i32
        %dma_start3A_51 = arith.constant 0 : i32
        %dma_start3A_52 = tpu.memref_slice %arg5[%dma_start3A_43, %dma_start3A_50, %dma_start3A_51] : memref<2x2x512xi32, #tpu.memory_space<vmem>> -> memref<1x2x512xi32, #tpu.memory_space<vmem>>
        %dma_start3A_53 = tpu.memref_squeeze %dma_start3A_52 : memref<1x2x512xi32, #tpu.memory_space<vmem>> -> memref<2x512xi32, #tpu.memory_space<vmem>>
        %dma_start3A_54 = arith.constant 0 : i32
        %dma_start3A_55 = tpu.memref_slice %dma_start3A_53[%dma_start3A_44, %dma_start3A_54] : memref<2x512xi32, #tpu.memory_space<vmem>> -> memref<1x512xi32, #tpu.memory_space<vmem>>
        %dma_start3A_56 = tpu.memref_squeeze %dma_start3A_55 : memref<1x512xi32, #tpu.memory_space<vmem>> -> memref<512xi32, #tpu.memory_space<vmem>>
        %dma_start3A_57 = arith.constant 0 : i32
        %dma_start3A_58 = arith.constant 0 : i32
        %dma_start3A_59 = tpu.memref_slice %arg2[%dma_start3A, %dma_start3A_57, %dma_start3A_58] : memref<2x10240x64xf32, #tpu.memory_space<hbm>> -> memref<1x10240x64xf32, #tpu.memory_space<hbm>>
        %dma_start3A_60 = tpu.memref_squeeze %dma_start3A_59 : memref<1x10240x64xf32, #tpu.memory_space<hbm>> -> memref<10240x64xf32, #tpu.memory_space<hbm>>
        %dma_start3A_61 = arith.constant 0 : i32
        %dma_start3A_62 = arith.constant 0 : i32
        %dma_start3A_63 = tpu.memref_slice %dma_start3A_60[%dma_start3A_61, %dma_start3A_62] : memref<10240x64xf32, #tpu.memory_space<hbm>> -> memref<10240x64xf32, #tpu.memory_space<hbm>>
        tpu.enqueue_indirect_dma source(%dma_start3A_63 : memref<10240x64xf32, #tpu.memory_space<hbm>>) target(%dma_start3A_49 : memref<512x64xf32, #tpu.memory_space<vmem>>) offsets(%dma_start3A_56 : memref<512xi32, #tpu.memory_space<vmem>>) semaphore(%arg9 : memref<!tpu.dma_semaphore, #tpu.memory_space<semaphore_mem>>)
      } else {
      }
    } else {
    }
    %scan3A = arith.constant 0 : i32
    %scan3A_12 = arith.constant 20 : i32
    %scan3A_13 = arith.addi %scan3A, %scan3A_12 : i32
    %scan3A_14 = arith.constant 1 : i32
    scf.for %scan3A_31 = %scan3A to %scan3A_13 step %scan3A_14  : i32 {
      %mul3A_32 = arith.constant 2 : i32
      %mul3A_33 = arith.muli %scan3A_31, %mul3A_32 : i32
      %add3A = arith.constant 0 : i32
      %add3A_34 = arith.addi %mul3A_33, %add3A : i32
      %lt3A = arith.cmpi slt, %add3A_34, %min3A : i32
      %convert_element_type3A_35 = arith.extui %lt3A : i1 to i32
      %cond3A_36 = arith.constant 0 : i32
      %cond3A_37 = arith.cmpi ne, %convert_element_type3A_35, %cond3A_36 : i32
      scf.if %cond3A_37 {
        %dma_wait3A = arith.constant 0 : i32
        %dma_wait3A_44 = arith.constant 0 : i32
        %dma_wait3A_45 = arith.constant 0 : i32
        %dma_wait3A_46 = arith.constant 0 : i32
        %dma_wait3A_47 = tpu.memref_slice %arg6[%dma_wait3A_44, %dma_wait3A_45, %dma_wait3A_46] : memref<2x512x64xf32, #tpu.memory_space<vmem>> -> memref<1x512x64xf32, #tpu.memory_space<vmem>>
        %dma_wait3A_48 = tpu.memref_squeeze %dma_wait3A_47 : memref<1x512x64xf32, #tpu.memory_space<vmem>> -> memref<512x64xf32, #tpu.memory_space<vmem>>
        %dma_wait3A_49 = arith.constant 0 : i32
        %dma_wait3A_50 = arith.constant 0 : i32
        %dma_wait3A_51 = tpu.memref_slice %arg2[%dma_wait3A, %dma_wait3A_49, %dma_wait3A_50] : memref<2x10240x64xf32, #tpu.memory_space<hbm>> -> memref<1x10240x64xf32, #tpu.memory_space<hbm>>
        %dma_wait3A_52 = tpu.memref_squeeze %dma_wait3A_51 : memref<1x10240x64xf32, #tpu.memory_space<hbm>> -> memref<10240x64xf32, #tpu.memory_space<hbm>>
        %dma_wait3A_53 = arith.constant 0 : i32
        %dma_wait3A_54 = arith.constant 0 : i32
        %dma_wait3A_55 = tpu.memref_slice %dma_wait3A_52[%dma_wait3A_53, %dma_wait3A_54] : memref<10240x64xf32, #tpu.memory_space<hbm>> -> memref<512x64xf32, #tpu.memory_space<hbm>>
        %dma_wait3A_56 = arith.constant 0 : i32
        %dma_wait3A_57 = arith.constant 0 : i32
        %dma_wait3A_58 = tpu.memref_slice %arg6[%dma_wait3A_44, %dma_wait3A_56, %dma_wait3A_57] : memref<2x512x64xf32, #tpu.memory_space<vmem>> -> memref<1x512x64xf32, #tpu.memory_space<vmem>>
        %dma_wait3A_59 = tpu.memref_squeeze %dma_wait3A_58 : memref<1x512x64xf32, #tpu.memory_space<vmem>> -> memref<512x64xf32, #tpu.memory_space<vmem>>
        %dma_wait3A_60 = arith.constant 0 : i32
        %dma_wait3A_61 = arith.constant 0 : i32
        %dma_wait3A_62 = tpu.memref_slice %arg2[%dma_wait3A, %dma_wait3A_60, %dma_wait3A_61] : memref<2x10240x64xf32, #tpu.memory_space<hbm>> -> memref<1x10240x64xf32, #tpu.memory_space<hbm>>
        %dma_wait3A_63 = tpu.memref_squeeze %dma_wait3A_62 : memref<1x10240x64xf32, #tpu.memory_space<hbm>> -> memref<10240x64xf32, #tpu.memory_space<hbm>>
        %dma_wait3A_64 = arith.constant 0 : i32
        %dma_wait3A_65 = arith.constant 0 : i32
        %dma_wait3A_66 = tpu.memref_slice %dma_wait3A_63[%dma_wait3A_64, %dma_wait3A_65] : memref<10240x64xf32, #tpu.memory_space<hbm>> -> memref<512x64xf32, #tpu.memory_space<hbm>>
        tpu.wait_dma2 semaphore(%arg8 : memref<!tpu.dma_semaphore, #tpu.memory_space<semaphore_mem>>) src(%dma_wait3A_66 : memref<512x64xf32, #tpu.memory_space<hbm>>) dst(%dma_wait3A_59 : memref<512x64xf32, #tpu.memory_space<vmem>>)
        %dma_start3A = arith.constant 0 : i32
        %dma_start3A_67 = arith.constant 0 : i32
        %dma_start3A_68 = arith.constant 1 : i32
        %dma_start3A_69 = arith.constant 0 : i32
        %dma_start3A_70 = arith.constant 0 : i32
        %dma_start3A_71 = tpu.memref_slice %arg6[%dma_start3A, %dma_start3A_69, %dma_start3A_70] : memref<2x512x64xf32, #tpu.memory_space<vmem>> -> memref<1x512x64xf32, #tpu.memory_space<vmem>>
        %dma_start3A_72 = tpu.memref_squeeze %dma_start3A_71 : memref<1x512x64xf32, #tpu.memory_space<vmem>> -> memref<512x64xf32, #tpu.memory_space<vmem>>
        %dma_start3A_73 = arith.constant 0 : i32
        %dma_start3A_74 = arith.constant 0 : i32
        %dma_start3A_75 = tpu.memref_slice %arg5[%dma_start3A_67, %dma_start3A_73, %dma_start3A_74] : memref<2x2x512xi32, #tpu.memory_space<vmem>> -> memref<1x2x512xi32, #tpu.memory_space<vmem>>
        %dma_start3A_76 = tpu.memref_squeeze %dma_start3A_75 : memref<1x2x512xi32, #tpu.memory_space<vmem>> -> memref<2x512xi32, #tpu.memory_space<vmem>>
        %dma_start3A_77 = arith.constant 0 : i32
        %dma_start3A_78 = tpu.memref_slice %dma_start3A_76[%dma_start3A_68, %dma_start3A_77] : memref<2x512xi32, #tpu.memory_space<vmem>> -> memref<1x512xi32, #tpu.memory_space<vmem>>
        %dma_start3A_79 = tpu.memref_squeeze %dma_start3A_78 : memref<1x512xi32, #tpu.memory_space<vmem>> -> memref<512xi32, #tpu.memory_space<vmem>>
        %dma_start3A_80 = arith.constant 0 : i32
        %dma_start3A_81 = arith.constant 0 : i32
        %dma_start3A_82 = tpu.memref_slice %arg7[%dma_start3A_80, %dma_start3A_81] : memref<10240x64xf32, #tpu.memory_space<vmem_shared>> -> memref<10240x64xf32, #tpu.memory_space<vmem_shared>>
        tpu.enqueue_indirect_dma source(%dma_start3A_72 : memref<512x64xf32, #tpu.memory_space<vmem>>) target(%dma_start3A_82 : memref<10240x64xf32, #tpu.memory_space<vmem_shared>>) offsets(%dma_start3A_79 : memref<512xi32, #tpu.memory_space<vmem>>) semaphore(%arg10 : memref<!tpu.dma_semaphore, #tpu.memory_space<semaphore_mem>>) {add = true}
        %add3A_83 = arith.constant 2 : i32
        %add3A_84 = arith.addi %add3A_34, %add3A_83 : i32
        %lt3A_85 = arith.cmpi slt, %add3A_84, %min3A : i32
        %convert_element_type3A_86 = arith.extui %lt3A_85 : i1 to i32
        %cond3A_87 = arith.constant 0 : i32
        %cond3A_88 = arith.cmpi ne, %convert_element_type3A_86, %cond3A_87 : i32
        scf.if %cond3A_88 {
          %dma_wait3A_89 = arith.constant 0 : i32
          %dma_wait3A_90 = arith.constant 0 : i32
          %dma_wait3A_91 = arith.constant 0 : i32
          %dma_wait3A_92 = tpu.memref_slice %arg6[%dma_wait3A_89, %dma_wait3A_90, %dma_wait3A_91] : memref<2x512x64xf32, #tpu.memory_space<vmem>> -> memref<1x512x64xf32, #tpu.memory_space<vmem>>
          %dma_wait3A_93 = tpu.memref_squeeze %dma_wait3A_92 : memref<1x512x64xf32, #tpu.memory_space<vmem>> -> memref<512x64xf32, #tpu.memory_space<vmem>>
          %dma_wait3A_94 = arith.constant 0 : i32
          %dma_wait3A_95 = arith.constant 0 : i32
          %dma_wait3A_96 = tpu.memref_slice %arg7[%dma_wait3A_94, %dma_wait3A_95] : memref<10240x64xf32, #tpu.memory_space<vmem_shared>> -> memref<512x64xf32, #tpu.memory_space<vmem_shared>>
          %dma_wait3A_97 = arith.constant 0 : i32
          %dma_wait3A_98 = arith.constant 0 : i32
          %dma_wait3A_99 = tpu.memref_slice %arg7[%dma_wait3A_97, %dma_wait3A_98] : memref<10240x64xf32, #tpu.memory_space<vmem_shared>> -> memref<512x64xf32, #tpu.memory_space<vmem_shared>>
          %dma_wait3A_100 = arith.constant 0 : i32
          %dma_wait3A_101 = arith.constant 0 : i32
          %dma_wait3A_102 = tpu.memref_slice %arg6[%dma_wait3A_89, %dma_wait3A_100, %dma_wait3A_101] : memref<2x512x64xf32, #tpu.memory_space<vmem>> -> memref<1x512x64xf32, #tpu.memory_space<vmem>>
          %dma_wait3A_103 = tpu.memref_squeeze %dma_wait3A_102 : memref<1x512x64xf32, #tpu.memory_space<vmem>> -> memref<512x64xf32, #tpu.memory_space<vmem>>
          tpu.wait_dma2 semaphore(%arg10 : memref<!tpu.dma_semaphore, #tpu.memory_space<semaphore_mem>>) src(%dma_wait3A_103 : memref<512x64xf32, #tpu.memory_space<vmem>>) dst(%dma_wait3A_99 : memref<512x64xf32, #tpu.memory_space<vmem_shared>>)
          %add3A_104 = arith.constant 2 : i32
          %add3A_105 = arith.addi %add3A_34, %add3A_104 : i32
          %add3A_106 = arith.addi %mul3A_0, %add3A_105 : i32
          %mul3A_107 = arith.constant 512 : i32
          %mul3A_108 = arith.muli %add3A_106, %mul3A_107 : i32
          %run_scoped3A = arith.constant 0 : i32
          "tpu.region"() ({
            %run_scoped3A_118 = tpu.sem_alloc : memref<!tpu.dma_semaphore, #tpu.memory_space<semaphore_mem>>
            %dma_start3A_119 = arith.constant 0 : i32
            %dma_start3A_120 = arith.constant 0 : i32
            %dma_start3A_121 = tpu.memref_slice %arg5[%run_scoped3A, %dma_start3A_119, %dma_start3A_120] : memref<2x2x512xi32, #tpu.memory_space<vmem>> -> memref<1x2x512xi32, #tpu.memory_space<vmem>>
            %dma_start3A_122 = tpu.memref_squeeze %dma_start3A_121 : memref<1x2x512xi32, #tpu.memory_space<vmem>> -> memref<2x512xi32, #tpu.memory_space<vmem>>
            %dma_start3A_123 = arith.constant 0 : i32
            %dma_start3A_124 = tpu.memref_slice %arg3[%dma_start3A_123, %mul3A_108] : memref<2x320000xi32, #tpu.memory_space<hbm>> -> memref<2x512xi32, #tpu.memory_space<hbm>>
            %dma_start3A_125 = arith.constant 0 : i32
            %dma_start3A_126 = arith.constant 0 : i32
            %dma_start3A_127 = tpu.memref_slice %arg5[%run_scoped3A, %dma_start3A_125, %dma_start3A_126] : memref<2x2x512xi32, #tpu.memory_space<vmem>> -> memref<1x2x512xi32, #tpu.memory_space<vmem>>
            %dma_start3A_128 = tpu.memref_squeeze %dma_start3A_127 : memref<1x2x512xi32, #tpu.memory_space<vmem>> -> memref<2x512xi32, #tpu.memory_space<vmem>>
            %dma_start3A_129 = arith.constant 0 : i32
            %dma_start3A_130 = tpu.memref_slice %arg3[%dma_start3A_129, %mul3A_108] : memref<2x320000xi32, #tpu.memory_space<hbm>> -> memref<2x512xi32, #tpu.memory_space<hbm>>
            tpu.enqueue_dma source(%dma_start3A_130 : memref<2x512xi32, #tpu.memory_space<hbm>>) target(%dma_start3A_128 : memref<2x512xi32, #tpu.memory_space<vmem>>) target_semaphore(%run_scoped3A_118 : memref<!tpu.dma_semaphore, #tpu.memory_space<semaphore_mem>>)
            %dma_wait3A_131 = arith.constant 0 : i32
            %dma_wait3A_132 = arith.constant 0 : i32
            %dma_wait3A_133 = tpu.memref_slice %arg5[%run_scoped3A, %dma_wait3A_131, %dma_wait3A_132] : memref<2x2x512xi32, #tpu.memory_space<vmem>> -> memref<1x2x512xi32, #tpu.memory_space<vmem>>
            %dma_wait3A_134 = tpu.memref_squeeze %dma_wait3A_133 : memref<1x2x512xi32, #tpu.memory_space<vmem>> -> memref<2x512xi32, #tpu.memory_space<vmem>>
            %dma_wait3A_135 = arith.constant 0 : i32
            %dma_wait3A_136 = tpu.memref_slice %arg3[%dma_wait3A_135, %mul3A_108] : memref<2x320000xi32, #tpu.memory_space<hbm>> -> memref<2x512xi32, #tpu.memory_space<hbm>>
            %dma_wait3A_137 = arith.constant 0 : i32
            %dma_wait3A_138 = arith.constant 0 : i32
            %dma_wait3A_139 = tpu.memref_slice %arg5[%run_scoped3A, %dma_wait3A_137, %dma_wait3A_138] : memref<2x2x512xi32, #tpu.memory_space<vmem>> -> memref<1x2x512xi32, #tpu.memory_space<vmem>>
            %dma_wait3A_140 = tpu.memref_squeeze %dma_wait3A_139 : memref<1x2x512xi32, #tpu.memory_space<vmem>> -> memref<2x512xi32, #tpu.memory_space<vmem>>
            %dma_wait3A_141 = arith.constant 0 : i32
            %dma_wait3A_142 = tpu.memref_slice %arg3[%dma_wait3A_141, %mul3A_108] : memref<2x320000xi32, #tpu.memory_space<hbm>> -> memref<2x512xi32, #tpu.memory_space<hbm>>
            tpu.wait_dma2 semaphore(%run_scoped3A_118 : memref<!tpu.dma_semaphore, #tpu.memory_space<semaphore_mem>>) src(%dma_wait3A_142 : memref<2x512xi32, #tpu.memory_space<hbm>>) dst(%dma_wait3A_140 : memref<2x512xi32, #tpu.memory_space<vmem>>)
            tpu.yield
          }) : () -> ()
          %eq3A = arith.constant 0 : i32
          %eq3A_109 = arith.cmpi eq, %arg0, %eq3A : i32
          %convert_element_type3A_110 = arith.extui %eq3A_109 : i1 to i32
          %cond3A_111 = arith.constant 0 : i32
          %cond3A_112 = arith.cmpi ne, %convert_element_type3A_110, %cond3A_111 : i32
          scf.if %cond3A_112 {
            %dma_start3A_118 = arith.constant 0 : i32
            %dma_start3A_119 = arith.constant 0 : i32
            %dma_start3A_120 = arith.constant 0 : i32
            %dma_start3A_121 = arith.constant 0 : i32
            %dma_start3A_122 = arith.constant 0 : i32
            %dma_start3A_123 = arith.constant 0 : i32
            %dma_start3A_124 = tpu.memref_slice %arg6[%dma_start3A_121, %dma_start3A_122, %dma_start3A_123] : memref<2x512x64xf32, #tpu.memory_space<vmem>> -> memref<1x512x64xf32, #tpu.memory_space<vmem>>
            %dma_start3A_125 = tpu.memref_squeeze %dma_start3A_124 : memref<1x512x64xf32, #tpu.memory_space<vmem>> -> memref<512x64xf32, #tpu.memory_space<vmem>>
            %dma_start3A_126 = arith.constant 0 : i32
            %dma_start3A_127 = arith.constant 0 : i32
            %dma_start3A_128 = tpu.memref_slice %arg5[%dma_start3A_119, %dma_start3A_126, %dma_start3A_127] : memref<2x2x512xi32, #tpu.memory_space<vmem>> -> memref<1x2x512xi32, #tpu.memory_space<vmem>>
            %dma_start3A_129 = tpu.memref_squeeze %dma_start3A_128 : memref<1x2x512xi32, #tpu.memory_space<vmem>> -> memref<2x512xi32, #tpu.memory_space<vmem>>
            %dma_start3A_130 = arith.constant 0 : i32
            %dma_start3A_131 = tpu.memref_slice %dma_start3A_129[%dma_start3A_120, %dma_start3A_130] : memref<2x512xi32, #tpu.memory_space<vmem>> -> memref<1x512xi32, #tpu.memory_space<vmem>>
            %dma_start3A_132 = tpu.memref_squeeze %dma_start3A_131 : memref<1x512xi32, #tpu.memory_space<vmem>> -> memref<512xi32, #tpu.memory_space<vmem>>
            %dma_start3A_133 = arith.constant 0 : i32
            %dma_start3A_134 = arith.constant 0 : i32
            %dma_start3A_135 = tpu.memref_slice %arg2[%dma_start3A_118, %dma_start3A_133, %dma_start3A_134] : memref<2x10240x64xf32, #tpu.memory_space<hbm>> -> memref<1x10240x64xf32, #tpu.memory_space<hbm>>
            %dma_start3A_136 = tpu.memref_squeeze %dma_start3A_135 : memref<1x10240x64xf32, #tpu.memory_space<hbm>> -> memref<10240x64xf32, #tpu.memory_space<hbm>>
            %dma_start3A_137 = arith.constant 0 : i32
            %dma_start3A_138 = arith.constant 0 : i32
            %dma_start3A_139 = tpu.memref_slice %dma_start3A_136[%dma_start3A_137, %dma_start3A_138] : memref<10240x64xf32, #tpu.memory_space<hbm>> -> memref<10240x64xf32, #tpu.memory_space<hbm>>
            tpu.enqueue_indirect_dma source(%dma_start3A_139 : memref<10240x64xf32, #tpu.memory_space<hbm>>) target(%dma_start3A_125 : memref<512x64xf32, #tpu.memory_space<vmem>>) offsets(%dma_start3A_132 : memref<512xi32, #tpu.memory_space<vmem>>) semaphore(%arg8 : memref<!tpu.dma_semaphore, #tpu.memory_space<semaphore_mem>>)
          } else {
          }
          %eq3A_113 = arith.constant 1 : i32
          %eq3A_114 = arith.cmpi eq, %arg0, %eq3A_113 : i32
          %convert_element_type3A_115 = arith.extui %eq3A_114 : i1 to i32
          %cond3A_116 = arith.constant 0 : i32
          %cond3A_117 = arith.cmpi ne, %convert_element_type3A_115, %cond3A_116 : i32
          scf.if %cond3A_117 {
            %dma_start3A_118 = arith.constant 1 : i32
            %dma_start3A_119 = arith.constant 0 : i32
            %dma_start3A_120 = arith.constant 0 : i32
            %dma_start3A_121 = arith.constant 0 : i32
            %dma_start3A_122 = arith.constant 0 : i32
            %dma_start3A_123 = arith.constant 0 : i32
            %dma_start3A_124 = tpu.memref_slice %arg6[%dma_start3A_121, %dma_start3A_122, %dma_start3A_123] : memref<2x512x64xf32, #tpu.memory_space<vmem>> -> memref<1x512x64xf32, #tpu.memory_space<vmem>>
            %dma_start3A_125 = tpu.memref_squeeze %dma_start3A_124 : memref<1x512x64xf32, #tpu.memory_space<vmem>> -> memref<512x64xf32, #tpu.memory_space<vmem>>
            %dma_start3A_126 = arith.constant 0 : i32
            %dma_start3A_127 = arith.constant 0 : i32
            %dma_start3A_128 = tpu.memref_slice %arg5[%dma_start3A_119, %dma_start3A_126, %dma_start3A_127] : memref<2x2x512xi32, #tpu.memory_space<vmem>> -> memref<1x2x512xi32, #tpu.memory_space<vmem>>
            %dma_start3A_129 = tpu.memref_squeeze %dma_start3A_128 : memref<1x2x512xi32, #tpu.memory_space<vmem>> -> memref<2x512xi32, #tpu.memory_space<vmem>>
            %dma_start3A_130 = arith.constant 0 : i32
            %dma_start3A_131 = tpu.memref_slice %dma_start3A_129[%dma_start3A_120, %dma_start3A_130] : memref<2x512xi32, #tpu.memory_space<vmem>> -> memref<1x512xi32, #tpu.memory_space<vmem>>
            %dma_start3A_132 = tpu.memref_squeeze %dma_start3A_131 : memref<1x512xi32, #tpu.memory_space<vmem>> -> memref<512xi32, #tpu.memory_space<vmem>>
            %dma_start3A_133 = arith.constant 0 : i32
            %dma_start3A_134 = arith.constant 0 : i32
            %dma_start3A_135 = tpu.memref_slice %arg2[%dma_start3A_118, %dma_start3A_133, %dma_start3A_134] : memref<2x10240x64xf32, #tpu.memory_space<hbm>> -> memref<1x10240x64xf32, #tpu.memory_space<hbm>>
            %dma_start3A_136 = tpu.memref_squeeze %dma_start3A_135 : memref<1x10240x64xf32, #tpu.memory_space<hbm>> -> memref<10240x64xf32, #tpu.memory_space<hbm>>
            %dma_start3A_137 = arith.constant 0 : i32
            %dma_start3A_138 = arith.constant 0 : i32
            %dma_start3A_139 = tpu.memref_slice %dma_start3A_136[%dma_start3A_137, %dma_start3A_138] : memref<10240x64xf32, #tpu.memory_space<hbm>> -> memref<10240x64xf32, #tpu.memory_space<hbm>>
            tpu.enqueue_indirect_dma source(%dma_start3A_139 : memref<10240x64xf32, #tpu.memory_space<hbm>>) target(%dma_start3A_125 : memref<512x64xf32, #tpu.memory_space<vmem>>) offsets(%dma_start3A_132 : memref<512xi32, #tpu.memory_space<vmem>>) semaphore(%arg8 : memref<!tpu.dma_semaphore, #tpu.memory_space<semaphore_mem>>)
          } else {
          }
        } else {
        }
      } else {
      }
      %add3A_38 = arith.constant 1 : i32
      %add3A_39 = arith.addi %mul3A_33, %add3A_38 : i32
      %lt3A_40 = arith.cmpi slt, %add3A_39, %min3A : i32
      %convert_element_type3A_41 = arith.extui %lt3A_40 : i1 to i32
      %cond3A_42 = arith.constant 0 : i32
      %cond3A_43 = arith.cmpi ne, %convert_element_type3A_41, %cond3A_42 : i32
      scf.if %cond3A_43 {
        %dma_wait3A = arith.constant 0 : i32
        %dma_wait3A_44 = arith.constant 1 : i32
        %dma_wait3A_45 = arith.constant 0 : i32
        %dma_wait3A_46 = arith.constant 0 : i32
        %dma_wait3A_47 = tpu.memref_slice %arg6[%dma_wait3A_44, %dma_wait3A_45, %dma_wait3A_46] : memref<2x512x64xf32, #tpu.memory_space<vmem>> -> memref<1x512x64xf32, #tpu.memory_space<vmem>>
        %dma_wait3A_48 = tpu.memref_squeeze %dma_wait3A_47 : memref<1x512x64xf32, #tpu.memory_space<vmem>> -> memref<512x64xf32, #tpu.memory_space<vmem>>
        %dma_wait3A_49 = arith.constant 0 : i32
        %dma_wait3A_50 = arith.constant 0 : i32
        %dma_wait3A_51 = tpu.memref_slice %arg2[%dma_wait3A, %dma_wait3A_49, %dma_wait3A_50] : memref<2x10240x64xf32, #tpu.memory_space<hbm>> -> memref<1x10240x64xf32, #tpu.memory_space<hbm>>
        %dma_wait3A_52 = tpu.memref_squeeze %dma_wait3A_51 : memref<1x10240x64xf32, #tpu.memory_space<hbm>> -> memref<10240x64xf32, #tpu.memory_space<hbm>>
        %dma_wait3A_53 = arith.constant 0 : i32
        %dma_wait3A_54 = arith.constant 0 : i32
        %dma_wait3A_55 = tpu.memref_slice %dma_wait3A_52[%dma_wait3A_53, %dma_wait3A_54] : memref<10240x64xf32, #tpu.memory_space<hbm>> -> memref<512x64xf32, #tpu.memory_space<hbm>>
        %dma_wait3A_56 = arith.constant 0 : i32
        %dma_wait3A_57 = arith.constant 0 : i32
        %dma_wait3A_58 = tpu.memref_slice %arg6[%dma_wait3A_44, %dma_wait3A_56, %dma_wait3A_57] : memref<2x512x64xf32, #tpu.memory_space<vmem>> -> memref<1x512x64xf32, #tpu.memory_space<vmem>>
        %dma_wait3A_59 = tpu.memref_squeeze %dma_wait3A_58 : memref<1x512x64xf32, #tpu.memory_space<vmem>> -> memref<512x64xf32, #tpu.memory_space<vmem>>
        %dma_wait3A_60 = arith.constant 0 : i32
        %dma_wait3A_61 = arith.constant 0 : i32
        %dma_wait3A_62 = tpu.memref_slice %arg2[%dma_wait3A, %dma_wait3A_60, %dma_wait3A_61] : memref<2x10240x64xf32, #tpu.memory_space<hbm>> -> memref<1x10240x64xf32, #tpu.memory_space<hbm>>
        %dma_wait3A_63 = tpu.memref_squeeze %dma_wait3A_62 : memref<1x10240x64xf32, #tpu.memory_space<hbm>> -> memref<10240x64xf32, #tpu.memory_space<hbm>>
        %dma_wait3A_64 = arith.constant 0 : i32
        %dma_wait3A_65 = arith.constant 0 : i32
        %dma_wait3A_66 = tpu.memref_slice %dma_wait3A_63[%dma_wait3A_64, %dma_wait3A_65] : memref<10240x64xf32, #tpu.memory_space<hbm>> -> memref<512x64xf32, #tpu.memory_space<hbm>>
        tpu.wait_dma2 semaphore(%arg9 : memref<!tpu.dma_semaphore, #tpu.memory_space<semaphore_mem>>) src(%dma_wait3A_66 : memref<512x64xf32, #tpu.memory_space<hbm>>) dst(%dma_wait3A_59 : memref<512x64xf32, #tpu.memory_space<vmem>>)
        %dma_start3A = arith.constant 1 : i32
        %dma_start3A_67 = arith.constant 1 : i32
        %dma_start3A_68 = arith.constant 1 : i32
        %dma_start3A_69 = arith.constant 0 : i32
        %dma_start3A_70 = arith.constant 0 : i32
        %dma_start3A_71 = tpu.memref_slice %arg6[%dma_start3A, %dma_start3A_69, %dma_start3A_70] : memref<2x512x64xf32, #tpu.memory_space<vmem>> -> memref<1x512x64xf32, #tpu.memory_space<vmem>>
        %dma_start3A_72 = tpu.memref_squeeze %dma_start3A_71 : memref<1x512x64xf32, #tpu.memory_space<vmem>> -> memref<512x64xf32, #tpu.memory_space<vmem>>
        %dma_start3A_73 = arith.constant 0 : i32
        %dma_start3A_74 = arith.constant 0 : i32
        %dma_start3A_75 = tpu.memref_slice %arg5[%dma_start3A_67, %dma_start3A_73, %dma_start3A_74] : memref<2x2x512xi32, #tpu.memory_space<vmem>> -> memref<1x2x512xi32, #tpu.memory_space<vmem>>
        %dma_start3A_76 = tpu.memref_squeeze %dma_start3A_75 : memref<1x2x512xi32, #tpu.memory_space<vmem>> -> memref<2x512xi32, #tpu.memory_space<vmem>>
        %dma_start3A_77 = arith.constant 0 : i32
        %dma_start3A_78 = tpu.memref_slice %dma_start3A_76[%dma_start3A_68, %dma_start3A_77] : memref<2x512xi32, #tpu.memory_space<vmem>> -> memref<1x512xi32, #tpu.memory_space<vmem>>
        %dma_start3A_79 = tpu.memref_squeeze %dma_start3A_78 : memref<1x512xi32, #tpu.memory_space<vmem>> -> memref<512xi32, #tpu.memory_space<vmem>>
        %dma_start3A_80 = arith.constant 0 : i32
        %dma_start3A_81 = arith.constant 0 : i32
        %dma_start3A_82 = tpu.memref_slice %arg7[%dma_start3A_80, %dma_start3A_81] : memref<10240x64xf32, #tpu.memory_space<vmem_shared>> -> memref<10240x64xf32, #tpu.memory_space<vmem_shared>>
        tpu.enqueue_indirect_dma source(%dma_start3A_72 : memref<512x64xf32, #tpu.memory_space<vmem>>) target(%dma_start3A_82 : memref<10240x64xf32, #tpu.memory_space<vmem_shared>>) offsets(%dma_start3A_79 : memref<512xi32, #tpu.memory_space<vmem>>) semaphore(%arg11 : memref<!tpu.dma_semaphore, #tpu.memory_space<semaphore_mem>>) {add = true}
        %add3A_83 = arith.constant 2 : i32
        %add3A_84 = arith.addi %add3A_39, %add3A_83 : i32
        %lt3A_85 = arith.cmpi slt, %add3A_84, %min3A : i32
        %convert_element_type3A_86 = arith.extui %lt3A_85 : i1 to i32
        %cond3A_87 = arith.constant 0 : i32
        %cond3A_88 = arith.cmpi ne, %convert_element_type3A_86, %cond3A_87 : i32
        scf.if %cond3A_88 {
          %dma_wait3A_89 = arith.constant 1 : i32
          %dma_wait3A_90 = arith.constant 0 : i32
          %dma_wait3A_91 = arith.constant 0 : i32
          %dma_wait3A_92 = tpu.memref_slice %arg6[%dma_wait3A_89, %dma_wait3A_90, %dma_wait3A_91] : memref<2x512x64xf32, #tpu.memory_space<vmem>> -> memref<1x512x64xf32, #tpu.memory_space<vmem>>
          %dma_wait3A_93 = tpu.memref_squeeze %dma_wait3A_92 : memref<1x512x64xf32, #tpu.memory_space<vmem>> -> memref<512x64xf32, #tpu.memory_space<vmem>>
          %dma_wait3A_94 = arith.constant 0 : i32
          %dma_wait3A_95 = arith.constant 0 : i32
          %dma_wait3A_96 = tpu.memref_slice %arg7[%dma_wait3A_94, %dma_wait3A_95] : memref<10240x64xf32, #tpu.memory_space<vmem_shared>> -> memref<512x64xf32, #tpu.memory_space<vmem_shared>>
          %dma_wait3A_97 = arith.constant 0 : i32
          %dma_wait3A_98 = arith.constant 0 : i32
          %dma_wait3A_99 = tpu.memref_slice %arg7[%dma_wait3A_97, %dma_wait3A_98] : memref<10240x64xf32, #tpu.memory_space<vmem_shared>> -> memref<512x64xf32, #tpu.memory_space<vmem_shared>>
          %dma_wait3A_100 = arith.constant 0 : i32
          %dma_wait3A_101 = arith.constant 0 : i32
          %dma_wait3A_102 = tpu.memref_slice %arg6[%dma_wait3A_89, %dma_wait3A_100, %dma_wait3A_101] : memref<2x512x64xf32, #tpu.memory_space<vmem>> -> memref<1x512x64xf32, #tpu.memory_space<vmem>>
          %dma_wait3A_103 = tpu.memref_squeeze %dma_wait3A_102 : memref<1x512x64xf32, #tpu.memory_space<vmem>> -> memref<512x64xf32, #tpu.memory_space<vmem>>
          tpu.wait_dma2 semaphore(%arg11 : memref<!tpu.dma_semaphore, #tpu.memory_space<semaphore_mem>>) src(%dma_wait3A_103 : memref<512x64xf32, #tpu.memory_space<vmem>>) dst(%dma_wait3A_99 : memref<512x64xf32, #tpu.memory_space<vmem_shared>>)
          %add3A_104 = arith.constant 2 : i32
          %add3A_105 = arith.addi %add3A_39, %add3A_104 : i32
          %add3A_106 = arith.addi %mul3A_0, %add3A_105 : i32
          %mul3A_107 = arith.constant 512 : i32
          %mul3A_108 = arith.muli %add3A_106, %mul3A_107 : i32
          %run_scoped3A = arith.constant 1 : i32
          "tpu.region"() ({
            %run_scoped3A_118 = tpu.sem_alloc : memref<!tpu.dma_semaphore, #tpu.memory_space<semaphore_mem>>
            %dma_start3A_119 = arith.constant 0 : i32
            %dma_start3A_120 = arith.constant 0 : i32
            %dma_start3A_121 = tpu.memref_slice %arg5[%run_scoped3A, %dma_start3A_119, %dma_start3A_120] : memref<2x2x512xi32, #tpu.memory_space<vmem>> -> memref<1x2x512xi32, #tpu.memory_space<vmem>>
            %dma_start3A_122 = tpu.memref_squeeze %dma_start3A_121 : memref<1x2x512xi32, #tpu.memory_space<vmem>> -> memref<2x512xi32, #tpu.memory_space<vmem>>
            %dma_start3A_123 = arith.constant 0 : i32
            %dma_start3A_124 = tpu.memref_slice %arg3[%dma_start3A_123, %mul3A_108] : memref<2x320000xi32, #tpu.memory_space<hbm>> -> memref<2x512xi32, #tpu.memory_space<hbm>>
            %dma_start3A_125 = arith.constant 0 : i32
            %dma_start3A_126 = arith.constant 0 : i32
            %dma_start3A_127 = tpu.memref_slice %arg5[%run_scoped3A, %dma_start3A_125, %dma_start3A_126] : memref<2x2x512xi32, #tpu.memory_space<vmem>> -> memref<1x2x512xi32, #tpu.memory_space<vmem>>
            %dma_start3A_128 = tpu.memref_squeeze %dma_start3A_127 : memref<1x2x512xi32, #tpu.memory_space<vmem>> -> memref<2x512xi32, #tpu.memory_space<vmem>>
            %dma_start3A_129 = arith.constant 0 : i32
            %dma_start3A_130 = tpu.memref_slice %arg3[%dma_start3A_129, %mul3A_108] : memref<2x320000xi32, #tpu.memory_space<hbm>> -> memref<2x512xi32, #tpu.memory_space<hbm>>
            tpu.enqueue_dma source(%dma_start3A_130 : memref<2x512xi32, #tpu.memory_space<hbm>>) target(%dma_start3A_128 : memref<2x512xi32, #tpu.memory_space<vmem>>) target_semaphore(%run_scoped3A_118 : memref<!tpu.dma_semaphore, #tpu.memory_space<semaphore_mem>>)
            %dma_wait3A_131 = arith.constant 0 : i32
            %dma_wait3A_132 = arith.constant 0 : i32
            %dma_wait3A_133 = tpu.memref_slice %arg5[%run_scoped3A, %dma_wait3A_131, %dma_wait3A_132] : memref<2x2x512xi32, #tpu.memory_space<vmem>> -> memref<1x2x512xi32, #tpu.memory_space<vmem>>
            %dma_wait3A_134 = tpu.memref_squeeze %dma_wait3A_133 : memref<1x2x512xi32, #tpu.memory_space<vmem>> -> memref<2x512xi32, #tpu.memory_space<vmem>>
            %dma_wait3A_135 = arith.constant 0 : i32
            %dma_wait3A_136 = tpu.memref_slice %arg3[%dma_wait3A_135, %mul3A_108] : memref<2x320000xi32, #tpu.memory_space<hbm>> -> memref<2x512xi32, #tpu.memory_space<hbm>>
            %dma_wait3A_137 = arith.constant 0 : i32
            %dma_wait3A_138 = arith.constant 0 : i32
            %dma_wait3A_139 = tpu.memref_slice %arg5[%run_scoped3A, %dma_wait3A_137, %dma_wait3A_138] : memref<2x2x512xi32, #tpu.memory_space<vmem>> -> memref<1x2x512xi32, #tpu.memory_space<vmem>>
            %dma_wait3A_140 = tpu.memref_squeeze %dma_wait3A_139 : memref<1x2x512xi32, #tpu.memory_space<vmem>> -> memref<2x512xi32, #tpu.memory_space<vmem>>
            %dma_wait3A_141 = arith.constant 0 : i32
            %dma_wait3A_142 = tpu.memref_slice %arg3[%dma_wait3A_141, %mul3A_108] : memref<2x320000xi32, #tpu.memory_space<hbm>> -> memref<2x512xi32, #tpu.memory_space<hbm>>
            tpu.wait_dma2 semaphore(%run_scoped3A_118 : memref<!tpu.dma_semaphore, #tpu.memory_space<semaphore_mem>>) src(%dma_wait3A_142 : memref<2x512xi32, #tpu.memory_space<hbm>>) dst(%dma_wait3A_140 : memref<2x512xi32, #tpu.memory_space<vmem>>)
            tpu.yield
          }) : () -> ()
          %eq3A = arith.constant 0 : i32
          %eq3A_109 = arith.cmpi eq, %arg0, %eq3A : i32
          %convert_element_type3A_110 = arith.extui %eq3A_109 : i1 to i32
          %cond3A_111 = arith.constant 0 : i32
          %cond3A_112 = arith.cmpi ne, %convert_element_type3A_110, %cond3A_111 : i32
          scf.if %cond3A_112 {
            %dma_start3A_118 = arith.constant 0 : i32
            %dma_start3A_119 = arith.constant 1 : i32
            %dma_start3A_120 = arith.constant 0 : i32
            %dma_start3A_121 = arith.constant 1 : i32
            %dma_start3A_122 = arith.constant 0 : i32
            %dma_start3A_123 = arith.constant 0 : i32
            %dma_start3A_124 = tpu.memref_slice %arg6[%dma_start3A_121, %dma_start3A_122, %dma_start3A_123] : memref<2x512x64xf32, #tpu.memory_space<vmem>> -> memref<1x512x64xf32, #tpu.memory_space<vmem>>
            %dma_start3A_125 = tpu.memref_squeeze %dma_start3A_124 : memref<1x512x64xf32, #tpu.memory_space<vmem>> -> memref<512x64xf32, #tpu.memory_space<vmem>>
            %dma_start3A_126 = arith.constant 0 : i32
            %dma_start3A_127 = arith.constant 0 : i32
            %dma_start3A_128 = tpu.memref_slice %arg5[%dma_start3A_119, %dma_start3A_126, %dma_start3A_127] : memref<2x2x512xi32, #tpu.memory_space<vmem>> -> memref<1x2x512xi32, #tpu.memory_space<vmem>>
            %dma_start3A_129 = tpu.memref_squeeze %dma_start3A_128 : memref<1x2x512xi32, #tpu.memory_space<vmem>> -> memref<2x512xi32, #tpu.memory_space<vmem>>
            %dma_start3A_130 = arith.constant 0 : i32
            %dma_start3A_131 = tpu.memref_slice %dma_start3A_129[%dma_start3A_120, %dma_start3A_130] : memref<2x512xi32, #tpu.memory_space<vmem>> -> memref<1x512xi32, #tpu.memory_space<vmem>>
            %dma_start3A_132 = tpu.memref_squeeze %dma_start3A_131 : memref<1x512xi32, #tpu.memory_space<vmem>> -> memref<512xi32, #tpu.memory_space<vmem>>
            %dma_start3A_133 = arith.constant 0 : i32
            %dma_start3A_134 = arith.constant 0 : i32
            %dma_start3A_135 = tpu.memref_slice %arg2[%dma_start3A_118, %dma_start3A_133, %dma_start3A_134] : memref<2x10240x64xf32, #tpu.memory_space<hbm>> -> memref<1x10240x64xf32, #tpu.memory_space<hbm>>
            %dma_start3A_136 = tpu.memref_squeeze %dma_start3A_135 : memref<1x10240x64xf32, #tpu.memory_space<hbm>> -> memref<10240x64xf32, #tpu.memory_space<hbm>>
            %dma_start3A_137 = arith.constant 0 : i32
            %dma_start3A_138 = arith.constant 0 : i32
            %dma_start3A_139 = tpu.memref_slice %dma_start3A_136[%dma_start3A_137, %dma_start3A_138] : memref<10240x64xf32, #tpu.memory_space<hbm>> -> memref<10240x64xf32, #tpu.memory_space<hbm>>
            tpu.enqueue_indirect_dma source(%dma_start3A_139 : memref<10240x64xf32, #tpu.memory_space<hbm>>) target(%dma_start3A_125 : memref<512x64xf32, #tpu.memory_space<vmem>>) offsets(%dma_start3A_132 : memref<512xi32, #tpu.memory_space<vmem>>) semaphore(%arg9 : memref<!tpu.dma_semaphore, #tpu.memory_space<semaphore_mem>>)
          } else {
          }
          %eq3A_113 = arith.constant 1 : i32
          %eq3A_114 = arith.cmpi eq, %arg0, %eq3A_113 : i32
          %convert_element_type3A_115 = arith.extui %eq3A_114 : i1 to i32
          %cond3A_116 = arith.constant 0 : i32
          %cond3A_117 = arith.cmpi ne, %convert_element_type3A_115, %cond3A_116 : i32
          scf.if %cond3A_117 {
            %dma_start3A_118 = arith.constant 1 : i32
            %dma_start3A_119 = arith.constant 1 : i32
            %dma_start3A_120 = arith.constant 0 : i32
            %dma_start3A_121 = arith.constant 1 : i32
            %dma_start3A_122 = arith.constant 0 : i32
            %dma_start3A_123 = arith.constant 0 : i32
            %dma_start3A_124 = tpu.memref_slice %arg6[%dma_start3A_121, %dma_start3A_122, %dma_start3A_123] : memref<2x512x64xf32, #tpu.memory_space<vmem>> -> memref<1x512x64xf32, #tpu.memory_space<vmem>>
            %dma_start3A_125 = tpu.memref_squeeze %dma_start3A_124 : memref<1x512x64xf32, #tpu.memory_space<vmem>> -> memref<512x64xf32, #tpu.memory_space<vmem>>
            %dma_start3A_126 = arith.constant 0 : i32
            %dma_start3A_127 = arith.constant 0 : i32
            %dma_start3A_128 = tpu.memref_slice %arg5[%dma_start3A_119, %dma_start3A_126, %dma_start3A_127] : memref<2x2x512xi32, #tpu.memory_space<vmem>> -> memref<1x2x512xi32, #tpu.memory_space<vmem>>
            %dma_start3A_129 = tpu.memref_squeeze %dma_start3A_128 : memref<1x2x512xi32, #tpu.memory_space<vmem>> -> memref<2x512xi32, #tpu.memory_space<vmem>>
            %dma_start3A_130 = arith.constant 0 : i32
            %dma_start3A_131 = tpu.memref_slice %dma_start3A_129[%dma_start3A_120, %dma_start3A_130] : memref<2x512xi32, #tpu.memory_space<vmem>> -> memref<1x512xi32, #tpu.memory_space<vmem>>
            %dma_start3A_132 = tpu.memref_squeeze %dma_start3A_131 : memref<1x512xi32, #tpu.memory_space<vmem>> -> memref<512xi32, #tpu.memory_space<vmem>>
            %dma_start3A_133 = arith.constant 0 : i32
            %dma_start3A_134 = arith.constant 0 : i32
            %dma_start3A_135 = tpu.memref_slice %arg2[%dma_start3A_118, %dma_start3A_133, %dma_start3A_134] : memref<2x10240x64xf32, #tpu.memory_space<hbm>> -> memref<1x10240x64xf32, #tpu.memory_space<hbm>>
            %dma_start3A_136 = tpu.memref_squeeze %dma_start3A_135 : memref<1x10240x64xf32, #tpu.memory_space<hbm>> -> memref<10240x64xf32, #tpu.memory_space<hbm>>
            %dma_start3A_137 = arith.constant 0 : i32
            %dma_start3A_138 = arith.constant 0 : i32
            %dma_start3A_139 = tpu.memref_slice %dma_start3A_136[%dma_start3A_137, %dma_start3A_138] : memref<10240x64xf32, #tpu.memory_space<hbm>> -> memref<10240x64xf32, #tpu.memory_space<hbm>>
            tpu.enqueue_indirect_dma source(%dma_start3A_139 : memref<10240x64xf32, #tpu.memory_space<hbm>>) target(%dma_start3A_125 : memref<512x64xf32, #tpu.memory_space<vmem>>) offsets(%dma_start3A_132 : memref<512xi32, #tpu.memory_space<vmem>>) semaphore(%arg9 : memref<!tpu.dma_semaphore, #tpu.memory_space<semaphore_mem>>)
          } else {
          }
        } else {
        }
      } else {
      }
    }
    %scan3A_15 = arith.constant 20 : i32
    %min3A_16 = arith.constant 2 : i32
    %min3A_17 = arith.minsi %min3A, %min3A_16 : i32
    %gt3A_18 = arith.constant 0 : i32
    %gt3A_19 = arith.cmpi sgt, %min3A_17, %gt3A_18 : i32
    %convert_element_type3A_20 = arith.extui %gt3A_19 : i1 to i32
    %cond3A_21 = arith.constant 0 : i32
    %cond3A_22 = arith.cmpi ne, %convert_element_type3A_20, %cond3A_21 : i32
    scf.if %cond3A_22 {
      %dma_wait3A = arith.constant 0 : i32
      %dma_wait3A_31 = arith.constant 0 : i32
      %dma_wait3A_32 = arith.constant 0 : i32
      %dma_wait3A_33 = tpu.memref_slice %arg6[%dma_wait3A, %dma_wait3A_31, %dma_wait3A_32] : memref<2x512x64xf32, #tpu.memory_space<vmem>> -> memref<1x512x64xf32, #tpu.memory_space<vmem>>
      %dma_wait3A_34 = tpu.memref_squeeze %dma_wait3A_33 : memref<1x512x64xf32, #tpu.memory_space<vmem>> -> memref<512x64xf32, #tpu.memory_space<vmem>>
      %dma_wait3A_35 = arith.constant 0 : i32
      %dma_wait3A_36 = arith.constant 0 : i32
      %dma_wait3A_37 = tpu.memref_slice %arg7[%dma_wait3A_35, %dma_wait3A_36] : memref<10240x64xf32, #tpu.memory_space<vmem_shared>> -> memref<512x64xf32, #tpu.memory_space<vmem_shared>>
      %dma_wait3A_38 = arith.constant 0 : i32
      %dma_wait3A_39 = arith.constant 0 : i32
      %dma_wait3A_40 = tpu.memref_slice %arg7[%dma_wait3A_38, %dma_wait3A_39] : memref<10240x64xf32, #tpu.memory_space<vmem_shared>> -> memref<512x64xf32, #tpu.memory_space<vmem_shared>>
      %dma_wait3A_41 = arith.constant 0 : i32
      %dma_wait3A_42 = arith.constant 0 : i32
      %dma_wait3A_43 = tpu.memref_slice %arg6[%dma_wait3A, %dma_wait3A_41, %dma_wait3A_42] : memref<2x512x64xf32, #tpu.memory_space<vmem>> -> memref<1x512x64xf32, #tpu.memory_space<vmem>>
      %dma_wait3A_44 = tpu.memref_squeeze %dma_wait3A_43 : memref<1x512x64xf32, #tpu.memory_space<vmem>> -> memref<512x64xf32, #tpu.memory_space<vmem>>
      tpu.wait_dma2 semaphore(%arg10 : memref<!tpu.dma_semaphore, #tpu.memory_space<semaphore_mem>>) src(%dma_wait3A_44 : memref<512x64xf32, #tpu.memory_space<vmem>>) dst(%dma_wait3A_40 : memref<512x64xf32, #tpu.memory_space<vmem_shared>>)
    } else {
    }
    %min3A_23 = arith.constant 2 : i32
    %min3A_24 = arith.minsi %min3A, %min3A_23 : i32
    %gt3A_25 = arith.constant 1 : i32
    %gt3A_26 = arith.cmpi sgt, %min3A_24, %gt3A_25 : i32
    %convert_element_type3A_27 = arith.extui %gt3A_26 : i1 to i32
    %cond3A_28 = arith.constant 0 : i32
    %cond3A_29 = arith.cmpi ne, %convert_element_type3A_27, %cond3A_28 : i32
    scf.if %cond3A_29 {
      %dma_wait3A = arith.constant 1 : i32
      %dma_wait3A_31 = arith.constant 0 : i32
      %dma_wait3A_32 = arith.constant 0 : i32
      %dma_wait3A_33 = tpu.memref_slice %arg6[%dma_wait3A, %dma_wait3A_31, %dma_wait3A_32] : memref<2x512x64xf32, #tpu.memory_space<vmem>> -> memref<1x512x64xf32, #tpu.memory_space<vmem>>
      %dma_wait3A_34 = tpu.memref_squeeze %dma_wait3A_33 : memref<1x512x64xf32, #tpu.memory_space<vmem>> -> memref<512x64xf32, #tpu.memory_space<vmem>>
      %dma_wait3A_35 = arith.constant 0 : i32
      %dma_wait3A_36 = arith.constant 0 : i32
      %dma_wait3A_37 = tpu.memref_slice %arg7[%dma_wait3A_35, %dma_wait3A_36] : memref<10240x64xf32, #tpu.memory_space<vmem_shared>> -> memref<512x64xf32, #tpu.memory_space<vmem_shared>>
      %dma_wait3A_38 = arith.constant 0 : i32
      %dma_wait3A_39 = arith.constant 0 : i32
      %dma_wait3A_40 = tpu.memref_slice %arg7[%dma_wait3A_38, %dma_wait3A_39] : memref<10240x64xf32, #tpu.memory_space<vmem_shared>> -> memref<512x64xf32, #tpu.memory_space<vmem_shared>>
      %dma_wait3A_41 = arith.constant 0 : i32
      %dma_wait3A_42 = arith.constant 0 : i32
      %dma_wait3A_43 = tpu.memref_slice %arg6[%dma_wait3A, %dma_wait3A_41, %dma_wait3A_42] : memref<2x512x64xf32, #tpu.memory_space<vmem>> -> memref<1x512x64xf32, #tpu.memory_space<vmem>>
      %dma_wait3A_44 = tpu.memref_squeeze %dma_wait3A_43 : memref<1x512x64xf32, #tpu.memory_space<vmem>> -> memref<512x64xf32, #tpu.memory_space<vmem>>
      tpu.wait_dma2 semaphore(%arg11 : memref<!tpu.dma_semaphore, #tpu.memory_space<semaphore_mem>>) src(%dma_wait3A_44 : memref<512x64xf32, #tpu.memory_space<vmem>>) dst(%dma_wait3A_40 : memref<512x64xf32, #tpu.memory_space<vmem_shared>>)
    } else {
    }
    %barrier3A_30 = arith.constant 0 : index
    tpu.barrier barrier_id(%barrier3A_30)
    "tpu.region"() ({
      %run_scoped3A = tpu.sem_alloc : memref<!tpu.dma_semaphore, #tpu.memory_space<semaphore_mem>>
      %dma_start3A = arith.constant 0 : i32
      %dma_start3A_31 = tpu.memref_slice %arg4[%arg0, %mul3A_4, %dma_start3A] : memref<2x10240x64xf32, #tpu.memory_space<hbm>> -> memref<1x640x64xf32, #tpu.memory_space<hbm>>
      %dma_start3A_32 = tpu.memref_squeeze %dma_start3A_31 : memref<1x640x64xf32, #tpu.memory_space<hbm>> -> memref<640x64xf32, #tpu.memory_space<hbm>>
      %dma_start3A_33 = arith.constant 0 : i32
      %dma_start3A_34 = tpu.memref_slice %arg7[%mul3A_4, %dma_start3A_33] : memref<10240x64xf32, #tpu.memory_space<vmem_shared>> -> memref<640x64xf32, #tpu.memory_space<vmem_shared>>
      tpu.enqueue_dma source(%dma_start3A_34 : memref<640x64xf32, #tpu.memory_space<vmem_shared>>) target(%dma_start3A_32 : memref<640x64xf32, #tpu.memory_space<hbm>>) target_semaphore(%run_scoped3A : memref<!tpu.dma_semaphore, #tpu.memory_space<semaphore_mem>>)
      %dma_wait3A = arith.constant 0 : i32
      %dma_wait3A_35 = tpu.memref_slice %arg4[%arg0, %mul3A_4, %dma_wait3A] : memref<2x10240x64xf32, #tpu.memory_space<hbm>> -> memref<1x640x64xf32, #tpu.memory_space<hbm>>
      %dma_wait3A_36 = tpu.memref_squeeze %dma_wait3A_35 : memref<1x640x64xf32, #tpu.memory_space<hbm>> -> memref<640x64xf32, #tpu.memory_space<hbm>>
      %dma_wait3A_37 = arith.constant 0 : i32
      %dma_wait3A_38 = tpu.memref_slice %arg7[%mul3A_4, %dma_wait3A_37] : memref<10240x64xf32, #tpu.memory_space<vmem_shared>> -> memref<640x64xf32, #tpu.memory_space<vmem_shared>>
      tpu.wait_dma2 semaphore(%run_scoped3A : memref<!tpu.dma_semaphore, #tpu.memory_space<semaphore_mem>>) src(%dma_wait3A_38 : memref<640x64xf32, #tpu.memory_space<vmem_shared>>) dst(%dma_wait3A_36 : memref<640x64xf32, #tpu.memory_space<hbm>>)
      tpu.yield
    }) : () -> ()
    return
  }
}

#map = affine_map<(d0, d1) -> (0, 0, 0)>
#map1 = affine_map<(d0, d1) -> (0, 0)>
module attributes {stable_mosaic.version = 14 : i64} {
  func.func @agg(%arg0: i32, %arg1: i32, %arg2: memref<2x10240x64xf32, #tpu.memory_space<hbm>>, %arg3: memref<2x320000xi32, #tpu.memory_space<hbm>>, %arg4: memref<2x10240x64xf32, #tpu.memory_space<hbm>>, %arg5: memref<2x2x512xi32, #tpu.memory_space<vmem>>, %arg6: memref<2x512x64xf32, #tpu.memory_space<vmem>>, %arg7: memref<10240x64xf32, #tpu.memory_space<vmem_shared>>, %arg8: memref<!tpu.dma_semaphore, #tpu.memory_space<semaphore_mem>>, %arg9: memref<!tpu.dma_semaphore, #tpu.memory_space<semaphore_mem>>, %arg10: memref<!tpu.dma_semaphore, #tpu.memory_space<semaphore_mem>>, %arg11: memref<!tpu.dma_semaphore, #tpu.memory_space<semaphore_mem>>) attributes {dimension_semantics = [#tpu.dimension_semantics<core_parallel>, #tpu.dimension_semantics<subcore_parallel>], iteration_bounds = array<i64: 2, 16>, scalar_prefetch = 0 : i64, scratch_operands = 7 : i64, tpu.core_type = #tpu.core_type<sc_vector_subcore>, window_params = [{transform_indices = #map}, {transform_indices = #map1}, {transform_indices = #map}]} {
    %mul3A = arith.constant 40 : i32
    %mul3A_0 = arith.muli %arg1, %mul3A : i32
    %sub3A = arith.constant 625 : i32
    %sub3A_1 = arith.subi %sub3A, %mul3A_0 : i32
    %jit3A = arith.constant 0 : i32
    %jit3A_2 = arith.constant 40 : i32
    %max3A = arith.maxsi %jit3A, %sub3A_1 : i32
    %min3A = arith.minsi %jit3A_2, %max3A : i32
    %mul3A_3 = arith.constant 640 : i32
    %mul3A_4 = arith.muli %arg1, %mul3A_3 : i32
    "tpu.region"() ({
      %run_scoped3A = tpu.sem_alloc : memref<!tpu.dma_semaphore, #tpu.memory_space<semaphore_mem>>
      %dma_start3A = arith.constant 0 : i32
      %dma_start3A_31 = tpu.memref_slice %arg7[%mul3A_4, %dma_start3A] : memref<10240x64xf32, #tpu.memory_space<vmem_shared>> -> memref<640x64xf32, #tpu.memory_space<vmem_shared>>
      %dma_start3A_32 = arith.constant 0 : i32
      %dma_start3A_33 = tpu.memref_slice %arg2[%arg0, %mul3A_4, %dma_start3A_32] : memref<2x10240x64xf32, #tpu.memory_space<hbm>> -> memref<1x640x64xf32, #tpu.memory_space<hbm>>
      %dma_start3A_34 = tpu.memref_squeeze %dma_start3A_33 : memref<1x640x64xf32, #tpu.memory_space<hbm>> -> memref<640x64xf32, #tpu.memory_space<hbm>>
      tpu.enqueue_dma source(%dma_start3A_34 : memref<640x64xf32, #tpu.memory_space<hbm>>) target(%dma_start3A_31 : memref<640x64xf32, #tpu.memory_space<vmem_shared>>) target_semaphore(%run_scoped3A : memref<!tpu.dma_semaphore, #tpu.memory_space<semaphore_mem>>)
      %dma_wait3A = arith.constant 0 : i32
      %dma_wait3A_35 = tpu.memref_slice %arg7[%mul3A_4, %dma_wait3A] : memref<10240x64xf32, #tpu.memory_space<vmem_shared>> -> memref<640x64xf32, #tpu.memory_space<vmem_shared>>
      %dma_wait3A_36 = arith.constant 0 : i32
      %dma_wait3A_37 = tpu.memref_slice %arg2[%arg0, %mul3A_4, %dma_wait3A_36] : memref<2x10240x64xf32, #tpu.memory_space<hbm>> -> memref<1x640x64xf32, #tpu.memory_space<hbm>>
      %dma_wait3A_38 = tpu.memref_squeeze %dma_wait3A_37 : memref<1x640x64xf32, #tpu.memory_space<hbm>> -> memref<640x64xf32, #tpu.memory_space<hbm>>
      tpu.wait_dma2 semaphore(%run_scoped3A : memref<!tpu.dma_semaphore, #tpu.memory_space<semaphore_mem>>) src(%dma_wait3A_38 : memref<640x64xf32, #tpu.memory_space<hbm>>) dst(%dma_wait3A_35 : memref<640x64xf32, #tpu.memory_space<vmem_shared>>)
      tpu.yield
    }) : () -> ()
    %barrier3A = arith.constant 0 : index
    tpu.barrier barrier_id(%barrier3A)
    %gt3A = arith.constant 0 : i32
    %gt3A_5 = arith.cmpi sgt, %min3A, %gt3A : i32
    %convert_element_type3A = arith.extui %gt3A_5 : i1 to i32
    %cond3A = arith.constant 0 : i32
    %cond3A_6 = arith.cmpi ne, %convert_element_type3A, %cond3A : i32
    scf.if %cond3A_6 {
      %add3A = arith.constant 0 : i32
      %add3A_31 = arith.addi %mul3A_0, %add3A : i32
      %mul3A_32 = arith.constant 512 : i32
      %mul3A_33 = arith.muli %add3A_31, %mul3A_32 : i32
      %run_scoped3A = arith.constant 0 : i32
      "tpu.region"() ({
        %run_scoped3A_43 = tpu.sem_alloc : memref<!tpu.dma_semaphore, #tpu.memory_space<semaphore_mem>>
        %dma_start3A = arith.constant 0 : i32
        %dma_start3A_44 = arith.constant 0 : i32
        %dma_start3A_45 = tpu.memref_slice %arg5[%run_scoped3A, %dma_start3A, %dma_start3A_44] : memref<2x2x512xi32, #tpu.memory_space<vmem>> -> memref<1x2x512xi32, #tpu.memory_space<vmem>>
        %dma_start3A_46 = tpu.memref_squeeze %dma_start3A_45 : memref<1x2x512xi32, #tpu.memory_space<vmem>> -> memref<2x512xi32, #tpu.memory_space<vmem>>
        %dma_start3A_47 = arith.constant 0 : i32
        %dma_start3A_48 = tpu.memref_slice %arg3[%dma_start3A_47, %mul3A_33] : memref<2x320000xi32, #tpu.memory_space<hbm>> -> memref<2x512xi32, #tpu.memory_space<hbm>>
        %dma_start3A_49 = arith.constant 0 : i32
        %dma_start3A_50 = arith.constant 0 : i32
        %dma_start3A_51 = tpu.memref_slice %arg5[%run_scoped3A, %dma_start3A_49, %dma_start3A_50] : memref<2x2x512xi32, #tpu.memory_space<vmem>> -> memref<1x2x512xi32, #tpu.memory_space<vmem>>
        %dma_start3A_52 = tpu.memref_squeeze %dma_start3A_51 : memref<1x2x512xi32, #tpu.memory_space<vmem>> -> memref<2x512xi32, #tpu.memory_space<vmem>>
        %dma_start3A_53 = arith.constant 0 : i32
        %dma_start3A_54 = tpu.memref_slice %arg3[%dma_start3A_53, %mul3A_33] : memref<2x320000xi32, #tpu.memory_space<hbm>> -> memref<2x512xi32, #tpu.memory_space<hbm>>
        tpu.enqueue_dma source(%dma_start3A_54 : memref<2x512xi32, #tpu.memory_space<hbm>>) target(%dma_start3A_52 : memref<2x512xi32, #tpu.memory_space<vmem>>) target_semaphore(%run_scoped3A_43 : memref<!tpu.dma_semaphore, #tpu.memory_space<semaphore_mem>>)
        %dma_wait3A = arith.constant 0 : i32
        %dma_wait3A_55 = arith.constant 0 : i32
        %dma_wait3A_56 = tpu.memref_slice %arg5[%run_scoped3A, %dma_wait3A, %dma_wait3A_55] : memref<2x2x512xi32, #tpu.memory_space<vmem>> -> memref<1x2x512xi32, #tpu.memory_space<vmem>>
        %dma_wait3A_57 = tpu.memref_squeeze %dma_wait3A_56 : memref<1x2x512xi32, #tpu.memory_space<vmem>> -> memref<2x512xi32, #tpu.memory_space<vmem>>
        %dma_wait3A_58 = arith.constant 0 : i32
        %dma_wait3A_59 = tpu.memref_slice %arg3[%dma_wait3A_58, %mul3A_33] : memref<2x320000xi32, #tpu.memory_space<hbm>> -> memref<2x512xi32, #tpu.memory_space<hbm>>
        %dma_wait3A_60 = arith.constant 0 : i32
        %dma_wait3A_61 = arith.constant 0 : i32
        %dma_wait3A_62 = tpu.memref_slice %arg5[%run_scoped3A, %dma_wait3A_60, %dma_wait3A_61] : memref<2x2x512xi32, #tpu.memory_space<vmem>> -> memref<1x2x512xi32, #tpu.memory_space<vmem>>
        %dma_wait3A_63 = tpu.memref_squeeze %dma_wait3A_62 : memref<1x2x512xi32, #tpu.memory_space<vmem>> -> memref<2x512xi32, #tpu.memory_space<vmem>>
        %dma_wait3A_64 = arith.constant 0 : i32
        %dma_wait3A_65 = tpu.memref_slice %arg3[%dma_wait3A_64, %mul3A_33] : memref<2x320000xi32, #tpu.memory_space<hbm>> -> memref<2x512xi32, #tpu.memory_space<hbm>>
        tpu.wait_dma2 semaphore(%run_scoped3A_43 : memref<!tpu.dma_semaphore, #tpu.memory_space<semaphore_mem>>) src(%dma_wait3A_65 : memref<2x512xi32, #tpu.memory_space<hbm>>) dst(%dma_wait3A_63 : memref<2x512xi32, #tpu.memory_space<vmem>>)
        tpu.yield
      }) : () -> ()
      %eq3A = arith.constant 0 : i32
      %eq3A_34 = arith.cmpi eq, %arg0, %eq3A : i32
      %convert_element_type3A_35 = arith.extui %eq3A_34 : i1 to i32
      %cond3A_36 = arith.constant 0 : i32
      %cond3A_37 = arith.cmpi ne, %convert_element_type3A_35, %cond3A_36 : i32
      scf.if %cond3A_37 {
        %dma_start3A = arith.constant 0 : i32
        %dma_start3A_43 = arith.constant 0 : i32
        %dma_start3A_44 = arith.constant 0 : i32
        %dma_start3A_45 = arith.constant 0 : i32
        %dma_start3A_46 = arith.constant 0 : i32
        %dma_start3A_47 = arith.constant 0 : i32
        %dma_start3A_48 = tpu.memref_slice %arg6[%dma_start3A_45, %dma_start3A_46, %dma_start3A_47] : memref<2x512x64xf32, #tpu.memory_space<vmem>> -> memref<1x512x64xf32, #tpu.memory_space<vmem>>
        %dma_start3A_49 = tpu.memref_squeeze %dma_start3A_48 : memref<1x512x64xf32, #tpu.memory_space<vmem>> -> memref<512x64xf32, #tpu.memory_space<vmem>>
        %dma_start3A_50 = arith.constant 0 : i32
        %dma_start3A_51 = arith.constant 0 : i32
        %dma_start3A_52 = tpu.memref_slice %arg5[%dma_start3A_43, %dma_start3A_50, %dma_start3A_51] : memref<2x2x512xi32, #tpu.memory_space<vmem>> -> memref<1x2x512xi32, #tpu.memory_space<vmem>>
        %dma_start3A_53 = tpu.memref_squeeze %dma_start3A_52 : memref<1x2x512xi32, #tpu.memory_space<vmem>> -> memref<2x512xi32, #tpu.memory_space<vmem>>
        %dma_start3A_54 = arith.constant 0 : i32
        %dma_start3A_55 = tpu.memref_slice %dma_start3A_53[%dma_start3A_44, %dma_start3A_54] : memref<2x512xi32, #tpu.memory_space<vmem>> -> memref<1x512xi32, #tpu.memory_space<vmem>>
        %dma_start3A_56 = tpu.memref_squeeze %dma_start3A_55 : memref<1x512xi32, #tpu.memory_space<vmem>> -> memref<512xi32, #tpu.memory_space<vmem>>
        %dma_start3A_57 = arith.constant 0 : i32
        %dma_start3A_58 = arith.constant 0 : i32
        %dma_start3A_59 = tpu.memref_slice %arg2[%dma_start3A, %dma_start3A_57, %dma_start3A_58] : memref<2x10240x64xf32, #tpu.memory_space<hbm>> -> memref<1x10240x64xf32, #tpu.memory_space<hbm>>
        %dma_start3A_60 = tpu.memref_squeeze %dma_start3A_59 : memref<1x10240x64xf32, #tpu.memory_space<hbm>> -> memref<10240x64xf32, #tpu.memory_space<hbm>>
        %dma_start3A_61 = arith.constant 0 : i32
        %dma_start3A_62 = arith.constant 0 : i32
        %dma_start3A_63 = tpu.memref_slice %dma_start3A_60[%dma_start3A_61, %dma_start3A_62] : memref<10240x64xf32, #tpu.memory_space<hbm>> -> memref<10240x64xf32, #tpu.memory_space<hbm>>
        tpu.enqueue_indirect_dma source(%dma_start3A_63 : memref<10240x64xf32, #tpu.memory_space<hbm>>) target(%dma_start3A_49 : memref<512x64xf32, #tpu.memory_space<vmem>>) offsets(%dma_start3A_56 : memref<512xi32, #tpu.memory_space<vmem>>) semaphore(%arg8 : memref<!tpu.dma_semaphore, #tpu.memory_space<semaphore_mem>>)
      } else {
      }
      %eq3A_38 = arith.constant 1 : i32
      %eq3A_39 = arith.cmpi eq, %arg0, %eq3A_38 : i32
      %convert_element_type3A_40 = arith.extui %eq3A_39 : i1 to i32
      %cond3A_41 = arith.constant 0 : i32
      %cond3A_42 = arith.cmpi ne, %convert_element_type3A_40, %cond3A_41 : i32
      scf.if %cond3A_42 {
        %dma_start3A = arith.constant 1 : i32
        %dma_start3A_43 = arith.constant 0 : i32
        %dma_start3A_44 = arith.constant 0 : i32
        %dma_start3A_45 = arith.constant 0 : i32
        %dma_start3A_46 = arith.constant 0 : i32
        %dma_start3A_47 = arith.constant 0 : i32
        %dma_start3A_48 = tpu.memref_slice %arg6[%dma_start3A_45, %dma_start3A_46, %dma_start3A_47] : memref<2x512x64xf32, #tpu.memory_space<vmem>> -> memref<1x512x64xf32, #tpu.memory_space<vmem>>
        %dma_start3A_49 = tpu.memref_squeeze %dma_start3A_48 : memref<1x512x64xf32, #tpu.memory_space<vmem>> -> memref<512x64xf32, #tpu.memory_space<vmem>>
        %dma_start3A_50 = arith.constant 0 : i32
        %dma_start3A_51 = arith.constant 0 : i32
        %dma_start3A_52 = tpu.memref_slice %arg5[%dma_start3A_43, %dma_start3A_50, %dma_start3A_51] : memref<2x2x512xi32, #tpu.memory_space<vmem>> -> memref<1x2x512xi32, #tpu.memory_space<vmem>>
        %dma_start3A_53 = tpu.memref_squeeze %dma_start3A_52 : memref<1x2x512xi32, #tpu.memory_space<vmem>> -> memref<2x512xi32, #tpu.memory_space<vmem>>
        %dma_start3A_54 = arith.constant 0 : i32
        %dma_start3A_55 = tpu.memref_slice %dma_start3A_53[%dma_start3A_44, %dma_start3A_54] : memref<2x512xi32, #tpu.memory_space<vmem>> -> memref<1x512xi32, #tpu.memory_space<vmem>>
        %dma_start3A_56 = tpu.memref_squeeze %dma_start3A_55 : memref<1x512xi32, #tpu.memory_space<vmem>> -> memref<512xi32, #tpu.memory_space<vmem>>
        %dma_start3A_57 = arith.constant 0 : i32
        %dma_start3A_58 = arith.constant 0 : i32
        %dma_start3A_59 = tpu.memref_slice %arg2[%dma_start3A, %dma_start3A_57, %dma_start3A_58] : memref<2x10240x64xf32, #tpu.memory_space<hbm>> -> memref<1x10240x64xf32, #tpu.memory_space<hbm>>
        %dma_start3A_60 = tpu.memref_squeeze %dma_start3A_59 : memref<1x10240x64xf32, #tpu.memory_space<hbm>> -> memref<10240x64xf32, #tpu.memory_space<hbm>>
        %dma_start3A_61 = arith.constant 0 : i32
        %dma_start3A_62 = arith.constant 0 : i32
        %dma_start3A_63 = tpu.memref_slice %dma_start3A_60[%dma_start3A_61, %dma_start3A_62] : memref<10240x64xf32, #tpu.memory_space<hbm>> -> memref<10240x64xf32, #tpu.memory_space<hbm>>
        tpu.enqueue_indirect_dma source(%dma_start3A_63 : memref<10240x64xf32, #tpu.memory_space<hbm>>) target(%dma_start3A_49 : memref<512x64xf32, #tpu.memory_space<vmem>>) offsets(%dma_start3A_56 : memref<512xi32, #tpu.memory_space<vmem>>) semaphore(%arg8 : memref<!tpu.dma_semaphore, #tpu.memory_space<semaphore_mem>>)
      } else {
      }
    } else {
    }
    %gt3A_7 = arith.constant 1 : i32
    %gt3A_8 = arith.cmpi sgt, %min3A, %gt3A_7 : i32
    %convert_element_type3A_9 = arith.extui %gt3A_8 : i1 to i32
    %cond3A_10 = arith.constant 0 : i32
    %cond3A_11 = arith.cmpi ne, %convert_element_type3A_9, %cond3A_10 : i32
    scf.if %cond3A_11 {
      %add3A = arith.constant 1 : i32
      %add3A_31 = arith.addi %mul3A_0, %add3A : i32
      %mul3A_32 = arith.constant 512 : i32
      %mul3A_33 = arith.muli %add3A_31, %mul3A_32 : i32
      %run_scoped3A = arith.constant 1 : i32
      "tpu.region"() ({
        %run_scoped3A_43 = tpu.sem_alloc : memref<!tpu.dma_semaphore, #tpu.memory_space<semaphore_mem>>
        %dma_start3A = arith.constant 0 : i32
        %dma_start3A_44 = arith.constant 0 : i32
        %dma_start3A_45 = tpu.memref_slice %arg5[%run_scoped3A, %dma_start3A, %dma_start3A_44] : memref<2x2x512xi32, #tpu.memory_space<vmem>> -> memref<1x2x512xi32, #tpu.memory_space<vmem>>
        %dma_start3A_46 = tpu.memref_squeeze %dma_start3A_45 : memref<1x2x512xi32, #tpu.memory_space<vmem>> -> memref<2x512xi32, #tpu.memory_space<vmem>>
        %dma_start3A_47 = arith.constant 0 : i32
        %dma_start3A_48 = tpu.memref_slice %arg3[%dma_start3A_47, %mul3A_33] : memref<2x320000xi32, #tpu.memory_space<hbm>> -> memref<2x512xi32, #tpu.memory_space<hbm>>
        %dma_start3A_49 = arith.constant 0 : i32
        %dma_start3A_50 = arith.constant 0 : i32
        %dma_start3A_51 = tpu.memref_slice %arg5[%run_scoped3A, %dma_start3A_49, %dma_start3A_50] : memref<2x2x512xi32, #tpu.memory_space<vmem>> -> memref<1x2x512xi32, #tpu.memory_space<vmem>>
        %dma_start3A_52 = tpu.memref_squeeze %dma_start3A_51 : memref<1x2x512xi32, #tpu.memory_space<vmem>> -> memref<2x512xi32, #tpu.memory_space<vmem>>
        %dma_start3A_53 = arith.constant 0 : i32
        %dma_start3A_54 = tpu.memref_slice %arg3[%dma_start3A_53, %mul3A_33] : memref<2x320000xi32, #tpu.memory_space<hbm>> -> memref<2x512xi32, #tpu.memory_space<hbm>>
        tpu.enqueue_dma source(%dma_start3A_54 : memref<2x512xi32, #tpu.memory_space<hbm>>) target(%dma_start3A_52 : memref<2x512xi32, #tpu.memory_space<vmem>>) target_semaphore(%run_scoped3A_43 : memref<!tpu.dma_semaphore, #tpu.memory_space<semaphore_mem>>)
        %dma_wait3A = arith.constant 0 : i32
        %dma_wait3A_55 = arith.constant 0 : i32
        %dma_wait3A_56 = tpu.memref_slice %arg5[%run_scoped3A, %dma_wait3A, %dma_wait3A_55] : memref<2x2x512xi32, #tpu.memory_space<vmem>> -> memref<1x2x512xi32, #tpu.memory_space<vmem>>
        %dma_wait3A_57 = tpu.memref_squeeze %dma_wait3A_56 : memref<1x2x512xi32, #tpu.memory_space<vmem>> -> memref<2x512xi32, #tpu.memory_space<vmem>>
        %dma_wait3A_58 = arith.constant 0 : i32
        %dma_wait3A_59 = tpu.memref_slice %arg3[%dma_wait3A_58, %mul3A_33] : memref<2x320000xi32, #tpu.memory_space<hbm>> -> memref<2x512xi32, #tpu.memory_space<hbm>>
        %dma_wait3A_60 = arith.constant 0 : i32
        %dma_wait3A_61 = arith.constant 0 : i32
        %dma_wait3A_62 = tpu.memref_slice %arg5[%run_scoped3A, %dma_wait3A_60, %dma_wait3A_61] : memref<2x2x512xi32, #tpu.memory_space<vmem>> -> memref<1x2x512xi32, #tpu.memory_space<vmem>>
        %dma_wait3A_63 = tpu.memref_squeeze %dma_wait3A_62 : memref<1x2x512xi32, #tpu.memory_space<vmem>> -> memref<2x512xi32, #tpu.memory_space<vmem>>
        %dma_wait3A_64 = arith.constant 0 : i32
        %dma_wait3A_65 = tpu.memref_slice %arg3[%dma_wait3A_64, %mul3A_33] : memref<2x320000xi32, #tpu.memory_space<hbm>> -> memref<2x512xi32, #tpu.memory_space<hbm>>
        tpu.wait_dma2 semaphore(%run_scoped3A_43 : memref<!tpu.dma_semaphore, #tpu.memory_space<semaphore_mem>>) src(%dma_wait3A_65 : memref<2x512xi32, #tpu.memory_space<hbm>>) dst(%dma_wait3A_63 : memref<2x512xi32, #tpu.memory_space<vmem>>)
        tpu.yield
      }) : () -> ()
      %eq3A = arith.constant 0 : i32
      %eq3A_34 = arith.cmpi eq, %arg0, %eq3A : i32
      %convert_element_type3A_35 = arith.extui %eq3A_34 : i1 to i32
      %cond3A_36 = arith.constant 0 : i32
      %cond3A_37 = arith.cmpi ne, %convert_element_type3A_35, %cond3A_36 : i32
      scf.if %cond3A_37 {
        %dma_start3A = arith.constant 0 : i32
        %dma_start3A_43 = arith.constant 1 : i32
        %dma_start3A_44 = arith.constant 0 : i32
        %dma_start3A_45 = arith.constant 1 : i32
        %dma_start3A_46 = arith.constant 0 : i32
        %dma_start3A_47 = arith.constant 0 : i32
        %dma_start3A_48 = tpu.memref_slice %arg6[%dma_start3A_45, %dma_start3A_46, %dma_start3A_47] : memref<2x512x64xf32, #tpu.memory_space<vmem>> -> memref<1x512x64xf32, #tpu.memory_space<vmem>>
        %dma_start3A_49 = tpu.memref_squeeze %dma_start3A_48 : memref<1x512x64xf32, #tpu.memory_space<vmem>> -> memref<512x64xf32, #tpu.memory_space<vmem>>
        %dma_start3A_50 = arith.constant 0 : i32
        %dma_start3A_51 = arith.constant 0 : i32
        %dma_start3A_52 = tpu.memref_slice %arg5[%dma_start3A_43, %dma_start3A_50, %dma_start3A_51] : memref<2x2x512xi32, #tpu.memory_space<vmem>> -> memref<1x2x512xi32, #tpu.memory_space<vmem>>
        %dma_start3A_53 = tpu.memref_squeeze %dma_start3A_52 : memref<1x2x512xi32, #tpu.memory_space<vmem>> -> memref<2x512xi32, #tpu.memory_space<vmem>>
        %dma_start3A_54 = arith.constant 0 : i32
        %dma_start3A_55 = tpu.memref_slice %dma_start3A_53[%dma_start3A_44, %dma_start3A_54] : memref<2x512xi32, #tpu.memory_space<vmem>> -> memref<1x512xi32, #tpu.memory_space<vmem>>
        %dma_start3A_56 = tpu.memref_squeeze %dma_start3A_55 : memref<1x512xi32, #tpu.memory_space<vmem>> -> memref<512xi32, #tpu.memory_space<vmem>>
        %dma_start3A_57 = arith.constant 0 : i32
        %dma_start3A_58 = arith.constant 0 : i32
        %dma_start3A_59 = tpu.memref_slice %arg2[%dma_start3A, %dma_start3A_57, %dma_start3A_58] : memref<2x10240x64xf32, #tpu.memory_space<hbm>> -> memref<1x10240x64xf32, #tpu.memory_space<hbm>>
        %dma_start3A_60 = tpu.memref_squeeze %dma_start3A_59 : memref<1x10240x64xf32, #tpu.memory_space<hbm>> -> memref<10240x64xf32, #tpu.memory_space<hbm>>
        %dma_start3A_61 = arith.constant 0 : i32
        %dma_start3A_62 = arith.constant 0 : i32
        %dma_start3A_63 = tpu.memref_slice %dma_start3A_60[%dma_start3A_61, %dma_start3A_62] : memref<10240x64xf32, #tpu.memory_space<hbm>> -> memref<10240x64xf32, #tpu.memory_space<hbm>>
        tpu.enqueue_indirect_dma source(%dma_start3A_63 : memref<10240x64xf32, #tpu.memory_space<hbm>>) target(%dma_start3A_49 : memref<512x64xf32, #tpu.memory_space<vmem>>) offsets(%dma_start3A_56 : memref<512xi32, #tpu.memory_space<vmem>>) semaphore(%arg9 : memref<!tpu.dma_semaphore, #tpu.memory_space<semaphore_mem>>)
      } else {
      }
      %eq3A_38 = arith.constant 1 : i32
      %eq3A_39 = arith.cmpi eq, %arg0, %eq3A_38 : i32
      %convert_element_type3A_40 = arith.extui %eq3A_39 : i1 to i32
      %cond3A_41 = arith.constant 0 : i32
      %cond3A_42 = arith.cmpi ne, %convert_element_type3A_40, %cond3A_41 : i32
      scf.if %cond3A_42 {
        %dma_start3A = arith.constant 1 : i32
        %dma_start3A_43 = arith.constant 1 : i32
        %dma_start3A_44 = arith.constant 0 : i32
        %dma_start3A_45 = arith.constant 1 : i32
        %dma_start3A_46 = arith.constant 0 : i32
        %dma_start3A_47 = arith.constant 0 : i32
        %dma_start3A_48 = tpu.memref_slice %arg6[%dma_start3A_45, %dma_start3A_46, %dma_start3A_47] : memref<2x512x64xf32, #tpu.memory_space<vmem>> -> memref<1x512x64xf32, #tpu.memory_space<vmem>>
        %dma_start3A_49 = tpu.memref_squeeze %dma_start3A_48 : memref<1x512x64xf32, #tpu.memory_space<vmem>> -> memref<512x64xf32, #tpu.memory_space<vmem>>
        %dma_start3A_50 = arith.constant 0 : i32
        %dma_start3A_51 = arith.constant 0 : i32
        %dma_start3A_52 = tpu.memref_slice %arg5[%dma_start3A_43, %dma_start3A_50, %dma_start3A_51] : memref<2x2x512xi32, #tpu.memory_space<vmem>> -> memref<1x2x512xi32, #tpu.memory_space<vmem>>
        %dma_start3A_53 = tpu.memref_squeeze %dma_start3A_52 : memref<1x2x512xi32, #tpu.memory_space<vmem>> -> memref<2x512xi32, #tpu.memory_space<vmem>>
        %dma_start3A_54 = arith.constant 0 : i32
        %dma_start3A_55 = tpu.memref_slice %dma_start3A_53[%dma_start3A_44, %dma_start3A_54] : memref<2x512xi32, #tpu.memory_space<vmem>> -> memref<1x512xi32, #tpu.memory_space<vmem>>
        %dma_start3A_56 = tpu.memref_squeeze %dma_start3A_55 : memref<1x512xi32, #tpu.memory_space<vmem>> -> memref<512xi32, #tpu.memory_space<vmem>>
        %dma_start3A_57 = arith.constant 0 : i32
        %dma_start3A_58 = arith.constant 0 : i32
        %dma_start3A_59 = tpu.memref_slice %arg2[%dma_start3A, %dma_start3A_57, %dma_start3A_58] : memref<2x10240x64xf32, #tpu.memory_space<hbm>> -> memref<1x10240x64xf32, #tpu.memory_space<hbm>>
        %dma_start3A_60 = tpu.memref_squeeze %dma_start3A_59 : memref<1x10240x64xf32, #tpu.memory_space<hbm>> -> memref<10240x64xf32, #tpu.memory_space<hbm>>
        %dma_start3A_61 = arith.constant 0 : i32
        %dma_start3A_62 = arith.constant 0 : i32
        %dma_start3A_63 = tpu.memref_slice %dma_start3A_60[%dma_start3A_61, %dma_start3A_62] : memref<10240x64xf32, #tpu.memory_space<hbm>> -> memref<10240x64xf32, #tpu.memory_space<hbm>>
        tpu.enqueue_indirect_dma source(%dma_start3A_63 : memref<10240x64xf32, #tpu.memory_space<hbm>>) target(%dma_start3A_49 : memref<512x64xf32, #tpu.memory_space<vmem>>) offsets(%dma_start3A_56 : memref<512xi32, #tpu.memory_space<vmem>>) semaphore(%arg9 : memref<!tpu.dma_semaphore, #tpu.memory_space<semaphore_mem>>)
      } else {
      }
    } else {
    }
    %scan3A = arith.constant 0 : i32
    %scan3A_12 = arith.constant 20 : i32
    %scan3A_13 = arith.addi %scan3A, %scan3A_12 : i32
    %scan3A_14 = arith.constant 1 : i32
    scf.for %scan3A_31 = %scan3A to %scan3A_13 step %scan3A_14  : i32 {
      %mul3A_32 = arith.constant 2 : i32
      %mul3A_33 = arith.muli %scan3A_31, %mul3A_32 : i32
      %add3A = arith.constant 0 : i32
      %add3A_34 = arith.addi %mul3A_33, %add3A : i32
      %lt3A = arith.cmpi slt, %add3A_34, %min3A : i32
      %convert_element_type3A_35 = arith.extui %lt3A : i1 to i32
      %cond3A_36 = arith.constant 0 : i32
      %cond3A_37 = arith.cmpi ne, %convert_element_type3A_35, %cond3A_36 : i32
      scf.if %cond3A_37 {
        %dma_wait3A = arith.constant 0 : i32
        %dma_wait3A_44 = arith.constant 0 : i32
        %dma_wait3A_45 = arith.constant 0 : i32
        %dma_wait3A_46 = arith.constant 0 : i32
        %dma_wait3A_47 = tpu.memref_slice %arg6[%dma_wait3A_44, %dma_wait3A_45, %dma_wait3A_46] : memref<2x512x64xf32, #tpu.memory_space<vmem>> -> memref<1x512x64xf32, #tpu.memory_space<vmem>>
        %dma_wait3A_48 = tpu.memref_squeeze %dma_wait3A_47 : memref<1x512x64xf32, #tpu.memory_space<vmem>> -> memref<512x64xf32, #tpu.memory_space<vmem>>
        %dma_wait3A_49 = arith.constant 0 : i32
        %dma_wait3A_50 = arith.constant 0 : i32
        %dma_wait3A_51 = tpu.memref_slice %arg2[%dma_wait3A, %dma_wait3A_49, %dma_wait3A_50] : memref<2x10240x64xf32, #tpu.memory_space<hbm>> -> memref<1x10240x64xf32, #tpu.memory_space<hbm>>
        %dma_wait3A_52 = tpu.memref_squeeze %dma_wait3A_51 : memref<1x10240x64xf32, #tpu.memory_space<hbm>> -> memref<10240x64xf32, #tpu.memory_space<hbm>>
        %dma_wait3A_53 = arith.constant 0 : i32
        %dma_wait3A_54 = arith.constant 0 : i32
        %dma_wait3A_55 = tpu.memref_slice %dma_wait3A_52[%dma_wait3A_53, %dma_wait3A_54] : memref<10240x64xf32, #tpu.memory_space<hbm>> -> memref<512x64xf32, #tpu.memory_space<hbm>>
        %dma_wait3A_56 = arith.constant 0 : i32
        %dma_wait3A_57 = arith.constant 0 : i32
        %dma_wait3A_58 = tpu.memref_slice %arg6[%dma_wait3A_44, %dma_wait3A_56, %dma_wait3A_57] : memref<2x512x64xf32, #tpu.memory_space<vmem>> -> memref<1x512x64xf32, #tpu.memory_space<vmem>>
        %dma_wait3A_59 = tpu.memref_squeeze %dma_wait3A_58 : memref<1x512x64xf32, #tpu.memory_space<vmem>> -> memref<512x64xf32, #tpu.memory_space<vmem>>
        %dma_wait3A_60 = arith.constant 0 : i32
        %dma_wait3A_61 = arith.constant 0 : i32
        %dma_wait3A_62 = tpu.memref_slice %arg2[%dma_wait3A, %dma_wait3A_60, %dma_wait3A_61] : memref<2x10240x64xf32, #tpu.memory_space<hbm>> -> memref<1x10240x64xf32, #tpu.memory_space<hbm>>
        %dma_wait3A_63 = tpu.memref_squeeze %dma_wait3A_62 : memref<1x10240x64xf32, #tpu.memory_space<hbm>> -> memref<10240x64xf32, #tpu.memory_space<hbm>>
        %dma_wait3A_64 = arith.constant 0 : i32
        %dma_wait3A_65 = arith.constant 0 : i32
        %dma_wait3A_66 = tpu.memref_slice %dma_wait3A_63[%dma_wait3A_64, %dma_wait3A_65] : memref<10240x64xf32, #tpu.memory_space<hbm>> -> memref<512x64xf32, #tpu.memory_space<hbm>>
        tpu.wait_dma2 semaphore(%arg8 : memref<!tpu.dma_semaphore, #tpu.memory_space<semaphore_mem>>) src(%dma_wait3A_66 : memref<512x64xf32, #tpu.memory_space<hbm>>) dst(%dma_wait3A_59 : memref<512x64xf32, #tpu.memory_space<vmem>>)
        %dma_start3A = arith.constant 0 : i32
        %dma_start3A_67 = arith.constant 0 : i32
        %dma_start3A_68 = arith.constant 1 : i32
        %dma_start3A_69 = arith.constant 0 : i32
        %dma_start3A_70 = arith.constant 0 : i32
        %dma_start3A_71 = tpu.memref_slice %arg6[%dma_start3A, %dma_start3A_69, %dma_start3A_70] : memref<2x512x64xf32, #tpu.memory_space<vmem>> -> memref<1x512x64xf32, #tpu.memory_space<vmem>>
        %dma_start3A_72 = tpu.memref_squeeze %dma_start3A_71 : memref<1x512x64xf32, #tpu.memory_space<vmem>> -> memref<512x64xf32, #tpu.memory_space<vmem>>
        %dma_start3A_73 = arith.constant 0 : i32
        %dma_start3A_74 = arith.constant 0 : i32
        %dma_start3A_75 = tpu.memref_slice %arg5[%dma_start3A_67, %dma_start3A_73, %dma_start3A_74] : memref<2x2x512xi32, #tpu.memory_space<vmem>> -> memref<1x2x512xi32, #tpu.memory_space<vmem>>
        %dma_start3A_76 = tpu.memref_squeeze %dma_start3A_75 : memref<1x2x512xi32, #tpu.memory_space<vmem>> -> memref<2x512xi32, #tpu.memory_space<vmem>>
        %dma_start3A_77 = arith.constant 0 : i32
        %dma_start3A_78 = tpu.memref_slice %dma_start3A_76[%dma_start3A_68, %dma_start3A_77] : memref<2x512xi32, #tpu.memory_space<vmem>> -> memref<1x512xi32, #tpu.memory_space<vmem>>
        %dma_start3A_79 = tpu.memref_squeeze %dma_start3A_78 : memref<1x512xi32, #tpu.memory_space<vmem>> -> memref<512xi32, #tpu.memory_space<vmem>>
        %dma_start3A_80 = arith.constant 0 : i32
        %dma_start3A_81 = arith.constant 0 : i32
        %dma_start3A_82 = tpu.memref_slice %arg7[%dma_start3A_80, %dma_start3A_81] : memref<10240x64xf32, #tpu.memory_space<vmem_shared>> -> memref<10240x64xf32, #tpu.memory_space<vmem_shared>>
        tpu.enqueue_indirect_dma source(%dma_start3A_72 : memref<512x64xf32, #tpu.memory_space<vmem>>) target(%dma_start3A_82 : memref<10240x64xf32, #tpu.memory_space<vmem_shared>>) offsets(%dma_start3A_79 : memref<512xi32, #tpu.memory_space<vmem>>) semaphore(%arg10 : memref<!tpu.dma_semaphore, #tpu.memory_space<semaphore_mem>>) {add = true}
        %add3A_83 = arith.constant 2 : i32
        %add3A_84 = arith.addi %add3A_34, %add3A_83 : i32
        %lt3A_85 = arith.cmpi slt, %add3A_84, %min3A : i32
        %convert_element_type3A_86 = arith.extui %lt3A_85 : i1 to i32
        %cond3A_87 = arith.constant 0 : i32
        %cond3A_88 = arith.cmpi ne, %convert_element_type3A_86, %cond3A_87 : i32
        scf.if %cond3A_88 {
          %dma_wait3A_89 = arith.constant 0 : i32
          %dma_wait3A_90 = arith.constant 0 : i32
          %dma_wait3A_91 = arith.constant 0 : i32
          %dma_wait3A_92 = tpu.memref_slice %arg6[%dma_wait3A_89, %dma_wait3A_90, %dma_wait3A_91] : memref<2x512x64xf32, #tpu.memory_space<vmem>> -> memref<1x512x64xf32, #tpu.memory_space<vmem>>
          %dma_wait3A_93 = tpu.memref_squeeze %dma_wait3A_92 : memref<1x512x64xf32, #tpu.memory_space<vmem>> -> memref<512x64xf32, #tpu.memory_space<vmem>>
          %dma_wait3A_94 = arith.constant 0 : i32
          %dma_wait3A_95 = arith.constant 0 : i32
          %dma_wait3A_96 = tpu.memref_slice %arg7[%dma_wait3A_94, %dma_wait3A_95] : memref<10240x64xf32, #tpu.memory_space<vmem_shared>> -> memref<512x64xf32, #tpu.memory_space<vmem_shared>>
          %dma_wait3A_97 = arith.constant 0 : i32
          %dma_wait3A_98 = arith.constant 0 : i32
          %dma_wait3A_99 = tpu.memref_slice %arg7[%dma_wait3A_97, %dma_wait3A_98] : memref<10240x64xf32, #tpu.memory_space<vmem_shared>> -> memref<512x64xf32, #tpu.memory_space<vmem_shared>>
          %dma_wait3A_100 = arith.constant 0 : i32
          %dma_wait3A_101 = arith.constant 0 : i32
          %dma_wait3A_102 = tpu.memref_slice %arg6[%dma_wait3A_89, %dma_wait3A_100, %dma_wait3A_101] : memref<2x512x64xf32, #tpu.memory_space<vmem>> -> memref<1x512x64xf32, #tpu.memory_space<vmem>>
          %dma_wait3A_103 = tpu.memref_squeeze %dma_wait3A_102 : memref<1x512x64xf32, #tpu.memory_space<vmem>> -> memref<512x64xf32, #tpu.memory_space<vmem>>
          tpu.wait_dma2 semaphore(%arg10 : memref<!tpu.dma_semaphore, #tpu.memory_space<semaphore_mem>>) src(%dma_wait3A_103 : memref<512x64xf32, #tpu.memory_space<vmem>>) dst(%dma_wait3A_99 : memref<512x64xf32, #tpu.memory_space<vmem_shared>>)
          %add3A_104 = arith.constant 2 : i32
          %add3A_105 = arith.addi %add3A_34, %add3A_104 : i32
          %add3A_106 = arith.addi %mul3A_0, %add3A_105 : i32
          %mul3A_107 = arith.constant 512 : i32
          %mul3A_108 = arith.muli %add3A_106, %mul3A_107 : i32
          %run_scoped3A = arith.constant 0 : i32
          "tpu.region"() ({
            %run_scoped3A_118 = tpu.sem_alloc : memref<!tpu.dma_semaphore, #tpu.memory_space<semaphore_mem>>
            %dma_start3A_119 = arith.constant 0 : i32
            %dma_start3A_120 = arith.constant 0 : i32
            %dma_start3A_121 = tpu.memref_slice %arg5[%run_scoped3A, %dma_start3A_119, %dma_start3A_120] : memref<2x2x512xi32, #tpu.memory_space<vmem>> -> memref<1x2x512xi32, #tpu.memory_space<vmem>>
            %dma_start3A_122 = tpu.memref_squeeze %dma_start3A_121 : memref<1x2x512xi32, #tpu.memory_space<vmem>> -> memref<2x512xi32, #tpu.memory_space<vmem>>
            %dma_start3A_123 = arith.constant 0 : i32
            %dma_start3A_124 = tpu.memref_slice %arg3[%dma_start3A_123, %mul3A_108] : memref<2x320000xi32, #tpu.memory_space<hbm>> -> memref<2x512xi32, #tpu.memory_space<hbm>>
            %dma_start3A_125 = arith.constant 0 : i32
            %dma_start3A_126 = arith.constant 0 : i32
            %dma_start3A_127 = tpu.memref_slice %arg5[%run_scoped3A, %dma_start3A_125, %dma_start3A_126] : memref<2x2x512xi32, #tpu.memory_space<vmem>> -> memref<1x2x512xi32, #tpu.memory_space<vmem>>
            %dma_start3A_128 = tpu.memref_squeeze %dma_start3A_127 : memref<1x2x512xi32, #tpu.memory_space<vmem>> -> memref<2x512xi32, #tpu.memory_space<vmem>>
            %dma_start3A_129 = arith.constant 0 : i32
            %dma_start3A_130 = tpu.memref_slice %arg3[%dma_start3A_129, %mul3A_108] : memref<2x320000xi32, #tpu.memory_space<hbm>> -> memref<2x512xi32, #tpu.memory_space<hbm>>
            tpu.enqueue_dma source(%dma_start3A_130 : memref<2x512xi32, #tpu.memory_space<hbm>>) target(%dma_start3A_128 : memref<2x512xi32, #tpu.memory_space<vmem>>) target_semaphore(%run_scoped3A_118 : memref<!tpu.dma_semaphore, #tpu.memory_space<semaphore_mem>>)
            %dma_wait3A_131 = arith.constant 0 : i32
            %dma_wait3A_132 = arith.constant 0 : i32
            %dma_wait3A_133 = tpu.memref_slice %arg5[%run_scoped3A, %dma_wait3A_131, %dma_wait3A_132] : memref<2x2x512xi32, #tpu.memory_space<vmem>> -> memref<1x2x512xi32, #tpu.memory_space<vmem>>
            %dma_wait3A_134 = tpu.memref_squeeze %dma_wait3A_133 : memref<1x2x512xi32, #tpu.memory_space<vmem>> -> memref<2x512xi32, #tpu.memory_space<vmem>>
            %dma_wait3A_135 = arith.constant 0 : i32
            %dma_wait3A_136 = tpu.memref_slice %arg3[%dma_wait3A_135, %mul3A_108] : memref<2x320000xi32, #tpu.memory_space<hbm>> -> memref<2x512xi32, #tpu.memory_space<hbm>>
            %dma_wait3A_137 = arith.constant 0 : i32
            %dma_wait3A_138 = arith.constant 0 : i32
            %dma_wait3A_139 = tpu.memref_slice %arg5[%run_scoped3A, %dma_wait3A_137, %dma_wait3A_138] : memref<2x2x512xi32, #tpu.memory_space<vmem>> -> memref<1x2x512xi32, #tpu.memory_space<vmem>>
            %dma_wait3A_140 = tpu.memref_squeeze %dma_wait3A_139 : memref<1x2x512xi32, #tpu.memory_space<vmem>> -> memref<2x512xi32, #tpu.memory_space<vmem>>
            %dma_wait3A_141 = arith.constant 0 : i32
            %dma_wait3A_142 = tpu.memref_slice %arg3[%dma_wait3A_141, %mul3A_108] : memref<2x320000xi32, #tpu.memory_space<hbm>> -> memref<2x512xi32, #tpu.memory_space<hbm>>
            tpu.wait_dma2 semaphore(%run_scoped3A_118 : memref<!tpu.dma_semaphore, #tpu.memory_space<semaphore_mem>>) src(%dma_wait3A_142 : memref<2x512xi32, #tpu.memory_space<hbm>>) dst(%dma_wait3A_140 : memref<2x512xi32, #tpu.memory_space<vmem>>)
            tpu.yield
          }) : () -> ()
          %eq3A = arith.constant 0 : i32
          %eq3A_109 = arith.cmpi eq, %arg0, %eq3A : i32
          %convert_element_type3A_110 = arith.extui %eq3A_109 : i1 to i32
          %cond3A_111 = arith.constant 0 : i32
          %cond3A_112 = arith.cmpi ne, %convert_element_type3A_110, %cond3A_111 : i32
          scf.if %cond3A_112 {
            %dma_start3A_118 = arith.constant 0 : i32
            %dma_start3A_119 = arith.constant 0 : i32
            %dma_start3A_120 = arith.constant 0 : i32
            %dma_start3A_121 = arith.constant 0 : i32
            %dma_start3A_122 = arith.constant 0 : i32
            %dma_start3A_123 = arith.constant 0 : i32
            %dma_start3A_124 = tpu.memref_slice %arg6[%dma_start3A_121, %dma_start3A_122, %dma_start3A_123] : memref<2x512x64xf32, #tpu.memory_space<vmem>> -> memref<1x512x64xf32, #tpu.memory_space<vmem>>
            %dma_start3A_125 = tpu.memref_squeeze %dma_start3A_124 : memref<1x512x64xf32, #tpu.memory_space<vmem>> -> memref<512x64xf32, #tpu.memory_space<vmem>>
            %dma_start3A_126 = arith.constant 0 : i32
            %dma_start3A_127 = arith.constant 0 : i32
            %dma_start3A_128 = tpu.memref_slice %arg5[%dma_start3A_119, %dma_start3A_126, %dma_start3A_127] : memref<2x2x512xi32, #tpu.memory_space<vmem>> -> memref<1x2x512xi32, #tpu.memory_space<vmem>>
            %dma_start3A_129 = tpu.memref_squeeze %dma_start3A_128 : memref<1x2x512xi32, #tpu.memory_space<vmem>> -> memref<2x512xi32, #tpu.memory_space<vmem>>
            %dma_start3A_130 = arith.constant 0 : i32
            %dma_start3A_131 = tpu.memref_slice %dma_start3A_129[%dma_start3A_120, %dma_start3A_130] : memref<2x512xi32, #tpu.memory_space<vmem>> -> memref<1x512xi32, #tpu.memory_space<vmem>>
            %dma_start3A_132 = tpu.memref_squeeze %dma_start3A_131 : memref<1x512xi32, #tpu.memory_space<vmem>> -> memref<512xi32, #tpu.memory_space<vmem>>
            %dma_start3A_133 = arith.constant 0 : i32
            %dma_start3A_134 = arith.constant 0 : i32
            %dma_start3A_135 = tpu.memref_slice %arg2[%dma_start3A_118, %dma_start3A_133, %dma_start3A_134] : memref<2x10240x64xf32, #tpu.memory_space<hbm>> -> memref<1x10240x64xf32, #tpu.memory_space<hbm>>
            %dma_start3A_136 = tpu.memref_squeeze %dma_start3A_135 : memref<1x10240x64xf32, #tpu.memory_space<hbm>> -> memref<10240x64xf32, #tpu.memory_space<hbm>>
            %dma_start3A_137 = arith.constant 0 : i32
            %dma_start3A_138 = arith.constant 0 : i32
            %dma_start3A_139 = tpu.memref_slice %dma_start3A_136[%dma_start3A_137, %dma_start3A_138] : memref<10240x64xf32, #tpu.memory_space<hbm>> -> memref<10240x64xf32, #tpu.memory_space<hbm>>
            tpu.enqueue_indirect_dma source(%dma_start3A_139 : memref<10240x64xf32, #tpu.memory_space<hbm>>) target(%dma_start3A_125 : memref<512x64xf32, #tpu.memory_space<vmem>>) offsets(%dma_start3A_132 : memref<512xi32, #tpu.memory_space<vmem>>) semaphore(%arg8 : memref<!tpu.dma_semaphore, #tpu.memory_space<semaphore_mem>>)
          } else {
          }
          %eq3A_113 = arith.constant 1 : i32
          %eq3A_114 = arith.cmpi eq, %arg0, %eq3A_113 : i32
          %convert_element_type3A_115 = arith.extui %eq3A_114 : i1 to i32
          %cond3A_116 = arith.constant 0 : i32
          %cond3A_117 = arith.cmpi ne, %convert_element_type3A_115, %cond3A_116 : i32
          scf.if %cond3A_117 {
            %dma_start3A_118 = arith.constant 1 : i32
            %dma_start3A_119 = arith.constant 0 : i32
            %dma_start3A_120 = arith.constant 0 : i32
            %dma_start3A_121 = arith.constant 0 : i32
            %dma_start3A_122 = arith.constant 0 : i32
            %dma_start3A_123 = arith.constant 0 : i32
            %dma_start3A_124 = tpu.memref_slice %arg6[%dma_start3A_121, %dma_start3A_122, %dma_start3A_123] : memref<2x512x64xf32, #tpu.memory_space<vmem>> -> memref<1x512x64xf32, #tpu.memory_space<vmem>>
            %dma_start3A_125 = tpu.memref_squeeze %dma_start3A_124 : memref<1x512x64xf32, #tpu.memory_space<vmem>> -> memref<512x64xf32, #tpu.memory_space<vmem>>
            %dma_start3A_126 = arith.constant 0 : i32
            %dma_start3A_127 = arith.constant 0 : i32
            %dma_start3A_128 = tpu.memref_slice %arg5[%dma_start3A_119, %dma_start3A_126, %dma_start3A_127] : memref<2x2x512xi32, #tpu.memory_space<vmem>> -> memref<1x2x512xi32, #tpu.memory_space<vmem>>
            %dma_start3A_129 = tpu.memref_squeeze %dma_start3A_128 : memref<1x2x512xi32, #tpu.memory_space<vmem>> -> memref<2x512xi32, #tpu.memory_space<vmem>>
            %dma_start3A_130 = arith.constant 0 : i32
            %dma_start3A_131 = tpu.memref_slice %dma_start3A_129[%dma_start3A_120, %dma_start3A_130] : memref<2x512xi32, #tpu.memory_space<vmem>> -> memref<1x512xi32, #tpu.memory_space<vmem>>
            %dma_start3A_132 = tpu.memref_squeeze %dma_start3A_131 : memref<1x512xi32, #tpu.memory_space<vmem>> -> memref<512xi32, #tpu.memory_space<vmem>>
            %dma_start3A_133 = arith.constant 0 : i32
            %dma_start3A_134 = arith.constant 0 : i32
            %dma_start3A_135 = tpu.memref_slice %arg2[%dma_start3A_118, %dma_start3A_133, %dma_start3A_134] : memref<2x10240x64xf32, #tpu.memory_space<hbm>> -> memref<1x10240x64xf32, #tpu.memory_space<hbm>>
            %dma_start3A_136 = tpu.memref_squeeze %dma_start3A_135 : memref<1x10240x64xf32, #tpu.memory_space<hbm>> -> memref<10240x64xf32, #tpu.memory_space<hbm>>
            %dma_start3A_137 = arith.constant 0 : i32
            %dma_start3A_138 = arith.constant 0 : i32
            %dma_start3A_139 = tpu.memref_slice %dma_start3A_136[%dma_start3A_137, %dma_start3A_138] : memref<10240x64xf32, #tpu.memory_space<hbm>> -> memref<10240x64xf32, #tpu.memory_space<hbm>>
            tpu.enqueue_indirect_dma source(%dma_start3A_139 : memref<10240x64xf32, #tpu.memory_space<hbm>>) target(%dma_start3A_125 : memref<512x64xf32, #tpu.memory_space<vmem>>) offsets(%dma_start3A_132 : memref<512xi32, #tpu.memory_space<vmem>>) semaphore(%arg8 : memref<!tpu.dma_semaphore, #tpu.memory_space<semaphore_mem>>)
          } else {
          }
        } else {
        }
      } else {
      }
      %add3A_38 = arith.constant 1 : i32
      %add3A_39 = arith.addi %mul3A_33, %add3A_38 : i32
      %lt3A_40 = arith.cmpi slt, %add3A_39, %min3A : i32
      %convert_element_type3A_41 = arith.extui %lt3A_40 : i1 to i32
      %cond3A_42 = arith.constant 0 : i32
      %cond3A_43 = arith.cmpi ne, %convert_element_type3A_41, %cond3A_42 : i32
      scf.if %cond3A_43 {
        %dma_wait3A = arith.constant 0 : i32
        %dma_wait3A_44 = arith.constant 1 : i32
        %dma_wait3A_45 = arith.constant 0 : i32
        %dma_wait3A_46 = arith.constant 0 : i32
        %dma_wait3A_47 = tpu.memref_slice %arg6[%dma_wait3A_44, %dma_wait3A_45, %dma_wait3A_46] : memref<2x512x64xf32, #tpu.memory_space<vmem>> -> memref<1x512x64xf32, #tpu.memory_space<vmem>>
        %dma_wait3A_48 = tpu.memref_squeeze %dma_wait3A_47 : memref<1x512x64xf32, #tpu.memory_space<vmem>> -> memref<512x64xf32, #tpu.memory_space<vmem>>
        %dma_wait3A_49 = arith.constant 0 : i32
        %dma_wait3A_50 = arith.constant 0 : i32
        %dma_wait3A_51 = tpu.memref_slice %arg2[%dma_wait3A, %dma_wait3A_49, %dma_wait3A_50] : memref<2x10240x64xf32, #tpu.memory_space<hbm>> -> memref<1x10240x64xf32, #tpu.memory_space<hbm>>
        %dma_wait3A_52 = tpu.memref_squeeze %dma_wait3A_51 : memref<1x10240x64xf32, #tpu.memory_space<hbm>> -> memref<10240x64xf32, #tpu.memory_space<hbm>>
        %dma_wait3A_53 = arith.constant 0 : i32
        %dma_wait3A_54 = arith.constant 0 : i32
        %dma_wait3A_55 = tpu.memref_slice %dma_wait3A_52[%dma_wait3A_53, %dma_wait3A_54] : memref<10240x64xf32, #tpu.memory_space<hbm>> -> memref<512x64xf32, #tpu.memory_space<hbm>>
        %dma_wait3A_56 = arith.constant 0 : i32
        %dma_wait3A_57 = arith.constant 0 : i32
        %dma_wait3A_58 = tpu.memref_slice %arg6[%dma_wait3A_44, %dma_wait3A_56, %dma_wait3A_57] : memref<2x512x64xf32, #tpu.memory_space<vmem>> -> memref<1x512x64xf32, #tpu.memory_space<vmem>>
        %dma_wait3A_59 = tpu.memref_squeeze %dma_wait3A_58 : memref<1x512x64xf32, #tpu.memory_space<vmem>> -> memref<512x64xf32, #tpu.memory_space<vmem>>
        %dma_wait3A_60 = arith.constant 0 : i32
        %dma_wait3A_61 = arith.constant 0 : i32
        %dma_wait3A_62 = tpu.memref_slice %arg2[%dma_wait3A, %dma_wait3A_60, %dma_wait3A_61] : memref<2x10240x64xf32, #tpu.memory_space<hbm>> -> memref<1x10240x64xf32, #tpu.memory_space<hbm>>
        %dma_wait3A_63 = tpu.memref_squeeze %dma_wait3A_62 : memref<1x10240x64xf32, #tpu.memory_space<hbm>> -> memref<10240x64xf32, #tpu.memory_space<hbm>>
        %dma_wait3A_64 = arith.constant 0 : i32
        %dma_wait3A_65 = arith.constant 0 : i32
        %dma_wait3A_66 = tpu.memref_slice %dma_wait3A_63[%dma_wait3A_64, %dma_wait3A_65] : memref<10240x64xf32, #tpu.memory_space<hbm>> -> memref<512x64xf32, #tpu.memory_space<hbm>>
        tpu.wait_dma2 semaphore(%arg9 : memref<!tpu.dma_semaphore, #tpu.memory_space<semaphore_mem>>) src(%dma_wait3A_66 : memref<512x64xf32, #tpu.memory_space<hbm>>) dst(%dma_wait3A_59 : memref<512x64xf32, #tpu.memory_space<vmem>>)
        %dma_start3A = arith.constant 1 : i32
        %dma_start3A_67 = arith.constant 1 : i32
        %dma_start3A_68 = arith.constant 1 : i32
        %dma_start3A_69 = arith.constant 0 : i32
        %dma_start3A_70 = arith.constant 0 : i32
        %dma_start3A_71 = tpu.memref_slice %arg6[%dma_start3A, %dma_start3A_69, %dma_start3A_70] : memref<2x512x64xf32, #tpu.memory_space<vmem>> -> memref<1x512x64xf32, #tpu.memory_space<vmem>>
        %dma_start3A_72 = tpu.memref_squeeze %dma_start3A_71 : memref<1x512x64xf32, #tpu.memory_space<vmem>> -> memref<512x64xf32, #tpu.memory_space<vmem>>
        %dma_start3A_73 = arith.constant 0 : i32
        %dma_start3A_74 = arith.constant 0 : i32
        %dma_start3A_75 = tpu.memref_slice %arg5[%dma_start3A_67, %dma_start3A_73, %dma_start3A_74] : memref<2x2x512xi32, #tpu.memory_space<vmem>> -> memref<1x2x512xi32, #tpu.memory_space<vmem>>
        %dma_start3A_76 = tpu.memref_squeeze %dma_start3A_75 : memref<1x2x512xi32, #tpu.memory_space<vmem>> -> memref<2x512xi32, #tpu.memory_space<vmem>>
        %dma_start3A_77 = arith.constant 0 : i32
        %dma_start3A_78 = tpu.memref_slice %dma_start3A_76[%dma_start3A_68, %dma_start3A_77] : memref<2x512xi32, #tpu.memory_space<vmem>> -> memref<1x512xi32, #tpu.memory_space<vmem>>
        %dma_start3A_79 = tpu.memref_squeeze %dma_start3A_78 : memref<1x512xi32, #tpu.memory_space<vmem>> -> memref<512xi32, #tpu.memory_space<vmem>>
        %dma_start3A_80 = arith.constant 0 : i32
        %dma_start3A_81 = arith.constant 0 : i32
        %dma_start3A_82 = tpu.memref_slice %arg7[%dma_start3A_80, %dma_start3A_81] : memref<10240x64xf32, #tpu.memory_space<vmem_shared>> -> memref<10240x64xf32, #tpu.memory_space<vmem_shared>>
        tpu.enqueue_indirect_dma source(%dma_start3A_72 : memref<512x64xf32, #tpu.memory_space<vmem>>) target(%dma_start3A_82 : memref<10240x64xf32, #tpu.memory_space<vmem_shared>>) offsets(%dma_start3A_79 : memref<512xi32, #tpu.memory_space<vmem>>) semaphore(%arg11 : memref<!tpu.dma_semaphore, #tpu.memory_space<semaphore_mem>>) {add = true}
        %add3A_83 = arith.constant 2 : i32
        %add3A_84 = arith.addi %add3A_39, %add3A_83 : i32
        %lt3A_85 = arith.cmpi slt, %add3A_84, %min3A : i32
        %convert_element_type3A_86 = arith.extui %lt3A_85 : i1 to i32
        %cond3A_87 = arith.constant 0 : i32
        %cond3A_88 = arith.cmpi ne, %convert_element_type3A_86, %cond3A_87 : i32
        scf.if %cond3A_88 {
          %dma_wait3A_89 = arith.constant 1 : i32
          %dma_wait3A_90 = arith.constant 0 : i32
          %dma_wait3A_91 = arith.constant 0 : i32
          %dma_wait3A_92 = tpu.memref_slice %arg6[%dma_wait3A_89, %dma_wait3A_90, %dma_wait3A_91] : memref<2x512x64xf32, #tpu.memory_space<vmem>> -> memref<1x512x64xf32, #tpu.memory_space<vmem>>
          %dma_wait3A_93 = tpu.memref_squeeze %dma_wait3A_92 : memref<1x512x64xf32, #tpu.memory_space<vmem>> -> memref<512x64xf32, #tpu.memory_space<vmem>>
          %dma_wait3A_94 = arith.constant 0 : i32
          %dma_wait3A_95 = arith.constant 0 : i32
          %dma_wait3A_96 = tpu.memref_slice %arg7[%dma_wait3A_94, %dma_wait3A_95] : memref<10240x64xf32, #tpu.memory_space<vmem_shared>> -> memref<512x64xf32, #tpu.memory_space<vmem_shared>>
          %dma_wait3A_97 = arith.constant 0 : i32
          %dma_wait3A_98 = arith.constant 0 : i32
          %dma_wait3A_99 = tpu.memref_slice %arg7[%dma_wait3A_97, %dma_wait3A_98] : memref<10240x64xf32, #tpu.memory_space<vmem_shared>> -> memref<512x64xf32, #tpu.memory_space<vmem_shared>>
          %dma_wait3A_100 = arith.constant 0 : i32
          %dma_wait3A_101 = arith.constant 0 : i32
          %dma_wait3A_102 = tpu.memref_slice %arg6[%dma_wait3A_89, %dma_wait3A_100, %dma_wait3A_101] : memref<2x512x64xf32, #tpu.memory_space<vmem>> -> memref<1x512x64xf32, #tpu.memory_space<vmem>>
          %dma_wait3A_103 = tpu.memref_squeeze %dma_wait3A_102 : memref<1x512x64xf32, #tpu.memory_space<vmem>> -> memref<512x64xf32, #tpu.memory_space<vmem>>
          tpu.wait_dma2 semaphore(%arg11 : memref<!tpu.dma_semaphore, #tpu.memory_space<semaphore_mem>>) src(%dma_wait3A_103 : memref<512x64xf32, #tpu.memory_space<vmem>>) dst(%dma_wait3A_99 : memref<512x64xf32, #tpu.memory_space<vmem_shared>>)
          %add3A_104 = arith.constant 2 : i32
          %add3A_105 = arith.addi %add3A_39, %add3A_104 : i32
          %add3A_106 = arith.addi %mul3A_0, %add3A_105 : i32
          %mul3A_107 = arith.constant 512 : i32
          %mul3A_108 = arith.muli %add3A_106, %mul3A_107 : i32
          %run_scoped3A = arith.constant 1 : i32
          "tpu.region"() ({
            %run_scoped3A_118 = tpu.sem_alloc : memref<!tpu.dma_semaphore, #tpu.memory_space<semaphore_mem>>
            %dma_start3A_119 = arith.constant 0 : i32
            %dma_start3A_120 = arith.constant 0 : i32
            %dma_start3A_121 = tpu.memref_slice %arg5[%run_scoped3A, %dma_start3A_119, %dma_start3A_120] : memref<2x2x512xi32, #tpu.memory_space<vmem>> -> memref<1x2x512xi32, #tpu.memory_space<vmem>>
            %dma_start3A_122 = tpu.memref_squeeze %dma_start3A_121 : memref<1x2x512xi32, #tpu.memory_space<vmem>> -> memref<2x512xi32, #tpu.memory_space<vmem>>
            %dma_start3A_123 = arith.constant 0 : i32
            %dma_start3A_124 = tpu.memref_slice %arg3[%dma_start3A_123, %mul3A_108] : memref<2x320000xi32, #tpu.memory_space<hbm>> -> memref<2x512xi32, #tpu.memory_space<hbm>>
            %dma_start3A_125 = arith.constant 0 : i32
            %dma_start3A_126 = arith.constant 0 : i32
            %dma_start3A_127 = tpu.memref_slice %arg5[%run_scoped3A, %dma_start3A_125, %dma_start3A_126] : memref<2x2x512xi32, #tpu.memory_space<vmem>> -> memref<1x2x512xi32, #tpu.memory_space<vmem>>
            %dma_start3A_128 = tpu.memref_squeeze %dma_start3A_127 : memref<1x2x512xi32, #tpu.memory_space<vmem>> -> memref<2x512xi32, #tpu.memory_space<vmem>>
            %dma_start3A_129 = arith.constant 0 : i32
            %dma_start3A_130 = tpu.memref_slice %arg3[%dma_start3A_129, %mul3A_108] : memref<2x320000xi32, #tpu.memory_space<hbm>> -> memref<2x512xi32, #tpu.memory_space<hbm>>
            tpu.enqueue_dma source(%dma_start3A_130 : memref<2x512xi32, #tpu.memory_space<hbm>>) target(%dma_start3A_128 : memref<2x512xi32, #tpu.memory_space<vmem>>) target_semaphore(%run_scoped3A_118 : memref<!tpu.dma_semaphore, #tpu.memory_space<semaphore_mem>>)
            %dma_wait3A_131 = arith.constant 0 : i32
            %dma_wait3A_132 = arith.constant 0 : i32
            %dma_wait3A_133 = tpu.memref_slice %arg5[%run_scoped3A, %dma_wait3A_131, %dma_wait3A_132] : memref<2x2x512xi32, #tpu.memory_space<vmem>> -> memref<1x2x512xi32, #tpu.memory_space<vmem>>
            %dma_wait3A_134 = tpu.memref_squeeze %dma_wait3A_133 : memref<1x2x512xi32, #tpu.memory_space<vmem>> -> memref<2x512xi32, #tpu.memory_space<vmem>>
            %dma_wait3A_135 = arith.constant 0 : i32
            %dma_wait3A_136 = tpu.memref_slice %arg3[%dma_wait3A_135, %mul3A_108] : memref<2x320000xi32, #tpu.memory_space<hbm>> -> memref<2x512xi32, #tpu.memory_space<hbm>>
            %dma_wait3A_137 = arith.constant 0 : i32
            %dma_wait3A_138 = arith.constant 0 : i32
            %dma_wait3A_139 = tpu.memref_slice %arg5[%run_scoped3A, %dma_wait3A_137, %dma_wait3A_138] : memref<2x2x512xi32, #tpu.memory_space<vmem>> -> memref<1x2x512xi32, #tpu.memory_space<vmem>>
            %dma_wait3A_140 = tpu.memref_squeeze %dma_wait3A_139 : memref<1x2x512xi32, #tpu.memory_space<vmem>> -> memref<2x512xi32, #tpu.memory_space<vmem>>
            %dma_wait3A_141 = arith.constant 0 : i32
            %dma_wait3A_142 = tpu.memref_slice %arg3[%dma_wait3A_141, %mul3A_108] : memref<2x320000xi32, #tpu.memory_space<hbm>> -> memref<2x512xi32, #tpu.memory_space<hbm>>
            tpu.wait_dma2 semaphore(%run_scoped3A_118 : memref<!tpu.dma_semaphore, #tpu.memory_space<semaphore_mem>>) src(%dma_wait3A_142 : memref<2x512xi32, #tpu.memory_space<hbm>>) dst(%dma_wait3A_140 : memref<2x512xi32, #tpu.memory_space<vmem>>)
            tpu.yield
          }) : () -> ()
          %eq3A = arith.constant 0 : i32
          %eq3A_109 = arith.cmpi eq, %arg0, %eq3A : i32
          %convert_element_type3A_110 = arith.extui %eq3A_109 : i1 to i32
          %cond3A_111 = arith.constant 0 : i32
          %cond3A_112 = arith.cmpi ne, %convert_element_type3A_110, %cond3A_111 : i32
          scf.if %cond3A_112 {
            %dma_start3A_118 = arith.constant 0 : i32
            %dma_start3A_119 = arith.constant 1 : i32
            %dma_start3A_120 = arith.constant 0 : i32
            %dma_start3A_121 = arith.constant 1 : i32
            %dma_start3A_122 = arith.constant 0 : i32
            %dma_start3A_123 = arith.constant 0 : i32
            %dma_start3A_124 = tpu.memref_slice %arg6[%dma_start3A_121, %dma_start3A_122, %dma_start3A_123] : memref<2x512x64xf32, #tpu.memory_space<vmem>> -> memref<1x512x64xf32, #tpu.memory_space<vmem>>
            %dma_start3A_125 = tpu.memref_squeeze %dma_start3A_124 : memref<1x512x64xf32, #tpu.memory_space<vmem>> -> memref<512x64xf32, #tpu.memory_space<vmem>>
            %dma_start3A_126 = arith.constant 0 : i32
            %dma_start3A_127 = arith.constant 0 : i32
            %dma_start3A_128 = tpu.memref_slice %arg5[%dma_start3A_119, %dma_start3A_126, %dma_start3A_127] : memref<2x2x512xi32, #tpu.memory_space<vmem>> -> memref<1x2x512xi32, #tpu.memory_space<vmem>>
            %dma_start3A_129 = tpu.memref_squeeze %dma_start3A_128 : memref<1x2x512xi32, #tpu.memory_space<vmem>> -> memref<2x512xi32, #tpu.memory_space<vmem>>
            %dma_start3A_130 = arith.constant 0 : i32
            %dma_start3A_131 = tpu.memref_slice %dma_start3A_129[%dma_start3A_120, %dma_start3A_130] : memref<2x512xi32, #tpu.memory_space<vmem>> -> memref<1x512xi32, #tpu.memory_space<vmem>>
            %dma_start3A_132 = tpu.memref_squeeze %dma_start3A_131 : memref<1x512xi32, #tpu.memory_space<vmem>> -> memref<512xi32, #tpu.memory_space<vmem>>
            %dma_start3A_133 = arith.constant 0 : i32
            %dma_start3A_134 = arith.constant 0 : i32
            %dma_start3A_135 = tpu.memref_slice %arg2[%dma_start3A_118, %dma_start3A_133, %dma_start3A_134] : memref<2x10240x64xf32, #tpu.memory_space<hbm>> -> memref<1x10240x64xf32, #tpu.memory_space<hbm>>
            %dma_start3A_136 = tpu.memref_squeeze %dma_start3A_135 : memref<1x10240x64xf32, #tpu.memory_space<hbm>> -> memref<10240x64xf32, #tpu.memory_space<hbm>>
            %dma_start3A_137 = arith.constant 0 : i32
            %dma_start3A_138 = arith.constant 0 : i32
            %dma_start3A_139 = tpu.memref_slice %dma_start3A_136[%dma_start3A_137, %dma_start3A_138] : memref<10240x64xf32, #tpu.memory_space<hbm>> -> memref<10240x64xf32, #tpu.memory_space<hbm>>
            tpu.enqueue_indirect_dma source(%dma_start3A_139 : memref<10240x64xf32, #tpu.memory_space<hbm>>) target(%dma_start3A_125 : memref<512x64xf32, #tpu.memory_space<vmem>>) offsets(%dma_start3A_132 : memref<512xi32, #tpu.memory_space<vmem>>) semaphore(%arg9 : memref<!tpu.dma_semaphore, #tpu.memory_space<semaphore_mem>>)
          } else {
          }
          %eq3A_113 = arith.constant 1 : i32
          %eq3A_114 = arith.cmpi eq, %arg0, %eq3A_113 : i32
          %convert_element_type3A_115 = arith.extui %eq3A_114 : i1 to i32
          %cond3A_116 = arith.constant 0 : i32
          %cond3A_117 = arith.cmpi ne, %convert_element_type3A_115, %cond3A_116 : i32
          scf.if %cond3A_117 {
            %dma_start3A_118 = arith.constant 1 : i32
            %dma_start3A_119 = arith.constant 1 : i32
            %dma_start3A_120 = arith.constant 0 : i32
            %dma_start3A_121 = arith.constant 1 : i32
            %dma_start3A_122 = arith.constant 0 : i32
            %dma_start3A_123 = arith.constant 0 : i32
            %dma_start3A_124 = tpu.memref_slice %arg6[%dma_start3A_121, %dma_start3A_122, %dma_start3A_123] : memref<2x512x64xf32, #tpu.memory_space<vmem>> -> memref<1x512x64xf32, #tpu.memory_space<vmem>>
            %dma_start3A_125 = tpu.memref_squeeze %dma_start3A_124 : memref<1x512x64xf32, #tpu.memory_space<vmem>> -> memref<512x64xf32, #tpu.memory_space<vmem>>
            %dma_start3A_126 = arith.constant 0 : i32
            %dma_start3A_127 = arith.constant 0 : i32
            %dma_start3A_128 = tpu.memref_slice %arg5[%dma_start3A_119, %dma_start3A_126, %dma_start3A_127] : memref<2x2x512xi32, #tpu.memory_space<vmem>> -> memref<1x2x512xi32, #tpu.memory_space<vmem>>
            %dma_start3A_129 = tpu.memref_squeeze %dma_start3A_128 : memref<1x2x512xi32, #tpu.memory_space<vmem>> -> memref<2x512xi32, #tpu.memory_space<vmem>>
            %dma_start3A_130 = arith.constant 0 : i32
            %dma_start3A_131 = tpu.memref_slice %dma_start3A_129[%dma_start3A_120, %dma_start3A_130] : memref<2x512xi32, #tpu.memory_space<vmem>> -> memref<1x512xi32, #tpu.memory_space<vmem>>
            %dma_start3A_132 = tpu.memref_squeeze %dma_start3A_131 : memref<1x512xi32, #tpu.memory_space<vmem>> -> memref<512xi32, #tpu.memory_space<vmem>>
            %dma_start3A_133 = arith.constant 0 : i32
            %dma_start3A_134 = arith.constant 0 : i32
            %dma_start3A_135 = tpu.memref_slice %arg2[%dma_start3A_118, %dma_start3A_133, %dma_start3A_134] : memref<2x10240x64xf32, #tpu.memory_space<hbm>> -> memref<1x10240x64xf32, #tpu.memory_space<hbm>>
            %dma_start3A_136 = tpu.memref_squeeze %dma_start3A_135 : memref<1x10240x64xf32, #tpu.memory_space<hbm>> -> memref<10240x64xf32, #tpu.memory_space<hbm>>
            %dma_start3A_137 = arith.constant 0 : i32
            %dma_start3A_138 = arith.constant 0 : i32
            %dma_start3A_139 = tpu.memref_slice %dma_start3A_136[%dma_start3A_137, %dma_start3A_138] : memref<10240x64xf32, #tpu.memory_space<hbm>> -> memref<10240x64xf32, #tpu.memory_space<hbm>>
            tpu.enqueue_indirect_dma source(%dma_start3A_139 : memref<10240x64xf32, #tpu.memory_space<hbm>>) target(%dma_start3A_125 : memref<512x64xf32, #tpu.memory_space<vmem>>) offsets(%dma_start3A_132 : memref<512xi32, #tpu.memory_space<vmem>>) semaphore(%arg9 : memref<!tpu.dma_semaphore, #tpu.memory_space<semaphore_mem>>)
          } else {
          }
        } else {
        }
      } else {
      }
    }
    %scan3A_15 = arith.constant 20 : i32
    %min3A_16 = arith.constant 2 : i32
    %min3A_17 = arith.minsi %min3A, %min3A_16 : i32
    %gt3A_18 = arith.constant 0 : i32
    %gt3A_19 = arith.cmpi sgt, %min3A_17, %gt3A_18 : i32
    %convert_element_type3A_20 = arith.extui %gt3A_19 : i1 to i32
    %cond3A_21 = arith.constant 0 : i32
    %cond3A_22 = arith.cmpi ne, %convert_element_type3A_20, %cond3A_21 : i32
    scf.if %cond3A_22 {
      %dma_wait3A = arith.constant 0 : i32
      %dma_wait3A_31 = arith.constant 0 : i32
      %dma_wait3A_32 = arith.constant 0 : i32
      %dma_wait3A_33 = tpu.memref_slice %arg6[%dma_wait3A, %dma_wait3A_31, %dma_wait3A_32] : memref<2x512x64xf32, #tpu.memory_space<vmem>> -> memref<1x512x64xf32, #tpu.memory_space<vmem>>
      %dma_wait3A_34 = tpu.memref_squeeze %dma_wait3A_33 : memref<1x512x64xf32, #tpu.memory_space<vmem>> -> memref<512x64xf32, #tpu.memory_space<vmem>>
      %dma_wait3A_35 = arith.constant 0 : i32
      %dma_wait3A_36 = arith.constant 0 : i32
      %dma_wait3A_37 = tpu.memref_slice %arg7[%dma_wait3A_35, %dma_wait3A_36] : memref<10240x64xf32, #tpu.memory_space<vmem_shared>> -> memref<512x64xf32, #tpu.memory_space<vmem_shared>>
      %dma_wait3A_38 = arith.constant 0 : i32
      %dma_wait3A_39 = arith.constant 0 : i32
      %dma_wait3A_40 = tpu.memref_slice %arg7[%dma_wait3A_38, %dma_wait3A_39] : memref<10240x64xf32, #tpu.memory_space<vmem_shared>> -> memref<512x64xf32, #tpu.memory_space<vmem_shared>>
      %dma_wait3A_41 = arith.constant 0 : i32
      %dma_wait3A_42 = arith.constant 0 : i32
      %dma_wait3A_43 = tpu.memref_slice %arg6[%dma_wait3A, %dma_wait3A_41, %dma_wait3A_42] : memref<2x512x64xf32, #tpu.memory_space<vmem>> -> memref<1x512x64xf32, #tpu.memory_space<vmem>>
      %dma_wait3A_44 = tpu.memref_squeeze %dma_wait3A_43 : memref<1x512x64xf32, #tpu.memory_space<vmem>> -> memref<512x64xf32, #tpu.memory_space<vmem>>
      tpu.wait_dma2 semaphore(%arg10 : memref<!tpu.dma_semaphore, #tpu.memory_space<semaphore_mem>>) src(%dma_wait3A_44 : memref<512x64xf32, #tpu.memory_space<vmem>>) dst(%dma_wait3A_40 : memref<512x64xf32, #tpu.memory_space<vmem_shared>>)
    } else {
    }
    %min3A_23 = arith.constant 2 : i32
    %min3A_24 = arith.minsi %min3A, %min3A_23 : i32
    %gt3A_25 = arith.constant 1 : i32
    %gt3A_26 = arith.cmpi sgt, %min3A_24, %gt3A_25 : i32
    %convert_element_type3A_27 = arith.extui %gt3A_26 : i1 to i32
    %cond3A_28 = arith.constant 0 : i32
    %cond3A_29 = arith.cmpi ne, %convert_element_type3A_27, %cond3A_28 : i32
    scf.if %cond3A_29 {
      %dma_wait3A = arith.constant 1 : i32
      %dma_wait3A_31 = arith.constant 0 : i32
      %dma_wait3A_32 = arith.constant 0 : i32
      %dma_wait3A_33 = tpu.memref_slice %arg6[%dma_wait3A, %dma_wait3A_31, %dma_wait3A_32] : memref<2x512x64xf32, #tpu.memory_space<vmem>> -> memref<1x512x64xf32, #tpu.memory_space<vmem>>
      %dma_wait3A_34 = tpu.memref_squeeze %dma_wait3A_33 : memref<1x512x64xf32, #tpu.memory_space<vmem>> -> memref<512x64xf32, #tpu.memory_space<vmem>>
      %dma_wait3A_35 = arith.constant 0 : i32
      %dma_wait3A_36 = arith.constant 0 : i32
      %dma_wait3A_37 = tpu.memref_slice %arg7[%dma_wait3A_35, %dma_wait3A_36] : memref<10240x64xf32, #tpu.memory_space<vmem_shared>> -> memref<512x64xf32, #tpu.memory_space<vmem_shared>>
      %dma_wait3A_38 = arith.constant 0 : i32
      %dma_wait3A_39 = arith.constant 0 : i32
      %dma_wait3A_40 = tpu.memref_slice %arg7[%dma_wait3A_38, %dma_wait3A_39] : memref<10240x64xf32, #tpu.memory_space<vmem_shared>> -> memref<512x64xf32, #tpu.memory_space<vmem_shared>>
      %dma_wait3A_41 = arith.constant 0 : i32
      %dma_wait3A_42 = arith.constant 0 : i32
      %dma_wait3A_43 = tpu.memref_slice %arg6[%dma_wait3A, %dma_wait3A_41, %dma_wait3A_42] : memref<2x512x64xf32, #tpu.memory_space<vmem>> -> memref<1x512x64xf32, #tpu.memory_space<vmem>>
      %dma_wait3A_44 = tpu.memref_squeeze %dma_wait3A_43 : memref<1x512x64xf32, #tpu.memory_space<vmem>> -> memref<512x64xf32, #tpu.memory_space<vmem>>
      tpu.wait_dma2 semaphore(%arg11 : memref<!tpu.dma_semaphore, #tpu.memory_space<semaphore_mem>>) src(%dma_wait3A_44 : memref<512x64xf32, #tpu.memory_space<vmem>>) dst(%dma_wait3A_40 : memref<512x64xf32, #tpu.memory_space<vmem_shared>>)
    } else {
    }
    %barrier3A_30 = arith.constant 0 : index
    tpu.barrier barrier_id(%barrier3A_30)
    "tpu.region"() ({
      %run_scoped3A = tpu.sem_alloc : memref<!tpu.dma_semaphore, #tpu.memory_space<semaphore_mem>>
      %dma_start3A = arith.constant 0 : i32
      %dma_start3A_31 = tpu.memref_slice %arg4[%arg0, %mul3A_4, %dma_start3A] : memref<2x10240x64xf32, #tpu.memory_space<hbm>> -> memref<1x640x64xf32, #tpu.memory_space<hbm>>
      %dma_start3A_32 = tpu.memref_squeeze %dma_start3A_31 : memref<1x640x64xf32, #tpu.memory_space<hbm>> -> memref<640x64xf32, #tpu.memory_space<hbm>>
      %dma_start3A_33 = arith.constant 0 : i32
      %dma_start3A_34 = tpu.memref_slice %arg7[%mul3A_4, %dma_start3A_33] : memref<10240x64xf32, #tpu.memory_space<vmem_shared>> -> memref<640x64xf32, #tpu.memory_space<vmem_shared>>
      tpu.enqueue_dma source(%dma_start3A_34 : memref<640x64xf32, #tpu.memory_space<vmem_shared>>) target(%dma_start3A_32 : memref<640x64xf32, #tpu.memory_space<hbm>>) target_semaphore(%run_scoped3A : memref<!tpu.dma_semaphore, #tpu.memory_space<semaphore_mem>>)
      %dma_wait3A = arith.constant 0 : i32
      %dma_wait3A_35 = tpu.memref_slice %arg4[%arg0, %mul3A_4, %dma_wait3A] : memref<2x10240x64xf32, #tpu.memory_space<hbm>> -> memref<1x640x64xf32, #tpu.memory_space<hbm>>
      %dma_wait3A_36 = tpu.memref_squeeze %dma_wait3A_35 : memref<1x640x64xf32, #tpu.memory_space<hbm>> -> memref<640x64xf32, #tpu.memory_space<hbm>>
      %dma_wait3A_37 = arith.constant 0 : i32
      %dma_wait3A_38 = tpu.memref_slice %arg7[%mul3A_4, %dma_wait3A_37] : memref<10240x64xf32, #tpu.memory_space<vmem_shared>> -> memref<640x64xf32, #tpu.memory_space<vmem_shared>>
      tpu.wait_dma2 semaphore(%run_scoped3A : memref<!tpu.dma_semaphore, #tpu.memory_space<semaphore_mem>>) src(%dma_wait3A_38 : memref<640x64xf32, #tpu.memory_space<vmem_shared>>) dst(%dma_wait3A_36 : memref<640x64xf32, #tpu.memory_space<hbm>>)
      tpu.yield
    }) : () -> ()
    return
  }
}

#map = affine_map<(d0, d1) -> (0, 0)>
#map1 = affine_map<(d0, d1) -> (0, 0, 0)>
module attributes {stable_mosaic.version = 14 : i64} {
  func.func @degk(%arg0: i32, %arg1: i32, %arg2: memref<2x320000xi32, #tpu.memory_space<hbm>>, %arg3: memref<128x16xf32, #tpu.memory_space<hbm>>, %arg4: memref<640x16xf32, #tpu.memory_space<hbm>>, %arg5: memref<2x10240x16xf32, #tpu.memory_space<hbm>>, %arg6: memref<2x2x128xi32, #tpu.memory_space<vmem>>, %arg7: memref<128x16xf32, #tpu.memory_space<vmem>>, %arg8: memref<10240x16xf32, #tpu.memory_space<vmem_shared>>, %arg9: memref<!tpu.dma_semaphore, #tpu.memory_space<semaphore_mem>>, %arg10: memref<!tpu.dma_semaphore, #tpu.memory_space<semaphore_mem>>, %arg11: memref<!tpu.dma_semaphore, #tpu.memory_space<semaphore_mem>>, %arg12: memref<!tpu.dma_semaphore, #tpu.memory_space<semaphore_mem>>) attributes {dimension_semantics = [#tpu.dimension_semantics<core_parallel>, #tpu.dimension_semantics<subcore_parallel>], iteration_bounds = array<i64: 2, 16>, scalar_prefetch = 0 : i64, scratch_operands = 7 : i64, tpu.core_type = #tpu.core_type<sc_vector_subcore>, window_params = [{transform_indices = #map}, {transform_indices = #map}, {transform_indices = #map}, {transform_indices = #map1}]} {
    %mul3A = arith.constant 2 : i32
    %mul3A_0 = arith.muli %arg1, %mul3A : i32
    %add3A = arith.addi %mul3A_0, %arg0 : i32
    %mul3A_1 = arith.constant 80 : i32
    %mul3A_2 = arith.muli %add3A, %mul3A_1 : i32
    %sub3A = arith.constant 2500 : i32
    %sub3A_3 = arith.subi %sub3A, %mul3A_2 : i32
    %jit3A = arith.constant 0 : i32
    %jit3A_4 = arith.constant 80 : i32
    %max3A = arith.maxsi %jit3A, %sub3A_3 : i32
    %min3A = arith.minsi %jit3A_4, %max3A : i32
    %mul3A_5 = arith.constant 640 : i32
    %mul3A_6 = arith.muli %arg1, %mul3A_5 : i32
    "tpu.region"() ({
      %run_scoped3A = tpu.sem_alloc : memref<!tpu.dma_semaphore, #tpu.memory_space<semaphore_mem>>
      %dma_start3A = arith.constant 0 : i32
      %dma_start3A_37 = tpu.memref_slice %arg8[%mul3A_6, %dma_start3A] : memref<10240x16xf32, #tpu.memory_space<vmem_shared>> -> memref<640x16xf32, #tpu.memory_space<vmem_shared>>
      tpu.enqueue_dma source(%arg4 : memref<640x16xf32, #tpu.memory_space<hbm>>) target(%dma_start3A_37 : memref<640x16xf32, #tpu.memory_space<vmem_shared>>) target_semaphore(%run_scoped3A : memref<!tpu.dma_semaphore, #tpu.memory_space<semaphore_mem>>)
      %dma_wait3A = arith.constant 0 : i32
      %dma_wait3A_38 = tpu.memref_slice %arg8[%mul3A_6, %dma_wait3A] : memref<10240x16xf32, #tpu.memory_space<vmem_shared>> -> memref<640x16xf32, #tpu.memory_space<vmem_shared>>
      tpu.wait_dma2 semaphore(%run_scoped3A : memref<!tpu.dma_semaphore, #tpu.memory_space<semaphore_mem>>) src(%arg4 : memref<640x16xf32, #tpu.memory_space<hbm>>) dst(%dma_wait3A_38 : memref<640x16xf32, #tpu.memory_space<vmem_shared>>)
      tpu.yield
    }) : () -> ()
    "tpu.region"() ({
      %run_scoped3A = tpu.sem_alloc : memref<!tpu.dma_semaphore, #tpu.memory_space<semaphore_mem>>
      tpu.enqueue_dma source(%arg3 : memref<128x16xf32, #tpu.memory_space<hbm>>) target(%arg7 : memref<128x16xf32, #tpu.memory_space<vmem>>) target_semaphore(%run_scoped3A : memref<!tpu.dma_semaphore, #tpu.memory_space<semaphore_mem>>)
      tpu.wait_dma2 semaphore(%run_scoped3A : memref<!tpu.dma_semaphore, #tpu.memory_space<semaphore_mem>>) src(%arg3 : memref<128x16xf32, #tpu.memory_space<hbm>>) dst(%arg7 : memref<128x16xf32, #tpu.memory_space<vmem>>)
      tpu.yield
    }) : () -> ()
    %barrier3A = arith.constant 0 : index
    tpu.barrier barrier_id(%barrier3A)
    %gt3A = arith.constant 0 : i32
    %gt3A_7 = arith.cmpi sgt, %min3A, %gt3A : i32
    %convert_element_type3A = arith.extui %gt3A_7 : i1 to i32
    %cond3A = arith.constant 0 : i32
    %cond3A_8 = arith.cmpi ne, %convert_element_type3A, %cond3A : i32
    scf.if %cond3A_8 {
      %add3A_37 = arith.constant 0 : i32
      %add3A_38 = arith.addi %mul3A_2, %add3A_37 : i32
      %mul3A_39 = arith.constant 128 : i32
      %mul3A_40 = arith.muli %add3A_38, %mul3A_39 : i32
      %dma_start3A = arith.constant 0 : i32
      %dma_start3A_41 = arith.constant 0 : i32
      %dma_start3A_42 = arith.constant 0 : i32
      %dma_start3A_43 = tpu.memref_slice %arg6[%dma_start3A, %dma_start3A_41, %dma_start3A_42] : memref<2x2x128xi32, #tpu.memory_space<vmem>> -> memref<1x2x128xi32, #tpu.memory_space<vmem>>
      %dma_start3A_44 = tpu.memref_squeeze %dma_start3A_43 : memref<1x2x128xi32, #tpu.memory_space<vmem>> -> memref<2x128xi32, #tpu.memory_space<vmem>>
      %dma_start3A_45 = arith.constant 0 : i32
      %dma_start3A_46 = tpu.memref_slice %arg2[%dma_start3A_45, %mul3A_40] : memref<2x320000xi32, #tpu.memory_space<hbm>> -> memref<2x128xi32, #tpu.memory_space<hbm>>
      %dma_start3A_47 = arith.constant 0 : i32
      %dma_start3A_48 = arith.constant 0 : i32
      %dma_start3A_49 = tpu.memref_slice %arg6[%dma_start3A, %dma_start3A_47, %dma_start3A_48] : memref<2x2x128xi32, #tpu.memory_space<vmem>> -> memref<1x2x128xi32, #tpu.memory_space<vmem>>
      %dma_start3A_50 = tpu.memref_squeeze %dma_start3A_49 : memref<1x2x128xi32, #tpu.memory_space<vmem>> -> memref<2x128xi32, #tpu.memory_space<vmem>>
      %dma_start3A_51 = arith.constant 0 : i32
      %dma_start3A_52 = tpu.memref_slice %arg2[%dma_start3A_51, %mul3A_40] : memref<2x320000xi32, #tpu.memory_space<hbm>> -> memref<2x128xi32, #tpu.memory_space<hbm>>
      tpu.enqueue_dma source(%dma_start3A_52 : memref<2x128xi32, #tpu.memory_space<hbm>>) target(%dma_start3A_50 : memref<2x128xi32, #tpu.memory_space<vmem>>) target_semaphore(%arg9 : memref<!tpu.dma_semaphore, #tpu.memory_space<semaphore_mem>>)
    } else {
    }
    %gt3A_9 = arith.constant 1 : i32
    %gt3A_10 = arith.cmpi sgt, %min3A, %gt3A_9 : i32
    %convert_element_type3A_11 = arith.extui %gt3A_10 : i1 to i32
    %cond3A_12 = arith.constant 0 : i32
    %cond3A_13 = arith.cmpi ne, %convert_element_type3A_11, %cond3A_12 : i32
    scf.if %cond3A_13 {
      %add3A_37 = arith.constant 1 : i32
      %add3A_38 = arith.addi %mul3A_2, %add3A_37 : i32
      %mul3A_39 = arith.constant 128 : i32
      %mul3A_40 = arith.muli %add3A_38, %mul3A_39 : i32
      %dma_start3A = arith.constant 1 : i32
      %dma_start3A_41 = arith.constant 0 : i32
      %dma_start3A_42 = arith.constant 0 : i32
      %dma_start3A_43 = tpu.memref_slice %arg6[%dma_start3A, %dma_start3A_41, %dma_start3A_42] : memref<2x2x128xi32, #tpu.memory_space<vmem>> -> memref<1x2x128xi32, #tpu.memory_space<vmem>>
      %dma_start3A_44 = tpu.memref_squeeze %dma_start3A_43 : memref<1x2x128xi32, #tpu.memory_space<vmem>> -> memref<2x128xi32, #tpu.memory_space<vmem>>
      %dma_start3A_45 = arith.constant 0 : i32
      %dma_start3A_46 = tpu.memref_slice %arg2[%dma_start3A_45, %mul3A_40] : memref<2x320000xi32, #tpu.memory_space<hbm>> -> memref<2x128xi32, #tpu.memory_space<hbm>>
      %dma_start3A_47 = arith.constant 0 : i32
      %dma_start3A_48 = arith.constant 0 : i32
      %dma_start3A_49 = tpu.memref_slice %arg6[%dma_start3A, %dma_start3A_47, %dma_start3A_48] : memref<2x2x128xi32, #tpu.memory_space<vmem>> -> memref<1x2x128xi32, #tpu.memory_space<vmem>>
      %dma_start3A_50 = tpu.memref_squeeze %dma_start3A_49 : memref<1x2x128xi32, #tpu.memory_space<vmem>> -> memref<2x128xi32, #tpu.memory_space<vmem>>
      %dma_start3A_51 = arith.constant 0 : i32
      %dma_start3A_52 = tpu.memref_slice %arg2[%dma_start3A_51, %mul3A_40] : memref<2x320000xi32, #tpu.memory_space<hbm>> -> memref<2x128xi32, #tpu.memory_space<hbm>>
      tpu.enqueue_dma source(%dma_start3A_52 : memref<2x128xi32, #tpu.memory_space<hbm>>) target(%dma_start3A_50 : memref<2x128xi32, #tpu.memory_space<vmem>>) target_semaphore(%arg10 : memref<!tpu.dma_semaphore, #tpu.memory_space<semaphore_mem>>)
    } else {
    }
    %scan3A = arith.constant 0 : i32
    %scan3A_14 = arith.constant 40 : i32
    %scan3A_15 = arith.addi %scan3A, %scan3A_14 : i32
    %scan3A_16 = arith.constant 1 : i32
    scf.for %scan3A_37 = %scan3A to %scan3A_15 step %scan3A_16  : i32 {
      %mul3A_38 = arith.constant 2 : i32
      %mul3A_39 = arith.muli %scan3A_37, %mul3A_38 : i32
      %add3A_40 = arith.constant 0 : i32
      %add3A_41 = arith.addi %mul3A_39, %add3A_40 : i32
      %lt3A = arith.cmpi slt, %add3A_41, %min3A : i32
      %convert_element_type3A_42 = arith.extui %lt3A : i1 to i32
      %cond3A_43 = arith.constant 0 : i32
      %cond3A_44 = arith.cmpi ne, %convert_element_type3A_42, %cond3A_43 : i32
      scf.if %cond3A_44 {
        %dma_wait3A = arith.constant 0 : i32
        %dma_wait3A_51 = arith.constant 0 : i32
        %dma_wait3A_52 = arith.constant 0 : i32
        %dma_wait3A_53 = tpu.memref_slice %arg6[%dma_wait3A, %dma_wait3A_51, %dma_wait3A_52] : memref<2x2x128xi32, #tpu.memory_space<vmem>> -> memref<1x2x128xi32, #tpu.memory_space<vmem>>
        %dma_wait3A_54 = tpu.memref_squeeze %dma_wait3A_53 : memref<1x2x128xi32, #tpu.memory_space<vmem>> -> memref<2x128xi32, #tpu.memory_space<vmem>>
        %dma_wait3A_55 = arith.constant 0 : i32
        %dma_wait3A_56 = arith.constant 0 : i32
        %dma_wait3A_57 = tpu.memref_slice %arg2[%dma_wait3A_55, %dma_wait3A_56] : memref<2x320000xi32, #tpu.memory_space<hbm>> -> memref<2x128xi32, #tpu.memory_space<hbm>>
        %dma_wait3A_58 = arith.constant 0 : i32
        %dma_wait3A_59 = arith.constant 0 : i32
        %dma_wait3A_60 = tpu.memref_slice %arg6[%dma_wait3A, %dma_wait3A_58, %dma_wait3A_59] : memref<2x2x128xi32, #tpu.memory_space<vmem>> -> memref<1x2x128xi32, #tpu.memory_space<vmem>>
        %dma_wait3A_61 = tpu.memref_squeeze %dma_wait3A_60 : memref<1x2x128xi32, #tpu.memory_space<vmem>> -> memref<2x128xi32, #tpu.memory_space<vmem>>
        %dma_wait3A_62 = arith.constant 0 : i32
        %dma_wait3A_63 = arith.constant 0 : i32
        %dma_wait3A_64 = tpu.memref_slice %arg2[%dma_wait3A_62, %dma_wait3A_63] : memref<2x320000xi32, #tpu.memory_space<hbm>> -> memref<2x128xi32, #tpu.memory_space<hbm>>
        tpu.wait_dma2 semaphore(%arg9 : memref<!tpu.dma_semaphore, #tpu.memory_space<semaphore_mem>>) src(%dma_wait3A_64 : memref<2x128xi32, #tpu.memory_space<hbm>>) dst(%dma_wait3A_61 : memref<2x128xi32, #tpu.memory_space<vmem>>)
        %dma_start3A = arith.constant 0 : i32
        %dma_start3A_65 = arith.constant 1 : i32
        %dma_start3A_66 = arith.constant 0 : i32
        %dma_start3A_67 = arith.constant 0 : i32
        %dma_start3A_68 = tpu.memref_slice %arg6[%dma_start3A, %dma_start3A_66, %dma_start3A_67] : memref<2x2x128xi32, #tpu.memory_space<vmem>> -> memref<1x2x128xi32, #tpu.memory_space<vmem>>
        %dma_start3A_69 = tpu.memref_squeeze %dma_start3A_68 : memref<1x2x128xi32, #tpu.memory_space<vmem>> -> memref<2x128xi32, #tpu.memory_space<vmem>>
        %dma_start3A_70 = arith.constant 0 : i32
        %dma_start3A_71 = tpu.memref_slice %dma_start3A_69[%dma_start3A_65, %dma_start3A_70] : memref<2x128xi32, #tpu.memory_space<vmem>> -> memref<1x128xi32, #tpu.memory_space<vmem>>
        %dma_start3A_72 = tpu.memref_squeeze %dma_start3A_71 : memref<1x128xi32, #tpu.memory_space<vmem>> -> memref<128xi32, #tpu.memory_space<vmem>>
        %dma_start3A_73 = arith.constant 0 : i32
        %dma_start3A_74 = arith.constant 0 : i32
        %dma_start3A_75 = tpu.memref_slice %arg8[%dma_start3A_73, %dma_start3A_74] : memref<10240x16xf32, #tpu.memory_space<vmem_shared>> -> memref<10240x16xf32, #tpu.memory_space<vmem_shared>>
        tpu.enqueue_indirect_dma source(%arg7 : memref<128x16xf32, #tpu.memory_space<vmem>>) target(%dma_start3A_75 : memref<10240x16xf32, #tpu.memory_space<vmem_shared>>) offsets(%dma_start3A_72 : memref<128xi32, #tpu.memory_space<vmem>>) semaphore(%arg11 : memref<!tpu.dma_semaphore, #tpu.memory_space<semaphore_mem>>) {add = true}
        %add3A_76 = arith.constant 2 : i32
        %add3A_77 = arith.addi %add3A_41, %add3A_76 : i32
        %lt3A_78 = arith.cmpi slt, %add3A_77, %min3A : i32
        %convert_element_type3A_79 = arith.extui %lt3A_78 : i1 to i32
        %cond3A_80 = arith.constant 0 : i32
        %cond3A_81 = arith.cmpi ne, %convert_element_type3A_79, %cond3A_80 : i32
        scf.if %cond3A_81 {
          %dma_wait3A_82 = arith.constant 0 : i32
          %dma_wait3A_83 = arith.constant 0 : i32
          %dma_wait3A_84 = tpu.memref_slice %arg8[%dma_wait3A_82, %dma_wait3A_83] : memref<10240x16xf32, #tpu.memory_space<vmem_shared>> -> memref<128x16xf32, #tpu.memory_space<vmem_shared>>
          %dma_wait3A_85 = arith.constant 0 : i32
          %dma_wait3A_86 = arith.constant 0 : i32
          %dma_wait3A_87 = tpu.memref_slice %arg8[%dma_wait3A_85, %dma_wait3A_86] : memref<10240x16xf32, #tpu.memory_space<vmem_shared>> -> memref<128x16xf32, #tpu.memory_space<vmem_shared>>
          tpu.wait_dma2 semaphore(%arg11 : memref<!tpu.dma_semaphore, #tpu.memory_space<semaphore_mem>>) src(%arg7 : memref<128x16xf32, #tpu.memory_space<vmem>>) dst(%dma_wait3A_87 : memref<128x16xf32, #tpu.memory_space<vmem_shared>>)
          %add3A_88 = arith.constant 2 : i32
          %add3A_89 = arith.addi %add3A_41, %add3A_88 : i32
          %add3A_90 = arith.addi %mul3A_2, %add3A_89 : i32
          %mul3A_91 = arith.constant 128 : i32
          %mul3A_92 = arith.muli %add3A_90, %mul3A_91 : i32
          %dma_start3A_93 = arith.constant 0 : i32
          %dma_start3A_94 = arith.constant 0 : i32
          %dma_start3A_95 = arith.constant 0 : i32
          %dma_start3A_96 = tpu.memref_slice %arg6[%dma_start3A_93, %dma_start3A_94, %dma_start3A_95] : memref<2x2x128xi32, #tpu.memory_space<vmem>> -> memref<1x2x128xi32, #tpu.memory_space<vmem>>
          %dma_start3A_97 = tpu.memref_squeeze %dma_start3A_96 : memref<1x2x128xi32, #tpu.memory_space<vmem>> -> memref<2x128xi32, #tpu.memory_space<vmem>>
          %dma_start3A_98 = arith.constant 0 : i32
          %dma_start3A_99 = tpu.memref_slice %arg2[%dma_start3A_98, %mul3A_92] : memref<2x320000xi32, #tpu.memory_space<hbm>> -> memref<2x128xi32, #tpu.memory_space<hbm>>
          %dma_start3A_100 = arith.constant 0 : i32
          %dma_start3A_101 = arith.constant 0 : i32
          %dma_start3A_102 = tpu.memref_slice %arg6[%dma_start3A_93, %dma_start3A_100, %dma_start3A_101] : memref<2x2x128xi32, #tpu.memory_space<vmem>> -> memref<1x2x128xi32, #tpu.memory_space<vmem>>
          %dma_start3A_103 = tpu.memref_squeeze %dma_start3A_102 : memref<1x2x128xi32, #tpu.memory_space<vmem>> -> memref<2x128xi32, #tpu.memory_space<vmem>>
          %dma_start3A_104 = arith.constant 0 : i32
          %dma_start3A_105 = tpu.memref_slice %arg2[%dma_start3A_104, %mul3A_92] : memref<2x320000xi32, #tpu.memory_space<hbm>> -> memref<2x128xi32, #tpu.memory_space<hbm>>
          tpu.enqueue_dma source(%dma_start3A_105 : memref<2x128xi32, #tpu.memory_space<hbm>>) target(%dma_start3A_103 : memref<2x128xi32, #tpu.memory_space<vmem>>) target_semaphore(%arg9 : memref<!tpu.dma_semaphore, #tpu.memory_space<semaphore_mem>>)
        } else {
        }
      } else {
      }
      %add3A_45 = arith.constant 1 : i32
      %add3A_46 = arith.addi %mul3A_39, %add3A_45 : i32
      %lt3A_47 = arith.cmpi slt, %add3A_46, %min3A : i32
      %convert_element_type3A_48 = arith.extui %lt3A_47 : i1 to i32
      %cond3A_49 = arith.constant 0 : i32
      %cond3A_50 = arith.cmpi ne, %convert_element_type3A_48, %cond3A_49 : i32
      scf.if %cond3A_50 {
        %dma_wait3A = arith.constant 1 : i32
        %dma_wait3A_51 = arith.constant 0 : i32
        %dma_wait3A_52 = arith.constant 0 : i32
        %dma_wait3A_53 = tpu.memref_slice %arg6[%dma_wait3A, %dma_wait3A_51, %dma_wait3A_52] : memref<2x2x128xi32, #tpu.memory_space<vmem>> -> memref<1x2x128xi32, #tpu.memory_space<vmem>>
        %dma_wait3A_54 = tpu.memref_squeeze %dma_wait3A_53 : memref<1x2x128xi32, #tpu.memory_space<vmem>> -> memref<2x128xi32, #tpu.memory_space<vmem>>
        %dma_wait3A_55 = arith.constant 0 : i32
        %dma_wait3A_56 = arith.constant 0 : i32
        %dma_wait3A_57 = tpu.memref_slice %arg2[%dma_wait3A_55, %dma_wait3A_56] : memref<2x320000xi32, #tpu.memory_space<hbm>> -> memref<2x128xi32, #tpu.memory_space<hbm>>
        %dma_wait3A_58 = arith.constant 0 : i32
        %dma_wait3A_59 = arith.constant 0 : i32
        %dma_wait3A_60 = tpu.memref_slice %arg6[%dma_wait3A, %dma_wait3A_58, %dma_wait3A_59] : memref<2x2x128xi32, #tpu.memory_space<vmem>> -> memref<1x2x128xi32, #tpu.memory_space<vmem>>
        %dma_wait3A_61 = tpu.memref_squeeze %dma_wait3A_60 : memref<1x2x128xi32, #tpu.memory_space<vmem>> -> memref<2x128xi32, #tpu.memory_space<vmem>>
        %dma_wait3A_62 = arith.constant 0 : i32
        %dma_wait3A_63 = arith.constant 0 : i32
        %dma_wait3A_64 = tpu.memref_slice %arg2[%dma_wait3A_62, %dma_wait3A_63] : memref<2x320000xi32, #tpu.memory_space<hbm>> -> memref<2x128xi32, #tpu.memory_space<hbm>>
        tpu.wait_dma2 semaphore(%arg10 : memref<!tpu.dma_semaphore, #tpu.memory_space<semaphore_mem>>) src(%dma_wait3A_64 : memref<2x128xi32, #tpu.memory_space<hbm>>) dst(%dma_wait3A_61 : memref<2x128xi32, #tpu.memory_space<vmem>>)
        %dma_start3A = arith.constant 1 : i32
        %dma_start3A_65 = arith.constant 1 : i32
        %dma_start3A_66 = arith.constant 0 : i32
        %dma_start3A_67 = arith.constant 0 : i32
        %dma_start3A_68 = tpu.memref_slice %arg6[%dma_start3A, %dma_start3A_66, %dma_start3A_67] : memref<2x2x128xi32, #tpu.memory_space<vmem>> -> memref<1x2x128xi32, #tpu.memory_space<vmem>>
        %dma_start3A_69 = tpu.memref_squeeze %dma_start3A_68 : memref<1x2x128xi32, #tpu.memory_space<vmem>> -> memref<2x128xi32, #tpu.memory_space<vmem>>
        %dma_start3A_70 = arith.constant 0 : i32
        %dma_start3A_71 = tpu.memref_slice %dma_start3A_69[%dma_start3A_65, %dma_start3A_70] : memref<2x128xi32, #tpu.memory_space<vmem>> -> memref<1x128xi32, #tpu.memory_space<vmem>>
        %dma_start3A_72 = tpu.memref_squeeze %dma_start3A_71 : memref<1x128xi32, #tpu.memory_space<vmem>> -> memref<128xi32, #tpu.memory_space<vmem>>
        %dma_start3A_73 = arith.constant 0 : i32
        %dma_start3A_74 = arith.constant 0 : i32
        %dma_start3A_75 = tpu.memref_slice %arg8[%dma_start3A_73, %dma_start3A_74] : memref<10240x16xf32, #tpu.memory_space<vmem_shared>> -> memref<10240x16xf32, #tpu.memory_space<vmem_shared>>
        tpu.enqueue_indirect_dma source(%arg7 : memref<128x16xf32, #tpu.memory_space<vmem>>) target(%dma_start3A_75 : memref<10240x16xf32, #tpu.memory_space<vmem_shared>>) offsets(%dma_start3A_72 : memref<128xi32, #tpu.memory_space<vmem>>) semaphore(%arg12 : memref<!tpu.dma_semaphore, #tpu.memory_space<semaphore_mem>>) {add = true}
        %add3A_76 = arith.constant 2 : i32
        %add3A_77 = arith.addi %add3A_46, %add3A_76 : i32
        %lt3A_78 = arith.cmpi slt, %add3A_77, %min3A : i32
        %convert_element_type3A_79 = arith.extui %lt3A_78 : i1 to i32
        %cond3A_80 = arith.constant 0 : i32
        %cond3A_81 = arith.cmpi ne, %convert_element_type3A_79, %cond3A_80 : i32
        scf.if %cond3A_81 {
          %dma_wait3A_82 = arith.constant 0 : i32
          %dma_wait3A_83 = arith.constant 0 : i32
          %dma_wait3A_84 = tpu.memref_slice %arg8[%dma_wait3A_82, %dma_wait3A_83] : memref<10240x16xf32, #tpu.memory_space<vmem_shared>> -> memref<128x16xf32, #tpu.memory_space<vmem_shared>>
          %dma_wait3A_85 = arith.constant 0 : i32
          %dma_wait3A_86 = arith.constant 0 : i32
          %dma_wait3A_87 = tpu.memref_slice %arg8[%dma_wait3A_85, %dma_wait3A_86] : memref<10240x16xf32, #tpu.memory_space<vmem_shared>> -> memref<128x16xf32, #tpu.memory_space<vmem_shared>>
          tpu.wait_dma2 semaphore(%arg12 : memref<!tpu.dma_semaphore, #tpu.memory_space<semaphore_mem>>) src(%arg7 : memref<128x16xf32, #tpu.memory_space<vmem>>) dst(%dma_wait3A_87 : memref<128x16xf32, #tpu.memory_space<vmem_shared>>)
          %add3A_88 = arith.constant 2 : i32
          %add3A_89 = arith.addi %add3A_46, %add3A_88 : i32
          %add3A_90 = arith.addi %mul3A_2, %add3A_89 : i32
          %mul3A_91 = arith.constant 128 : i32
          %mul3A_92 = arith.muli %add3A_90, %mul3A_91 : i32
          %dma_start3A_93 = arith.constant 1 : i32
          %dma_start3A_94 = arith.constant 0 : i32
          %dma_start3A_95 = arith.constant 0 : i32
          %dma_start3A_96 = tpu.memref_slice %arg6[%dma_start3A_93, %dma_start3A_94, %dma_start3A_95] : memref<2x2x128xi32, #tpu.memory_space<vmem>> -> memref<1x2x128xi32, #tpu.memory_space<vmem>>
          %dma_start3A_97 = tpu.memref_squeeze %dma_start3A_96 : memref<1x2x128xi32, #tpu.memory_space<vmem>> -> memref<2x128xi32, #tpu.memory_space<vmem>>
          %dma_start3A_98 = arith.constant 0 : i32
          %dma_start3A_99 = tpu.memref_slice %arg2[%dma_start3A_98, %mul3A_92] : memref<2x320000xi32, #tpu.memory_space<hbm>> -> memref<2x128xi32, #tpu.memory_space<hbm>>
          %dma_start3A_100 = arith.constant 0 : i32
          %dma_start3A_101 = arith.constant 0 : i32
          %dma_start3A_102 = tpu.memref_slice %arg6[%dma_start3A_93, %dma_start3A_100, %dma_start3A_101] : memref<2x2x128xi32, #tpu.memory_space<vmem>> -> memref<1x2x128xi32, #tpu.memory_space<vmem>>
          %dma_start3A_103 = tpu.memref_squeeze %dma_start3A_102 : memref<1x2x128xi32, #tpu.memory_space<vmem>> -> memref<2x128xi32, #tpu.memory_space<vmem>>
          %dma_start3A_104 = arith.constant 0 : i32
          %dma_start3A_105 = tpu.memref_slice %arg2[%dma_start3A_104, %mul3A_92] : memref<2x320000xi32, #tpu.memory_space<hbm>> -> memref<2x128xi32, #tpu.memory_space<hbm>>
          tpu.enqueue_dma source(%dma_start3A_105 : memref<2x128xi32, #tpu.memory_space<hbm>>) target(%dma_start3A_103 : memref<2x128xi32, #tpu.memory_space<vmem>>) target_semaphore(%arg10 : memref<!tpu.dma_semaphore, #tpu.memory_space<semaphore_mem>>)
        } else {
        }
      } else {
      }
    }
    %scan3A_17 = arith.constant 40 : i32
    %min3A_18 = arith.constant 2 : i32
    %min3A_19 = arith.minsi %min3A, %min3A_18 : i32
    %gt3A_20 = arith.constant 0 : i32
    %gt3A_21 = arith.cmpi sgt, %min3A_19, %gt3A_20 : i32
    %convert_element_type3A_22 = arith.extui %gt3A_21 : i1 to i32
    %cond3A_23 = arith.constant 0 : i32
    %cond3A_24 = arith.cmpi ne, %convert_element_type3A_22, %cond3A_23 : i32
    scf.if %cond3A_24 {
      %dma_wait3A = arith.constant 0 : i32
      %dma_wait3A_37 = arith.constant 0 : i32
      %dma_wait3A_38 = tpu.memref_slice %arg8[%dma_wait3A, %dma_wait3A_37] : memref<10240x16xf32, #tpu.memory_space<vmem_shared>> -> memref<128x16xf32, #tpu.memory_space<vmem_shared>>
      %dma_wait3A_39 = arith.constant 0 : i32
      %dma_wait3A_40 = arith.constant 0 : i32
      %dma_wait3A_41 = tpu.memref_slice %arg8[%dma_wait3A_39, %dma_wait3A_40] : memref<10240x16xf32, #tpu.memory_space<vmem_shared>> -> memref<128x16xf32, #tpu.memory_space<vmem_shared>>
      tpu.wait_dma2 semaphore(%arg11 : memref<!tpu.dma_semaphore, #tpu.memory_space<semaphore_mem>>) src(%arg7 : memref<128x16xf32, #tpu.memory_space<vmem>>) dst(%dma_wait3A_41 : memref<128x16xf32, #tpu.memory_space<vmem_shared>>)
    } else {
    }
    %min3A_25 = arith.constant 2 : i32
    %min3A_26 = arith.minsi %min3A, %min3A_25 : i32
    %gt3A_27 = arith.constant 1 : i32
    %gt3A_28 = arith.cmpi sgt, %min3A_26, %gt3A_27 : i32
    %convert_element_type3A_29 = arith.extui %gt3A_28 : i1 to i32
    %cond3A_30 = arith.constant 0 : i32
    %cond3A_31 = arith.cmpi ne, %convert_element_type3A_29, %cond3A_30 : i32
    scf.if %cond3A_31 {
      %dma_wait3A = arith.constant 0 : i32
      %dma_wait3A_37 = arith.constant 0 : i32
      %dma_wait3A_38 = tpu.memref_slice %arg8[%dma_wait3A, %dma_wait3A_37] : memref<10240x16xf32, #tpu.memory_space<vmem_shared>> -> memref<128x16xf32, #tpu.memory_space<vmem_shared>>
      %dma_wait3A_39 = arith.constant 0 : i32
      %dma_wait3A_40 = arith.constant 0 : i32
      %dma_wait3A_41 = tpu.memref_slice %arg8[%dma_wait3A_39, %dma_wait3A_40] : memref<10240x16xf32, #tpu.memory_space<vmem_shared>> -> memref<128x16xf32, #tpu.memory_space<vmem_shared>>
      tpu.wait_dma2 semaphore(%arg12 : memref<!tpu.dma_semaphore, #tpu.memory_space<semaphore_mem>>) src(%arg7 : memref<128x16xf32, #tpu.memory_space<vmem>>) dst(%dma_wait3A_41 : memref<128x16xf32, #tpu.memory_space<vmem_shared>>)
    } else {
    }
    %barrier3A_32 = arith.constant 0 : index
    tpu.barrier barrier_id(%barrier3A_32)
    %mul3A_33 = arith.constant 640 : i32
    %mul3A_34 = arith.muli %arg1, %mul3A_33 : i32
    %mul3A_35 = arith.constant 640 : i32
    %mul3A_36 = arith.muli %arg1, %mul3A_35 : i32
    "tpu.region"() ({
      %run_scoped3A = tpu.sem_alloc : memref<!tpu.dma_semaphore, #tpu.memory_space<semaphore_mem>>
      %dma_start3A = arith.constant 0 : i32
      %dma_start3A_37 = tpu.memref_slice %arg5[%arg0, %mul3A_36, %dma_start3A] : memref<2x10240x16xf32, #tpu.memory_space<hbm>> -> memref<1x640x16xf32, #tpu.memory_space<hbm>>
      %dma_start3A_38 = tpu.memref_squeeze %dma_start3A_37 : memref<1x640x16xf32, #tpu.memory_space<hbm>> -> memref<640x16xf32, #tpu.memory_space<hbm>>
      %dma_start3A_39 = arith.constant 0 : i32
      %dma_start3A_40 = tpu.memref_slice %arg8[%mul3A_34, %dma_start3A_39] : memref<10240x16xf32, #tpu.memory_space<vmem_shared>> -> memref<640x16xf32, #tpu.memory_space<vmem_shared>>
      tpu.enqueue_dma source(%dma_start3A_40 : memref<640x16xf32, #tpu.memory_space<vmem_shared>>) target(%dma_start3A_38 : memref<640x16xf32, #tpu.memory_space<hbm>>) target_semaphore(%run_scoped3A : memref<!tpu.dma_semaphore, #tpu.memory_space<semaphore_mem>>)
      %dma_wait3A = arith.constant 0 : i32
      %dma_wait3A_41 = tpu.memref_slice %arg5[%arg0, %mul3A_36, %dma_wait3A] : memref<2x10240x16xf32, #tpu.memory_space<hbm>> -> memref<1x640x16xf32, #tpu.memory_space<hbm>>
      %dma_wait3A_42 = tpu.memref_squeeze %dma_wait3A_41 : memref<1x640x16xf32, #tpu.memory_space<hbm>> -> memref<640x16xf32, #tpu.memory_space<hbm>>
      %dma_wait3A_43 = arith.constant 0 : i32
      %dma_wait3A_44 = tpu.memref_slice %arg8[%mul3A_34, %dma_wait3A_43] : memref<10240x16xf32, #tpu.memory_space<vmem_shared>> -> memref<640x16xf32, #tpu.memory_space<vmem_shared>>
      tpu.wait_dma2 semaphore(%run_scoped3A : memref<!tpu.dma_semaphore, #tpu.memory_space<semaphore_mem>>) src(%dma_wait3A_44 : memref<640x16xf32, #tpu.memory_space<vmem_shared>>) dst(%dma_wait3A_42 : memref<640x16xf32, #tpu.memory_space<hbm>>)
      tpu.yield
    }) : () -> ()
    return
  }
}

#map = affine_map<(d0, d1) -> (0, 0, 0)>
#map1 = affine_map<(d0, d1) -> (0, 0)>
module attributes {stable_mosaic.version = 14 : i64} {
  func.func @agg(%arg0: i32, %arg1: i32, %arg2: memref<2x10240x64xf32, #tpu.memory_space<hbm>>, %arg3: memref<2x320000xi32, #tpu.memory_space<hbm>>, %arg4: memref<2x10240x64xf32, #tpu.memory_space<hbm>>, %arg5: memref<2x2x512xi32, #tpu.memory_space<vmem>>, %arg6: memref<2x512x64xf32, #tpu.memory_space<vmem>>, %arg7: memref<10240x64xf32, #tpu.memory_space<vmem_shared>>, %arg8: memref<!tpu.dma_semaphore, #tpu.memory_space<semaphore_mem>>, %arg9: memref<!tpu.dma_semaphore, #tpu.memory_space<semaphore_mem>>, %arg10: memref<!tpu.dma_semaphore, #tpu.memory_space<semaphore_mem>>, %arg11: memref<!tpu.dma_semaphore, #tpu.memory_space<semaphore_mem>>) attributes {dimension_semantics = [#tpu.dimension_semantics<core_parallel>, #tpu.dimension_semantics<subcore_parallel>], iteration_bounds = array<i64: 2, 16>, scalar_prefetch = 0 : i64, scratch_operands = 7 : i64, tpu.core_type = #tpu.core_type<sc_vector_subcore>, window_params = [{transform_indices = #map}, {transform_indices = #map1}, {transform_indices = #map}]} {
    %mul3A = arith.constant 40 : i32
    %mul3A_0 = arith.muli %arg1, %mul3A : i32
    %sub3A = arith.constant 625 : i32
    %sub3A_1 = arith.subi %sub3A, %mul3A_0 : i32
    %jit3A = arith.constant 0 : i32
    %jit3A_2 = arith.constant 40 : i32
    %max3A = arith.maxsi %jit3A, %sub3A_1 : i32
    %min3A = arith.minsi %jit3A_2, %max3A : i32
    %mul3A_3 = arith.constant 640 : i32
    %mul3A_4 = arith.muli %arg1, %mul3A_3 : i32
    "tpu.region"() ({
      %run_scoped3A = tpu.sem_alloc : memref<!tpu.dma_semaphore, #tpu.memory_space<semaphore_mem>>
      %dma_start3A = arith.constant 0 : i32
      %dma_start3A_31 = tpu.memref_slice %arg7[%mul3A_4, %dma_start3A] : memref<10240x64xf32, #tpu.memory_space<vmem_shared>> -> memref<640x64xf32, #tpu.memory_space<vmem_shared>>
      %dma_start3A_32 = arith.constant 0 : i32
      %dma_start3A_33 = tpu.memref_slice %arg2[%arg0, %mul3A_4, %dma_start3A_32] : memref<2x10240x64xf32, #tpu.memory_space<hbm>> -> memref<1x640x64xf32, #tpu.memory_space<hbm>>
      %dma_start3A_34 = tpu.memref_squeeze %dma_start3A_33 : memref<1x640x64xf32, #tpu.memory_space<hbm>> -> memref<640x64xf32, #tpu.memory_space<hbm>>
      tpu.enqueue_dma source(%dma_start3A_34 : memref<640x64xf32, #tpu.memory_space<hbm>>) target(%dma_start3A_31 : memref<640x64xf32, #tpu.memory_space<vmem_shared>>) target_semaphore(%run_scoped3A : memref<!tpu.dma_semaphore, #tpu.memory_space<semaphore_mem>>)
      %dma_wait3A = arith.constant 0 : i32
      %dma_wait3A_35 = tpu.memref_slice %arg7[%mul3A_4, %dma_wait3A] : memref<10240x64xf32, #tpu.memory_space<vmem_shared>> -> memref<640x64xf32, #tpu.memory_space<vmem_shared>>
      %dma_wait3A_36 = arith.constant 0 : i32
      %dma_wait3A_37 = tpu.memref_slice %arg2[%arg0, %mul3A_4, %dma_wait3A_36] : memref<2x10240x64xf32, #tpu.memory_space<hbm>> -> memref<1x640x64xf32, #tpu.memory_space<hbm>>
      %dma_wait3A_38 = tpu.memref_squeeze %dma_wait3A_37 : memref<1x640x64xf32, #tpu.memory_space<hbm>> -> memref<640x64xf32, #tpu.memory_space<hbm>>
      tpu.wait_dma2 semaphore(%run_scoped3A : memref<!tpu.dma_semaphore, #tpu.memory_space<semaphore_mem>>) src(%dma_wait3A_38 : memref<640x64xf32, #tpu.memory_space<hbm>>) dst(%dma_wait3A_35 : memref<640x64xf32, #tpu.memory_space<vmem_shared>>)
      tpu.yield
    }) : () -> ()
    %barrier3A = arith.constant 0 : index
    tpu.barrier barrier_id(%barrier3A)
    %gt3A = arith.constant 0 : i32
    %gt3A_5 = arith.cmpi sgt, %min3A, %gt3A : i32
    %convert_element_type3A = arith.extui %gt3A_5 : i1 to i32
    %cond3A = arith.constant 0 : i32
    %cond3A_6 = arith.cmpi ne, %convert_element_type3A, %cond3A : i32
    scf.if %cond3A_6 {
      %add3A = arith.constant 0 : i32
      %add3A_31 = arith.addi %mul3A_0, %add3A : i32
      %mul3A_32 = arith.constant 512 : i32
      %mul3A_33 = arith.muli %add3A_31, %mul3A_32 : i32
      %run_scoped3A = arith.constant 0 : i32
      "tpu.region"() ({
        %run_scoped3A_43 = tpu.sem_alloc : memref<!tpu.dma_semaphore, #tpu.memory_space<semaphore_mem>>
        %dma_start3A = arith.constant 0 : i32
        %dma_start3A_44 = arith.constant 0 : i32
        %dma_start3A_45 = tpu.memref_slice %arg5[%run_scoped3A, %dma_start3A, %dma_start3A_44] : memref<2x2x512xi32, #tpu.memory_space<vmem>> -> memref<1x2x512xi32, #tpu.memory_space<vmem>>
        %dma_start3A_46 = tpu.memref_squeeze %dma_start3A_45 : memref<1x2x512xi32, #tpu.memory_space<vmem>> -> memref<2x512xi32, #tpu.memory_space<vmem>>
        %dma_start3A_47 = arith.constant 0 : i32
        %dma_start3A_48 = tpu.memref_slice %arg3[%dma_start3A_47, %mul3A_33] : memref<2x320000xi32, #tpu.memory_space<hbm>> -> memref<2x512xi32, #tpu.memory_space<hbm>>
        %dma_start3A_49 = arith.constant 0 : i32
        %dma_start3A_50 = arith.constant 0 : i32
        %dma_start3A_51 = tpu.memref_slice %arg5[%run_scoped3A, %dma_start3A_49, %dma_start3A_50] : memref<2x2x512xi32, #tpu.memory_space<vmem>> -> memref<1x2x512xi32, #tpu.memory_space<vmem>>
        %dma_start3A_52 = tpu.memref_squeeze %dma_start3A_51 : memref<1x2x512xi32, #tpu.memory_space<vmem>> -> memref<2x512xi32, #tpu.memory_space<vmem>>
        %dma_start3A_53 = arith.constant 0 : i32
        %dma_start3A_54 = tpu.memref_slice %arg3[%dma_start3A_53, %mul3A_33] : memref<2x320000xi32, #tpu.memory_space<hbm>> -> memref<2x512xi32, #tpu.memory_space<hbm>>
        tpu.enqueue_dma source(%dma_start3A_54 : memref<2x512xi32, #tpu.memory_space<hbm>>) target(%dma_start3A_52 : memref<2x512xi32, #tpu.memory_space<vmem>>) target_semaphore(%run_scoped3A_43 : memref<!tpu.dma_semaphore, #tpu.memory_space<semaphore_mem>>)
        %dma_wait3A = arith.constant 0 : i32
        %dma_wait3A_55 = arith.constant 0 : i32
        %dma_wait3A_56 = tpu.memref_slice %arg5[%run_scoped3A, %dma_wait3A, %dma_wait3A_55] : memref<2x2x512xi32, #tpu.memory_space<vmem>> -> memref<1x2x512xi32, #tpu.memory_space<vmem>>
        %dma_wait3A_57 = tpu.memref_squeeze %dma_wait3A_56 : memref<1x2x512xi32, #tpu.memory_space<vmem>> -> memref<2x512xi32, #tpu.memory_space<vmem>>
        %dma_wait3A_58 = arith.constant 0 : i32
        %dma_wait3A_59 = tpu.memref_slice %arg3[%dma_wait3A_58, %mul3A_33] : memref<2x320000xi32, #tpu.memory_space<hbm>> -> memref<2x512xi32, #tpu.memory_space<hbm>>
        %dma_wait3A_60 = arith.constant 0 : i32
        %dma_wait3A_61 = arith.constant 0 : i32
        %dma_wait3A_62 = tpu.memref_slice %arg5[%run_scoped3A, %dma_wait3A_60, %dma_wait3A_61] : memref<2x2x512xi32, #tpu.memory_space<vmem>> -> memref<1x2x512xi32, #tpu.memory_space<vmem>>
        %dma_wait3A_63 = tpu.memref_squeeze %dma_wait3A_62 : memref<1x2x512xi32, #tpu.memory_space<vmem>> -> memref<2x512xi32, #tpu.memory_space<vmem>>
        %dma_wait3A_64 = arith.constant 0 : i32
        %dma_wait3A_65 = tpu.memref_slice %arg3[%dma_wait3A_64, %mul3A_33] : memref<2x320000xi32, #tpu.memory_space<hbm>> -> memref<2x512xi32, #tpu.memory_space<hbm>>
        tpu.wait_dma2 semaphore(%run_scoped3A_43 : memref<!tpu.dma_semaphore, #tpu.memory_space<semaphore_mem>>) src(%dma_wait3A_65 : memref<2x512xi32, #tpu.memory_space<hbm>>) dst(%dma_wait3A_63 : memref<2x512xi32, #tpu.memory_space<vmem>>)
        tpu.yield
      }) : () -> ()
      %eq3A = arith.constant 0 : i32
      %eq3A_34 = arith.cmpi eq, %arg0, %eq3A : i32
      %convert_element_type3A_35 = arith.extui %eq3A_34 : i1 to i32
      %cond3A_36 = arith.constant 0 : i32
      %cond3A_37 = arith.cmpi ne, %convert_element_type3A_35, %cond3A_36 : i32
      scf.if %cond3A_37 {
        %dma_start3A = arith.constant 0 : i32
        %dma_start3A_43 = arith.constant 0 : i32
        %dma_start3A_44 = arith.constant 0 : i32
        %dma_start3A_45 = arith.constant 0 : i32
        %dma_start3A_46 = arith.constant 0 : i32
        %dma_start3A_47 = arith.constant 0 : i32
        %dma_start3A_48 = tpu.memref_slice %arg6[%dma_start3A_45, %dma_start3A_46, %dma_start3A_47] : memref<2x512x64xf32, #tpu.memory_space<vmem>> -> memref<1x512x64xf32, #tpu.memory_space<vmem>>
        %dma_start3A_49 = tpu.memref_squeeze %dma_start3A_48 : memref<1x512x64xf32, #tpu.memory_space<vmem>> -> memref<512x64xf32, #tpu.memory_space<vmem>>
        %dma_start3A_50 = arith.constant 0 : i32
        %dma_start3A_51 = arith.constant 0 : i32
        %dma_start3A_52 = tpu.memref_slice %arg5[%dma_start3A_43, %dma_start3A_50, %dma_start3A_51] : memref<2x2x512xi32, #tpu.memory_space<vmem>> -> memref<1x2x512xi32, #tpu.memory_space<vmem>>
        %dma_start3A_53 = tpu.memref_squeeze %dma_start3A_52 : memref<1x2x512xi32, #tpu.memory_space<vmem>> -> memref<2x512xi32, #tpu.memory_space<vmem>>
        %dma_start3A_54 = arith.constant 0 : i32
        %dma_start3A_55 = tpu.memref_slice %dma_start3A_53[%dma_start3A_44, %dma_start3A_54] : memref<2x512xi32, #tpu.memory_space<vmem>> -> memref<1x512xi32, #tpu.memory_space<vmem>>
        %dma_start3A_56 = tpu.memref_squeeze %dma_start3A_55 : memref<1x512xi32, #tpu.memory_space<vmem>> -> memref<512xi32, #tpu.memory_space<vmem>>
        %dma_start3A_57 = arith.constant 0 : i32
        %dma_start3A_58 = arith.constant 0 : i32
        %dma_start3A_59 = tpu.memref_slice %arg2[%dma_start3A, %dma_start3A_57, %dma_start3A_58] : memref<2x10240x64xf32, #tpu.memory_space<hbm>> -> memref<1x10240x64xf32, #tpu.memory_space<hbm>>
        %dma_start3A_60 = tpu.memref_squeeze %dma_start3A_59 : memref<1x10240x64xf32, #tpu.memory_space<hbm>> -> memref<10240x64xf32, #tpu.memory_space<hbm>>
        %dma_start3A_61 = arith.constant 0 : i32
        %dma_start3A_62 = arith.constant 0 : i32
        %dma_start3A_63 = tpu.memref_slice %dma_start3A_60[%dma_start3A_61, %dma_start3A_62] : memref<10240x64xf32, #tpu.memory_space<hbm>> -> memref<10240x64xf32, #tpu.memory_space<hbm>>
        tpu.enqueue_indirect_dma source(%dma_start3A_63 : memref<10240x64xf32, #tpu.memory_space<hbm>>) target(%dma_start3A_49 : memref<512x64xf32, #tpu.memory_space<vmem>>) offsets(%dma_start3A_56 : memref<512xi32, #tpu.memory_space<vmem>>) semaphore(%arg8 : memref<!tpu.dma_semaphore, #tpu.memory_space<semaphore_mem>>)
      } else {
      }
      %eq3A_38 = arith.constant 1 : i32
      %eq3A_39 = arith.cmpi eq, %arg0, %eq3A_38 : i32
      %convert_element_type3A_40 = arith.extui %eq3A_39 : i1 to i32
      %cond3A_41 = arith.constant 0 : i32
      %cond3A_42 = arith.cmpi ne, %convert_element_type3A_40, %cond3A_41 : i32
      scf.if %cond3A_42 {
        %dma_start3A = arith.constant 1 : i32
        %dma_start3A_43 = arith.constant 0 : i32
        %dma_start3A_44 = arith.constant 0 : i32
        %dma_start3A_45 = arith.constant 0 : i32
        %dma_start3A_46 = arith.constant 0 : i32
        %dma_start3A_47 = arith.constant 0 : i32
        %dma_start3A_48 = tpu.memref_slice %arg6[%dma_start3A_45, %dma_start3A_46, %dma_start3A_47] : memref<2x512x64xf32, #tpu.memory_space<vmem>> -> memref<1x512x64xf32, #tpu.memory_space<vmem>>
        %dma_start3A_49 = tpu.memref_squeeze %dma_start3A_48 : memref<1x512x64xf32, #tpu.memory_space<vmem>> -> memref<512x64xf32, #tpu.memory_space<vmem>>
        %dma_start3A_50 = arith.constant 0 : i32
        %dma_start3A_51 = arith.constant 0 : i32
        %dma_start3A_52 = tpu.memref_slice %arg5[%dma_start3A_43, %dma_start3A_50, %dma_start3A_51] : memref<2x2x512xi32, #tpu.memory_space<vmem>> -> memref<1x2x512xi32, #tpu.memory_space<vmem>>
        %dma_start3A_53 = tpu.memref_squeeze %dma_start3A_52 : memref<1x2x512xi32, #tpu.memory_space<vmem>> -> memref<2x512xi32, #tpu.memory_space<vmem>>
        %dma_start3A_54 = arith.constant 0 : i32
        %dma_start3A_55 = tpu.memref_slice %dma_start3A_53[%dma_start3A_44, %dma_start3A_54] : memref<2x512xi32, #tpu.memory_space<vmem>> -> memref<1x512xi32, #tpu.memory_space<vmem>>
        %dma_start3A_56 = tpu.memref_squeeze %dma_start3A_55 : memref<1x512xi32, #tpu.memory_space<vmem>> -> memref<512xi32, #tpu.memory_space<vmem>>
        %dma_start3A_57 = arith.constant 0 : i32
        %dma_start3A_58 = arith.constant 0 : i32
        %dma_start3A_59 = tpu.memref_slice %arg2[%dma_start3A, %dma_start3A_57, %dma_start3A_58] : memref<2x10240x64xf32, #tpu.memory_space<hbm>> -> memref<1x10240x64xf32, #tpu.memory_space<hbm>>
        %dma_start3A_60 = tpu.memref_squeeze %dma_start3A_59 : memref<1x10240x64xf32, #tpu.memory_space<hbm>> -> memref<10240x64xf32, #tpu.memory_space<hbm>>
        %dma_start3A_61 = arith.constant 0 : i32
        %dma_start3A_62 = arith.constant 0 : i32
        %dma_start3A_63 = tpu.memref_slice %dma_start3A_60[%dma_start3A_61, %dma_start3A_62] : memref<10240x64xf32, #tpu.memory_space<hbm>> -> memref<10240x64xf32, #tpu.memory_space<hbm>>
        tpu.enqueue_indirect_dma source(%dma_start3A_63 : memref<10240x64xf32, #tpu.memory_space<hbm>>) target(%dma_start3A_49 : memref<512x64xf32, #tpu.memory_space<vmem>>) offsets(%dma_start3A_56 : memref<512xi32, #tpu.memory_space<vmem>>) semaphore(%arg8 : memref<!tpu.dma_semaphore, #tpu.memory_space<semaphore_mem>>)
      } else {
      }
    } else {
    }
    %gt3A_7 = arith.constant 1 : i32
    %gt3A_8 = arith.cmpi sgt, %min3A, %gt3A_7 : i32
    %convert_element_type3A_9 = arith.extui %gt3A_8 : i1 to i32
    %cond3A_10 = arith.constant 0 : i32
    %cond3A_11 = arith.cmpi ne, %convert_element_type3A_9, %cond3A_10 : i32
    scf.if %cond3A_11 {
      %add3A = arith.constant 1 : i32
      %add3A_31 = arith.addi %mul3A_0, %add3A : i32
      %mul3A_32 = arith.constant 512 : i32
      %mul3A_33 = arith.muli %add3A_31, %mul3A_32 : i32
      %run_scoped3A = arith.constant 1 : i32
      "tpu.region"() ({
        %run_scoped3A_43 = tpu.sem_alloc : memref<!tpu.dma_semaphore, #tpu.memory_space<semaphore_mem>>
        %dma_start3A = arith.constant 0 : i32
        %dma_start3A_44 = arith.constant 0 : i32
        %dma_start3A_45 = tpu.memref_slice %arg5[%run_scoped3A, %dma_start3A, %dma_start3A_44] : memref<2x2x512xi32, #tpu.memory_space<vmem>> -> memref<1x2x512xi32, #tpu.memory_space<vmem>>
        %dma_start3A_46 = tpu.memref_squeeze %dma_start3A_45 : memref<1x2x512xi32, #tpu.memory_space<vmem>> -> memref<2x512xi32, #tpu.memory_space<vmem>>
        %dma_start3A_47 = arith.constant 0 : i32
        %dma_start3A_48 = tpu.memref_slice %arg3[%dma_start3A_47, %mul3A_33] : memref<2x320000xi32, #tpu.memory_space<hbm>> -> memref<2x512xi32, #tpu.memory_space<hbm>>
        %dma_start3A_49 = arith.constant 0 : i32
        %dma_start3A_50 = arith.constant 0 : i32
        %dma_start3A_51 = tpu.memref_slice %arg5[%run_scoped3A, %dma_start3A_49, %dma_start3A_50] : memref<2x2x512xi32, #tpu.memory_space<vmem>> -> memref<1x2x512xi32, #tpu.memory_space<vmem>>
        %dma_start3A_52 = tpu.memref_squeeze %dma_start3A_51 : memref<1x2x512xi32, #tpu.memory_space<vmem>> -> memref<2x512xi32, #tpu.memory_space<vmem>>
        %dma_start3A_53 = arith.constant 0 : i32
        %dma_start3A_54 = tpu.memref_slice %arg3[%dma_start3A_53, %mul3A_33] : memref<2x320000xi32, #tpu.memory_space<hbm>> -> memref<2x512xi32, #tpu.memory_space<hbm>>
        tpu.enqueue_dma source(%dma_start3A_54 : memref<2x512xi32, #tpu.memory_space<hbm>>) target(%dma_start3A_52 : memref<2x512xi32, #tpu.memory_space<vmem>>) target_semaphore(%run_scoped3A_43 : memref<!tpu.dma_semaphore, #tpu.memory_space<semaphore_mem>>)
        %dma_wait3A = arith.constant 0 : i32
        %dma_wait3A_55 = arith.constant 0 : i32
        %dma_wait3A_56 = tpu.memref_slice %arg5[%run_scoped3A, %dma_wait3A, %dma_wait3A_55] : memref<2x2x512xi32, #tpu.memory_space<vmem>> -> memref<1x2x512xi32, #tpu.memory_space<vmem>>
        %dma_wait3A_57 = tpu.memref_squeeze %dma_wait3A_56 : memref<1x2x512xi32, #tpu.memory_space<vmem>> -> memref<2x512xi32, #tpu.memory_space<vmem>>
        %dma_wait3A_58 = arith.constant 0 : i32
        %dma_wait3A_59 = tpu.memref_slice %arg3[%dma_wait3A_58, %mul3A_33] : memref<2x320000xi32, #tpu.memory_space<hbm>> -> memref<2x512xi32, #tpu.memory_space<hbm>>
        %dma_wait3A_60 = arith.constant 0 : i32
        %dma_wait3A_61 = arith.constant 0 : i32
        %dma_wait3A_62 = tpu.memref_slice %arg5[%run_scoped3A, %dma_wait3A_60, %dma_wait3A_61] : memref<2x2x512xi32, #tpu.memory_space<vmem>> -> memref<1x2x512xi32, #tpu.memory_space<vmem>>
        %dma_wait3A_63 = tpu.memref_squeeze %dma_wait3A_62 : memref<1x2x512xi32, #tpu.memory_space<vmem>> -> memref<2x512xi32, #tpu.memory_space<vmem>>
        %dma_wait3A_64 = arith.constant 0 : i32
        %dma_wait3A_65 = tpu.memref_slice %arg3[%dma_wait3A_64, %mul3A_33] : memref<2x320000xi32, #tpu.memory_space<hbm>> -> memref<2x512xi32, #tpu.memory_space<hbm>>
        tpu.wait_dma2 semaphore(%run_scoped3A_43 : memref<!tpu.dma_semaphore, #tpu.memory_space<semaphore_mem>>) src(%dma_wait3A_65 : memref<2x512xi32, #tpu.memory_space<hbm>>) dst(%dma_wait3A_63 : memref<2x512xi32, #tpu.memory_space<vmem>>)
        tpu.yield
      }) : () -> ()
      %eq3A = arith.constant 0 : i32
      %eq3A_34 = arith.cmpi eq, %arg0, %eq3A : i32
      %convert_element_type3A_35 = arith.extui %eq3A_34 : i1 to i32
      %cond3A_36 = arith.constant 0 : i32
      %cond3A_37 = arith.cmpi ne, %convert_element_type3A_35, %cond3A_36 : i32
      scf.if %cond3A_37 {
        %dma_start3A = arith.constant 0 : i32
        %dma_start3A_43 = arith.constant 1 : i32
        %dma_start3A_44 = arith.constant 0 : i32
        %dma_start3A_45 = arith.constant 1 : i32
        %dma_start3A_46 = arith.constant 0 : i32
        %dma_start3A_47 = arith.constant 0 : i32
        %dma_start3A_48 = tpu.memref_slice %arg6[%dma_start3A_45, %dma_start3A_46, %dma_start3A_47] : memref<2x512x64xf32, #tpu.memory_space<vmem>> -> memref<1x512x64xf32, #tpu.memory_space<vmem>>
        %dma_start3A_49 = tpu.memref_squeeze %dma_start3A_48 : memref<1x512x64xf32, #tpu.memory_space<vmem>> -> memref<512x64xf32, #tpu.memory_space<vmem>>
        %dma_start3A_50 = arith.constant 0 : i32
        %dma_start3A_51 = arith.constant 0 : i32
        %dma_start3A_52 = tpu.memref_slice %arg5[%dma_start3A_43, %dma_start3A_50, %dma_start3A_51] : memref<2x2x512xi32, #tpu.memory_space<vmem>> -> memref<1x2x512xi32, #tpu.memory_space<vmem>>
        %dma_start3A_53 = tpu.memref_squeeze %dma_start3A_52 : memref<1x2x512xi32, #tpu.memory_space<vmem>> -> memref<2x512xi32, #tpu.memory_space<vmem>>
        %dma_start3A_54 = arith.constant 0 : i32
        %dma_start3A_55 = tpu.memref_slice %dma_start3A_53[%dma_start3A_44, %dma_start3A_54] : memref<2x512xi32, #tpu.memory_space<vmem>> -> memref<1x512xi32, #tpu.memory_space<vmem>>
        %dma_start3A_56 = tpu.memref_squeeze %dma_start3A_55 : memref<1x512xi32, #tpu.memory_space<vmem>> -> memref<512xi32, #tpu.memory_space<vmem>>
        %dma_start3A_57 = arith.constant 0 : i32
        %dma_start3A_58 = arith.constant 0 : i32
        %dma_start3A_59 = tpu.memref_slice %arg2[%dma_start3A, %dma_start3A_57, %dma_start3A_58] : memref<2x10240x64xf32, #tpu.memory_space<hbm>> -> memref<1x10240x64xf32, #tpu.memory_space<hbm>>
        %dma_start3A_60 = tpu.memref_squeeze %dma_start3A_59 : memref<1x10240x64xf32, #tpu.memory_space<hbm>> -> memref<10240x64xf32, #tpu.memory_space<hbm>>
        %dma_start3A_61 = arith.constant 0 : i32
        %dma_start3A_62 = arith.constant 0 : i32
        %dma_start3A_63 = tpu.memref_slice %dma_start3A_60[%dma_start3A_61, %dma_start3A_62] : memref<10240x64xf32, #tpu.memory_space<hbm>> -> memref<10240x64xf32, #tpu.memory_space<hbm>>
        tpu.enqueue_indirect_dma source(%dma_start3A_63 : memref<10240x64xf32, #tpu.memory_space<hbm>>) target(%dma_start3A_49 : memref<512x64xf32, #tpu.memory_space<vmem>>) offsets(%dma_start3A_56 : memref<512xi32, #tpu.memory_space<vmem>>) semaphore(%arg9 : memref<!tpu.dma_semaphore, #tpu.memory_space<semaphore_mem>>)
      } else {
      }
      %eq3A_38 = arith.constant 1 : i32
      %eq3A_39 = arith.cmpi eq, %arg0, %eq3A_38 : i32
      %convert_element_type3A_40 = arith.extui %eq3A_39 : i1 to i32
      %cond3A_41 = arith.constant 0 : i32
      %cond3A_42 = arith.cmpi ne, %convert_element_type3A_40, %cond3A_41 : i32
      scf.if %cond3A_42 {
        %dma_start3A = arith.constant 1 : i32
        %dma_start3A_43 = arith.constant 1 : i32
        %dma_start3A_44 = arith.constant 0 : i32
        %dma_start3A_45 = arith.constant 1 : i32
        %dma_start3A_46 = arith.constant 0 : i32
        %dma_start3A_47 = arith.constant 0 : i32
        %dma_start3A_48 = tpu.memref_slice %arg6[%dma_start3A_45, %dma_start3A_46, %dma_start3A_47] : memref<2x512x64xf32, #tpu.memory_space<vmem>> -> memref<1x512x64xf32, #tpu.memory_space<vmem>>
        %dma_start3A_49 = tpu.memref_squeeze %dma_start3A_48 : memref<1x512x64xf32, #tpu.memory_space<vmem>> -> memref<512x64xf32, #tpu.memory_space<vmem>>
        %dma_start3A_50 = arith.constant 0 : i32
        %dma_start3A_51 = arith.constant 0 : i32
        %dma_start3A_52 = tpu.memref_slice %arg5[%dma_start3A_43, %dma_start3A_50, %dma_start3A_51] : memref<2x2x512xi32, #tpu.memory_space<vmem>> -> memref<1x2x512xi32, #tpu.memory_space<vmem>>
        %dma_start3A_53 = tpu.memref_squeeze %dma_start3A_52 : memref<1x2x512xi32, #tpu.memory_space<vmem>> -> memref<2x512xi32, #tpu.memory_space<vmem>>
        %dma_start3A_54 = arith.constant 0 : i32
        %dma_start3A_55 = tpu.memref_slice %dma_start3A_53[%dma_start3A_44, %dma_start3A_54] : memref<2x512xi32, #tpu.memory_space<vmem>> -> memref<1x512xi32, #tpu.memory_space<vmem>>
        %dma_start3A_56 = tpu.memref_squeeze %dma_start3A_55 : memref<1x512xi32, #tpu.memory_space<vmem>> -> memref<512xi32, #tpu.memory_space<vmem>>
        %dma_start3A_57 = arith.constant 0 : i32
        %dma_start3A_58 = arith.constant 0 : i32
        %dma_start3A_59 = tpu.memref_slice %arg2[%dma_start3A, %dma_start3A_57, %dma_start3A_58] : memref<2x10240x64xf32, #tpu.memory_space<hbm>> -> memref<1x10240x64xf32, #tpu.memory_space<hbm>>
        %dma_start3A_60 = tpu.memref_squeeze %dma_start3A_59 : memref<1x10240x64xf32, #tpu.memory_space<hbm>> -> memref<10240x64xf32, #tpu.memory_space<hbm>>
        %dma_start3A_61 = arith.constant 0 : i32
        %dma_start3A_62 = arith.constant 0 : i32
        %dma_start3A_63 = tpu.memref_slice %dma_start3A_60[%dma_start3A_61, %dma_start3A_62] : memref<10240x64xf32, #tpu.memory_space<hbm>> -> memref<10240x64xf32, #tpu.memory_space<hbm>>
        tpu.enqueue_indirect_dma source(%dma_start3A_63 : memref<10240x64xf32, #tpu.memory_space<hbm>>) target(%dma_start3A_49 : memref<512x64xf32, #tpu.memory_space<vmem>>) offsets(%dma_start3A_56 : memref<512xi32, #tpu.memory_space<vmem>>) semaphore(%arg9 : memref<!tpu.dma_semaphore, #tpu.memory_space<semaphore_mem>>)
      } else {
      }
    } else {
    }
    %scan3A = arith.constant 0 : i32
    %scan3A_12 = arith.constant 20 : i32
    %scan3A_13 = arith.addi %scan3A, %scan3A_12 : i32
    %scan3A_14 = arith.constant 1 : i32
    scf.for %scan3A_31 = %scan3A to %scan3A_13 step %scan3A_14  : i32 {
      %mul3A_32 = arith.constant 2 : i32
      %mul3A_33 = arith.muli %scan3A_31, %mul3A_32 : i32
      %add3A = arith.constant 0 : i32
      %add3A_34 = arith.addi %mul3A_33, %add3A : i32
      %lt3A = arith.cmpi slt, %add3A_34, %min3A : i32
      %convert_element_type3A_35 = arith.extui %lt3A : i1 to i32
      %cond3A_36 = arith.constant 0 : i32
      %cond3A_37 = arith.cmpi ne, %convert_element_type3A_35, %cond3A_36 : i32
      scf.if %cond3A_37 {
        %dma_wait3A = arith.constant 0 : i32
        %dma_wait3A_44 = arith.constant 0 : i32
        %dma_wait3A_45 = arith.constant 0 : i32
        %dma_wait3A_46 = arith.constant 0 : i32
        %dma_wait3A_47 = tpu.memref_slice %arg6[%dma_wait3A_44, %dma_wait3A_45, %dma_wait3A_46] : memref<2x512x64xf32, #tpu.memory_space<vmem>> -> memref<1x512x64xf32, #tpu.memory_space<vmem>>
        %dma_wait3A_48 = tpu.memref_squeeze %dma_wait3A_47 : memref<1x512x64xf32, #tpu.memory_space<vmem>> -> memref<512x64xf32, #tpu.memory_space<vmem>>
        %dma_wait3A_49 = arith.constant 0 : i32
        %dma_wait3A_50 = arith.constant 0 : i32
        %dma_wait3A_51 = tpu.memref_slice %arg2[%dma_wait3A, %dma_wait3A_49, %dma_wait3A_50] : memref<2x10240x64xf32, #tpu.memory_space<hbm>> -> memref<1x10240x64xf32, #tpu.memory_space<hbm>>
        %dma_wait3A_52 = tpu.memref_squeeze %dma_wait3A_51 : memref<1x10240x64xf32, #tpu.memory_space<hbm>> -> memref<10240x64xf32, #tpu.memory_space<hbm>>
        %dma_wait3A_53 = arith.constant 0 : i32
        %dma_wait3A_54 = arith.constant 0 : i32
        %dma_wait3A_55 = tpu.memref_slice %dma_wait3A_52[%dma_wait3A_53, %dma_wait3A_54] : memref<10240x64xf32, #tpu.memory_space<hbm>> -> memref<512x64xf32, #tpu.memory_space<hbm>>
        %dma_wait3A_56 = arith.constant 0 : i32
        %dma_wait3A_57 = arith.constant 0 : i32
        %dma_wait3A_58 = tpu.memref_slice %arg6[%dma_wait3A_44, %dma_wait3A_56, %dma_wait3A_57] : memref<2x512x64xf32, #tpu.memory_space<vmem>> -> memref<1x512x64xf32, #tpu.memory_space<vmem>>
        %dma_wait3A_59 = tpu.memref_squeeze %dma_wait3A_58 : memref<1x512x64xf32, #tpu.memory_space<vmem>> -> memref<512x64xf32, #tpu.memory_space<vmem>>
        %dma_wait3A_60 = arith.constant 0 : i32
        %dma_wait3A_61 = arith.constant 0 : i32
        %dma_wait3A_62 = tpu.memref_slice %arg2[%dma_wait3A, %dma_wait3A_60, %dma_wait3A_61] : memref<2x10240x64xf32, #tpu.memory_space<hbm>> -> memref<1x10240x64xf32, #tpu.memory_space<hbm>>
        %dma_wait3A_63 = tpu.memref_squeeze %dma_wait3A_62 : memref<1x10240x64xf32, #tpu.memory_space<hbm>> -> memref<10240x64xf32, #tpu.memory_space<hbm>>
        %dma_wait3A_64 = arith.constant 0 : i32
        %dma_wait3A_65 = arith.constant 0 : i32
        %dma_wait3A_66 = tpu.memref_slice %dma_wait3A_63[%dma_wait3A_64, %dma_wait3A_65] : memref<10240x64xf32, #tpu.memory_space<hbm>> -> memref<512x64xf32, #tpu.memory_space<hbm>>
        tpu.wait_dma2 semaphore(%arg8 : memref<!tpu.dma_semaphore, #tpu.memory_space<semaphore_mem>>) src(%dma_wait3A_66 : memref<512x64xf32, #tpu.memory_space<hbm>>) dst(%dma_wait3A_59 : memref<512x64xf32, #tpu.memory_space<vmem>>)
        %dma_start3A = arith.constant 0 : i32
        %dma_start3A_67 = arith.constant 0 : i32
        %dma_start3A_68 = arith.constant 1 : i32
        %dma_start3A_69 = arith.constant 0 : i32
        %dma_start3A_70 = arith.constant 0 : i32
        %dma_start3A_71 = tpu.memref_slice %arg6[%dma_start3A, %dma_start3A_69, %dma_start3A_70] : memref<2x512x64xf32, #tpu.memory_space<vmem>> -> memref<1x512x64xf32, #tpu.memory_space<vmem>>
        %dma_start3A_72 = tpu.memref_squeeze %dma_start3A_71 : memref<1x512x64xf32, #tpu.memory_space<vmem>> -> memref<512x64xf32, #tpu.memory_space<vmem>>
        %dma_start3A_73 = arith.constant 0 : i32
        %dma_start3A_74 = arith.constant 0 : i32
        %dma_start3A_75 = tpu.memref_slice %arg5[%dma_start3A_67, %dma_start3A_73, %dma_start3A_74] : memref<2x2x512xi32, #tpu.memory_space<vmem>> -> memref<1x2x512xi32, #tpu.memory_space<vmem>>
        %dma_start3A_76 = tpu.memref_squeeze %dma_start3A_75 : memref<1x2x512xi32, #tpu.memory_space<vmem>> -> memref<2x512xi32, #tpu.memory_space<vmem>>
        %dma_start3A_77 = arith.constant 0 : i32
        %dma_start3A_78 = tpu.memref_slice %dma_start3A_76[%dma_start3A_68, %dma_start3A_77] : memref<2x512xi32, #tpu.memory_space<vmem>> -> memref<1x512xi32, #tpu.memory_space<vmem>>
        %dma_start3A_79 = tpu.memref_squeeze %dma_start3A_78 : memref<1x512xi32, #tpu.memory_space<vmem>> -> memref<512xi32, #tpu.memory_space<vmem>>
        %dma_start3A_80 = arith.constant 0 : i32
        %dma_start3A_81 = arith.constant 0 : i32
        %dma_start3A_82 = tpu.memref_slice %arg7[%dma_start3A_80, %dma_start3A_81] : memref<10240x64xf32, #tpu.memory_space<vmem_shared>> -> memref<10240x64xf32, #tpu.memory_space<vmem_shared>>
        tpu.enqueue_indirect_dma source(%dma_start3A_72 : memref<512x64xf32, #tpu.memory_space<vmem>>) target(%dma_start3A_82 : memref<10240x64xf32, #tpu.memory_space<vmem_shared>>) offsets(%dma_start3A_79 : memref<512xi32, #tpu.memory_space<vmem>>) semaphore(%arg10 : memref<!tpu.dma_semaphore, #tpu.memory_space<semaphore_mem>>) {add = true}
        %add3A_83 = arith.constant 2 : i32
        %add3A_84 = arith.addi %add3A_34, %add3A_83 : i32
        %lt3A_85 = arith.cmpi slt, %add3A_84, %min3A : i32
        %convert_element_type3A_86 = arith.extui %lt3A_85 : i1 to i32
        %cond3A_87 = arith.constant 0 : i32
        %cond3A_88 = arith.cmpi ne, %convert_element_type3A_86, %cond3A_87 : i32
        scf.if %cond3A_88 {
          %dma_wait3A_89 = arith.constant 0 : i32
          %dma_wait3A_90 = arith.constant 0 : i32
          %dma_wait3A_91 = arith.constant 0 : i32
          %dma_wait3A_92 = tpu.memref_slice %arg6[%dma_wait3A_89, %dma_wait3A_90, %dma_wait3A_91] : memref<2x512x64xf32, #tpu.memory_space<vmem>> -> memref<1x512x64xf32, #tpu.memory_space<vmem>>
          %dma_wait3A_93 = tpu.memref_squeeze %dma_wait3A_92 : memref<1x512x64xf32, #tpu.memory_space<vmem>> -> memref<512x64xf32, #tpu.memory_space<vmem>>
          %dma_wait3A_94 = arith.constant 0 : i32
          %dma_wait3A_95 = arith.constant 0 : i32
          %dma_wait3A_96 = tpu.memref_slice %arg7[%dma_wait3A_94, %dma_wait3A_95] : memref<10240x64xf32, #tpu.memory_space<vmem_shared>> -> memref<512x64xf32, #tpu.memory_space<vmem_shared>>
          %dma_wait3A_97 = arith.constant 0 : i32
          %dma_wait3A_98 = arith.constant 0 : i32
          %dma_wait3A_99 = tpu.memref_slice %arg7[%dma_wait3A_97, %dma_wait3A_98] : memref<10240x64xf32, #tpu.memory_space<vmem_shared>> -> memref<512x64xf32, #tpu.memory_space<vmem_shared>>
          %dma_wait3A_100 = arith.constant 0 : i32
          %dma_wait3A_101 = arith.constant 0 : i32
          %dma_wait3A_102 = tpu.memref_slice %arg6[%dma_wait3A_89, %dma_wait3A_100, %dma_wait3A_101] : memref<2x512x64xf32, #tpu.memory_space<vmem>> -> memref<1x512x64xf32, #tpu.memory_space<vmem>>
          %dma_wait3A_103 = tpu.memref_squeeze %dma_wait3A_102 : memref<1x512x64xf32, #tpu.memory_space<vmem>> -> memref<512x64xf32, #tpu.memory_space<vmem>>
          tpu.wait_dma2 semaphore(%arg10 : memref<!tpu.dma_semaphore, #tpu.memory_space<semaphore_mem>>) src(%dma_wait3A_103 : memref<512x64xf32, #tpu.memory_space<vmem>>) dst(%dma_wait3A_99 : memref<512x64xf32, #tpu.memory_space<vmem_shared>>)
          %add3A_104 = arith.constant 2 : i32
          %add3A_105 = arith.addi %add3A_34, %add3A_104 : i32
          %add3A_106 = arith.addi %mul3A_0, %add3A_105 : i32
          %mul3A_107 = arith.constant 512 : i32
          %mul3A_108 = arith.muli %add3A_106, %mul3A_107 : i32
          %run_scoped3A = arith.constant 0 : i32
          "tpu.region"() ({
            %run_scoped3A_118 = tpu.sem_alloc : memref<!tpu.dma_semaphore, #tpu.memory_space<semaphore_mem>>
            %dma_start3A_119 = arith.constant 0 : i32
            %dma_start3A_120 = arith.constant 0 : i32
            %dma_start3A_121 = tpu.memref_slice %arg5[%run_scoped3A, %dma_start3A_119, %dma_start3A_120] : memref<2x2x512xi32, #tpu.memory_space<vmem>> -> memref<1x2x512xi32, #tpu.memory_space<vmem>>
            %dma_start3A_122 = tpu.memref_squeeze %dma_start3A_121 : memref<1x2x512xi32, #tpu.memory_space<vmem>> -> memref<2x512xi32, #tpu.memory_space<vmem>>
            %dma_start3A_123 = arith.constant 0 : i32
            %dma_start3A_124 = tpu.memref_slice %arg3[%dma_start3A_123, %mul3A_108] : memref<2x320000xi32, #tpu.memory_space<hbm>> -> memref<2x512xi32, #tpu.memory_space<hbm>>
            %dma_start3A_125 = arith.constant 0 : i32
            %dma_start3A_126 = arith.constant 0 : i32
            %dma_start3A_127 = tpu.memref_slice %arg5[%run_scoped3A, %dma_start3A_125, %dma_start3A_126] : memref<2x2x512xi32, #tpu.memory_space<vmem>> -> memref<1x2x512xi32, #tpu.memory_space<vmem>>
            %dma_start3A_128 = tpu.memref_squeeze %dma_start3A_127 : memref<1x2x512xi32, #tpu.memory_space<vmem>> -> memref<2x512xi32, #tpu.memory_space<vmem>>
            %dma_start3A_129 = arith.constant 0 : i32
            %dma_start3A_130 = tpu.memref_slice %arg3[%dma_start3A_129, %mul3A_108] : memref<2x320000xi32, #tpu.memory_space<hbm>> -> memref<2x512xi32, #tpu.memory_space<hbm>>
            tpu.enqueue_dma source(%dma_start3A_130 : memref<2x512xi32, #tpu.memory_space<hbm>>) target(%dma_start3A_128 : memref<2x512xi32, #tpu.memory_space<vmem>>) target_semaphore(%run_scoped3A_118 : memref<!tpu.dma_semaphore, #tpu.memory_space<semaphore_mem>>)
            %dma_wait3A_131 = arith.constant 0 : i32
            %dma_wait3A_132 = arith.constant 0 : i32
            %dma_wait3A_133 = tpu.memref_slice %arg5[%run_scoped3A, %dma_wait3A_131, %dma_wait3A_132] : memref<2x2x512xi32, #tpu.memory_space<vmem>> -> memref<1x2x512xi32, #tpu.memory_space<vmem>>
            %dma_wait3A_134 = tpu.memref_squeeze %dma_wait3A_133 : memref<1x2x512xi32, #tpu.memory_space<vmem>> -> memref<2x512xi32, #tpu.memory_space<vmem>>
            %dma_wait3A_135 = arith.constant 0 : i32
            %dma_wait3A_136 = tpu.memref_slice %arg3[%dma_wait3A_135, %mul3A_108] : memref<2x320000xi32, #tpu.memory_space<hbm>> -> memref<2x512xi32, #tpu.memory_space<hbm>>
            %dma_wait3A_137 = arith.constant 0 : i32
            %dma_wait3A_138 = arith.constant 0 : i32
            %dma_wait3A_139 = tpu.memref_slice %arg5[%run_scoped3A, %dma_wait3A_137, %dma_wait3A_138] : memref<2x2x512xi32, #tpu.memory_space<vmem>> -> memref<1x2x512xi32, #tpu.memory_space<vmem>>
            %dma_wait3A_140 = tpu.memref_squeeze %dma_wait3A_139 : memref<1x2x512xi32, #tpu.memory_space<vmem>> -> memref<2x512xi32, #tpu.memory_space<vmem>>
            %dma_wait3A_141 = arith.constant 0 : i32
            %dma_wait3A_142 = tpu.memref_slice %arg3[%dma_wait3A_141, %mul3A_108] : memref<2x320000xi32, #tpu.memory_space<hbm>> -> memref<2x512xi32, #tpu.memory_space<hbm>>
            tpu.wait_dma2 semaphore(%run_scoped3A_118 : memref<!tpu.dma_semaphore, #tpu.memory_space<semaphore_mem>>) src(%dma_wait3A_142 : memref<2x512xi32, #tpu.memory_space<hbm>>) dst(%dma_wait3A_140 : memref<2x512xi32, #tpu.memory_space<vmem>>)
            tpu.yield
          }) : () -> ()
          %eq3A = arith.constant 0 : i32
          %eq3A_109 = arith.cmpi eq, %arg0, %eq3A : i32
          %convert_element_type3A_110 = arith.extui %eq3A_109 : i1 to i32
          %cond3A_111 = arith.constant 0 : i32
          %cond3A_112 = arith.cmpi ne, %convert_element_type3A_110, %cond3A_111 : i32
          scf.if %cond3A_112 {
            %dma_start3A_118 = arith.constant 0 : i32
            %dma_start3A_119 = arith.constant 0 : i32
            %dma_start3A_120 = arith.constant 0 : i32
            %dma_start3A_121 = arith.constant 0 : i32
            %dma_start3A_122 = arith.constant 0 : i32
            %dma_start3A_123 = arith.constant 0 : i32
            %dma_start3A_124 = tpu.memref_slice %arg6[%dma_start3A_121, %dma_start3A_122, %dma_start3A_123] : memref<2x512x64xf32, #tpu.memory_space<vmem>> -> memref<1x512x64xf32, #tpu.memory_space<vmem>>
            %dma_start3A_125 = tpu.memref_squeeze %dma_start3A_124 : memref<1x512x64xf32, #tpu.memory_space<vmem>> -> memref<512x64xf32, #tpu.memory_space<vmem>>
            %dma_start3A_126 = arith.constant 0 : i32
            %dma_start3A_127 = arith.constant 0 : i32
            %dma_start3A_128 = tpu.memref_slice %arg5[%dma_start3A_119, %dma_start3A_126, %dma_start3A_127] : memref<2x2x512xi32, #tpu.memory_space<vmem>> -> memref<1x2x512xi32, #tpu.memory_space<vmem>>
            %dma_start3A_129 = tpu.memref_squeeze %dma_start3A_128 : memref<1x2x512xi32, #tpu.memory_space<vmem>> -> memref<2x512xi32, #tpu.memory_space<vmem>>
            %dma_start3A_130 = arith.constant 0 : i32
            %dma_start3A_131 = tpu.memref_slice %dma_start3A_129[%dma_start3A_120, %dma_start3A_130] : memref<2x512xi32, #tpu.memory_space<vmem>> -> memref<1x512xi32, #tpu.memory_space<vmem>>
            %dma_start3A_132 = tpu.memref_squeeze %dma_start3A_131 : memref<1x512xi32, #tpu.memory_space<vmem>> -> memref<512xi32, #tpu.memory_space<vmem>>
            %dma_start3A_133 = arith.constant 0 : i32
            %dma_start3A_134 = arith.constant 0 : i32
            %dma_start3A_135 = tpu.memref_slice %arg2[%dma_start3A_118, %dma_start3A_133, %dma_start3A_134] : memref<2x10240x64xf32, #tpu.memory_space<hbm>> -> memref<1x10240x64xf32, #tpu.memory_space<hbm>>
            %dma_start3A_136 = tpu.memref_squeeze %dma_start3A_135 : memref<1x10240x64xf32, #tpu.memory_space<hbm>> -> memref<10240x64xf32, #tpu.memory_space<hbm>>
            %dma_start3A_137 = arith.constant 0 : i32
            %dma_start3A_138 = arith.constant 0 : i32
            %dma_start3A_139 = tpu.memref_slice %dma_start3A_136[%dma_start3A_137, %dma_start3A_138] : memref<10240x64xf32, #tpu.memory_space<hbm>> -> memref<10240x64xf32, #tpu.memory_space<hbm>>
            tpu.enqueue_indirect_dma source(%dma_start3A_139 : memref<10240x64xf32, #tpu.memory_space<hbm>>) target(%dma_start3A_125 : memref<512x64xf32, #tpu.memory_space<vmem>>) offsets(%dma_start3A_132 : memref<512xi32, #tpu.memory_space<vmem>>) semaphore(%arg8 : memref<!tpu.dma_semaphore, #tpu.memory_space<semaphore_mem>>)
          } else {
          }
          %eq3A_113 = arith.constant 1 : i32
          %eq3A_114 = arith.cmpi eq, %arg0, %eq3A_113 : i32
          %convert_element_type3A_115 = arith.extui %eq3A_114 : i1 to i32
          %cond3A_116 = arith.constant 0 : i32
          %cond3A_117 = arith.cmpi ne, %convert_element_type3A_115, %cond3A_116 : i32
          scf.if %cond3A_117 {
            %dma_start3A_118 = arith.constant 1 : i32
            %dma_start3A_119 = arith.constant 0 : i32
            %dma_start3A_120 = arith.constant 0 : i32
            %dma_start3A_121 = arith.constant 0 : i32
            %dma_start3A_122 = arith.constant 0 : i32
            %dma_start3A_123 = arith.constant 0 : i32
            %dma_start3A_124 = tpu.memref_slice %arg6[%dma_start3A_121, %dma_start3A_122, %dma_start3A_123] : memref<2x512x64xf32, #tpu.memory_space<vmem>> -> memref<1x512x64xf32, #tpu.memory_space<vmem>>
            %dma_start3A_125 = tpu.memref_squeeze %dma_start3A_124 : memref<1x512x64xf32, #tpu.memory_space<vmem>> -> memref<512x64xf32, #tpu.memory_space<vmem>>
            %dma_start3A_126 = arith.constant 0 : i32
            %dma_start3A_127 = arith.constant 0 : i32
            %dma_start3A_128 = tpu.memref_slice %arg5[%dma_start3A_119, %dma_start3A_126, %dma_start3A_127] : memref<2x2x512xi32, #tpu.memory_space<vmem>> -> memref<1x2x512xi32, #tpu.memory_space<vmem>>
            %dma_start3A_129 = tpu.memref_squeeze %dma_start3A_128 : memref<1x2x512xi32, #tpu.memory_space<vmem>> -> memref<2x512xi32, #tpu.memory_space<vmem>>
            %dma_start3A_130 = arith.constant 0 : i32
            %dma_start3A_131 = tpu.memref_slice %dma_start3A_129[%dma_start3A_120, %dma_start3A_130] : memref<2x512xi32, #tpu.memory_space<vmem>> -> memref<1x512xi32, #tpu.memory_space<vmem>>
            %dma_start3A_132 = tpu.memref_squeeze %dma_start3A_131 : memref<1x512xi32, #tpu.memory_space<vmem>> -> memref<512xi32, #tpu.memory_space<vmem>>
            %dma_start3A_133 = arith.constant 0 : i32
            %dma_start3A_134 = arith.constant 0 : i32
            %dma_start3A_135 = tpu.memref_slice %arg2[%dma_start3A_118, %dma_start3A_133, %dma_start3A_134] : memref<2x10240x64xf32, #tpu.memory_space<hbm>> -> memref<1x10240x64xf32, #tpu.memory_space<hbm>>
            %dma_start3A_136 = tpu.memref_squeeze %dma_start3A_135 : memref<1x10240x64xf32, #tpu.memory_space<hbm>> -> memref<10240x64xf32, #tpu.memory_space<hbm>>
            %dma_start3A_137 = arith.constant 0 : i32
            %dma_start3A_138 = arith.constant 0 : i32
            %dma_start3A_139 = tpu.memref_slice %dma_start3A_136[%dma_start3A_137, %dma_start3A_138] : memref<10240x64xf32, #tpu.memory_space<hbm>> -> memref<10240x64xf32, #tpu.memory_space<hbm>>
            tpu.enqueue_indirect_dma source(%dma_start3A_139 : memref<10240x64xf32, #tpu.memory_space<hbm>>) target(%dma_start3A_125 : memref<512x64xf32, #tpu.memory_space<vmem>>) offsets(%dma_start3A_132 : memref<512xi32, #tpu.memory_space<vmem>>) semaphore(%arg8 : memref<!tpu.dma_semaphore, #tpu.memory_space<semaphore_mem>>)
          } else {
          }
        } else {
        }
      } else {
      }
      %add3A_38 = arith.constant 1 : i32
      %add3A_39 = arith.addi %mul3A_33, %add3A_38 : i32
      %lt3A_40 = arith.cmpi slt, %add3A_39, %min3A : i32
      %convert_element_type3A_41 = arith.extui %lt3A_40 : i1 to i32
      %cond3A_42 = arith.constant 0 : i32
      %cond3A_43 = arith.cmpi ne, %convert_element_type3A_41, %cond3A_42 : i32
      scf.if %cond3A_43 {
        %dma_wait3A = arith.constant 0 : i32
        %dma_wait3A_44 = arith.constant 1 : i32
        %dma_wait3A_45 = arith.constant 0 : i32
        %dma_wait3A_46 = arith.constant 0 : i32
        %dma_wait3A_47 = tpu.memref_slice %arg6[%dma_wait3A_44, %dma_wait3A_45, %dma_wait3A_46] : memref<2x512x64xf32, #tpu.memory_space<vmem>> -> memref<1x512x64xf32, #tpu.memory_space<vmem>>
        %dma_wait3A_48 = tpu.memref_squeeze %dma_wait3A_47 : memref<1x512x64xf32, #tpu.memory_space<vmem>> -> memref<512x64xf32, #tpu.memory_space<vmem>>
        %dma_wait3A_49 = arith.constant 0 : i32
        %dma_wait3A_50 = arith.constant 0 : i32
        %dma_wait3A_51 = tpu.memref_slice %arg2[%dma_wait3A, %dma_wait3A_49, %dma_wait3A_50] : memref<2x10240x64xf32, #tpu.memory_space<hbm>> -> memref<1x10240x64xf32, #tpu.memory_space<hbm>>
        %dma_wait3A_52 = tpu.memref_squeeze %dma_wait3A_51 : memref<1x10240x64xf32, #tpu.memory_space<hbm>> -> memref<10240x64xf32, #tpu.memory_space<hbm>>
        %dma_wait3A_53 = arith.constant 0 : i32
        %dma_wait3A_54 = arith.constant 0 : i32
        %dma_wait3A_55 = tpu.memref_slice %dma_wait3A_52[%dma_wait3A_53, %dma_wait3A_54] : memref<10240x64xf32, #tpu.memory_space<hbm>> -> memref<512x64xf32, #tpu.memory_space<hbm>>
        %dma_wait3A_56 = arith.constant 0 : i32
        %dma_wait3A_57 = arith.constant 0 : i32
        %dma_wait3A_58 = tpu.memref_slice %arg6[%dma_wait3A_44, %dma_wait3A_56, %dma_wait3A_57] : memref<2x512x64xf32, #tpu.memory_space<vmem>> -> memref<1x512x64xf32, #tpu.memory_space<vmem>>
        %dma_wait3A_59 = tpu.memref_squeeze %dma_wait3A_58 : memref<1x512x64xf32, #tpu.memory_space<vmem>> -> memref<512x64xf32, #tpu.memory_space<vmem>>
        %dma_wait3A_60 = arith.constant 0 : i32
        %dma_wait3A_61 = arith.constant 0 : i32
        %dma_wait3A_62 = tpu.memref_slice %arg2[%dma_wait3A, %dma_wait3A_60, %dma_wait3A_61] : memref<2x10240x64xf32, #tpu.memory_space<hbm>> -> memref<1x10240x64xf32, #tpu.memory_space<hbm>>
        %dma_wait3A_63 = tpu.memref_squeeze %dma_wait3A_62 : memref<1x10240x64xf32, #tpu.memory_space<hbm>> -> memref<10240x64xf32, #tpu.memory_space<hbm>>
        %dma_wait3A_64 = arith.constant 0 : i32
        %dma_wait3A_65 = arith.constant 0 : i32
        %dma_wait3A_66 = tpu.memref_slice %dma_wait3A_63[%dma_wait3A_64, %dma_wait3A_65] : memref<10240x64xf32, #tpu.memory_space<hbm>> -> memref<512x64xf32, #tpu.memory_space<hbm>>
        tpu.wait_dma2 semaphore(%arg9 : memref<!tpu.dma_semaphore, #tpu.memory_space<semaphore_mem>>) src(%dma_wait3A_66 : memref<512x64xf32, #tpu.memory_space<hbm>>) dst(%dma_wait3A_59 : memref<512x64xf32, #tpu.memory_space<vmem>>)
        %dma_start3A = arith.constant 1 : i32
        %dma_start3A_67 = arith.constant 1 : i32
        %dma_start3A_68 = arith.constant 1 : i32
        %dma_start3A_69 = arith.constant 0 : i32
        %dma_start3A_70 = arith.constant 0 : i32
        %dma_start3A_71 = tpu.memref_slice %arg6[%dma_start3A, %dma_start3A_69, %dma_start3A_70] : memref<2x512x64xf32, #tpu.memory_space<vmem>> -> memref<1x512x64xf32, #tpu.memory_space<vmem>>
        %dma_start3A_72 = tpu.memref_squeeze %dma_start3A_71 : memref<1x512x64xf32, #tpu.memory_space<vmem>> -> memref<512x64xf32, #tpu.memory_space<vmem>>
        %dma_start3A_73 = arith.constant 0 : i32
        %dma_start3A_74 = arith.constant 0 : i32
        %dma_start3A_75 = tpu.memref_slice %arg5[%dma_start3A_67, %dma_start3A_73, %dma_start3A_74] : memref<2x2x512xi32, #tpu.memory_space<vmem>> -> memref<1x2x512xi32, #tpu.memory_space<vmem>>
        %dma_start3A_76 = tpu.memref_squeeze %dma_start3A_75 : memref<1x2x512xi32, #tpu.memory_space<vmem>> -> memref<2x512xi32, #tpu.memory_space<vmem>>
        %dma_start3A_77 = arith.constant 0 : i32
        %dma_start3A_78 = tpu.memref_slice %dma_start3A_76[%dma_start3A_68, %dma_start3A_77] : memref<2x512xi32, #tpu.memory_space<vmem>> -> memref<1x512xi32, #tpu.memory_space<vmem>>
        %dma_start3A_79 = tpu.memref_squeeze %dma_start3A_78 : memref<1x512xi32, #tpu.memory_space<vmem>> -> memref<512xi32, #tpu.memory_space<vmem>>
        %dma_start3A_80 = arith.constant 0 : i32
        %dma_start3A_81 = arith.constant 0 : i32
        %dma_start3A_82 = tpu.memref_slice %arg7[%dma_start3A_80, %dma_start3A_81] : memref<10240x64xf32, #tpu.memory_space<vmem_shared>> -> memref<10240x64xf32, #tpu.memory_space<vmem_shared>>
        tpu.enqueue_indirect_dma source(%dma_start3A_72 : memref<512x64xf32, #tpu.memory_space<vmem>>) target(%dma_start3A_82 : memref<10240x64xf32, #tpu.memory_space<vmem_shared>>) offsets(%dma_start3A_79 : memref<512xi32, #tpu.memory_space<vmem>>) semaphore(%arg11 : memref<!tpu.dma_semaphore, #tpu.memory_space<semaphore_mem>>) {add = true}
        %add3A_83 = arith.constant 2 : i32
        %add3A_84 = arith.addi %add3A_39, %add3A_83 : i32
        %lt3A_85 = arith.cmpi slt, %add3A_84, %min3A : i32
        %convert_element_type3A_86 = arith.extui %lt3A_85 : i1 to i32
        %cond3A_87 = arith.constant 0 : i32
        %cond3A_88 = arith.cmpi ne, %convert_element_type3A_86, %cond3A_87 : i32
        scf.if %cond3A_88 {
          %dma_wait3A_89 = arith.constant 1 : i32
          %dma_wait3A_90 = arith.constant 0 : i32
          %dma_wait3A_91 = arith.constant 0 : i32
          %dma_wait3A_92 = tpu.memref_slice %arg6[%dma_wait3A_89, %dma_wait3A_90, %dma_wait3A_91] : memref<2x512x64xf32, #tpu.memory_space<vmem>> -> memref<1x512x64xf32, #tpu.memory_space<vmem>>
          %dma_wait3A_93 = tpu.memref_squeeze %dma_wait3A_92 : memref<1x512x64xf32, #tpu.memory_space<vmem>> -> memref<512x64xf32, #tpu.memory_space<vmem>>
          %dma_wait3A_94 = arith.constant 0 : i32
          %dma_wait3A_95 = arith.constant 0 : i32
          %dma_wait3A_96 = tpu.memref_slice %arg7[%dma_wait3A_94, %dma_wait3A_95] : memref<10240x64xf32, #tpu.memory_space<vmem_shared>> -> memref<512x64xf32, #tpu.memory_space<vmem_shared>>
          %dma_wait3A_97 = arith.constant 0 : i32
          %dma_wait3A_98 = arith.constant 0 : i32
          %dma_wait3A_99 = tpu.memref_slice %arg7[%dma_wait3A_97, %dma_wait3A_98] : memref<10240x64xf32, #tpu.memory_space<vmem_shared>> -> memref<512x64xf32, #tpu.memory_space<vmem_shared>>
          %dma_wait3A_100 = arith.constant 0 : i32
          %dma_wait3A_101 = arith.constant 0 : i32
          %dma_wait3A_102 = tpu.memref_slice %arg6[%dma_wait3A_89, %dma_wait3A_100, %dma_wait3A_101] : memref<2x512x64xf32, #tpu.memory_space<vmem>> -> memref<1x512x64xf32, #tpu.memory_space<vmem>>
          %dma_wait3A_103 = tpu.memref_squeeze %dma_wait3A_102 : memref<1x512x64xf32, #tpu.memory_space<vmem>> -> memref<512x64xf32, #tpu.memory_space<vmem>>
          tpu.wait_dma2 semaphore(%arg11 : memref<!tpu.dma_semaphore, #tpu.memory_space<semaphore_mem>>) src(%dma_wait3A_103 : memref<512x64xf32, #tpu.memory_space<vmem>>) dst(%dma_wait3A_99 : memref<512x64xf32, #tpu.memory_space<vmem_shared>>)
          %add3A_104 = arith.constant 2 : i32
          %add3A_105 = arith.addi %add3A_39, %add3A_104 : i32
          %add3A_106 = arith.addi %mul3A_0, %add3A_105 : i32
          %mul3A_107 = arith.constant 512 : i32
          %mul3A_108 = arith.muli %add3A_106, %mul3A_107 : i32
          %run_scoped3A = arith.constant 1 : i32
          "tpu.region"() ({
            %run_scoped3A_118 = tpu.sem_alloc : memref<!tpu.dma_semaphore, #tpu.memory_space<semaphore_mem>>
            %dma_start3A_119 = arith.constant 0 : i32
            %dma_start3A_120 = arith.constant 0 : i32
            %dma_start3A_121 = tpu.memref_slice %arg5[%run_scoped3A, %dma_start3A_119, %dma_start3A_120] : memref<2x2x512xi32, #tpu.memory_space<vmem>> -> memref<1x2x512xi32, #tpu.memory_space<vmem>>
            %dma_start3A_122 = tpu.memref_squeeze %dma_start3A_121 : memref<1x2x512xi32, #tpu.memory_space<vmem>> -> memref<2x512xi32, #tpu.memory_space<vmem>>
            %dma_start3A_123 = arith.constant 0 : i32
            %dma_start3A_124 = tpu.memref_slice %arg3[%dma_start3A_123, %mul3A_108] : memref<2x320000xi32, #tpu.memory_space<hbm>> -> memref<2x512xi32, #tpu.memory_space<hbm>>
            %dma_start3A_125 = arith.constant 0 : i32
            %dma_start3A_126 = arith.constant 0 : i32
            %dma_start3A_127 = tpu.memref_slice %arg5[%run_scoped3A, %dma_start3A_125, %dma_start3A_126] : memref<2x2x512xi32, #tpu.memory_space<vmem>> -> memref<1x2x512xi32, #tpu.memory_space<vmem>>
            %dma_start3A_128 = tpu.memref_squeeze %dma_start3A_127 : memref<1x2x512xi32, #tpu.memory_space<vmem>> -> memref<2x512xi32, #tpu.memory_space<vmem>>
            %dma_start3A_129 = arith.constant 0 : i32
            %dma_start3A_130 = tpu.memref_slice %arg3[%dma_start3A_129, %mul3A_108] : memref<2x320000xi32, #tpu.memory_space<hbm>> -> memref<2x512xi32, #tpu.memory_space<hbm>>
            tpu.enqueue_dma source(%dma_start3A_130 : memref<2x512xi32, #tpu.memory_space<hbm>>) target(%dma_start3A_128 : memref<2x512xi32, #tpu.memory_space<vmem>>) target_semaphore(%run_scoped3A_118 : memref<!tpu.dma_semaphore, #tpu.memory_space<semaphore_mem>>)
            %dma_wait3A_131 = arith.constant 0 : i32
            %dma_wait3A_132 = arith.constant 0 : i32
            %dma_wait3A_133 = tpu.memref_slice %arg5[%run_scoped3A, %dma_wait3A_131, %dma_wait3A_132] : memref<2x2x512xi32, #tpu.memory_space<vmem>> -> memref<1x2x512xi32, #tpu.memory_space<vmem>>
            %dma_wait3A_134 = tpu.memref_squeeze %dma_wait3A_133 : memref<1x2x512xi32, #tpu.memory_space<vmem>> -> memref<2x512xi32, #tpu.memory_space<vmem>>
            %dma_wait3A_135 = arith.constant 0 : i32
            %dma_wait3A_136 = tpu.memref_slice %arg3[%dma_wait3A_135, %mul3A_108] : memref<2x320000xi32, #tpu.memory_space<hbm>> -> memref<2x512xi32, #tpu.memory_space<hbm>>
            %dma_wait3A_137 = arith.constant 0 : i32
            %dma_wait3A_138 = arith.constant 0 : i32
            %dma_wait3A_139 = tpu.memref_slice %arg5[%run_scoped3A, %dma_wait3A_137, %dma_wait3A_138] : memref<2x2x512xi32, #tpu.memory_space<vmem>> -> memref<1x2x512xi32, #tpu.memory_space<vmem>>
            %dma_wait3A_140 = tpu.memref_squeeze %dma_wait3A_139 : memref<1x2x512xi32, #tpu.memory_space<vmem>> -> memref<2x512xi32, #tpu.memory_space<vmem>>
            %dma_wait3A_141 = arith.constant 0 : i32
            %dma_wait3A_142 = tpu.memref_slice %arg3[%dma_wait3A_141, %mul3A_108] : memref<2x320000xi32, #tpu.memory_space<hbm>> -> memref<2x512xi32, #tpu.memory_space<hbm>>
            tpu.wait_dma2 semaphore(%run_scoped3A_118 : memref<!tpu.dma_semaphore, #tpu.memory_space<semaphore_mem>>) src(%dma_wait3A_142 : memref<2x512xi32, #tpu.memory_space<hbm>>) dst(%dma_wait3A_140 : memref<2x512xi32, #tpu.memory_space<vmem>>)
            tpu.yield
          }) : () -> ()
          %eq3A = arith.constant 0 : i32
          %eq3A_109 = arith.cmpi eq, %arg0, %eq3A : i32
          %convert_element_type3A_110 = arith.extui %eq3A_109 : i1 to i32
          %cond3A_111 = arith.constant 0 : i32
          %cond3A_112 = arith.cmpi ne, %convert_element_type3A_110, %cond3A_111 : i32
          scf.if %cond3A_112 {
            %dma_start3A_118 = arith.constant 0 : i32
            %dma_start3A_119 = arith.constant 1 : i32
            %dma_start3A_120 = arith.constant 0 : i32
            %dma_start3A_121 = arith.constant 1 : i32
            %dma_start3A_122 = arith.constant 0 : i32
            %dma_start3A_123 = arith.constant 0 : i32
            %dma_start3A_124 = tpu.memref_slice %arg6[%dma_start3A_121, %dma_start3A_122, %dma_start3A_123] : memref<2x512x64xf32, #tpu.memory_space<vmem>> -> memref<1x512x64xf32, #tpu.memory_space<vmem>>
            %dma_start3A_125 = tpu.memref_squeeze %dma_start3A_124 : memref<1x512x64xf32, #tpu.memory_space<vmem>> -> memref<512x64xf32, #tpu.memory_space<vmem>>
            %dma_start3A_126 = arith.constant 0 : i32
            %dma_start3A_127 = arith.constant 0 : i32
            %dma_start3A_128 = tpu.memref_slice %arg5[%dma_start3A_119, %dma_start3A_126, %dma_start3A_127] : memref<2x2x512xi32, #tpu.memory_space<vmem>> -> memref<1x2x512xi32, #tpu.memory_space<vmem>>
            %dma_start3A_129 = tpu.memref_squeeze %dma_start3A_128 : memref<1x2x512xi32, #tpu.memory_space<vmem>> -> memref<2x512xi32, #tpu.memory_space<vmem>>
            %dma_start3A_130 = arith.constant 0 : i32
            %dma_start3A_131 = tpu.memref_slice %dma_start3A_129[%dma_start3A_120, %dma_start3A_130] : memref<2x512xi32, #tpu.memory_space<vmem>> -> memref<1x512xi32, #tpu.memory_space<vmem>>
            %dma_start3A_132 = tpu.memref_squeeze %dma_start3A_131 : memref<1x512xi32, #tpu.memory_space<vmem>> -> memref<512xi32, #tpu.memory_space<vmem>>
            %dma_start3A_133 = arith.constant 0 : i32
            %dma_start3A_134 = arith.constant 0 : i32
            %dma_start3A_135 = tpu.memref_slice %arg2[%dma_start3A_118, %dma_start3A_133, %dma_start3A_134] : memref<2x10240x64xf32, #tpu.memory_space<hbm>> -> memref<1x10240x64xf32, #tpu.memory_space<hbm>>
            %dma_start3A_136 = tpu.memref_squeeze %dma_start3A_135 : memref<1x10240x64xf32, #tpu.memory_space<hbm>> -> memref<10240x64xf32, #tpu.memory_space<hbm>>
            %dma_start3A_137 = arith.constant 0 : i32
            %dma_start3A_138 = arith.constant 0 : i32
            %dma_start3A_139 = tpu.memref_slice %dma_start3A_136[%dma_start3A_137, %dma_start3A_138] : memref<10240x64xf32, #tpu.memory_space<hbm>> -> memref<10240x64xf32, #tpu.memory_space<hbm>>
            tpu.enqueue_indirect_dma source(%dma_start3A_139 : memref<10240x64xf32, #tpu.memory_space<hbm>>) target(%dma_start3A_125 : memref<512x64xf32, #tpu.memory_space<vmem>>) offsets(%dma_start3A_132 : memref<512xi32, #tpu.memory_space<vmem>>) semaphore(%arg9 : memref<!tpu.dma_semaphore, #tpu.memory_space<semaphore_mem>>)
          } else {
          }
          %eq3A_113 = arith.constant 1 : i32
          %eq3A_114 = arith.cmpi eq, %arg0, %eq3A_113 : i32
          %convert_element_type3A_115 = arith.extui %eq3A_114 : i1 to i32
          %cond3A_116 = arith.constant 0 : i32
          %cond3A_117 = arith.cmpi ne, %convert_element_type3A_115, %cond3A_116 : i32
          scf.if %cond3A_117 {
            %dma_start3A_118 = arith.constant 1 : i32
            %dma_start3A_119 = arith.constant 1 : i32
            %dma_start3A_120 = arith.constant 0 : i32
            %dma_start3A_121 = arith.constant 1 : i32
            %dma_start3A_122 = arith.constant 0 : i32
            %dma_start3A_123 = arith.constant 0 : i32
            %dma_start3A_124 = tpu.memref_slice %arg6[%dma_start3A_121, %dma_start3A_122, %dma_start3A_123] : memref<2x512x64xf32, #tpu.memory_space<vmem>> -> memref<1x512x64xf32, #tpu.memory_space<vmem>>
            %dma_start3A_125 = tpu.memref_squeeze %dma_start3A_124 : memref<1x512x64xf32, #tpu.memory_space<vmem>> -> memref<512x64xf32, #tpu.memory_space<vmem>>
            %dma_start3A_126 = arith.constant 0 : i32
            %dma_start3A_127 = arith.constant 0 : i32
            %dma_start3A_128 = tpu.memref_slice %arg5[%dma_start3A_119, %dma_start3A_126, %dma_start3A_127] : memref<2x2x512xi32, #tpu.memory_space<vmem>> -> memref<1x2x512xi32, #tpu.memory_space<vmem>>
            %dma_start3A_129 = tpu.memref_squeeze %dma_start3A_128 : memref<1x2x512xi32, #tpu.memory_space<vmem>> -> memref<2x512xi32, #tpu.memory_space<vmem>>
            %dma_start3A_130 = arith.constant 0 : i32
            %dma_start3A_131 = tpu.memref_slice %dma_start3A_129[%dma_start3A_120, %dma_start3A_130] : memref<2x512xi32, #tpu.memory_space<vmem>> -> memref<1x512xi32, #tpu.memory_space<vmem>>
            %dma_start3A_132 = tpu.memref_squeeze %dma_start3A_131 : memref<1x512xi32, #tpu.memory_space<vmem>> -> memref<512xi32, #tpu.memory_space<vmem>>
            %dma_start3A_133 = arith.constant 0 : i32
            %dma_start3A_134 = arith.constant 0 : i32
            %dma_start3A_135 = tpu.memref_slice %arg2[%dma_start3A_118, %dma_start3A_133, %dma_start3A_134] : memref<2x10240x64xf32, #tpu.memory_space<hbm>> -> memref<1x10240x64xf32, #tpu.memory_space<hbm>>
            %dma_start3A_136 = tpu.memref_squeeze %dma_start3A_135 : memref<1x10240x64xf32, #tpu.memory_space<hbm>> -> memref<10240x64xf32, #tpu.memory_space<hbm>>
            %dma_start3A_137 = arith.constant 0 : i32
            %dma_start3A_138 = arith.constant 0 : i32
            %dma_start3A_139 = tpu.memref_slice %dma_start3A_136[%dma_start3A_137, %dma_start3A_138] : memref<10240x64xf32, #tpu.memory_space<hbm>> -> memref<10240x64xf32, #tpu.memory_space<hbm>>
            tpu.enqueue_indirect_dma source(%dma_start3A_139 : memref<10240x64xf32, #tpu.memory_space<hbm>>) target(%dma_start3A_125 : memref<512x64xf32, #tpu.memory_space<vmem>>) offsets(%dma_start3A_132 : memref<512xi32, #tpu.memory_space<vmem>>) semaphore(%arg9 : memref<!tpu.dma_semaphore, #tpu.memory_space<semaphore_mem>>)
          } else {
          }
        } else {
        }
      } else {
      }
    }
    %scan3A_15 = arith.constant 20 : i32
    %min3A_16 = arith.constant 2 : i32
    %min3A_17 = arith.minsi %min3A, %min3A_16 : i32
    %gt3A_18 = arith.constant 0 : i32
    %gt3A_19 = arith.cmpi sgt, %min3A_17, %gt3A_18 : i32
    %convert_element_type3A_20 = arith.extui %gt3A_19 : i1 to i32
    %cond3A_21 = arith.constant 0 : i32
    %cond3A_22 = arith.cmpi ne, %convert_element_type3A_20, %cond3A_21 : i32
    scf.if %cond3A_22 {
      %dma_wait3A = arith.constant 0 : i32
      %dma_wait3A_31 = arith.constant 0 : i32
      %dma_wait3A_32 = arith.constant 0 : i32
      %dma_wait3A_33 = tpu.memref_slice %arg6[%dma_wait3A, %dma_wait3A_31, %dma_wait3A_32] : memref<2x512x64xf32, #tpu.memory_space<vmem>> -> memref<1x512x64xf32, #tpu.memory_space<vmem>>
      %dma_wait3A_34 = tpu.memref_squeeze %dma_wait3A_33 : memref<1x512x64xf32, #tpu.memory_space<vmem>> -> memref<512x64xf32, #tpu.memory_space<vmem>>
      %dma_wait3A_35 = arith.constant 0 : i32
      %dma_wait3A_36 = arith.constant 0 : i32
      %dma_wait3A_37 = tpu.memref_slice %arg7[%dma_wait3A_35, %dma_wait3A_36] : memref<10240x64xf32, #tpu.memory_space<vmem_shared>> -> memref<512x64xf32, #tpu.memory_space<vmem_shared>>
      %dma_wait3A_38 = arith.constant 0 : i32
      %dma_wait3A_39 = arith.constant 0 : i32
      %dma_wait3A_40 = tpu.memref_slice %arg7[%dma_wait3A_38, %dma_wait3A_39] : memref<10240x64xf32, #tpu.memory_space<vmem_shared>> -> memref<512x64xf32, #tpu.memory_space<vmem_shared>>
      %dma_wait3A_41 = arith.constant 0 : i32
      %dma_wait3A_42 = arith.constant 0 : i32
      %dma_wait3A_43 = tpu.memref_slice %arg6[%dma_wait3A, %dma_wait3A_41, %dma_wait3A_42] : memref<2x512x64xf32, #tpu.memory_space<vmem>> -> memref<1x512x64xf32, #tpu.memory_space<vmem>>
      %dma_wait3A_44 = tpu.memref_squeeze %dma_wait3A_43 : memref<1x512x64xf32, #tpu.memory_space<vmem>> -> memref<512x64xf32, #tpu.memory_space<vmem>>
      tpu.wait_dma2 semaphore(%arg10 : memref<!tpu.dma_semaphore, #tpu.memory_space<semaphore_mem>>) src(%dma_wait3A_44 : memref<512x64xf32, #tpu.memory_space<vmem>>) dst(%dma_wait3A_40 : memref<512x64xf32, #tpu.memory_space<vmem_shared>>)
    } else {
    }
    %min3A_23 = arith.constant 2 : i32
    %min3A_24 = arith.minsi %min3A, %min3A_23 : i32
    %gt3A_25 = arith.constant 1 : i32
    %gt3A_26 = arith.cmpi sgt, %min3A_24, %gt3A_25 : i32
    %convert_element_type3A_27 = arith.extui %gt3A_26 : i1 to i32
    %cond3A_28 = arith.constant 0 : i32
    %cond3A_29 = arith.cmpi ne, %convert_element_type3A_27, %cond3A_28 : i32
    scf.if %cond3A_29 {
      %dma_wait3A = arith.constant 1 : i32
      %dma_wait3A_31 = arith.constant 0 : i32
      %dma_wait3A_32 = arith.constant 0 : i32
      %dma_wait3A_33 = tpu.memref_slice %arg6[%dma_wait3A, %dma_wait3A_31, %dma_wait3A_32] : memref<2x512x64xf32, #tpu.memory_space<vmem>> -> memref<1x512x64xf32, #tpu.memory_space<vmem>>
      %dma_wait3A_34 = tpu.memref_squeeze %dma_wait3A_33 : memref<1x512x64xf32, #tpu.memory_space<vmem>> -> memref<512x64xf32, #tpu.memory_space<vmem>>
      %dma_wait3A_35 = arith.constant 0 : i32
      %dma_wait3A_36 = arith.constant 0 : i32
      %dma_wait3A_37 = tpu.memref_slice %arg7[%dma_wait3A_35, %dma_wait3A_36] : memref<10240x64xf32, #tpu.memory_space<vmem_shared>> -> memref<512x64xf32, #tpu.memory_space<vmem_shared>>
      %dma_wait3A_38 = arith.constant 0 : i32
      %dma_wait3A_39 = arith.constant 0 : i32
      %dma_wait3A_40 = tpu.memref_slice %arg7[%dma_wait3A_38, %dma_wait3A_39] : memref<10240x64xf32, #tpu.memory_space<vmem_shared>> -> memref<512x64xf32, #tpu.memory_space<vmem_shared>>
      %dma_wait3A_41 = arith.constant 0 : i32
      %dma_wait3A_42 = arith.constant 0 : i32
      %dma_wait3A_43 = tpu.memref_slice %arg6[%dma_wait3A, %dma_wait3A_41, %dma_wait3A_42] : memref<2x512x64xf32, #tpu.memory_space<vmem>> -> memref<1x512x64xf32, #tpu.memory_space<vmem>>
      %dma_wait3A_44 = tpu.memref_squeeze %dma_wait3A_43 : memref<1x512x64xf32, #tpu.memory_space<vmem>> -> memref<512x64xf32, #tpu.memory_space<vmem>>
      tpu.wait_dma2 semaphore(%arg11 : memref<!tpu.dma_semaphore, #tpu.memory_space<semaphore_mem>>) src(%dma_wait3A_44 : memref<512x64xf32, #tpu.memory_space<vmem>>) dst(%dma_wait3A_40 : memref<512x64xf32, #tpu.memory_space<vmem_shared>>)
    } else {
    }
    %barrier3A_30 = arith.constant 0 : index
    tpu.barrier barrier_id(%barrier3A_30)
    "tpu.region"() ({
      %run_scoped3A = tpu.sem_alloc : memref<!tpu.dma_semaphore, #tpu.memory_space<semaphore_mem>>
      %dma_start3A = arith.constant 0 : i32
      %dma_start3A_31 = tpu.memref_slice %arg4[%arg0, %mul3A_4, %dma_start3A] : memref<2x10240x64xf32, #tpu.memory_space<hbm>> -> memref<1x640x64xf32, #tpu.memory_space<hbm>>
      %dma_start3A_32 = tpu.memref_squeeze %dma_start3A_31 : memref<1x640x64xf32, #tpu.memory_space<hbm>> -> memref<640x64xf32, #tpu.memory_space<hbm>>
      %dma_start3A_33 = arith.constant 0 : i32
      %dma_start3A_34 = tpu.memref_slice %arg7[%mul3A_4, %dma_start3A_33] : memref<10240x64xf32, #tpu.memory_space<vmem_shared>> -> memref<640x64xf32, #tpu.memory_space<vmem_shared>>
      tpu.enqueue_dma source(%dma_start3A_34 : memref<640x64xf32, #tpu.memory_space<vmem_shared>>) target(%dma_start3A_32 : memref<640x64xf32, #tpu.memory_space<hbm>>) target_semaphore(%run_scoped3A : memref<!tpu.dma_semaphore, #tpu.memory_space<semaphore_mem>>)
      %dma_wait3A = arith.constant 0 : i32
      %dma_wait3A_35 = tpu.memref_slice %arg4[%arg0, %mul3A_4, %dma_wait3A] : memref<2x10240x64xf32, #tpu.memory_space<hbm>> -> memref<1x640x64xf32, #tpu.memory_space<hbm>>
      %dma_wait3A_36 = tpu.memref_squeeze %dma_wait3A_35 : memref<1x640x64xf32, #tpu.memory_space<hbm>> -> memref<640x64xf32, #tpu.memory_space<hbm>>
      %dma_wait3A_37 = arith.constant 0 : i32
      %dma_wait3A_38 = tpu.memref_slice %arg7[%mul3A_4, %dma_wait3A_37] : memref<10240x64xf32, #tpu.memory_space<vmem_shared>> -> memref<640x64xf32, #tpu.memory_space<vmem_shared>>
      tpu.wait_dma2 semaphore(%run_scoped3A : memref<!tpu.dma_semaphore, #tpu.memory_space<semaphore_mem>>) src(%dma_wait3A_38 : memref<640x64xf32, #tpu.memory_space<vmem_shared>>) dst(%dma_wait3A_36 : memref<640x64xf32, #tpu.memory_space<hbm>>)
      tpu.yield
    }) : () -> ()
    return
  }
}

#map = affine_map<(d0, d1) -> (0, 0, 0)>
#map1 = affine_map<(d0, d1) -> (0, 0)>
module attributes {stable_mosaic.version = 14 : i64} {
  func.func @agg(%arg0: i32, %arg1: i32, %arg2: memref<2x10240x64xf32, #tpu.memory_space<hbm>>, %arg3: memref<2x320000xi32, #tpu.memory_space<hbm>>, %arg4: memref<2x10240x64xf32, #tpu.memory_space<hbm>>, %arg5: memref<2x2x512xi32, #tpu.memory_space<vmem>>, %arg6: memref<2x512x64xf32, #tpu.memory_space<vmem>>, %arg7: memref<10240x64xf32, #tpu.memory_space<vmem_shared>>, %arg8: memref<!tpu.dma_semaphore, #tpu.memory_space<semaphore_mem>>, %arg9: memref<!tpu.dma_semaphore, #tpu.memory_space<semaphore_mem>>, %arg10: memref<!tpu.dma_semaphore, #tpu.memory_space<semaphore_mem>>, %arg11: memref<!tpu.dma_semaphore, #tpu.memory_space<semaphore_mem>>) attributes {dimension_semantics = [#tpu.dimension_semantics<core_parallel>, #tpu.dimension_semantics<subcore_parallel>], iteration_bounds = array<i64: 2, 16>, scalar_prefetch = 0 : i64, scratch_operands = 7 : i64, tpu.core_type = #tpu.core_type<sc_vector_subcore>, window_params = [{transform_indices = #map}, {transform_indices = #map1}, {transform_indices = #map}]} {
    %mul3A = arith.constant 40 : i32
    %mul3A_0 = arith.muli %arg1, %mul3A : i32
    %sub3A = arith.constant 625 : i32
    %sub3A_1 = arith.subi %sub3A, %mul3A_0 : i32
    %jit3A = arith.constant 0 : i32
    %jit3A_2 = arith.constant 40 : i32
    %max3A = arith.maxsi %jit3A, %sub3A_1 : i32
    %min3A = arith.minsi %jit3A_2, %max3A : i32
    %mul3A_3 = arith.constant 640 : i32
    %mul3A_4 = arith.muli %arg1, %mul3A_3 : i32
    "tpu.region"() ({
      %run_scoped3A = tpu.sem_alloc : memref<!tpu.dma_semaphore, #tpu.memory_space<semaphore_mem>>
      %dma_start3A = arith.constant 0 : i32
      %dma_start3A_31 = tpu.memref_slice %arg7[%mul3A_4, %dma_start3A] : memref<10240x64xf32, #tpu.memory_space<vmem_shared>> -> memref<640x64xf32, #tpu.memory_space<vmem_shared>>
      %dma_start3A_32 = arith.constant 0 : i32
      %dma_start3A_33 = tpu.memref_slice %arg2[%arg0, %mul3A_4, %dma_start3A_32] : memref<2x10240x64xf32, #tpu.memory_space<hbm>> -> memref<1x640x64xf32, #tpu.memory_space<hbm>>
      %dma_start3A_34 = tpu.memref_squeeze %dma_start3A_33 : memref<1x640x64xf32, #tpu.memory_space<hbm>> -> memref<640x64xf32, #tpu.memory_space<hbm>>
      tpu.enqueue_dma source(%dma_start3A_34 : memref<640x64xf32, #tpu.memory_space<hbm>>) target(%dma_start3A_31 : memref<640x64xf32, #tpu.memory_space<vmem_shared>>) target_semaphore(%run_scoped3A : memref<!tpu.dma_semaphore, #tpu.memory_space<semaphore_mem>>)
      %dma_wait3A = arith.constant 0 : i32
      %dma_wait3A_35 = tpu.memref_slice %arg7[%mul3A_4, %dma_wait3A] : memref<10240x64xf32, #tpu.memory_space<vmem_shared>> -> memref<640x64xf32, #tpu.memory_space<vmem_shared>>
      %dma_wait3A_36 = arith.constant 0 : i32
      %dma_wait3A_37 = tpu.memref_slice %arg2[%arg0, %mul3A_4, %dma_wait3A_36] : memref<2x10240x64xf32, #tpu.memory_space<hbm>> -> memref<1x640x64xf32, #tpu.memory_space<hbm>>
      %dma_wait3A_38 = tpu.memref_squeeze %dma_wait3A_37 : memref<1x640x64xf32, #tpu.memory_space<hbm>> -> memref<640x64xf32, #tpu.memory_space<hbm>>
      tpu.wait_dma2 semaphore(%run_scoped3A : memref<!tpu.dma_semaphore, #tpu.memory_space<semaphore_mem>>) src(%dma_wait3A_38 : memref<640x64xf32, #tpu.memory_space<hbm>>) dst(%dma_wait3A_35 : memref<640x64xf32, #tpu.memory_space<vmem_shared>>)
      tpu.yield
    }) : () -> ()
    %barrier3A = arith.constant 0 : index
    tpu.barrier barrier_id(%barrier3A)
    %gt3A = arith.constant 0 : i32
    %gt3A_5 = arith.cmpi sgt, %min3A, %gt3A : i32
    %convert_element_type3A = arith.extui %gt3A_5 : i1 to i32
    %cond3A = arith.constant 0 : i32
    %cond3A_6 = arith.cmpi ne, %convert_element_type3A, %cond3A : i32
    scf.if %cond3A_6 {
      %add3A = arith.constant 0 : i32
      %add3A_31 = arith.addi %mul3A_0, %add3A : i32
      %mul3A_32 = arith.constant 512 : i32
      %mul3A_33 = arith.muli %add3A_31, %mul3A_32 : i32
      %run_scoped3A = arith.constant 0 : i32
      "tpu.region"() ({
        %run_scoped3A_43 = tpu.sem_alloc : memref<!tpu.dma_semaphore, #tpu.memory_space<semaphore_mem>>
        %dma_start3A = arith.constant 0 : i32
        %dma_start3A_44 = arith.constant 0 : i32
        %dma_start3A_45 = tpu.memref_slice %arg5[%run_scoped3A, %dma_start3A, %dma_start3A_44] : memref<2x2x512xi32, #tpu.memory_space<vmem>> -> memref<1x2x512xi32, #tpu.memory_space<vmem>>
        %dma_start3A_46 = tpu.memref_squeeze %dma_start3A_45 : memref<1x2x512xi32, #tpu.memory_space<vmem>> -> memref<2x512xi32, #tpu.memory_space<vmem>>
        %dma_start3A_47 = arith.constant 0 : i32
        %dma_start3A_48 = tpu.memref_slice %arg3[%dma_start3A_47, %mul3A_33] : memref<2x320000xi32, #tpu.memory_space<hbm>> -> memref<2x512xi32, #tpu.memory_space<hbm>>
        %dma_start3A_49 = arith.constant 0 : i32
        %dma_start3A_50 = arith.constant 0 : i32
        %dma_start3A_51 = tpu.memref_slice %arg5[%run_scoped3A, %dma_start3A_49, %dma_start3A_50] : memref<2x2x512xi32, #tpu.memory_space<vmem>> -> memref<1x2x512xi32, #tpu.memory_space<vmem>>
        %dma_start3A_52 = tpu.memref_squeeze %dma_start3A_51 : memref<1x2x512xi32, #tpu.memory_space<vmem>> -> memref<2x512xi32, #tpu.memory_space<vmem>>
        %dma_start3A_53 = arith.constant 0 : i32
        %dma_start3A_54 = tpu.memref_slice %arg3[%dma_start3A_53, %mul3A_33] : memref<2x320000xi32, #tpu.memory_space<hbm>> -> memref<2x512xi32, #tpu.memory_space<hbm>>
        tpu.enqueue_dma source(%dma_start3A_54 : memref<2x512xi32, #tpu.memory_space<hbm>>) target(%dma_start3A_52 : memref<2x512xi32, #tpu.memory_space<vmem>>) target_semaphore(%run_scoped3A_43 : memref<!tpu.dma_semaphore, #tpu.memory_space<semaphore_mem>>)
        %dma_wait3A = arith.constant 0 : i32
        %dma_wait3A_55 = arith.constant 0 : i32
        %dma_wait3A_56 = tpu.memref_slice %arg5[%run_scoped3A, %dma_wait3A, %dma_wait3A_55] : memref<2x2x512xi32, #tpu.memory_space<vmem>> -> memref<1x2x512xi32, #tpu.memory_space<vmem>>
        %dma_wait3A_57 = tpu.memref_squeeze %dma_wait3A_56 : memref<1x2x512xi32, #tpu.memory_space<vmem>> -> memref<2x512xi32, #tpu.memory_space<vmem>>
        %dma_wait3A_58 = arith.constant 0 : i32
        %dma_wait3A_59 = tpu.memref_slice %arg3[%dma_wait3A_58, %mul3A_33] : memref<2x320000xi32, #tpu.memory_space<hbm>> -> memref<2x512xi32, #tpu.memory_space<hbm>>
        %dma_wait3A_60 = arith.constant 0 : i32
        %dma_wait3A_61 = arith.constant 0 : i32
        %dma_wait3A_62 = tpu.memref_slice %arg5[%run_scoped3A, %dma_wait3A_60, %dma_wait3A_61] : memref<2x2x512xi32, #tpu.memory_space<vmem>> -> memref<1x2x512xi32, #tpu.memory_space<vmem>>
        %dma_wait3A_63 = tpu.memref_squeeze %dma_wait3A_62 : memref<1x2x512xi32, #tpu.memory_space<vmem>> -> memref<2x512xi32, #tpu.memory_space<vmem>>
        %dma_wait3A_64 = arith.constant 0 : i32
        %dma_wait3A_65 = tpu.memref_slice %arg3[%dma_wait3A_64, %mul3A_33] : memref<2x320000xi32, #tpu.memory_space<hbm>> -> memref<2x512xi32, #tpu.memory_space<hbm>>
        tpu.wait_dma2 semaphore(%run_scoped3A_43 : memref<!tpu.dma_semaphore, #tpu.memory_space<semaphore_mem>>) src(%dma_wait3A_65 : memref<2x512xi32, #tpu.memory_space<hbm>>) dst(%dma_wait3A_63 : memref<2x512xi32, #tpu.memory_space<vmem>>)
        tpu.yield
      }) : () -> ()
      %eq3A = arith.constant 0 : i32
      %eq3A_34 = arith.cmpi eq, %arg0, %eq3A : i32
      %convert_element_type3A_35 = arith.extui %eq3A_34 : i1 to i32
      %cond3A_36 = arith.constant 0 : i32
      %cond3A_37 = arith.cmpi ne, %convert_element_type3A_35, %cond3A_36 : i32
      scf.if %cond3A_37 {
        %dma_start3A = arith.constant 0 : i32
        %dma_start3A_43 = arith.constant 0 : i32
        %dma_start3A_44 = arith.constant 0 : i32
        %dma_start3A_45 = arith.constant 0 : i32
        %dma_start3A_46 = arith.constant 0 : i32
        %dma_start3A_47 = arith.constant 0 : i32
        %dma_start3A_48 = tpu.memref_slice %arg6[%dma_start3A_45, %dma_start3A_46, %dma_start3A_47] : memref<2x512x64xf32, #tpu.memory_space<vmem>> -> memref<1x512x64xf32, #tpu.memory_space<vmem>>
        %dma_start3A_49 = tpu.memref_squeeze %dma_start3A_48 : memref<1x512x64xf32, #tpu.memory_space<vmem>> -> memref<512x64xf32, #tpu.memory_space<vmem>>
        %dma_start3A_50 = arith.constant 0 : i32
        %dma_start3A_51 = arith.constant 0 : i32
        %dma_start3A_52 = tpu.memref_slice %arg5[%dma_start3A_43, %dma_start3A_50, %dma_start3A_51] : memref<2x2x512xi32, #tpu.memory_space<vmem>> -> memref<1x2x512xi32, #tpu.memory_space<vmem>>
        %dma_start3A_53 = tpu.memref_squeeze %dma_start3A_52 : memref<1x2x512xi32, #tpu.memory_space<vmem>> -> memref<2x512xi32, #tpu.memory_space<vmem>>
        %dma_start3A_54 = arith.constant 0 : i32
        %dma_start3A_55 = tpu.memref_slice %dma_start3A_53[%dma_start3A_44, %dma_start3A_54] : memref<2x512xi32, #tpu.memory_space<vmem>> -> memref<1x512xi32, #tpu.memory_space<vmem>>
        %dma_start3A_56 = tpu.memref_squeeze %dma_start3A_55 : memref<1x512xi32, #tpu.memory_space<vmem>> -> memref<512xi32, #tpu.memory_space<vmem>>
        %dma_start3A_57 = arith.constant 0 : i32
        %dma_start3A_58 = arith.constant 0 : i32
        %dma_start3A_59 = tpu.memref_slice %arg2[%dma_start3A, %dma_start3A_57, %dma_start3A_58] : memref<2x10240x64xf32, #tpu.memory_space<hbm>> -> memref<1x10240x64xf32, #tpu.memory_space<hbm>>
        %dma_start3A_60 = tpu.memref_squeeze %dma_start3A_59 : memref<1x10240x64xf32, #tpu.memory_space<hbm>> -> memref<10240x64xf32, #tpu.memory_space<hbm>>
        %dma_start3A_61 = arith.constant 0 : i32
        %dma_start3A_62 = arith.constant 0 : i32
        %dma_start3A_63 = tpu.memref_slice %dma_start3A_60[%dma_start3A_61, %dma_start3A_62] : memref<10240x64xf32, #tpu.memory_space<hbm>> -> memref<10240x64xf32, #tpu.memory_space<hbm>>
        tpu.enqueue_indirect_dma source(%dma_start3A_63 : memref<10240x64xf32, #tpu.memory_space<hbm>>) target(%dma_start3A_49 : memref<512x64xf32, #tpu.memory_space<vmem>>) offsets(%dma_start3A_56 : memref<512xi32, #tpu.memory_space<vmem>>) semaphore(%arg8 : memref<!tpu.dma_semaphore, #tpu.memory_space<semaphore_mem>>)
      } else {
      }
      %eq3A_38 = arith.constant 1 : i32
      %eq3A_39 = arith.cmpi eq, %arg0, %eq3A_38 : i32
      %convert_element_type3A_40 = arith.extui %eq3A_39 : i1 to i32
      %cond3A_41 = arith.constant 0 : i32
      %cond3A_42 = arith.cmpi ne, %convert_element_type3A_40, %cond3A_41 : i32
      scf.if %cond3A_42 {
        %dma_start3A = arith.constant 1 : i32
        %dma_start3A_43 = arith.constant 0 : i32
        %dma_start3A_44 = arith.constant 0 : i32
        %dma_start3A_45 = arith.constant 0 : i32
        %dma_start3A_46 = arith.constant 0 : i32
        %dma_start3A_47 = arith.constant 0 : i32
        %dma_start3A_48 = tpu.memref_slice %arg6[%dma_start3A_45, %dma_start3A_46, %dma_start3A_47] : memref<2x512x64xf32, #tpu.memory_space<vmem>> -> memref<1x512x64xf32, #tpu.memory_space<vmem>>
        %dma_start3A_49 = tpu.memref_squeeze %dma_start3A_48 : memref<1x512x64xf32, #tpu.memory_space<vmem>> -> memref<512x64xf32, #tpu.memory_space<vmem>>
        %dma_start3A_50 = arith.constant 0 : i32
        %dma_start3A_51 = arith.constant 0 : i32
        %dma_start3A_52 = tpu.memref_slice %arg5[%dma_start3A_43, %dma_start3A_50, %dma_start3A_51] : memref<2x2x512xi32, #tpu.memory_space<vmem>> -> memref<1x2x512xi32, #tpu.memory_space<vmem>>
        %dma_start3A_53 = tpu.memref_squeeze %dma_start3A_52 : memref<1x2x512xi32, #tpu.memory_space<vmem>> -> memref<2x512xi32, #tpu.memory_space<vmem>>
        %dma_start3A_54 = arith.constant 0 : i32
        %dma_start3A_55 = tpu.memref_slice %dma_start3A_53[%dma_start3A_44, %dma_start3A_54] : memref<2x512xi32, #tpu.memory_space<vmem>> -> memref<1x512xi32, #tpu.memory_space<vmem>>
        %dma_start3A_56 = tpu.memref_squeeze %dma_start3A_55 : memref<1x512xi32, #tpu.memory_space<vmem>> -> memref<512xi32, #tpu.memory_space<vmem>>
        %dma_start3A_57 = arith.constant 0 : i32
        %dma_start3A_58 = arith.constant 0 : i32
        %dma_start3A_59 = tpu.memref_slice %arg2[%dma_start3A, %dma_start3A_57, %dma_start3A_58] : memref<2x10240x64xf32, #tpu.memory_space<hbm>> -> memref<1x10240x64xf32, #tpu.memory_space<hbm>>
        %dma_start3A_60 = tpu.memref_squeeze %dma_start3A_59 : memref<1x10240x64xf32, #tpu.memory_space<hbm>> -> memref<10240x64xf32, #tpu.memory_space<hbm>>
        %dma_start3A_61 = arith.constant 0 : i32
        %dma_start3A_62 = arith.constant 0 : i32
        %dma_start3A_63 = tpu.memref_slice %dma_start3A_60[%dma_start3A_61, %dma_start3A_62] : memref<10240x64xf32, #tpu.memory_space<hbm>> -> memref<10240x64xf32, #tpu.memory_space<hbm>>
        tpu.enqueue_indirect_dma source(%dma_start3A_63 : memref<10240x64xf32, #tpu.memory_space<hbm>>) target(%dma_start3A_49 : memref<512x64xf32, #tpu.memory_space<vmem>>) offsets(%dma_start3A_56 : memref<512xi32, #tpu.memory_space<vmem>>) semaphore(%arg8 : memref<!tpu.dma_semaphore, #tpu.memory_space<semaphore_mem>>)
      } else {
      }
    } else {
    }
    %gt3A_7 = arith.constant 1 : i32
    %gt3A_8 = arith.cmpi sgt, %min3A, %gt3A_7 : i32
    %convert_element_type3A_9 = arith.extui %gt3A_8 : i1 to i32
    %cond3A_10 = arith.constant 0 : i32
    %cond3A_11 = arith.cmpi ne, %convert_element_type3A_9, %cond3A_10 : i32
    scf.if %cond3A_11 {
      %add3A = arith.constant 1 : i32
      %add3A_31 = arith.addi %mul3A_0, %add3A : i32
      %mul3A_32 = arith.constant 512 : i32
      %mul3A_33 = arith.muli %add3A_31, %mul3A_32 : i32
      %run_scoped3A = arith.constant 1 : i32
      "tpu.region"() ({
        %run_scoped3A_43 = tpu.sem_alloc : memref<!tpu.dma_semaphore, #tpu.memory_space<semaphore_mem>>
        %dma_start3A = arith.constant 0 : i32
        %dma_start3A_44 = arith.constant 0 : i32
        %dma_start3A_45 = tpu.memref_slice %arg5[%run_scoped3A, %dma_start3A, %dma_start3A_44] : memref<2x2x512xi32, #tpu.memory_space<vmem>> -> memref<1x2x512xi32, #tpu.memory_space<vmem>>
        %dma_start3A_46 = tpu.memref_squeeze %dma_start3A_45 : memref<1x2x512xi32, #tpu.memory_space<vmem>> -> memref<2x512xi32, #tpu.memory_space<vmem>>
        %dma_start3A_47 = arith.constant 0 : i32
        %dma_start3A_48 = tpu.memref_slice %arg3[%dma_start3A_47, %mul3A_33] : memref<2x320000xi32, #tpu.memory_space<hbm>> -> memref<2x512xi32, #tpu.memory_space<hbm>>
        %dma_start3A_49 = arith.constant 0 : i32
        %dma_start3A_50 = arith.constant 0 : i32
        %dma_start3A_51 = tpu.memref_slice %arg5[%run_scoped3A, %dma_start3A_49, %dma_start3A_50] : memref<2x2x512xi32, #tpu.memory_space<vmem>> -> memref<1x2x512xi32, #tpu.memory_space<vmem>>
        %dma_start3A_52 = tpu.memref_squeeze %dma_start3A_51 : memref<1x2x512xi32, #tpu.memory_space<vmem>> -> memref<2x512xi32, #tpu.memory_space<vmem>>
        %dma_start3A_53 = arith.constant 0 : i32
        %dma_start3A_54 = tpu.memref_slice %arg3[%dma_start3A_53, %mul3A_33] : memref<2x320000xi32, #tpu.memory_space<hbm>> -> memref<2x512xi32, #tpu.memory_space<hbm>>
        tpu.enqueue_dma source(%dma_start3A_54 : memref<2x512xi32, #tpu.memory_space<hbm>>) target(%dma_start3A_52 : memref<2x512xi32, #tpu.memory_space<vmem>>) target_semaphore(%run_scoped3A_43 : memref<!tpu.dma_semaphore, #tpu.memory_space<semaphore_mem>>)
        %dma_wait3A = arith.constant 0 : i32
        %dma_wait3A_55 = arith.constant 0 : i32
        %dma_wait3A_56 = tpu.memref_slice %arg5[%run_scoped3A, %dma_wait3A, %dma_wait3A_55] : memref<2x2x512xi32, #tpu.memory_space<vmem>> -> memref<1x2x512xi32, #tpu.memory_space<vmem>>
        %dma_wait3A_57 = tpu.memref_squeeze %dma_wait3A_56 : memref<1x2x512xi32, #tpu.memory_space<vmem>> -> memref<2x512xi32, #tpu.memory_space<vmem>>
        %dma_wait3A_58 = arith.constant 0 : i32
        %dma_wait3A_59 = tpu.memref_slice %arg3[%dma_wait3A_58, %mul3A_33] : memref<2x320000xi32, #tpu.memory_space<hbm>> -> memref<2x512xi32, #tpu.memory_space<hbm>>
        %dma_wait3A_60 = arith.constant 0 : i32
        %dma_wait3A_61 = arith.constant 0 : i32
        %dma_wait3A_62 = tpu.memref_slice %arg5[%run_scoped3A, %dma_wait3A_60, %dma_wait3A_61] : memref<2x2x512xi32, #tpu.memory_space<vmem>> -> memref<1x2x512xi32, #tpu.memory_space<vmem>>
        %dma_wait3A_63 = tpu.memref_squeeze %dma_wait3A_62 : memref<1x2x512xi32, #tpu.memory_space<vmem>> -> memref<2x512xi32, #tpu.memory_space<vmem>>
        %dma_wait3A_64 = arith.constant 0 : i32
        %dma_wait3A_65 = tpu.memref_slice %arg3[%dma_wait3A_64, %mul3A_33] : memref<2x320000xi32, #tpu.memory_space<hbm>> -> memref<2x512xi32, #tpu.memory_space<hbm>>
        tpu.wait_dma2 semaphore(%run_scoped3A_43 : memref<!tpu.dma_semaphore, #tpu.memory_space<semaphore_mem>>) src(%dma_wait3A_65 : memref<2x512xi32, #tpu.memory_space<hbm>>) dst(%dma_wait3A_63 : memref<2x512xi32, #tpu.memory_space<vmem>>)
        tpu.yield
      }) : () -> ()
      %eq3A = arith.constant 0 : i32
      %eq3A_34 = arith.cmpi eq, %arg0, %eq3A : i32
      %convert_element_type3A_35 = arith.extui %eq3A_34 : i1 to i32
      %cond3A_36 = arith.constant 0 : i32
      %cond3A_37 = arith.cmpi ne, %convert_element_type3A_35, %cond3A_36 : i32
      scf.if %cond3A_37 {
        %dma_start3A = arith.constant 0 : i32
        %dma_start3A_43 = arith.constant 1 : i32
        %dma_start3A_44 = arith.constant 0 : i32
        %dma_start3A_45 = arith.constant 1 : i32
        %dma_start3A_46 = arith.constant 0 : i32
        %dma_start3A_47 = arith.constant 0 : i32
        %dma_start3A_48 = tpu.memref_slice %arg6[%dma_start3A_45, %dma_start3A_46, %dma_start3A_47] : memref<2x512x64xf32, #tpu.memory_space<vmem>> -> memref<1x512x64xf32, #tpu.memory_space<vmem>>
        %dma_start3A_49 = tpu.memref_squeeze %dma_start3A_48 : memref<1x512x64xf32, #tpu.memory_space<vmem>> -> memref<512x64xf32, #tpu.memory_space<vmem>>
        %dma_start3A_50 = arith.constant 0 : i32
        %dma_start3A_51 = arith.constant 0 : i32
        %dma_start3A_52 = tpu.memref_slice %arg5[%dma_start3A_43, %dma_start3A_50, %dma_start3A_51] : memref<2x2x512xi32, #tpu.memory_space<vmem>> -> memref<1x2x512xi32, #tpu.memory_space<vmem>>
        %dma_start3A_53 = tpu.memref_squeeze %dma_start3A_52 : memref<1x2x512xi32, #tpu.memory_space<vmem>> -> memref<2x512xi32, #tpu.memory_space<vmem>>
        %dma_start3A_54 = arith.constant 0 : i32
        %dma_start3A_55 = tpu.memref_slice %dma_start3A_53[%dma_start3A_44, %dma_start3A_54] : memref<2x512xi32, #tpu.memory_space<vmem>> -> memref<1x512xi32, #tpu.memory_space<vmem>>
        %dma_start3A_56 = tpu.memref_squeeze %dma_start3A_55 : memref<1x512xi32, #tpu.memory_space<vmem>> -> memref<512xi32, #tpu.memory_space<vmem>>
        %dma_start3A_57 = arith.constant 0 : i32
        %dma_start3A_58 = arith.constant 0 : i32
        %dma_start3A_59 = tpu.memref_slice %arg2[%dma_start3A, %dma_start3A_57, %dma_start3A_58] : memref<2x10240x64xf32, #tpu.memory_space<hbm>> -> memref<1x10240x64xf32, #tpu.memory_space<hbm>>
        %dma_start3A_60 = tpu.memref_squeeze %dma_start3A_59 : memref<1x10240x64xf32, #tpu.memory_space<hbm>> -> memref<10240x64xf32, #tpu.memory_space<hbm>>
        %dma_start3A_61 = arith.constant 0 : i32
        %dma_start3A_62 = arith.constant 0 : i32
        %dma_start3A_63 = tpu.memref_slice %dma_start3A_60[%dma_start3A_61, %dma_start3A_62] : memref<10240x64xf32, #tpu.memory_space<hbm>> -> memref<10240x64xf32, #tpu.memory_space<hbm>>
        tpu.enqueue_indirect_dma source(%dma_start3A_63 : memref<10240x64xf32, #tpu.memory_space<hbm>>) target(%dma_start3A_49 : memref<512x64xf32, #tpu.memory_space<vmem>>) offsets(%dma_start3A_56 : memref<512xi32, #tpu.memory_space<vmem>>) semaphore(%arg9 : memref<!tpu.dma_semaphore, #tpu.memory_space<semaphore_mem>>)
      } else {
      }
      %eq3A_38 = arith.constant 1 : i32
      %eq3A_39 = arith.cmpi eq, %arg0, %eq3A_38 : i32
      %convert_element_type3A_40 = arith.extui %eq3A_39 : i1 to i32
      %cond3A_41 = arith.constant 0 : i32
      %cond3A_42 = arith.cmpi ne, %convert_element_type3A_40, %cond3A_41 : i32
      scf.if %cond3A_42 {
        %dma_start3A = arith.constant 1 : i32
        %dma_start3A_43 = arith.constant 1 : i32
        %dma_start3A_44 = arith.constant 0 : i32
        %dma_start3A_45 = arith.constant 1 : i32
        %dma_start3A_46 = arith.constant 0 : i32
        %dma_start3A_47 = arith.constant 0 : i32
        %dma_start3A_48 = tpu.memref_slice %arg6[%dma_start3A_45, %dma_start3A_46, %dma_start3A_47] : memref<2x512x64xf32, #tpu.memory_space<vmem>> -> memref<1x512x64xf32, #tpu.memory_space<vmem>>
        %dma_start3A_49 = tpu.memref_squeeze %dma_start3A_48 : memref<1x512x64xf32, #tpu.memory_space<vmem>> -> memref<512x64xf32, #tpu.memory_space<vmem>>
        %dma_start3A_50 = arith.constant 0 : i32
        %dma_start3A_51 = arith.constant 0 : i32
        %dma_start3A_52 = tpu.memref_slice %arg5[%dma_start3A_43, %dma_start3A_50, %dma_start3A_51] : memref<2x2x512xi32, #tpu.memory_space<vmem>> -> memref<1x2x512xi32, #tpu.memory_space<vmem>>
        %dma_start3A_53 = tpu.memref_squeeze %dma_start3A_52 : memref<1x2x512xi32, #tpu.memory_space<vmem>> -> memref<2x512xi32, #tpu.memory_space<vmem>>
        %dma_start3A_54 = arith.constant 0 : i32
        %dma_start3A_55 = tpu.memref_slice %dma_start3A_53[%dma_start3A_44, %dma_start3A_54] : memref<2x512xi32, #tpu.memory_space<vmem>> -> memref<1x512xi32, #tpu.memory_space<vmem>>
        %dma_start3A_56 = tpu.memref_squeeze %dma_start3A_55 : memref<1x512xi32, #tpu.memory_space<vmem>> -> memref<512xi32, #tpu.memory_space<vmem>>
        %dma_start3A_57 = arith.constant 0 : i32
        %dma_start3A_58 = arith.constant 0 : i32
        %dma_start3A_59 = tpu.memref_slice %arg2[%dma_start3A, %dma_start3A_57, %dma_start3A_58] : memref<2x10240x64xf32, #tpu.memory_space<hbm>> -> memref<1x10240x64xf32, #tpu.memory_space<hbm>>
        %dma_start3A_60 = tpu.memref_squeeze %dma_start3A_59 : memref<1x10240x64xf32, #tpu.memory_space<hbm>> -> memref<10240x64xf32, #tpu.memory_space<hbm>>
        %dma_start3A_61 = arith.constant 0 : i32
        %dma_start3A_62 = arith.constant 0 : i32
        %dma_start3A_63 = tpu.memref_slice %dma_start3A_60[%dma_start3A_61, %dma_start3A_62] : memref<10240x64xf32, #tpu.memory_space<hbm>> -> memref<10240x64xf32, #tpu.memory_space<hbm>>
        tpu.enqueue_indirect_dma source(%dma_start3A_63 : memref<10240x64xf32, #tpu.memory_space<hbm>>) target(%dma_start3A_49 : memref<512x64xf32, #tpu.memory_space<vmem>>) offsets(%dma_start3A_56 : memref<512xi32, #tpu.memory_space<vmem>>) semaphore(%arg9 : memref<!tpu.dma_semaphore, #tpu.memory_space<semaphore_mem>>)
      } else {
      }
    } else {
    }
    %scan3A = arith.constant 0 : i32
    %scan3A_12 = arith.constant 20 : i32
    %scan3A_13 = arith.addi %scan3A, %scan3A_12 : i32
    %scan3A_14 = arith.constant 1 : i32
    scf.for %scan3A_31 = %scan3A to %scan3A_13 step %scan3A_14  : i32 {
      %mul3A_32 = arith.constant 2 : i32
      %mul3A_33 = arith.muli %scan3A_31, %mul3A_32 : i32
      %add3A = arith.constant 0 : i32
      %add3A_34 = arith.addi %mul3A_33, %add3A : i32
      %lt3A = arith.cmpi slt, %add3A_34, %min3A : i32
      %convert_element_type3A_35 = arith.extui %lt3A : i1 to i32
      %cond3A_36 = arith.constant 0 : i32
      %cond3A_37 = arith.cmpi ne, %convert_element_type3A_35, %cond3A_36 : i32
      scf.if %cond3A_37 {
        %dma_wait3A = arith.constant 0 : i32
        %dma_wait3A_44 = arith.constant 0 : i32
        %dma_wait3A_45 = arith.constant 0 : i32
        %dma_wait3A_46 = arith.constant 0 : i32
        %dma_wait3A_47 = tpu.memref_slice %arg6[%dma_wait3A_44, %dma_wait3A_45, %dma_wait3A_46] : memref<2x512x64xf32, #tpu.memory_space<vmem>> -> memref<1x512x64xf32, #tpu.memory_space<vmem>>
        %dma_wait3A_48 = tpu.memref_squeeze %dma_wait3A_47 : memref<1x512x64xf32, #tpu.memory_space<vmem>> -> memref<512x64xf32, #tpu.memory_space<vmem>>
        %dma_wait3A_49 = arith.constant 0 : i32
        %dma_wait3A_50 = arith.constant 0 : i32
        %dma_wait3A_51 = tpu.memref_slice %arg2[%dma_wait3A, %dma_wait3A_49, %dma_wait3A_50] : memref<2x10240x64xf32, #tpu.memory_space<hbm>> -> memref<1x10240x64xf32, #tpu.memory_space<hbm>>
        %dma_wait3A_52 = tpu.memref_squeeze %dma_wait3A_51 : memref<1x10240x64xf32, #tpu.memory_space<hbm>> -> memref<10240x64xf32, #tpu.memory_space<hbm>>
        %dma_wait3A_53 = arith.constant 0 : i32
        %dma_wait3A_54 = arith.constant 0 : i32
        %dma_wait3A_55 = tpu.memref_slice %dma_wait3A_52[%dma_wait3A_53, %dma_wait3A_54] : memref<10240x64xf32, #tpu.memory_space<hbm>> -> memref<512x64xf32, #tpu.memory_space<hbm>>
        %dma_wait3A_56 = arith.constant 0 : i32
        %dma_wait3A_57 = arith.constant 0 : i32
        %dma_wait3A_58 = tpu.memref_slice %arg6[%dma_wait3A_44, %dma_wait3A_56, %dma_wait3A_57] : memref<2x512x64xf32, #tpu.memory_space<vmem>> -> memref<1x512x64xf32, #tpu.memory_space<vmem>>
        %dma_wait3A_59 = tpu.memref_squeeze %dma_wait3A_58 : memref<1x512x64xf32, #tpu.memory_space<vmem>> -> memref<512x64xf32, #tpu.memory_space<vmem>>
        %dma_wait3A_60 = arith.constant 0 : i32
        %dma_wait3A_61 = arith.constant 0 : i32
        %dma_wait3A_62 = tpu.memref_slice %arg2[%dma_wait3A, %dma_wait3A_60, %dma_wait3A_61] : memref<2x10240x64xf32, #tpu.memory_space<hbm>> -> memref<1x10240x64xf32, #tpu.memory_space<hbm>>
        %dma_wait3A_63 = tpu.memref_squeeze %dma_wait3A_62 : memref<1x10240x64xf32, #tpu.memory_space<hbm>> -> memref<10240x64xf32, #tpu.memory_space<hbm>>
        %dma_wait3A_64 = arith.constant 0 : i32
        %dma_wait3A_65 = arith.constant 0 : i32
        %dma_wait3A_66 = tpu.memref_slice %dma_wait3A_63[%dma_wait3A_64, %dma_wait3A_65] : memref<10240x64xf32, #tpu.memory_space<hbm>> -> memref<512x64xf32, #tpu.memory_space<hbm>>
        tpu.wait_dma2 semaphore(%arg8 : memref<!tpu.dma_semaphore, #tpu.memory_space<semaphore_mem>>) src(%dma_wait3A_66 : memref<512x64xf32, #tpu.memory_space<hbm>>) dst(%dma_wait3A_59 : memref<512x64xf32, #tpu.memory_space<vmem>>)
        %dma_start3A = arith.constant 0 : i32
        %dma_start3A_67 = arith.constant 0 : i32
        %dma_start3A_68 = arith.constant 1 : i32
        %dma_start3A_69 = arith.constant 0 : i32
        %dma_start3A_70 = arith.constant 0 : i32
        %dma_start3A_71 = tpu.memref_slice %arg6[%dma_start3A, %dma_start3A_69, %dma_start3A_70] : memref<2x512x64xf32, #tpu.memory_space<vmem>> -> memref<1x512x64xf32, #tpu.memory_space<vmem>>
        %dma_start3A_72 = tpu.memref_squeeze %dma_start3A_71 : memref<1x512x64xf32, #tpu.memory_space<vmem>> -> memref<512x64xf32, #tpu.memory_space<vmem>>
        %dma_start3A_73 = arith.constant 0 : i32
        %dma_start3A_74 = arith.constant 0 : i32
        %dma_start3A_75 = tpu.memref_slice %arg5[%dma_start3A_67, %dma_start3A_73, %dma_start3A_74] : memref<2x2x512xi32, #tpu.memory_space<vmem>> -> memref<1x2x512xi32, #tpu.memory_space<vmem>>
        %dma_start3A_76 = tpu.memref_squeeze %dma_start3A_75 : memref<1x2x512xi32, #tpu.memory_space<vmem>> -> memref<2x512xi32, #tpu.memory_space<vmem>>
        %dma_start3A_77 = arith.constant 0 : i32
        %dma_start3A_78 = tpu.memref_slice %dma_start3A_76[%dma_start3A_68, %dma_start3A_77] : memref<2x512xi32, #tpu.memory_space<vmem>> -> memref<1x512xi32, #tpu.memory_space<vmem>>
        %dma_start3A_79 = tpu.memref_squeeze %dma_start3A_78 : memref<1x512xi32, #tpu.memory_space<vmem>> -> memref<512xi32, #tpu.memory_space<vmem>>
        %dma_start3A_80 = arith.constant 0 : i32
        %dma_start3A_81 = arith.constant 0 : i32
        %dma_start3A_82 = tpu.memref_slice %arg7[%dma_start3A_80, %dma_start3A_81] : memref<10240x64xf32, #tpu.memory_space<vmem_shared>> -> memref<10240x64xf32, #tpu.memory_space<vmem_shared>>
        tpu.enqueue_indirect_dma source(%dma_start3A_72 : memref<512x64xf32, #tpu.memory_space<vmem>>) target(%dma_start3A_82 : memref<10240x64xf32, #tpu.memory_space<vmem_shared>>) offsets(%dma_start3A_79 : memref<512xi32, #tpu.memory_space<vmem>>) semaphore(%arg10 : memref<!tpu.dma_semaphore, #tpu.memory_space<semaphore_mem>>) {add = true}
        %add3A_83 = arith.constant 2 : i32
        %add3A_84 = arith.addi %add3A_34, %add3A_83 : i32
        %lt3A_85 = arith.cmpi slt, %add3A_84, %min3A : i32
        %convert_element_type3A_86 = arith.extui %lt3A_85 : i1 to i32
        %cond3A_87 = arith.constant 0 : i32
        %cond3A_88 = arith.cmpi ne, %convert_element_type3A_86, %cond3A_87 : i32
        scf.if %cond3A_88 {
          %dma_wait3A_89 = arith.constant 0 : i32
          %dma_wait3A_90 = arith.constant 0 : i32
          %dma_wait3A_91 = arith.constant 0 : i32
          %dma_wait3A_92 = tpu.memref_slice %arg6[%dma_wait3A_89, %dma_wait3A_90, %dma_wait3A_91] : memref<2x512x64xf32, #tpu.memory_space<vmem>> -> memref<1x512x64xf32, #tpu.memory_space<vmem>>
          %dma_wait3A_93 = tpu.memref_squeeze %dma_wait3A_92 : memref<1x512x64xf32, #tpu.memory_space<vmem>> -> memref<512x64xf32, #tpu.memory_space<vmem>>
          %dma_wait3A_94 = arith.constant 0 : i32
          %dma_wait3A_95 = arith.constant 0 : i32
          %dma_wait3A_96 = tpu.memref_slice %arg7[%dma_wait3A_94, %dma_wait3A_95] : memref<10240x64xf32, #tpu.memory_space<vmem_shared>> -> memref<512x64xf32, #tpu.memory_space<vmem_shared>>
          %dma_wait3A_97 = arith.constant 0 : i32
          %dma_wait3A_98 = arith.constant 0 : i32
          %dma_wait3A_99 = tpu.memref_slice %arg7[%dma_wait3A_97, %dma_wait3A_98] : memref<10240x64xf32, #tpu.memory_space<vmem_shared>> -> memref<512x64xf32, #tpu.memory_space<vmem_shared>>
          %dma_wait3A_100 = arith.constant 0 : i32
          %dma_wait3A_101 = arith.constant 0 : i32
          %dma_wait3A_102 = tpu.memref_slice %arg6[%dma_wait3A_89, %dma_wait3A_100, %dma_wait3A_101] : memref<2x512x64xf32, #tpu.memory_space<vmem>> -> memref<1x512x64xf32, #tpu.memory_space<vmem>>
          %dma_wait3A_103 = tpu.memref_squeeze %dma_wait3A_102 : memref<1x512x64xf32, #tpu.memory_space<vmem>> -> memref<512x64xf32, #tpu.memory_space<vmem>>
          tpu.wait_dma2 semaphore(%arg10 : memref<!tpu.dma_semaphore, #tpu.memory_space<semaphore_mem>>) src(%dma_wait3A_103 : memref<512x64xf32, #tpu.memory_space<vmem>>) dst(%dma_wait3A_99 : memref<512x64xf32, #tpu.memory_space<vmem_shared>>)
          %add3A_104 = arith.constant 2 : i32
          %add3A_105 = arith.addi %add3A_34, %add3A_104 : i32
          %add3A_106 = arith.addi %mul3A_0, %add3A_105 : i32
          %mul3A_107 = arith.constant 512 : i32
          %mul3A_108 = arith.muli %add3A_106, %mul3A_107 : i32
          %run_scoped3A = arith.constant 0 : i32
          "tpu.region"() ({
            %run_scoped3A_118 = tpu.sem_alloc : memref<!tpu.dma_semaphore, #tpu.memory_space<semaphore_mem>>
            %dma_start3A_119 = arith.constant 0 : i32
            %dma_start3A_120 = arith.constant 0 : i32
            %dma_start3A_121 = tpu.memref_slice %arg5[%run_scoped3A, %dma_start3A_119, %dma_start3A_120] : memref<2x2x512xi32, #tpu.memory_space<vmem>> -> memref<1x2x512xi32, #tpu.memory_space<vmem>>
            %dma_start3A_122 = tpu.memref_squeeze %dma_start3A_121 : memref<1x2x512xi32, #tpu.memory_space<vmem>> -> memref<2x512xi32, #tpu.memory_space<vmem>>
            %dma_start3A_123 = arith.constant 0 : i32
            %dma_start3A_124 = tpu.memref_slice %arg3[%dma_start3A_123, %mul3A_108] : memref<2x320000xi32, #tpu.memory_space<hbm>> -> memref<2x512xi32, #tpu.memory_space<hbm>>
            %dma_start3A_125 = arith.constant 0 : i32
            %dma_start3A_126 = arith.constant 0 : i32
            %dma_start3A_127 = tpu.memref_slice %arg5[%run_scoped3A, %dma_start3A_125, %dma_start3A_126] : memref<2x2x512xi32, #tpu.memory_space<vmem>> -> memref<1x2x512xi32, #tpu.memory_space<vmem>>
            %dma_start3A_128 = tpu.memref_squeeze %dma_start3A_127 : memref<1x2x512xi32, #tpu.memory_space<vmem>> -> memref<2x512xi32, #tpu.memory_space<vmem>>
            %dma_start3A_129 = arith.constant 0 : i32
            %dma_start3A_130 = tpu.memref_slice %arg3[%dma_start3A_129, %mul3A_108] : memref<2x320000xi32, #tpu.memory_space<hbm>> -> memref<2x512xi32, #tpu.memory_space<hbm>>
            tpu.enqueue_dma source(%dma_start3A_130 : memref<2x512xi32, #tpu.memory_space<hbm>>) target(%dma_start3A_128 : memref<2x512xi32, #tpu.memory_space<vmem>>) target_semaphore(%run_scoped3A_118 : memref<!tpu.dma_semaphore, #tpu.memory_space<semaphore_mem>>)
            %dma_wait3A_131 = arith.constant 0 : i32
            %dma_wait3A_132 = arith.constant 0 : i32
            %dma_wait3A_133 = tpu.memref_slice %arg5[%run_scoped3A, %dma_wait3A_131, %dma_wait3A_132] : memref<2x2x512xi32, #tpu.memory_space<vmem>> -> memref<1x2x512xi32, #tpu.memory_space<vmem>>
            %dma_wait3A_134 = tpu.memref_squeeze %dma_wait3A_133 : memref<1x2x512xi32, #tpu.memory_space<vmem>> -> memref<2x512xi32, #tpu.memory_space<vmem>>
            %dma_wait3A_135 = arith.constant 0 : i32
            %dma_wait3A_136 = tpu.memref_slice %arg3[%dma_wait3A_135, %mul3A_108] : memref<2x320000xi32, #tpu.memory_space<hbm>> -> memref<2x512xi32, #tpu.memory_space<hbm>>
            %dma_wait3A_137 = arith.constant 0 : i32
            %dma_wait3A_138 = arith.constant 0 : i32
            %dma_wait3A_139 = tpu.memref_slice %arg5[%run_scoped3A, %dma_wait3A_137, %dma_wait3A_138] : memref<2x2x512xi32, #tpu.memory_space<vmem>> -> memref<1x2x512xi32, #tpu.memory_space<vmem>>
            %dma_wait3A_140 = tpu.memref_squeeze %dma_wait3A_139 : memref<1x2x512xi32, #tpu.memory_space<vmem>> -> memref<2x512xi32, #tpu.memory_space<vmem>>
            %dma_wait3A_141 = arith.constant 0 : i32
            %dma_wait3A_142 = tpu.memref_slice %arg3[%dma_wait3A_141, %mul3A_108] : memref<2x320000xi32, #tpu.memory_space<hbm>> -> memref<2x512xi32, #tpu.memory_space<hbm>>
            tpu.wait_dma2 semaphore(%run_scoped3A_118 : memref<!tpu.dma_semaphore, #tpu.memory_space<semaphore_mem>>) src(%dma_wait3A_142 : memref<2x512xi32, #tpu.memory_space<hbm>>) dst(%dma_wait3A_140 : memref<2x512xi32, #tpu.memory_space<vmem>>)
            tpu.yield
          }) : () -> ()
          %eq3A = arith.constant 0 : i32
          %eq3A_109 = arith.cmpi eq, %arg0, %eq3A : i32
          %convert_element_type3A_110 = arith.extui %eq3A_109 : i1 to i32
          %cond3A_111 = arith.constant 0 : i32
          %cond3A_112 = arith.cmpi ne, %convert_element_type3A_110, %cond3A_111 : i32
          scf.if %cond3A_112 {
            %dma_start3A_118 = arith.constant 0 : i32
            %dma_start3A_119 = arith.constant 0 : i32
            %dma_start3A_120 = arith.constant 0 : i32
            %dma_start3A_121 = arith.constant 0 : i32
            %dma_start3A_122 = arith.constant 0 : i32
            %dma_start3A_123 = arith.constant 0 : i32
            %dma_start3A_124 = tpu.memref_slice %arg6[%dma_start3A_121, %dma_start3A_122, %dma_start3A_123] : memref<2x512x64xf32, #tpu.memory_space<vmem>> -> memref<1x512x64xf32, #tpu.memory_space<vmem>>
            %dma_start3A_125 = tpu.memref_squeeze %dma_start3A_124 : memref<1x512x64xf32, #tpu.memory_space<vmem>> -> memref<512x64xf32, #tpu.memory_space<vmem>>
            %dma_start3A_126 = arith.constant 0 : i32
            %dma_start3A_127 = arith.constant 0 : i32
            %dma_start3A_128 = tpu.memref_slice %arg5[%dma_start3A_119, %dma_start3A_126, %dma_start3A_127] : memref<2x2x512xi32, #tpu.memory_space<vmem>> -> memref<1x2x512xi32, #tpu.memory_space<vmem>>
            %dma_start3A_129 = tpu.memref_squeeze %dma_start3A_128 : memref<1x2x512xi32, #tpu.memory_space<vmem>> -> memref<2x512xi32, #tpu.memory_space<vmem>>
            %dma_start3A_130 = arith.constant 0 : i32
            %dma_start3A_131 = tpu.memref_slice %dma_start3A_129[%dma_start3A_120, %dma_start3A_130] : memref<2x512xi32, #tpu.memory_space<vmem>> -> memref<1x512xi32, #tpu.memory_space<vmem>>
            %dma_start3A_132 = tpu.memref_squeeze %dma_start3A_131 : memref<1x512xi32, #tpu.memory_space<vmem>> -> memref<512xi32, #tpu.memory_space<vmem>>
            %dma_start3A_133 = arith.constant 0 : i32
            %dma_start3A_134 = arith.constant 0 : i32
            %dma_start3A_135 = tpu.memref_slice %arg2[%dma_start3A_118, %dma_start3A_133, %dma_start3A_134] : memref<2x10240x64xf32, #tpu.memory_space<hbm>> -> memref<1x10240x64xf32, #tpu.memory_space<hbm>>
            %dma_start3A_136 = tpu.memref_squeeze %dma_start3A_135 : memref<1x10240x64xf32, #tpu.memory_space<hbm>> -> memref<10240x64xf32, #tpu.memory_space<hbm>>
            %dma_start3A_137 = arith.constant 0 : i32
            %dma_start3A_138 = arith.constant 0 : i32
            %dma_start3A_139 = tpu.memref_slice %dma_start3A_136[%dma_start3A_137, %dma_start3A_138] : memref<10240x64xf32, #tpu.memory_space<hbm>> -> memref<10240x64xf32, #tpu.memory_space<hbm>>
            tpu.enqueue_indirect_dma source(%dma_start3A_139 : memref<10240x64xf32, #tpu.memory_space<hbm>>) target(%dma_start3A_125 : memref<512x64xf32, #tpu.memory_space<vmem>>) offsets(%dma_start3A_132 : memref<512xi32, #tpu.memory_space<vmem>>) semaphore(%arg8 : memref<!tpu.dma_semaphore, #tpu.memory_space<semaphore_mem>>)
          } else {
          }
          %eq3A_113 = arith.constant 1 : i32
          %eq3A_114 = arith.cmpi eq, %arg0, %eq3A_113 : i32
          %convert_element_type3A_115 = arith.extui %eq3A_114 : i1 to i32
          %cond3A_116 = arith.constant 0 : i32
          %cond3A_117 = arith.cmpi ne, %convert_element_type3A_115, %cond3A_116 : i32
          scf.if %cond3A_117 {
            %dma_start3A_118 = arith.constant 1 : i32
            %dma_start3A_119 = arith.constant 0 : i32
            %dma_start3A_120 = arith.constant 0 : i32
            %dma_start3A_121 = arith.constant 0 : i32
            %dma_start3A_122 = arith.constant 0 : i32
            %dma_start3A_123 = arith.constant 0 : i32
            %dma_start3A_124 = tpu.memref_slice %arg6[%dma_start3A_121, %dma_start3A_122, %dma_start3A_123] : memref<2x512x64xf32, #tpu.memory_space<vmem>> -> memref<1x512x64xf32, #tpu.memory_space<vmem>>
            %dma_start3A_125 = tpu.memref_squeeze %dma_start3A_124 : memref<1x512x64xf32, #tpu.memory_space<vmem>> -> memref<512x64xf32, #tpu.memory_space<vmem>>
            %dma_start3A_126 = arith.constant 0 : i32
            %dma_start3A_127 = arith.constant 0 : i32
            %dma_start3A_128 = tpu.memref_slice %arg5[%dma_start3A_119, %dma_start3A_126, %dma_start3A_127] : memref<2x2x512xi32, #tpu.memory_space<vmem>> -> memref<1x2x512xi32, #tpu.memory_space<vmem>>
            %dma_start3A_129 = tpu.memref_squeeze %dma_start3A_128 : memref<1x2x512xi32, #tpu.memory_space<vmem>> -> memref<2x512xi32, #tpu.memory_space<vmem>>
            %dma_start3A_130 = arith.constant 0 : i32
            %dma_start3A_131 = tpu.memref_slice %dma_start3A_129[%dma_start3A_120, %dma_start3A_130] : memref<2x512xi32, #tpu.memory_space<vmem>> -> memref<1x512xi32, #tpu.memory_space<vmem>>
            %dma_start3A_132 = tpu.memref_squeeze %dma_start3A_131 : memref<1x512xi32, #tpu.memory_space<vmem>> -> memref<512xi32, #tpu.memory_space<vmem>>
            %dma_start3A_133 = arith.constant 0 : i32
            %dma_start3A_134 = arith.constant 0 : i32
            %dma_start3A_135 = tpu.memref_slice %arg2[%dma_start3A_118, %dma_start3A_133, %dma_start3A_134] : memref<2x10240x64xf32, #tpu.memory_space<hbm>> -> memref<1x10240x64xf32, #tpu.memory_space<hbm>>
            %dma_start3A_136 = tpu.memref_squeeze %dma_start3A_135 : memref<1x10240x64xf32, #tpu.memory_space<hbm>> -> memref<10240x64xf32, #tpu.memory_space<hbm>>
            %dma_start3A_137 = arith.constant 0 : i32
            %dma_start3A_138 = arith.constant 0 : i32
            %dma_start3A_139 = tpu.memref_slice %dma_start3A_136[%dma_start3A_137, %dma_start3A_138] : memref<10240x64xf32, #tpu.memory_space<hbm>> -> memref<10240x64xf32, #tpu.memory_space<hbm>>
            tpu.enqueue_indirect_dma source(%dma_start3A_139 : memref<10240x64xf32, #tpu.memory_space<hbm>>) target(%dma_start3A_125 : memref<512x64xf32, #tpu.memory_space<vmem>>) offsets(%dma_start3A_132 : memref<512xi32, #tpu.memory_space<vmem>>) semaphore(%arg8 : memref<!tpu.dma_semaphore, #tpu.memory_space<semaphore_mem>>)
          } else {
          }
        } else {
        }
      } else {
      }
      %add3A_38 = arith.constant 1 : i32
      %add3A_39 = arith.addi %mul3A_33, %add3A_38 : i32
      %lt3A_40 = arith.cmpi slt, %add3A_39, %min3A : i32
      %convert_element_type3A_41 = arith.extui %lt3A_40 : i1 to i32
      %cond3A_42 = arith.constant 0 : i32
      %cond3A_43 = arith.cmpi ne, %convert_element_type3A_41, %cond3A_42 : i32
      scf.if %cond3A_43 {
        %dma_wait3A = arith.constant 0 : i32
        %dma_wait3A_44 = arith.constant 1 : i32
        %dma_wait3A_45 = arith.constant 0 : i32
        %dma_wait3A_46 = arith.constant 0 : i32
        %dma_wait3A_47 = tpu.memref_slice %arg6[%dma_wait3A_44, %dma_wait3A_45, %dma_wait3A_46] : memref<2x512x64xf32, #tpu.memory_space<vmem>> -> memref<1x512x64xf32, #tpu.memory_space<vmem>>
        %dma_wait3A_48 = tpu.memref_squeeze %dma_wait3A_47 : memref<1x512x64xf32, #tpu.memory_space<vmem>> -> memref<512x64xf32, #tpu.memory_space<vmem>>
        %dma_wait3A_49 = arith.constant 0 : i32
        %dma_wait3A_50 = arith.constant 0 : i32
        %dma_wait3A_51 = tpu.memref_slice %arg2[%dma_wait3A, %dma_wait3A_49, %dma_wait3A_50] : memref<2x10240x64xf32, #tpu.memory_space<hbm>> -> memref<1x10240x64xf32, #tpu.memory_space<hbm>>
        %dma_wait3A_52 = tpu.memref_squeeze %dma_wait3A_51 : memref<1x10240x64xf32, #tpu.memory_space<hbm>> -> memref<10240x64xf32, #tpu.memory_space<hbm>>
        %dma_wait3A_53 = arith.constant 0 : i32
        %dma_wait3A_54 = arith.constant 0 : i32
        %dma_wait3A_55 = tpu.memref_slice %dma_wait3A_52[%dma_wait3A_53, %dma_wait3A_54] : memref<10240x64xf32, #tpu.memory_space<hbm>> -> memref<512x64xf32, #tpu.memory_space<hbm>>
        %dma_wait3A_56 = arith.constant 0 : i32
        %dma_wait3A_57 = arith.constant 0 : i32
        %dma_wait3A_58 = tpu.memref_slice %arg6[%dma_wait3A_44, %dma_wait3A_56, %dma_wait3A_57] : memref<2x512x64xf32, #tpu.memory_space<vmem>> -> memref<1x512x64xf32, #tpu.memory_space<vmem>>
        %dma_wait3A_59 = tpu.memref_squeeze %dma_wait3A_58 : memref<1x512x64xf32, #tpu.memory_space<vmem>> -> memref<512x64xf32, #tpu.memory_space<vmem>>
        %dma_wait3A_60 = arith.constant 0 : i32
        %dma_wait3A_61 = arith.constant 0 : i32
        %dma_wait3A_62 = tpu.memref_slice %arg2[%dma_wait3A, %dma_wait3A_60, %dma_wait3A_61] : memref<2x10240x64xf32, #tpu.memory_space<hbm>> -> memref<1x10240x64xf32, #tpu.memory_space<hbm>>
        %dma_wait3A_63 = tpu.memref_squeeze %dma_wait3A_62 : memref<1x10240x64xf32, #tpu.memory_space<hbm>> -> memref<10240x64xf32, #tpu.memory_space<hbm>>
        %dma_wait3A_64 = arith.constant 0 : i32
        %dma_wait3A_65 = arith.constant 0 : i32
        %dma_wait3A_66 = tpu.memref_slice %dma_wait3A_63[%dma_wait3A_64, %dma_wait3A_65] : memref<10240x64xf32, #tpu.memory_space<hbm>> -> memref<512x64xf32, #tpu.memory_space<hbm>>
        tpu.wait_dma2 semaphore(%arg9 : memref<!tpu.dma_semaphore, #tpu.memory_space<semaphore_mem>>) src(%dma_wait3A_66 : memref<512x64xf32, #tpu.memory_space<hbm>>) dst(%dma_wait3A_59 : memref<512x64xf32, #tpu.memory_space<vmem>>)
        %dma_start3A = arith.constant 1 : i32
        %dma_start3A_67 = arith.constant 1 : i32
        %dma_start3A_68 = arith.constant 1 : i32
        %dma_start3A_69 = arith.constant 0 : i32
        %dma_start3A_70 = arith.constant 0 : i32
        %dma_start3A_71 = tpu.memref_slice %arg6[%dma_start3A, %dma_start3A_69, %dma_start3A_70] : memref<2x512x64xf32, #tpu.memory_space<vmem>> -> memref<1x512x64xf32, #tpu.memory_space<vmem>>
        %dma_start3A_72 = tpu.memref_squeeze %dma_start3A_71 : memref<1x512x64xf32, #tpu.memory_space<vmem>> -> memref<512x64xf32, #tpu.memory_space<vmem>>
        %dma_start3A_73 = arith.constant 0 : i32
        %dma_start3A_74 = arith.constant 0 : i32
        %dma_start3A_75 = tpu.memref_slice %arg5[%dma_start3A_67, %dma_start3A_73, %dma_start3A_74] : memref<2x2x512xi32, #tpu.memory_space<vmem>> -> memref<1x2x512xi32, #tpu.memory_space<vmem>>
        %dma_start3A_76 = tpu.memref_squeeze %dma_start3A_75 : memref<1x2x512xi32, #tpu.memory_space<vmem>> -> memref<2x512xi32, #tpu.memory_space<vmem>>
        %dma_start3A_77 = arith.constant 0 : i32
        %dma_start3A_78 = tpu.memref_slice %dma_start3A_76[%dma_start3A_68, %dma_start3A_77] : memref<2x512xi32, #tpu.memory_space<vmem>> -> memref<1x512xi32, #tpu.memory_space<vmem>>
        %dma_start3A_79 = tpu.memref_squeeze %dma_start3A_78 : memref<1x512xi32, #tpu.memory_space<vmem>> -> memref<512xi32, #tpu.memory_space<vmem>>
        %dma_start3A_80 = arith.constant 0 : i32
        %dma_start3A_81 = arith.constant 0 : i32
        %dma_start3A_82 = tpu.memref_slice %arg7[%dma_start3A_80, %dma_start3A_81] : memref<10240x64xf32, #tpu.memory_space<vmem_shared>> -> memref<10240x64xf32, #tpu.memory_space<vmem_shared>>
        tpu.enqueue_indirect_dma source(%dma_start3A_72 : memref<512x64xf32, #tpu.memory_space<vmem>>) target(%dma_start3A_82 : memref<10240x64xf32, #tpu.memory_space<vmem_shared>>) offsets(%dma_start3A_79 : memref<512xi32, #tpu.memory_space<vmem>>) semaphore(%arg11 : memref<!tpu.dma_semaphore, #tpu.memory_space<semaphore_mem>>) {add = true}
        %add3A_83 = arith.constant 2 : i32
        %add3A_84 = arith.addi %add3A_39, %add3A_83 : i32
        %lt3A_85 = arith.cmpi slt, %add3A_84, %min3A : i32
        %convert_element_type3A_86 = arith.extui %lt3A_85 : i1 to i32
        %cond3A_87 = arith.constant 0 : i32
        %cond3A_88 = arith.cmpi ne, %convert_element_type3A_86, %cond3A_87 : i32
        scf.if %cond3A_88 {
          %dma_wait3A_89 = arith.constant 1 : i32
          %dma_wait3A_90 = arith.constant 0 : i32
          %dma_wait3A_91 = arith.constant 0 : i32
          %dma_wait3A_92 = tpu.memref_slice %arg6[%dma_wait3A_89, %dma_wait3A_90, %dma_wait3A_91] : memref<2x512x64xf32, #tpu.memory_space<vmem>> -> memref<1x512x64xf32, #tpu.memory_space<vmem>>
          %dma_wait3A_93 = tpu.memref_squeeze %dma_wait3A_92 : memref<1x512x64xf32, #tpu.memory_space<vmem>> -> memref<512x64xf32, #tpu.memory_space<vmem>>
          %dma_wait3A_94 = arith.constant 0 : i32
          %dma_wait3A_95 = arith.constant 0 : i32
          %dma_wait3A_96 = tpu.memref_slice %arg7[%dma_wait3A_94, %dma_wait3A_95] : memref<10240x64xf32, #tpu.memory_space<vmem_shared>> -> memref<512x64xf32, #tpu.memory_space<vmem_shared>>
          %dma_wait3A_97 = arith.constant 0 : i32
          %dma_wait3A_98 = arith.constant 0 : i32
          %dma_wait3A_99 = tpu.memref_slice %arg7[%dma_wait3A_97, %dma_wait3A_98] : memref<10240x64xf32, #tpu.memory_space<vmem_shared>> -> memref<512x64xf32, #tpu.memory_space<vmem_shared>>
          %dma_wait3A_100 = arith.constant 0 : i32
          %dma_wait3A_101 = arith.constant 0 : i32
          %dma_wait3A_102 = tpu.memref_slice %arg6[%dma_wait3A_89, %dma_wait3A_100, %dma_wait3A_101] : memref<2x512x64xf32, #tpu.memory_space<vmem>> -> memref<1x512x64xf32, #tpu.memory_space<vmem>>
          %dma_wait3A_103 = tpu.memref_squeeze %dma_wait3A_102 : memref<1x512x64xf32, #tpu.memory_space<vmem>> -> memref<512x64xf32, #tpu.memory_space<vmem>>
          tpu.wait_dma2 semaphore(%arg11 : memref<!tpu.dma_semaphore, #tpu.memory_space<semaphore_mem>>) src(%dma_wait3A_103 : memref<512x64xf32, #tpu.memory_space<vmem>>) dst(%dma_wait3A_99 : memref<512x64xf32, #tpu.memory_space<vmem_shared>>)
          %add3A_104 = arith.constant 2 : i32
          %add3A_105 = arith.addi %add3A_39, %add3A_104 : i32
          %add3A_106 = arith.addi %mul3A_0, %add3A_105 : i32
          %mul3A_107 = arith.constant 512 : i32
          %mul3A_108 = arith.muli %add3A_106, %mul3A_107 : i32
          %run_scoped3A = arith.constant 1 : i32
          "tpu.region"() ({
            %run_scoped3A_118 = tpu.sem_alloc : memref<!tpu.dma_semaphore, #tpu.memory_space<semaphore_mem>>
            %dma_start3A_119 = arith.constant 0 : i32
            %dma_start3A_120 = arith.constant 0 : i32
            %dma_start3A_121 = tpu.memref_slice %arg5[%run_scoped3A, %dma_start3A_119, %dma_start3A_120] : memref<2x2x512xi32, #tpu.memory_space<vmem>> -> memref<1x2x512xi32, #tpu.memory_space<vmem>>
            %dma_start3A_122 = tpu.memref_squeeze %dma_start3A_121 : memref<1x2x512xi32, #tpu.memory_space<vmem>> -> memref<2x512xi32, #tpu.memory_space<vmem>>
            %dma_start3A_123 = arith.constant 0 : i32
            %dma_start3A_124 = tpu.memref_slice %arg3[%dma_start3A_123, %mul3A_108] : memref<2x320000xi32, #tpu.memory_space<hbm>> -> memref<2x512xi32, #tpu.memory_space<hbm>>
            %dma_start3A_125 = arith.constant 0 : i32
            %dma_start3A_126 = arith.constant 0 : i32
            %dma_start3A_127 = tpu.memref_slice %arg5[%run_scoped3A, %dma_start3A_125, %dma_start3A_126] : memref<2x2x512xi32, #tpu.memory_space<vmem>> -> memref<1x2x512xi32, #tpu.memory_space<vmem>>
            %dma_start3A_128 = tpu.memref_squeeze %dma_start3A_127 : memref<1x2x512xi32, #tpu.memory_space<vmem>> -> memref<2x512xi32, #tpu.memory_space<vmem>>
            %dma_start3A_129 = arith.constant 0 : i32
            %dma_start3A_130 = tpu.memref_slice %arg3[%dma_start3A_129, %mul3A_108] : memref<2x320000xi32, #tpu.memory_space<hbm>> -> memref<2x512xi32, #tpu.memory_space<hbm>>
            tpu.enqueue_dma source(%dma_start3A_130 : memref<2x512xi32, #tpu.memory_space<hbm>>) target(%dma_start3A_128 : memref<2x512xi32, #tpu.memory_space<vmem>>) target_semaphore(%run_scoped3A_118 : memref<!tpu.dma_semaphore, #tpu.memory_space<semaphore_mem>>)
            %dma_wait3A_131 = arith.constant 0 : i32
            %dma_wait3A_132 = arith.constant 0 : i32
            %dma_wait3A_133 = tpu.memref_slice %arg5[%run_scoped3A, %dma_wait3A_131, %dma_wait3A_132] : memref<2x2x512xi32, #tpu.memory_space<vmem>> -> memref<1x2x512xi32, #tpu.memory_space<vmem>>
            %dma_wait3A_134 = tpu.memref_squeeze %dma_wait3A_133 : memref<1x2x512xi32, #tpu.memory_space<vmem>> -> memref<2x512xi32, #tpu.memory_space<vmem>>
            %dma_wait3A_135 = arith.constant 0 : i32
            %dma_wait3A_136 = tpu.memref_slice %arg3[%dma_wait3A_135, %mul3A_108] : memref<2x320000xi32, #tpu.memory_space<hbm>> -> memref<2x512xi32, #tpu.memory_space<hbm>>
            %dma_wait3A_137 = arith.constant 0 : i32
            %dma_wait3A_138 = arith.constant 0 : i32
            %dma_wait3A_139 = tpu.memref_slice %arg5[%run_scoped3A, %dma_wait3A_137, %dma_wait3A_138] : memref<2x2x512xi32, #tpu.memory_space<vmem>> -> memref<1x2x512xi32, #tpu.memory_space<vmem>>
            %dma_wait3A_140 = tpu.memref_squeeze %dma_wait3A_139 : memref<1x2x512xi32, #tpu.memory_space<vmem>> -> memref<2x512xi32, #tpu.memory_space<vmem>>
            %dma_wait3A_141 = arith.constant 0 : i32
            %dma_wait3A_142 = tpu.memref_slice %arg3[%dma_wait3A_141, %mul3A_108] : memref<2x320000xi32, #tpu.memory_space<hbm>> -> memref<2x512xi32, #tpu.memory_space<hbm>>
            tpu.wait_dma2 semaphore(%run_scoped3A_118 : memref<!tpu.dma_semaphore, #tpu.memory_space<semaphore_mem>>) src(%dma_wait3A_142 : memref<2x512xi32, #tpu.memory_space<hbm>>) dst(%dma_wait3A_140 : memref<2x512xi32, #tpu.memory_space<vmem>>)
            tpu.yield
          }) : () -> ()
          %eq3A = arith.constant 0 : i32
          %eq3A_109 = arith.cmpi eq, %arg0, %eq3A : i32
          %convert_element_type3A_110 = arith.extui %eq3A_109 : i1 to i32
          %cond3A_111 = arith.constant 0 : i32
          %cond3A_112 = arith.cmpi ne, %convert_element_type3A_110, %cond3A_111 : i32
          scf.if %cond3A_112 {
            %dma_start3A_118 = arith.constant 0 : i32
            %dma_start3A_119 = arith.constant 1 : i32
            %dma_start3A_120 = arith.constant 0 : i32
            %dma_start3A_121 = arith.constant 1 : i32
            %dma_start3A_122 = arith.constant 0 : i32
            %dma_start3A_123 = arith.constant 0 : i32
            %dma_start3A_124 = tpu.memref_slice %arg6[%dma_start3A_121, %dma_start3A_122, %dma_start3A_123] : memref<2x512x64xf32, #tpu.memory_space<vmem>> -> memref<1x512x64xf32, #tpu.memory_space<vmem>>
            %dma_start3A_125 = tpu.memref_squeeze %dma_start3A_124 : memref<1x512x64xf32, #tpu.memory_space<vmem>> -> memref<512x64xf32, #tpu.memory_space<vmem>>
            %dma_start3A_126 = arith.constant 0 : i32
            %dma_start3A_127 = arith.constant 0 : i32
            %dma_start3A_128 = tpu.memref_slice %arg5[%dma_start3A_119, %dma_start3A_126, %dma_start3A_127] : memref<2x2x512xi32, #tpu.memory_space<vmem>> -> memref<1x2x512xi32, #tpu.memory_space<vmem>>
            %dma_start3A_129 = tpu.memref_squeeze %dma_start3A_128 : memref<1x2x512xi32, #tpu.memory_space<vmem>> -> memref<2x512xi32, #tpu.memory_space<vmem>>
            %dma_start3A_130 = arith.constant 0 : i32
            %dma_start3A_131 = tpu.memref_slice %dma_start3A_129[%dma_start3A_120, %dma_start3A_130] : memref<2x512xi32, #tpu.memory_space<vmem>> -> memref<1x512xi32, #tpu.memory_space<vmem>>
            %dma_start3A_132 = tpu.memref_squeeze %dma_start3A_131 : memref<1x512xi32, #tpu.memory_space<vmem>> -> memref<512xi32, #tpu.memory_space<vmem>>
            %dma_start3A_133 = arith.constant 0 : i32
            %dma_start3A_134 = arith.constant 0 : i32
            %dma_start3A_135 = tpu.memref_slice %arg2[%dma_start3A_118, %dma_start3A_133, %dma_start3A_134] : memref<2x10240x64xf32, #tpu.memory_space<hbm>> -> memref<1x10240x64xf32, #tpu.memory_space<hbm>>
            %dma_start3A_136 = tpu.memref_squeeze %dma_start3A_135 : memref<1x10240x64xf32, #tpu.memory_space<hbm>> -> memref<10240x64xf32, #tpu.memory_space<hbm>>
            %dma_start3A_137 = arith.constant 0 : i32
            %dma_start3A_138 = arith.constant 0 : i32
            %dma_start3A_139 = tpu.memref_slice %dma_start3A_136[%dma_start3A_137, %dma_start3A_138] : memref<10240x64xf32, #tpu.memory_space<hbm>> -> memref<10240x64xf32, #tpu.memory_space<hbm>>
            tpu.enqueue_indirect_dma source(%dma_start3A_139 : memref<10240x64xf32, #tpu.memory_space<hbm>>) target(%dma_start3A_125 : memref<512x64xf32, #tpu.memory_space<vmem>>) offsets(%dma_start3A_132 : memref<512xi32, #tpu.memory_space<vmem>>) semaphore(%arg9 : memref<!tpu.dma_semaphore, #tpu.memory_space<semaphore_mem>>)
          } else {
          }
          %eq3A_113 = arith.constant 1 : i32
          %eq3A_114 = arith.cmpi eq, %arg0, %eq3A_113 : i32
          %convert_element_type3A_115 = arith.extui %eq3A_114 : i1 to i32
          %cond3A_116 = arith.constant 0 : i32
          %cond3A_117 = arith.cmpi ne, %convert_element_type3A_115, %cond3A_116 : i32
          scf.if %cond3A_117 {
            %dma_start3A_118 = arith.constant 1 : i32
            %dma_start3A_119 = arith.constant 1 : i32
            %dma_start3A_120 = arith.constant 0 : i32
            %dma_start3A_121 = arith.constant 1 : i32
            %dma_start3A_122 = arith.constant 0 : i32
            %dma_start3A_123 = arith.constant 0 : i32
            %dma_start3A_124 = tpu.memref_slice %arg6[%dma_start3A_121, %dma_start3A_122, %dma_start3A_123] : memref<2x512x64xf32, #tpu.memory_space<vmem>> -> memref<1x512x64xf32, #tpu.memory_space<vmem>>
            %dma_start3A_125 = tpu.memref_squeeze %dma_start3A_124 : memref<1x512x64xf32, #tpu.memory_space<vmem>> -> memref<512x64xf32, #tpu.memory_space<vmem>>
            %dma_start3A_126 = arith.constant 0 : i32
            %dma_start3A_127 = arith.constant 0 : i32
            %dma_start3A_128 = tpu.memref_slice %arg5[%dma_start3A_119, %dma_start3A_126, %dma_start3A_127] : memref<2x2x512xi32, #tpu.memory_space<vmem>> -> memref<1x2x512xi32, #tpu.memory_space<vmem>>
            %dma_start3A_129 = tpu.memref_squeeze %dma_start3A_128 : memref<1x2x512xi32, #tpu.memory_space<vmem>> -> memref<2x512xi32, #tpu.memory_space<vmem>>
            %dma_start3A_130 = arith.constant 0 : i32
            %dma_start3A_131 = tpu.memref_slice %dma_start3A_129[%dma_start3A_120, %dma_start3A_130] : memref<2x512xi32, #tpu.memory_space<vmem>> -> memref<1x512xi32, #tpu.memory_space<vmem>>
            %dma_start3A_132 = tpu.memref_squeeze %dma_start3A_131 : memref<1x512xi32, #tpu.memory_space<vmem>> -> memref<512xi32, #tpu.memory_space<vmem>>
            %dma_start3A_133 = arith.constant 0 : i32
            %dma_start3A_134 = arith.constant 0 : i32
            %dma_start3A_135 = tpu.memref_slice %arg2[%dma_start3A_118, %dma_start3A_133, %dma_start3A_134] : memref<2x10240x64xf32, #tpu.memory_space<hbm>> -> memref<1x10240x64xf32, #tpu.memory_space<hbm>>
            %dma_start3A_136 = tpu.memref_squeeze %dma_start3A_135 : memref<1x10240x64xf32, #tpu.memory_space<hbm>> -> memref<10240x64xf32, #tpu.memory_space<hbm>>
            %dma_start3A_137 = arith.constant 0 : i32
            %dma_start3A_138 = arith.constant 0 : i32
            %dma_start3A_139 = tpu.memref_slice %dma_start3A_136[%dma_start3A_137, %dma_start3A_138] : memref<10240x64xf32, #tpu.memory_space<hbm>> -> memref<10240x64xf32, #tpu.memory_space<hbm>>
            tpu.enqueue_indirect_dma source(%dma_start3A_139 : memref<10240x64xf32, #tpu.memory_space<hbm>>) target(%dma_start3A_125 : memref<512x64xf32, #tpu.memory_space<vmem>>) offsets(%dma_start3A_132 : memref<512xi32, #tpu.memory_space<vmem>>) semaphore(%arg9 : memref<!tpu.dma_semaphore, #tpu.memory_space<semaphore_mem>>)
          } else {
          }
        } else {
        }
      } else {
      }
    }
    %scan3A_15 = arith.constant 20 : i32
    %min3A_16 = arith.constant 2 : i32
    %min3A_17 = arith.minsi %min3A, %min3A_16 : i32
    %gt3A_18 = arith.constant 0 : i32
    %gt3A_19 = arith.cmpi sgt, %min3A_17, %gt3A_18 : i32
    %convert_element_type3A_20 = arith.extui %gt3A_19 : i1 to i32
    %cond3A_21 = arith.constant 0 : i32
    %cond3A_22 = arith.cmpi ne, %convert_element_type3A_20, %cond3A_21 : i32
    scf.if %cond3A_22 {
      %dma_wait3A = arith.constant 0 : i32
      %dma_wait3A_31 = arith.constant 0 : i32
      %dma_wait3A_32 = arith.constant 0 : i32
      %dma_wait3A_33 = tpu.memref_slice %arg6[%dma_wait3A, %dma_wait3A_31, %dma_wait3A_32] : memref<2x512x64xf32, #tpu.memory_space<vmem>> -> memref<1x512x64xf32, #tpu.memory_space<vmem>>
      %dma_wait3A_34 = tpu.memref_squeeze %dma_wait3A_33 : memref<1x512x64xf32, #tpu.memory_space<vmem>> -> memref<512x64xf32, #tpu.memory_space<vmem>>
      %dma_wait3A_35 = arith.constant 0 : i32
      %dma_wait3A_36 = arith.constant 0 : i32
      %dma_wait3A_37 = tpu.memref_slice %arg7[%dma_wait3A_35, %dma_wait3A_36] : memref<10240x64xf32, #tpu.memory_space<vmem_shared>> -> memref<512x64xf32, #tpu.memory_space<vmem_shared>>
      %dma_wait3A_38 = arith.constant 0 : i32
      %dma_wait3A_39 = arith.constant 0 : i32
      %dma_wait3A_40 = tpu.memref_slice %arg7[%dma_wait3A_38, %dma_wait3A_39] : memref<10240x64xf32, #tpu.memory_space<vmem_shared>> -> memref<512x64xf32, #tpu.memory_space<vmem_shared>>
      %dma_wait3A_41 = arith.constant 0 : i32
      %dma_wait3A_42 = arith.constant 0 : i32
      %dma_wait3A_43 = tpu.memref_slice %arg6[%dma_wait3A, %dma_wait3A_41, %dma_wait3A_42] : memref<2x512x64xf32, #tpu.memory_space<vmem>> -> memref<1x512x64xf32, #tpu.memory_space<vmem>>
      %dma_wait3A_44 = tpu.memref_squeeze %dma_wait3A_43 : memref<1x512x64xf32, #tpu.memory_space<vmem>> -> memref<512x64xf32, #tpu.memory_space<vmem>>
      tpu.wait_dma2 semaphore(%arg10 : memref<!tpu.dma_semaphore, #tpu.memory_space<semaphore_mem>>) src(%dma_wait3A_44 : memref<512x64xf32, #tpu.memory_space<vmem>>) dst(%dma_wait3A_40 : memref<512x64xf32, #tpu.memory_space<vmem_shared>>)
    } else {
    }
    %min3A_23 = arith.constant 2 : i32
    %min3A_24 = arith.minsi %min3A, %min3A_23 : i32
    %gt3A_25 = arith.constant 1 : i32
    %gt3A_26 = arith.cmpi sgt, %min3A_24, %gt3A_25 : i32
    %convert_element_type3A_27 = arith.extui %gt3A_26 : i1 to i32
    %cond3A_28 = arith.constant 0 : i32
    %cond3A_29 = arith.cmpi ne, %convert_element_type3A_27, %cond3A_28 : i32
    scf.if %cond3A_29 {
      %dma_wait3A = arith.constant 1 : i32
      %dma_wait3A_31 = arith.constant 0 : i32
      %dma_wait3A_32 = arith.constant 0 : i32
      %dma_wait3A_33 = tpu.memref_slice %arg6[%dma_wait3A, %dma_wait3A_31, %dma_wait3A_32] : memref<2x512x64xf32, #tpu.memory_space<vmem>> -> memref<1x512x64xf32, #tpu.memory_space<vmem>>
      %dma_wait3A_34 = tpu.memref_squeeze %dma_wait3A_33 : memref<1x512x64xf32, #tpu.memory_space<vmem>> -> memref<512x64xf32, #tpu.memory_space<vmem>>
      %dma_wait3A_35 = arith.constant 0 : i32
      %dma_wait3A_36 = arith.constant 0 : i32
      %dma_wait3A_37 = tpu.memref_slice %arg7[%dma_wait3A_35, %dma_wait3A_36] : memref<10240x64xf32, #tpu.memory_space<vmem_shared>> -> memref<512x64xf32, #tpu.memory_space<vmem_shared>>
      %dma_wait3A_38 = arith.constant 0 : i32
      %dma_wait3A_39 = arith.constant 0 : i32
      %dma_wait3A_40 = tpu.memref_slice %arg7[%dma_wait3A_38, %dma_wait3A_39] : memref<10240x64xf32, #tpu.memory_space<vmem_shared>> -> memref<512x64xf32, #tpu.memory_space<vmem_shared>>
      %dma_wait3A_41 = arith.constant 0 : i32
      %dma_wait3A_42 = arith.constant 0 : i32
      %dma_wait3A_43 = tpu.memref_slice %arg6[%dma_wait3A, %dma_wait3A_41, %dma_wait3A_42] : memref<2x512x64xf32, #tpu.memory_space<vmem>> -> memref<1x512x64xf32, #tpu.memory_space<vmem>>
      %dma_wait3A_44 = tpu.memref_squeeze %dma_wait3A_43 : memref<1x512x64xf32, #tpu.memory_space<vmem>> -> memref<512x64xf32, #tpu.memory_space<vmem>>
      tpu.wait_dma2 semaphore(%arg11 : memref<!tpu.dma_semaphore, #tpu.memory_space<semaphore_mem>>) src(%dma_wait3A_44 : memref<512x64xf32, #tpu.memory_space<vmem>>) dst(%dma_wait3A_40 : memref<512x64xf32, #tpu.memory_space<vmem_shared>>)
    } else {
    }
    %barrier3A_30 = arith.constant 0 : index
    tpu.barrier barrier_id(%barrier3A_30)
    "tpu.region"() ({
      %run_scoped3A = tpu.sem_alloc : memref<!tpu.dma_semaphore, #tpu.memory_space<semaphore_mem>>
      %dma_start3A = arith.constant 0 : i32
      %dma_start3A_31 = tpu.memref_slice %arg4[%arg0, %mul3A_4, %dma_start3A] : memref<2x10240x64xf32, #tpu.memory_space<hbm>> -> memref<1x640x64xf32, #tpu.memory_space<hbm>>
      %dma_start3A_32 = tpu.memref_squeeze %dma_start3A_31 : memref<1x640x64xf32, #tpu.memory_space<hbm>> -> memref<640x64xf32, #tpu.memory_space<hbm>>
      %dma_start3A_33 = arith.constant 0 : i32
      %dma_start3A_34 = tpu.memref_slice %arg7[%mul3A_4, %dma_start3A_33] : memref<10240x64xf32, #tpu.memory_space<vmem_shared>> -> memref<640x64xf32, #tpu.memory_space<vmem_shared>>
      tpu.enqueue_dma source(%dma_start3A_34 : memref<640x64xf32, #tpu.memory_space<vmem_shared>>) target(%dma_start3A_32 : memref<640x64xf32, #tpu.memory_space<hbm>>) target_semaphore(%run_scoped3A : memref<!tpu.dma_semaphore, #tpu.memory_space<semaphore_mem>>)
      %dma_wait3A = arith.constant 0 : i32
      %dma_wait3A_35 = tpu.memref_slice %arg4[%arg0, %mul3A_4, %dma_wait3A] : memref<2x10240x64xf32, #tpu.memory_space<hbm>> -> memref<1x640x64xf32, #tpu.memory_space<hbm>>
      %dma_wait3A_36 = tpu.memref_squeeze %dma_wait3A_35 : memref<1x640x64xf32, #tpu.memory_space<hbm>> -> memref<640x64xf32, #tpu.memory_space<hbm>>
      %dma_wait3A_37 = arith.constant 0 : i32
      %dma_wait3A_38 = tpu.memref_slice %arg7[%mul3A_4, %dma_wait3A_37] : memref<10240x64xf32, #tpu.memory_space<vmem_shared>> -> memref<640x64xf32, #tpu.memory_space<vmem_shared>>
      tpu.wait_dma2 semaphore(%run_scoped3A : memref<!tpu.dma_semaphore, #tpu.memory_space<semaphore_mem>>) src(%dma_wait3A_38 : memref<640x64xf32, #tpu.memory_space<vmem_shared>>) dst(%dma_wait3A_36 : memref<640x64xf32, #tpu.memory_space<hbm>>)
      tpu.yield
    }) : () -> ()
    return
  }
}

module attributes {stable_mosaic.version = 14 : i64} {
  func.func @_femb_body(%arg0: i32, %arg1: memref<400x128xf32, #tpu.memory_space<vmem>>, %arg2: memref<128x128xf32, #tpu.memory_space<vmem>>, %arg3: memref<1x128xf32, #tpu.memory_space<vmem>>, %arg4: memref<2x400x16xf32, #tpu.memory_space<vmem>>, %arg5: memref<128x128xf32, #tpu.memory_space<vmem>>, %arg6: memref<400x128xf32, #tpu.memory_space<vmem>>, %arg7: memref<400x1xf32, #tpu.memory_space<vmem>>, %arg8: memref<2x400x64xf32, #tpu.memory_space<vmem>>) attributes {dimension_semantics = [#tpu.dimension_semantics<arbitrary>], iteration_bounds = array<i64: 25>, scalar_prefetch = 0 : i64, scratch_operands = 0 : i64, tpu.core_type = #tpu.core_type<tc>, window_params = [{transform_indices = @transform_0, window_bounds = array<i64: 400, 128>}, {pipeline_mode = #tpu.pipeline_mode<synchronous>, transform_indices = @transform_1, window_bounds = array<i64: 128, 128>}, {pipeline_mode = #tpu.pipeline_mode<synchronous>, transform_indices = @transform_2, window_bounds = array<i64: 1, 128>}, {transform_indices = @transform_3, window_bounds = array<i64: 2, 400, 16>}, {pipeline_mode = #tpu.pipeline_mode<synchronous>, transform_indices = @transform_4, window_bounds = array<i64: 128, 128>}, {transform_indices = @transform_5, window_bounds = array<i64: 400, 128>}, {transform_indices = @transform_6, window_bounds = array<i64: 400, 1>}, {transform_indices = @transform_7, window_bounds = array<i64: 2, 400, 64>}]} {
    %get3A = arith.constant 0 : index
    %get3A_0 = arith.constant 0 : index
    %get3A_1 = vector.load %arg1[%get3A, %get3A_0] : memref<400x128xf32, #tpu.memory_space<vmem>>, vector<400x128xf32>
    %get3A_2 = arith.constant 0 : index
    %get3A_3 = arith.constant 0 : index
    %get3A_4 = vector.load %arg2[%get3A_2, %get3A_3] : memref<128x128xf32, #tpu.memory_space<vmem>>, vector<128x128xf32>
    %dot_general3A = arith.constant dense<0.000000e+00> : vector<400x128xf32>
    %dot_general3A_5 = tpu.matmul %get3A_1, %get3A_4, %dot_general3A {dimension_numbers = #tpu.dot_dimension_numbers<[1], [0], [0], [1], [0, 0, 1, 1], [], []>, transpose_lhs_hint = false} : vector<400x128xf32>, vector<128x128xf32>, vector<400x128xf32> -> vector<400x128xf32>
    %get3A_6 = arith.constant 0 : index
    %get3A_7 = arith.constant 0 : index
    %get3A_8 = vector.load %arg3[%get3A_6, %get3A_7] : memref<1x128xf32, #tpu.memory_space<vmem>>, vector<1x128xf32>
    %add3A = vector.broadcast %get3A_8 : vector<1x128xf32> to vector<400x128xf32>
    %add3A_9 = arith.addf %dot_general3A_5, %add3A : vector<400x128xf32>
    %get3A_10 = arith.constant 0 : index
    %get3A_11 = arith.constant 0 : index
    %get3A_12 = arith.constant 0 : index
    %get3A_13 = vector.load %arg4[%get3A_10, %get3A_11, %get3A_12] : memref<2x400x16xf32, #tpu.memory_space<vmem>>, vector<1x400x1xf32>
    %get3A_14 = vector.shape_cast %get3A_13 : vector<1x400x1xf32> to vector<400x1xf32>
    %add3A_15 = arith.constant 1.000000e+00 : f32
    %add3A_16 = vector.broadcast %add3A_15 : f32 to vector<400x1xf32>
    %add3A_17 = arith.addf %add3A_16, %get3A_14 : vector<400x1xf32>
    %get3A_18 = arith.constant 1 : index
    %get3A_19 = arith.constant 0 : index
    %get3A_20 = arith.constant 0 : index
    %get3A_21 = vector.load %arg4[%get3A_18, %get3A_19, %get3A_20] : memref<2x400x16xf32, #tpu.memory_space<vmem>>, vector<1x400x1xf32>
    %get3A_22 = vector.shape_cast %get3A_21 : vector<1x400x1xf32> to vector<400x1xf32>
    %add3A_23 = arith.addf %add3A_17, %get3A_22 : vector<400x1xf32>
    %rsqrt3A = math.rsqrt %add3A_23 : vector<400x1xf32>
    %swap3A = arith.constant 0 : index
    %swap3A_24 = arith.constant 0 : index
    %swap3A_25 = vector.load %arg6[%swap3A, %swap3A_24] : memref<400x128xf32, #tpu.memory_space<vmem>>, vector<400x128xf32>
    tpu.vector_store %arg6[%swap3A, %swap3A_24], %add3A_9 {strides = array<i32>} : memref<400x128xf32, #tpu.memory_space<vmem>>, vector<400x128xf32>,
    %swap3A_26 = arith.constant 0 : index
    %swap3A_27 = arith.constant 0 : index
    %swap3A_28 = vector.load %arg7[%swap3A_26, %swap3A_27] : memref<400x1xf32, #tpu.memory_space<vmem>>, vector<400x1xf32>
    tpu.vector_store %arg7[%swap3A_26, %swap3A_27], %rsqrt3A {strides = array<i32>} : memref<400x1xf32, #tpu.memory_space<vmem>>, vector<400x1xf32>,
    %get3A_29 = arith.constant 0 : index
    %get3A_30 = arith.constant 0 : index
    %get3A_31 = vector.load %arg5[%get3A_29, %get3A_30] : memref<128x128xf32, #tpu.memory_space<vmem>>, vector<128x128xf32>
    %dot_general3A_32 = arith.constant dense<0.000000e+00> : vector<400x128xf32>
    %dot_general3A_33 = tpu.matmul %add3A_9, %get3A_31, %dot_general3A_32 {dimension_numbers = #tpu.dot_dimension_numbers<[1], [0], [0], [1], [0, 0, 1, 1], [], []>, transpose_lhs_hint = false} : vector<400x128xf32>, vector<128x128xf32>, vector<400x128xf32> -> vector<400x128xf32>
    %mul3A = vector.broadcast %rsqrt3A : vector<400x1xf32> to vector<400x128xf32>
    %mul3A_34 = arith.mulf %dot_general3A_33, %mul3A : vector<400x128xf32>
    %slice3A = vector.extract_strided_slice %mul3A_34 {offsets = [0, 0], sizes = [400, 64], strides = [1, 1]} : vector<400x128xf32> to vector<400x64xf32>
    %swap3A_35 = arith.constant 0 : index
    %swap3A_36 = arith.constant 0 : index
    %swap3A_37 = arith.constant 0 : index
    %swap3A_38 = vector.load %arg8[%swap3A_35, %swap3A_36, %swap3A_37] : memref<2x400x64xf32, #tpu.memory_space<vmem>>, vector<1x400x64xf32>
    %swap3A_39 = vector.shape_cast %swap3A_38 : vector<1x400x64xf32> to vector<400x64xf32>
    %swap3A_40 = vector.shape_cast %slice3A : vector<400x64xf32> to vector<1x400x64xf32>
    tpu.vector_store %arg8[%swap3A_35, %swap3A_36, %swap3A_37], %swap3A_40 {strides = array<i32>} : memref<2x400x64xf32, #tpu.memory_space<vmem>>, vector<1x400x64xf32>,
    %slice3A_41 = vector.extract_strided_slice %mul3A_34 {offsets = [0, 64], sizes = [400, 64], strides = [1, 1]} : vector<400x128xf32> to vector<400x64xf32>
    %swap3A_42 = arith.constant 1 : index
    %swap3A_43 = arith.constant 0 : index
    %swap3A_44 = arith.constant 0 : index
    %swap3A_45 = vector.load %arg8[%swap3A_42, %swap3A_43, %swap3A_44] : memref<2x400x64xf32, #tpu.memory_space<vmem>>, vector<1x400x64xf32>
    %swap3A_46 = vector.shape_cast %swap3A_45 : vector<1x400x64xf32> to vector<400x64xf32>
    %swap3A_47 = vector.shape_cast %slice3A_41 : vector<400x64xf32> to vector<1x400x64xf32>
    tpu.vector_store %arg8[%swap3A_42, %swap3A_43, %swap3A_44], %swap3A_47 {strides = array<i32>} : memref<2x400x64xf32, #tpu.memory_space<vmem>>, vector<1x400x64xf32>,
    return
  }
  func.func @transform_0(%arg0: i32) -> (i32, i32) {
    %c0_i32 = arith.constant 0 : i32
    %c0_i32_0 = arith.constant 0 : i32
    return %arg0, %c0_i32 : i32, i32
  }
  func.func @transform_1(%arg0: i32) -> (i32, i32) {
    %c0_i32 = arith.constant 0 : i32
    %c0_i32_0 = arith.constant 0 : i32
    %c0_i32_1 = arith.constant 0 : i32
    return %c0_i32, %c0_i32_0 : i32, i32
  }
  func.func @transform_2(%arg0: i32) -> (i32, i32) {
    %c0_i32 = arith.constant 0 : i32
    %c0_i32_0 = arith.constant 0 : i32
    %c0_i32_1 = arith.constant 0 : i32
    return %c0_i32, %c0_i32_0 : i32, i32
  }
  func.func @transform_3(%arg0: i32) -> (i32, i32, i32) {
    %c0_i32 = arith.constant 0 : i32
    %c0_i32_0 = arith.constant 0 : i32
    %c0_i32_1 = arith.constant 0 : i32
    return %c0_i32, %arg0, %c0_i32_0 : i32, i32, i32
  }
  func.func @transform_4(%arg0: i32) -> (i32, i32) {
    %c0_i32 = arith.constant 0 : i32
    %c0_i32_0 = arith.constant 0 : i32
    %c0_i32_1 = arith.constant 0 : i32
    return %c0_i32, %c0_i32_0 : i32, i32
  }
  func.func @transform_5(%arg0: i32) -> (i32, i32) {
    %c0_i32 = arith.constant 0 : i32
    %c0_i32_0 = arith.constant 0 : i32
    return %arg0, %c0_i32 : i32, i32
  }
  func.func @transform_6(%arg0: i32) -> (i32, i32) {
    %c0_i32 = arith.constant 0 : i32
    %c0_i32_0 = arith.constant 0 : i32
    return %arg0, %c0_i32 : i32, i32
  }
  func.func @transform_7(%arg0: i32) -> (i32, i32, i32) {
    %c0_i32 = arith.constant 0 : i32
    %c0_i32_0 = arith.constant 0 : i32
    %c0_i32_1 = arith.constant 0 : i32
    return %c0_i32, %arg0, %c0_i32_0 : i32, i32, i32
  }
}

module attributes {stable_mosaic.version = 14 : i64} {
  func.func @_fpost_body(%arg0: i32, %arg1: memref<2x400x64xf32, #tpu.memory_space<vmem>>, %arg2: memref<400x1xf32, #tpu.memory_space<vmem>>, %arg3: memref<1x128xf32, #tpu.memory_space<vmem>>, %arg4: memref<1x128xf32, #tpu.memory_space<vmem>>, %arg5: memref<1x128xf32, #tpu.memory_space<vmem>>, %arg6: memref<400x128xf32, #tpu.memory_space<vmem>>, %arg7: memref<128x128xf32, #tpu.memory_space<vmem>>, %arg8: memref<400x128xf32, #tpu.memory_space<vmem>>, %arg9: memref<2x400x64xf32, #tpu.memory_space<vmem>>) attributes {dimension_semantics = [#tpu.dimension_semantics<arbitrary>], iteration_bounds = array<i64: 25>, scalar_prefetch = 0 : i64, scratch_operands = 0 : i64, tpu.core_type = #tpu.core_type<tc>, window_params = [{transform_indices = @transform_0, window_bounds = array<i64: 2, 400, 64>}, {transform_indices = @transform_1, window_bounds = array<i64: 400, 1>}, {pipeline_mode = #tpu.pipeline_mode<synchronous>, transform_indices = @transform_2, window_bounds = array<i64: 1, 128>}, {pipeline_mode = #tpu.pipeline_mode<synchronous>, transform_indices = @transform_3, window_bounds = array<i64: 1, 128>}, {pipeline_mode = #tpu.pipeline_mode<synchronous>, transform_indices = @transform_4, window_bounds = array<i64: 1, 128>}, {transform_indices = @transform_5, window_bounds = array<i64: 400, 128>}, {pipeline_mode = #tpu.pipeline_mode<synchronous>, transform_indices = @transform_6, window_bounds = array<i64: 128, 128>}, {transform_indices = @transform_7, window_bounds = array<i64: 400, 128>}, {transform_indices = @transform_8, window_bounds = array<i64: 2, 400, 64>}]} {
    %get3A = arith.constant 0 : index
    %get3A_0 = arith.constant 0 : index
    %get3A_1 = arith.constant 0 : index
    %get3A_2 = vector.load %arg1[%get3A, %get3A_0, %get3A_1] : memref<2x400x64xf32, #tpu.memory_space<vmem>>, vector<1x400x64xf32>
    %get3A_3 = vector.shape_cast %get3A_2 : vector<1x400x64xf32> to vector<400x64xf32>
    %get3A_4 = arith.constant 1 : index
    %get3A_5 = arith.constant 0 : index
    %get3A_6 = arith.constant 0 : index
    %get3A_7 = vector.load %arg1[%get3A_4, %get3A_5, %get3A_6] : memref<2x400x64xf32, #tpu.memory_space<vmem>>, vector<1x400x64xf32>
    %get3A_8 = vector.shape_cast %get3A_7 : vector<1x400x64xf32> to vector<400x64xf32>
    %concatenate3A = tpu.concatenate %get3A_3, %get3A_8 in 1 : vector<400x64xf32>, vector<400x64xf32> -> vector<400x128xf32>
    %get3A_9 = arith.constant 0 : index
    %get3A_10 = arith.constant 0 : index
    %get3A_11 = vector.load %arg2[%get3A_9, %get3A_10] : memref<400x1xf32, #tpu.memory_space<vmem>>, vector<400x1xf32>
    %mul3A = vector.broadcast %get3A_11 : vector<400x1xf32> to vector<400x128xf32>
    %mul3A_12 = arith.mulf %concatenate3A, %mul3A : vector<400x128xf32>
    %get3A_13 = arith.constant 0 : index
    %get3A_14 = arith.constant 0 : index
    %get3A_15 = vector.load %arg3[%get3A_13, %get3A_14] : memref<1x128xf32, #tpu.memory_space<vmem>>, vector<1x128xf32>
    %add3A = vector.broadcast %get3A_15 : vector<1x128xf32> to vector<400x128xf32>
    %add3A_16 = arith.addf %mul3A_12, %add3A : vector<400x128xf32>
    %reduce_sum3A = arith.constant dense<0.000000e+00> : vector<400xf32>
    %reduce_sum3A_17 = vector.multi_reduction <add>, %add3A_16, %reduce_sum3A [1] : vector<400x128xf32> to vector<400xf32>
    %broadcast_in_dim3A = vector.shape_cast %reduce_sum3A_17 : vector<400xf32> to vector<400x1xf32>
    %div3A = arith.constant 1.280000e+02 : f32
    %div3A_18 = vector.broadcast %div3A : f32 to vector<400x1xf32>
    %div3A_19 = arith.divf %broadcast_in_dim3A, %div3A_18 : vector<400x1xf32>
    %sub3A = vector.broadcast %div3A_19 : vector<400x1xf32> to vector<400x128xf32>
    %sub3A_20 = arith.subf %add3A_16, %sub3A : vector<400x128xf32>
    %mul3A_21 = arith.mulf %sub3A_20, %sub3A_20 : vector<400x128xf32>
    %reduce_sum3A_22 = arith.constant dense<0.000000e+00> : vector<400xf32>
    %reduce_sum3A_23 = vector.multi_reduction <add>, %mul3A_21, %reduce_sum3A_22 [1] : vector<400x128xf32> to vector<400xf32>
    %broadcast_in_dim3A_24 = vector.shape_cast %reduce_sum3A_23 : vector<400xf32> to vector<400x1xf32>
    %div3A_25 = arith.constant 1.280000e+02 : f32
    %div3A_26 = vector.broadcast %div3A_25 : f32 to vector<400x1xf32>
    %div3A_27 = arith.divf %broadcast_in_dim3A_24, %div3A_26 : vector<400x1xf32>
    %add3A_28 = arith.constant 9.99999974E-6 : f32
    %add3A_29 = vector.broadcast %add3A_28 : f32 to vector<400x1xf32>
    %add3A_30 = arith.addf %div3A_27, %add3A_29 : vector<400x1xf32>
    %rsqrt3A = math.rsqrt %add3A_30 : vector<400x1xf32>
    %mul3A_31 = vector.broadcast %rsqrt3A : vector<400x1xf32> to vector<400x128xf32>
    %mul3A_32 = arith.mulf %sub3A_20, %mul3A_31 : vector<400x128xf32>
    %get3A_33 = arith.constant 0 : index
    %get3A_34 = arith.constant 0 : index
    %get3A_35 = vector.load %arg4[%get3A_33, %get3A_34] : memref<1x128xf32, #tpu.memory_space<vmem>>, vector<1x128xf32>
    %mul3A_36 = vector.broadcast %get3A_35 : vector<1x128xf32> to vector<400x128xf32>
    %mul3A_37 = arith.mulf %mul3A_32, %mul3A_36 : vector<400x128xf32>
    %get3A_38 = arith.constant 0 : index
    %get3A_39 = arith.constant 0 : index
    %get3A_40 = vector.load %arg5[%get3A_38, %get3A_39] : memref<1x128xf32, #tpu.memory_space<vmem>>, vector<1x128xf32>
    %add3A_41 = vector.broadcast %get3A_40 : vector<1x128xf32> to vector<400x128xf32>
    %add3A_42 = arith.addf %mul3A_37, %add3A_41 : vector<400x128xf32>
    %max3A = arith.constant 0.000000e+00 : f32
    %max3A_43 = vector.broadcast %max3A : f32 to vector<400x128xf32>
    %max3A_44 = arith.maximumf %add3A_42, %max3A_43 : vector<400x128xf32>
    %get3A_45 = arith.constant 0 : index
    %get3A_46 = arith.constant 0 : index
    %get3A_47 = vector.load %arg6[%get3A_45, %get3A_46] : memref<400x128xf32, #tpu.memory_space<vmem>>, vector<400x128xf32>
    %add3A_48 = arith.addf %max3A_44, %get3A_47 : vector<400x128xf32>
    %swap3A = arith.constant 0 : index
    %swap3A_49 = arith.constant 0 : index
    %swap3A_50 = vector.load %arg8[%swap3A, %swap3A_49] : memref<400x128xf32, #tpu.memory_space<vmem>>, vector<400x128xf32>
    tpu.vector_store %arg8[%swap3A, %swap3A_49], %add3A_48 {strides = array<i32>} : memref<400x128xf32, #tpu.memory_space<vmem>>, vector<400x128xf32>,
    %get3A_51 = arith.constant 0 : index
    %get3A_52 = arith.constant 0 : index
    %get3A_53 = vector.load %arg7[%get3A_51, %get3A_52] : memref<128x128xf32, #tpu.memory_space<vmem>>, vector<128x128xf32>
    %dot_general3A = arith.constant dense<0.000000e+00> : vector<400x128xf32>
    %dot_general3A_54 = tpu.matmul %add3A_48, %get3A_53, %dot_general3A {dimension_numbers = #tpu.dot_dimension_numbers<[1], [0], [0], [1], [0, 0, 1, 1], [], []>, transpose_lhs_hint = false} : vector<400x128xf32>, vector<128x128xf32>, vector<400x128xf32> -> vector<400x128xf32>
    %get3A_55 = arith.constant 0 : index
    %get3A_56 = arith.constant 0 : index
    %get3A_57 = vector.load %arg2[%get3A_55, %get3A_56] : memref<400x1xf32, #tpu.memory_space<vmem>>, vector<400x1xf32>
    %mul3A_58 = vector.broadcast %get3A_57 : vector<400x1xf32> to vector<400x128xf32>
    %mul3A_59 = arith.mulf %dot_general3A_54, %mul3A_58 : vector<400x128xf32>
    %slice3A = vector.extract_strided_slice %mul3A_59 {offsets = [0, 0], sizes = [400, 64], strides = [1, 1]} : vector<400x128xf32> to vector<400x64xf32>
    %swap3A_60 = arith.constant 0 : index
    %swap3A_61 = arith.constant 0 : index
    %swap3A_62 = arith.constant 0 : index
    %swap3A_63 = vector.load %arg9[%swap3A_60, %swap3A_61, %swap3A_62] : memref<2x400x64xf32, #tpu.memory_space<vmem>>, vector<1x400x64xf32>
    %swap3A_64 = vector.shape_cast %swap3A_63 : vector<1x400x64xf32> to vector<400x64xf32>
    %swap3A_65 = vector.shape_cast %slice3A : vector<400x64xf32> to vector<1x400x64xf32>
    tpu.vector_store %arg9[%swap3A_60, %swap3A_61, %swap3A_62], %swap3A_65 {strides = array<i32>} : memref<2x400x64xf32, #tpu.memory_space<vmem>>, vector<1x400x64xf32>,
    %slice3A_66 = vector.extract_strided_slice %mul3A_59 {offsets = [0, 64], sizes = [400, 64], strides = [1, 1]} : vector<400x128xf32> to vector<400x64xf32>
    %swap3A_67 = arith.constant 1 : index
    %swap3A_68 = arith.constant 0 : index
    %swap3A_69 = arith.constant 0 : index
    %swap3A_70 = vector.load %arg9[%swap3A_67, %swap3A_68, %swap3A_69] : memref<2x400x64xf32, #tpu.memory_space<vmem>>, vector<1x400x64xf32>
    %swap3A_71 = vector.shape_cast %swap3A_70 : vector<1x400x64xf32> to vector<400x64xf32>
    %swap3A_72 = vector.shape_cast %slice3A_66 : vector<400x64xf32> to vector<1x400x64xf32>
    tpu.vector_store %arg9[%swap3A_67, %swap3A_68, %swap3A_69], %swap3A_72 {strides = array<i32>} : memref<2x400x64xf32, #tpu.memory_space<vmem>>, vector<1x400x64xf32>,
    return
  }
  func.func @transform_0(%arg0: i32) -> (i32, i32, i32) {
    %c0_i32 = arith.constant 0 : i32
    %c0_i32_0 = arith.constant 0 : i32
    %c0_i32_1 = arith.constant 0 : i32
    return %c0_i32, %arg0, %c0_i32_0 : i32, i32, i32
  }
  func.func @transform_1(%arg0: i32) -> (i32, i32) {
    %c0_i32 = arith.constant 0 : i32
    %c0_i32_0 = arith.constant 0 : i32
    return %arg0, %c0_i32 : i32, i32
  }
  func.func @transform_2(%arg0: i32) -> (i32, i32) {
    %c0_i32 = arith.constant 0 : i32
    %c0_i32_0 = arith.constant 0 : i32
    %c0_i32_1 = arith.constant 0 : i32
    return %c0_i32, %c0_i32_0 : i32, i32
  }
  func.func @transform_3(%arg0: i32) -> (i32, i32) {
    %c0_i32 = arith.constant 0 : i32
    %c0_i32_0 = arith.constant 0 : i32
    %c0_i32_1 = arith.constant 0 : i32
    return %c0_i32, %c0_i32_0 : i32, i32
  }
  func.func @transform_4(%arg0: i32) -> (i32, i32) {
    %c0_i32 = arith.constant 0 : i32
    %c0_i32_0 = arith.constant 0 : i32
    %c0_i32_1 = arith.constant 0 : i32
    return %c0_i32, %c0_i32_0 : i32, i32
  }
  func.func @transform_5(%arg0: i32) -> (i32, i32) {
    %c0_i32 = arith.constant 0 : i32
    %c0_i32_0 = arith.constant 0 : i32
    return %arg0, %c0_i32 : i32, i32
  }
  func.func @transform_6(%arg0: i32) -> (i32, i32) {
    %c0_i32 = arith.constant 0 : i32
    %c0_i32_0 = arith.constant 0 : i32
    %c0_i32_1 = arith.constant 0 : i32
    return %c0_i32, %c0_i32_0 : i32, i32
  }
  func.func @transform_7(%arg0: i32) -> (i32, i32) {
    %c0_i32 = arith.constant 0 : i32
    %c0_i32_0 = arith.constant 0 : i32
    return %arg0, %c0_i32 : i32, i32
  }
  func.func @transform_8(%arg0: i32) -> (i32, i32, i32) {
    %c0_i32 = arith.constant 0 : i32
    %c0_i32_0 = arith.constant 0 : i32
    %c0_i32_1 = arith.constant 0 : i32
    return %c0_i32, %arg0, %c0_i32_0 : i32, i32, i32
  }
}

module attributes {stable_mosaic.version = 14 : i64} {
  func.func @_fpost_res_body(%arg0: i32, %arg1: memref<2x400x64xf32, #tpu.memory_space<vmem>>, %arg2: memref<400x1xf32, #tpu.memory_space<vmem>>, %arg3: memref<1x128xf32, #tpu.memory_space<vmem>>, %arg4: memref<1x128xf32, #tpu.memory_space<vmem>>, %arg5: memref<1x128xf32, #tpu.memory_space<vmem>>, %arg6: memref<400x128xf32, #tpu.memory_space<vmem>>, %arg7: memref<128x128xf32, #tpu.memory_space<vmem>>, %arg8: memref<128x128xf32, #tpu.memory_space<vmem>>, %arg9: memref<1x128xf32, #tpu.memory_space<vmem>>, %arg10: memref<400x128xf32, #tpu.memory_space<vmem>>, %arg11: memref<2x400x64xf32, #tpu.memory_space<vmem>>, %arg12: memref<400x128xf32, #tpu.memory_space<vmem>>) attributes {dimension_semantics = [#tpu.dimension_semantics<arbitrary>], iteration_bounds = array<i64: 25>, scalar_prefetch = 0 : i64, scratch_operands = 0 : i64, tpu.core_type = #tpu.core_type<tc>, window_params = [{transform_indices = @transform_0, window_bounds = array<i64: 2, 400, 64>}, {transform_indices = @transform_1, window_bounds = array<i64: 400, 1>}, {pipeline_mode = #tpu.pipeline_mode<synchronous>, transform_indices = @transform_2, window_bounds = array<i64: 1, 128>}, {pipeline_mode = #tpu.pipeline_mode<synchronous>, transform_indices = @transform_3, window_bounds = array<i64: 1, 128>}, {pipeline_mode = #tpu.pipeline_mode<synchronous>, transform_indices = @transform_4, window_bounds = array<i64: 1, 128>}, {transform_indices = @transform_5, window_bounds = array<i64: 400, 128>}, {pipeline_mode = #tpu.pipeline_mode<synchronous>, transform_indices = @transform_6, window_bounds = array<i64: 128, 128>}, {pipeline_mode = #tpu.pipeline_mode<synchronous>, transform_indices = @transform_7, window_bounds = array<i64: 128, 128>}, {pipeline_mode = #tpu.pipeline_mode<synchronous>, transform_indices = @transform_8, window_bounds = array<i64: 1, 128>}, {transform_indices = @transform_9, window_bounds = array<i64: 400, 128>}, {transform_indices = @transform_10, window_bounds = array<i64: 2, 400, 64>}, {transform_indices = @transform_11, window_bounds = array<i64: 400, 128>}]} {
    %get3A = arith.constant 0 : index
    %get3A_0 = arith.constant 0 : index
    %get3A_1 = arith.constant 0 : index
    %get3A_2 = vector.load %arg1[%get3A, %get3A_0, %get3A_1] : memref<2x400x64xf32, #tpu.memory_space<vmem>>, vector<1x400x64xf32>
    %get3A_3 = vector.shape_cast %get3A_2 : vector<1x400x64xf32> to vector<400x64xf32>
    %get3A_4 = arith.constant 1 : index
    %get3A_5 = arith.constant 0 : index
    %get3A_6 = arith.constant 0 : index
    %get3A_7 = vector.load %arg1[%get3A_4, %get3A_5, %get3A_6] : memref<2x400x64xf32, #tpu.memory_space<vmem>>, vector<1x400x64xf32>
    %get3A_8 = vector.shape_cast %get3A_7 : vector<1x400x64xf32> to vector<400x64xf32>
    %concatenate3A = tpu.concatenate %get3A_3, %get3A_8 in 1 : vector<400x64xf32>, vector<400x64xf32> -> vector<400x128xf32>
    %get3A_9 = arith.constant 0 : index
    %get3A_10 = arith.constant 0 : index
    %get3A_11 = vector.load %arg2[%get3A_9, %get3A_10] : memref<400x1xf32, #tpu.memory_space<vmem>>, vector<400x1xf32>
    %mul3A = vector.broadcast %get3A_11 : vector<400x1xf32> to vector<400x128xf32>
    %mul3A_12 = arith.mulf %concatenate3A, %mul3A : vector<400x128xf32>
    %get3A_13 = arith.constant 0 : index
    %get3A_14 = arith.constant 0 : index
    %get3A_15 = vector.load %arg3[%get3A_13, %get3A_14] : memref<1x128xf32, #tpu.memory_space<vmem>>, vector<1x128xf32>
    %add3A = vector.broadcast %get3A_15 : vector<1x128xf32> to vector<400x128xf32>
    %add3A_16 = arith.addf %mul3A_12, %add3A : vector<400x128xf32>
    %reduce_sum3A = arith.constant dense<0.000000e+00> : vector<400xf32>
    %reduce_sum3A_17 = vector.multi_reduction <add>, %add3A_16, %reduce_sum3A [1] : vector<400x128xf32> to vector<400xf32>
    %broadcast_in_dim3A = vector.shape_cast %reduce_sum3A_17 : vector<400xf32> to vector<400x1xf32>
    %div3A = arith.constant 1.280000e+02 : f32
    %div3A_18 = vector.broadcast %div3A : f32 to vector<400x1xf32>
    %div3A_19 = arith.divf %broadcast_in_dim3A, %div3A_18 : vector<400x1xf32>
    %sub3A = vector.broadcast %div3A_19 : vector<400x1xf32> to vector<400x128xf32>
    %sub3A_20 = arith.subf %add3A_16, %sub3A : vector<400x128xf32>
    %mul3A_21 = arith.mulf %sub3A_20, %sub3A_20 : vector<400x128xf32>
    %reduce_sum3A_22 = arith.constant dense<0.000000e+00> : vector<400xf32>
    %reduce_sum3A_23 = vector.multi_reduction <add>, %mul3A_21, %reduce_sum3A_22 [1] : vector<400x128xf32> to vector<400xf32>
    %broadcast_in_dim3A_24 = vector.shape_cast %reduce_sum3A_23 : vector<400xf32> to vector<400x1xf32>
    %div3A_25 = arith.constant 1.280000e+02 : f32
    %div3A_26 = vector.broadcast %div3A_25 : f32 to vector<400x1xf32>
    %div3A_27 = arith.divf %broadcast_in_dim3A_24, %div3A_26 : vector<400x1xf32>
    %add3A_28 = arith.constant 9.99999974E-6 : f32
    %add3A_29 = vector.broadcast %add3A_28 : f32 to vector<400x1xf32>
    %add3A_30 = arith.addf %div3A_27, %add3A_29 : vector<400x1xf32>
    %rsqrt3A = math.rsqrt %add3A_30 : vector<400x1xf32>
    %mul3A_31 = vector.broadcast %rsqrt3A : vector<400x1xf32> to vector<400x128xf32>
    %mul3A_32 = arith.mulf %sub3A_20, %mul3A_31 : vector<400x128xf32>
    %get3A_33 = arith.constant 0 : index
    %get3A_34 = arith.constant 0 : index
    %get3A_35 = vector.load %arg4[%get3A_33, %get3A_34] : memref<1x128xf32, #tpu.memory_space<vmem>>, vector<1x128xf32>
    %mul3A_36 = vector.broadcast %get3A_35 : vector<1x128xf32> to vector<400x128xf32>
    %mul3A_37 = arith.mulf %mul3A_32, %mul3A_36 : vector<400x128xf32>
    %get3A_38 = arith.constant 0 : index
    %get3A_39 = arith.constant 0 : index
    %get3A_40 = vector.load %arg5[%get3A_38, %get3A_39] : memref<1x128xf32, #tpu.memory_space<vmem>>, vector<1x128xf32>
    %add3A_41 = vector.broadcast %get3A_40 : vector<1x128xf32> to vector<400x128xf32>
    %add3A_42 = arith.addf %mul3A_37, %add3A_41 : vector<400x128xf32>
    %max3A = arith.constant 0.000000e+00 : f32
    %max3A_43 = vector.broadcast %max3A : f32 to vector<400x128xf32>
    %max3A_44 = arith.maximumf %add3A_42, %max3A_43 : vector<400x128xf32>
    %get3A_45 = arith.constant 0 : index
    %get3A_46 = arith.constant 0 : index
    %get3A_47 = vector.load %arg6[%get3A_45, %get3A_46] : memref<400x128xf32, #tpu.memory_space<vmem>>, vector<400x128xf32>
    %add3A_48 = arith.addf %max3A_44, %get3A_47 : vector<400x128xf32>
    %swap3A = arith.constant 0 : index
    %swap3A_49 = arith.constant 0 : index
    %swap3A_50 = vector.load %arg10[%swap3A, %swap3A_49] : memref<400x128xf32, #tpu.memory_space<vmem>>, vector<400x128xf32>
    tpu.vector_store %arg10[%swap3A, %swap3A_49], %add3A_48 {strides = array<i32>} : memref<400x128xf32, #tpu.memory_space<vmem>>, vector<400x128xf32>,
    %get3A_51 = arith.constant 0 : index
    %get3A_52 = arith.constant 0 : index
    %get3A_53 = vector.load %arg7[%get3A_51, %get3A_52] : memref<128x128xf32, #tpu.memory_space<vmem>>, vector<128x128xf32>
    %dot_general3A = arith.constant dense<0.000000e+00> : vector<400x128xf32>
    %dot_general3A_54 = tpu.matmul %add3A_48, %get3A_53, %dot_general3A {dimension_numbers = #tpu.dot_dimension_numbers<[1], [0], [0], [1], [0, 0, 1, 1], [], []>, transpose_lhs_hint = false} : vector<400x128xf32>, vector<128x128xf32>, vector<400x128xf32> -> vector<400x128xf32>
    %get3A_55 = arith.constant 0 : index
    %get3A_56 = arith.constant 0 : index
    %get3A_57 = vector.load %arg2[%get3A_55, %get3A_56] : memref<400x1xf32, #tpu.memory_space<vmem>>, vector<400x1xf32>
    %mul3A_58 = vector.broadcast %get3A_57 : vector<400x1xf32> to vector<400x128xf32>
    %mul3A_59 = arith.mulf %dot_general3A_54, %mul3A_58 : vector<400x128xf32>
    %slice3A = vector.extract_strided_slice %mul3A_59 {offsets = [0, 0], sizes = [400, 64], strides = [1, 1]} : vector<400x128xf32> to vector<400x64xf32>
    %swap3A_60 = arith.constant 0 : index
    %swap3A_61 = arith.constant 0 : index
    %swap3A_62 = arith.constant 0 : index
    %swap3A_63 = vector.load %arg11[%swap3A_60, %swap3A_61, %swap3A_62] : memref<2x400x64xf32, #tpu.memory_space<vmem>>, vector<1x400x64xf32>
    %swap3A_64 = vector.shape_cast %swap3A_63 : vector<1x400x64xf32> to vector<400x64xf32>
    %swap3A_65 = vector.shape_cast %slice3A : vector<400x64xf32> to vector<1x400x64xf32>
    tpu.vector_store %arg11[%swap3A_60, %swap3A_61, %swap3A_62], %swap3A_65 {strides = array<i32>} : memref<2x400x64xf32, #tpu.memory_space<vmem>>, vector<1x400x64xf32>,
    %slice3A_66 = vector.extract_strided_slice %mul3A_59 {offsets = [0, 64], sizes = [400, 64], strides = [1, 1]} : vector<400x128xf32> to vector<400x64xf32>
    %swap3A_67 = arith.constant 1 : index
    %swap3A_68 = arith.constant 0 : index
    %swap3A_69 = arith.constant 0 : index
    %swap3A_70 = vector.load %arg11[%swap3A_67, %swap3A_68, %swap3A_69] : memref<2x400x64xf32, #tpu.memory_space<vmem>>, vector<1x400x64xf32>
    %swap3A_71 = vector.shape_cast %swap3A_70 : vector<1x400x64xf32> to vector<400x64xf32>
    %swap3A_72 = vector.shape_cast %slice3A_66 : vector<400x64xf32> to vector<1x400x64xf32>
    tpu.vector_store %arg11[%swap3A_67, %swap3A_68, %swap3A_69], %swap3A_72 {strides = array<i32>} : memref<2x400x64xf32, #tpu.memory_space<vmem>>, vector<1x400x64xf32>,
    %get3A_73 = arith.constant 0 : index
    %get3A_74 = arith.constant 0 : index
    %get3A_75 = vector.load %arg8[%get3A_73, %get3A_74] : memref<128x128xf32, #tpu.memory_space<vmem>>, vector<128x128xf32>
    %dot_general3A_76 = arith.constant dense<0.000000e+00> : vector<400x128xf32>
    %dot_general3A_77 = tpu.matmul %add3A_48, %get3A_75, %dot_general3A_76 {dimension_numbers = #tpu.dot_dimension_numbers<[1], [0], [0], [1], [0, 0, 1, 1], [], []>, transpose_lhs_hint = false} : vector<400x128xf32>, vector<128x128xf32>, vector<400x128xf32> -> vector<400x128xf32>
    %get3A_78 = arith.constant 0 : index
    %get3A_79 = arith.constant 0 : index
    %get3A_80 = vector.load %arg9[%get3A_78, %get3A_79] : memref<1x128xf32, #tpu.memory_space<vmem>>, vector<1x128xf32>
    %add3A_81 = vector.broadcast %get3A_80 : vector<1x128xf32> to vector<400x128xf32>
    %add3A_82 = arith.addf %dot_general3A_77, %add3A_81 : vector<400x128xf32>
    %swap3A_83 = arith.constant 0 : index
    %swap3A_84 = arith.constant 0 : index
    %swap3A_85 = vector.load %arg12[%swap3A_83, %swap3A_84] : memref<400x128xf32, #tpu.memory_space<vmem>>, vector<400x128xf32>
    tpu.vector_store %arg12[%swap3A_83, %swap3A_84], %add3A_82 {strides = array<i32>} : memref<400x128xf32, #tpu.memory_space<vmem>>, vector<400x128xf32>,
    return
  }
  func.func @transform_0(%arg0: i32) -> (i32, i32, i32) {
    %c0_i32 = arith.constant 0 : i32
    %c0_i32_0 = arith.constant 0 : i32
    %c0_i32_1 = arith.constant 0 : i32
    return %c0_i32, %arg0, %c0_i32_0 : i32, i32, i32
  }
  func.func @transform_1(%arg0: i32) -> (i32, i32) {
    %c0_i32 = arith.constant 0 : i32
    %c0_i32_0 = arith.constant 0 : i32
    return %arg0, %c0_i32 : i32, i32
  }
  func.func @transform_2(%arg0: i32) -> (i32, i32) {
    %c0_i32 = arith.constant 0 : i32
    %c0_i32_0 = arith.constant 0 : i32
    %c0_i32_1 = arith.constant 0 : i32
    return %c0_i32, %c0_i32_0 : i32, i32
  }
  func.func @transform_3(%arg0: i32) -> (i32, i32) {
    %c0_i32 = arith.constant 0 : i32
    %c0_i32_0 = arith.constant 0 : i32
    %c0_i32_1 = arith.constant 0 : i32
    return %c0_i32, %c0_i32_0 : i32, i32
  }
  func.func @transform_4(%arg0: i32) -> (i32, i32) {
    %c0_i32 = arith.constant 0 : i32
    %c0_i32_0 = arith.constant 0 : i32
    %c0_i32_1 = arith.constant 0 : i32
    return %c0_i32, %c0_i32_0 : i32, i32
  }
  func.func @transform_5(%arg0: i32) -> (i32, i32) {
    %c0_i32 = arith.constant 0 : i32
    %c0_i32_0 = arith.constant 0 : i32
    return %arg0, %c0_i32 : i32, i32
  }
  func.func @transform_6(%arg0: i32) -> (i32, i32) {
    %c0_i32 = arith.constant 0 : i32
    %c0_i32_0 = arith.constant 0 : i32
    %c0_i32_1 = arith.constant 0 : i32
    return %c0_i32, %c0_i32_0 : i32, i32
  }
  func.func @transform_7(%arg0: i32) -> (i32, i32) {
    %c0_i32 = arith.constant 0 : i32
    %c0_i32_0 = arith.constant 0 : i32
    %c0_i32_1 = arith.constant 0 : i32
    return %c0_i32, %c0_i32_0 : i32, i32
  }
  func.func @transform_8(%arg0: i32) -> (i32, i32) {
    %c0_i32 = arith.constant 0 : i32
    %c0_i32_0 = arith.constant 0 : i32
    %c0_i32_1 = arith.constant 0 : i32
    return %c0_i32, %c0_i32_0 : i32, i32
  }
  func.func @transform_9(%arg0: i32) -> (i32, i32) {
    %c0_i32 = arith.constant 0 : i32
    %c0_i32_0 = arith.constant 0 : i32
    return %arg0, %c0_i32 : i32, i32
  }
  func.func @transform_10(%arg0: i32) -> (i32, i32, i32) {
    %c0_i32 = arith.constant 0 : i32
    %c0_i32_0 = arith.constant 0 : i32
    %c0_i32_1 = arith.constant 0 : i32
    return %c0_i32, %arg0, %c0_i32_0 : i32, i32, i32
  }
  func.func @transform_11(%arg0: i32) -> (i32, i32) {
    %c0_i32 = arith.constant 0 : i32
    %c0_i32_0 = arith.constant 0 : i32
    return %arg0, %c0_i32 : i32, i32
  }
}

module attributes {stable_mosaic.version = 14 : i64} {
  func.func @_fsum_body(%arg0: i32, %arg1: memref<2x400x64xf32, #tpu.memory_space<vmem>>, %arg2: memref<400x1xf32, #tpu.memory_space<vmem>>, %arg3: memref<1x128xf32, #tpu.memory_space<vmem>>, %arg4: memref<1x128xf32, #tpu.memory_space<vmem>>, %arg5: memref<1x128xf32, #tpu.memory_space<vmem>>, %arg6: memref<400x128xf32, #tpu.memory_space<vmem>>, %arg7: memref<1x128xf32, #tpu.memory_space<vmem>>) attributes {dimension_semantics = [#tpu.dimension_semantics<arbitrary>], iteration_bounds = array<i64: 25>, scalar_prefetch = 0 : i64, scratch_operands = 0 : i64, tpu.core_type = #tpu.core_type<tc>, window_params = [{transform_indices = @transform_0, window_bounds = array<i64: 2, 400, 64>}, {transform_indices = @transform_1, window_bounds = array<i64: 400, 1>}, {pipeline_mode = #tpu.pipeline_mode<synchronous>, transform_indices = @transform_2, window_bounds = array<i64: 1, 128>}, {pipeline_mode = #tpu.pipeline_mode<synchronous>, transform_indices = @transform_3, window_bounds = array<i64: 1, 128>}, {pipeline_mode = #tpu.pipeline_mode<synchronous>, transform_indices = @transform_4, window_bounds = array<i64: 1, 128>}, {transform_indices = @transform_5, window_bounds = array<i64: 400, 128>}, {pipeline_mode = #tpu.pipeline_mode<synchronous>, transform_indices = @transform_6, window_bounds = array<i64: 1, 128>}]} {
    %get3A = arith.constant 0 : index
    %get3A_0 = arith.constant 0 : index
    %get3A_1 = arith.constant 0 : index
    %get3A_2 = vector.load %arg1[%get3A, %get3A_0, %get3A_1] : memref<2x400x64xf32, #tpu.memory_space<vmem>>, vector<1x400x64xf32>
    %get3A_3 = vector.shape_cast %get3A_2 : vector<1x400x64xf32> to vector<400x64xf32>
    %get3A_4 = arith.constant 1 : index
    %get3A_5 = arith.constant 0 : index
    %get3A_6 = arith.constant 0 : index
    %get3A_7 = vector.load %arg1[%get3A_4, %get3A_5, %get3A_6] : memref<2x400x64xf32, #tpu.memory_space<vmem>>, vector<1x400x64xf32>
    %get3A_8 = vector.shape_cast %get3A_7 : vector<1x400x64xf32> to vector<400x64xf32>
    %concatenate3A = tpu.concatenate %get3A_3, %get3A_8 in 1 : vector<400x64xf32>, vector<400x64xf32> -> vector<400x128xf32>
    %get3A_9 = arith.constant 0 : index
    %get3A_10 = arith.constant 0 : index
    %get3A_11 = vector.load %arg2[%get3A_9, %get3A_10] : memref<400x1xf32, #tpu.memory_space<vmem>>, vector<400x1xf32>
    %mul3A = vector.broadcast %get3A_11 : vector<400x1xf32> to vector<400x128xf32>
    %mul3A_12 = arith.mulf %concatenate3A, %mul3A : vector<400x128xf32>
    %get3A_13 = arith.constant 0 : index
    %get3A_14 = arith.constant 0 : index
    %get3A_15 = vector.load %arg3[%get3A_13, %get3A_14] : memref<1x128xf32, #tpu.memory_space<vmem>>, vector<1x128xf32>
    %add3A = vector.broadcast %get3A_15 : vector<1x128xf32> to vector<400x128xf32>
    %add3A_16 = arith.addf %mul3A_12, %add3A : vector<400x128xf32>
    %reduce_sum3A = arith.constant dense<0.000000e+00> : vector<400xf32>
    %reduce_sum3A_17 = vector.multi_reduction <add>, %add3A_16, %reduce_sum3A [1] : vector<400x128xf32> to vector<400xf32>
    %broadcast_in_dim3A = vector.shape_cast %reduce_sum3A_17 : vector<400xf32> to vector<400x1xf32>
    %div3A = arith.constant 1.280000e+02 : f32
    %div3A_18 = vector.broadcast %div3A : f32 to vector<400x1xf32>
    %div3A_19 = arith.divf %broadcast_in_dim3A, %div3A_18 : vector<400x1xf32>
    %sub3A = vector.broadcast %div3A_19 : vector<400x1xf32> to vector<400x128xf32>
    %sub3A_20 = arith.subf %add3A_16, %sub3A : vector<400x128xf32>
    %mul3A_21 = arith.mulf %sub3A_20, %sub3A_20 : vector<400x128xf32>
    %reduce_sum3A_22 = arith.constant dense<0.000000e+00> : vector<400xf32>
    %reduce_sum3A_23 = vector.multi_reduction <add>, %mul3A_21, %reduce_sum3A_22 [1] : vector<400x128xf32> to vector<400xf32>
    %broadcast_in_dim3A_24 = vector.shape_cast %reduce_sum3A_23 : vector<400xf32> to vector<400x1xf32>
    %div3A_25 = arith.constant 1.280000e+02 : f32
    %div3A_26 = vector.broadcast %div3A_25 : f32 to vector<400x1xf32>
    %div3A_27 = arith.divf %broadcast_in_dim3A_24, %div3A_26 : vector<400x1xf32>
    %add3A_28 = arith.constant 9.99999974E-6 : f32
    %add3A_29 = vector.broadcast %add3A_28 : f32 to vector<400x1xf32>
    %add3A_30 = arith.addf %div3A_27, %add3A_29 : vector<400x1xf32>
    %rsqrt3A = math.rsqrt %add3A_30 : vector<400x1xf32>
    %mul3A_31 = vector.broadcast %rsqrt3A : vector<400x1xf32> to vector<400x128xf32>
    %mul3A_32 = arith.mulf %sub3A_20, %mul3A_31 : vector<400x128xf32>
    %get3A_33 = arith.constant 0 : index
    %get3A_34 = arith.constant 0 : index
    %get3A_35 = vector.load %arg4[%get3A_33, %get3A_34] : memref<1x128xf32, #tpu.memory_space<vmem>>, vector<1x128xf32>
    %mul3A_36 = vector.broadcast %get3A_35 : vector<1x128xf32> to vector<400x128xf32>
    %mul3A_37 = arith.mulf %mul3A_32, %mul3A_36 : vector<400x128xf32>
    %get3A_38 = arith.constant 0 : index
    %get3A_39 = arith.constant 0 : index
    %get3A_40 = vector.load %arg5[%get3A_38, %get3A_39] : memref<1x128xf32, #tpu.memory_space<vmem>>, vector<1x128xf32>
    %add3A_41 = vector.broadcast %get3A_40 : vector<1x128xf32> to vector<400x128xf32>
    %add3A_42 = arith.addf %mul3A_37, %add3A_41 : vector<400x128xf32>
    %max3A = arith.constant 0.000000e+00 : f32
    %max3A_43 = vector.broadcast %max3A : f32 to vector<400x128xf32>
    %max3A_44 = arith.maximumf %add3A_42, %max3A_43 : vector<400x128xf32>
    %get3A_45 = arith.constant 0 : index
    %get3A_46 = arith.constant 0 : index
    %get3A_47 = vector.load %arg6[%get3A_45, %get3A_46] : memref<400x128xf32, #tpu.memory_space<vmem>>, vector<400x128xf32>
    %add3A_48 = arith.addf %max3A_44, %get3A_47 : vector<400x128xf32>
    %eq3A = arith.constant 0 : i32
    %eq3A_49 = arith.cmpi eq, %arg0, %eq3A : i32
    %convert_element_type3A = arith.extui %eq3A_49 : i1 to i32
    %cond3A = arith.constant 0 : i32
    %cond3A_50 = arith.cmpi ne, %convert_element_type3A, %cond3A : i32
    scf.if %cond3A_50 {
      %broadcast_in_dim3A_60 = arith.constant 0.000000e+00 : f32
      %broadcast_in_dim3A_61 = vector.broadcast %broadcast_in_dim3A_60 : f32 to vector<1x128xf32>
      %swap3A_62 = arith.constant 0 : index
      %swap3A_63 = arith.constant 0 : index
      %swap3A_64 = vector.load %arg7[%swap3A_62, %swap3A_63] : memref<1x128xf32, #tpu.memory_space<vmem>>, vector<1x128xf32>
      tpu.vector_store %arg7[%swap3A_62, %swap3A_63], %broadcast_in_dim3A_61 {strides = array<i32>} : memref<1x128xf32, #tpu.memory_space<vmem>>, vector<1x128xf32>,
    } else {
    }
    %get3A_51 = arith.constant 0 : index
    %get3A_52 = arith.constant 0 : index
    %get3A_53 = vector.load %arg7[%get3A_51, %get3A_52] : memref<1x128xf32, #tpu.memory_space<vmem>>, vector<1x128xf32>
    %reduce_sum3A_54 = arith.constant dense<0.000000e+00> : vector<128xf32>
    %reduce_sum3A_55 = vector.multi_reduction <add>, %add3A_48, %reduce_sum3A_54 [0] : vector<400x128xf32> to vector<128xf32>
    %broadcast_in_dim3A_56 = vector.shape_cast %reduce_sum3A_55 : vector<128xf32> to vector<1x128xf32>
    %add3A_57 = arith.addf %get3A_53, %broadcast_in_dim3A_56 : vector<1x128xf32>
    %swap3A = arith.constant 0 : index
    %swap3A_58 = arith.constant 0 : index
    %swap3A_59 = vector.load %arg7[%swap3A, %swap3A_58] : memref<1x128xf32, #tpu.memory_space<vmem>>, vector<1x128xf32>
    tpu.vector_store %arg7[%swap3A, %swap3A_58], %add3A_57 {strides = array<i32>} : memref<1x128xf32, #tpu.memory_space<vmem>>, vector<1x128xf32>,
    return
  }
  func.func @transform_0(%arg0: i32) -> (i32, i32, i32) {
    %c0_i32 = arith.constant 0 : i32
    %c0_i32_0 = arith.constant 0 : i32
    %c0_i32_1 = arith.constant 0 : i32
    return %c0_i32, %arg0, %c0_i32_0 : i32, i32, i32
  }
  func.func @transform_1(%arg0: i32) -> (i32, i32) {
    %c0_i32 = arith.constant 0 : i32
    %c0_i32_0 = arith.constant 0 : i32
    return %arg0, %c0_i32 : i32, i32
  }
  func.func @transform_2(%arg0: i32) -> (i32, i32) {
    %c0_i32 = arith.constant 0 : i32
    %c0_i32_0 = arith.constant 0 : i32
    %c0_i32_1 = arith.constant 0 : i32
    return %c0_i32, %c0_i32_0 : i32, i32
  }
  func.func @transform_3(%arg0: i32) -> (i32, i32) {
    %c0_i32 = arith.constant 0 : i32
    %c0_i32_0 = arith.constant 0 : i32
    %c0_i32_1 = arith.constant 0 : i32
    return %c0_i32, %c0_i32_0 : i32, i32
  }
  func.func @transform_4(%arg0: i32) -> (i32, i32) {
    %c0_i32 = arith.constant 0 : i32
    %c0_i32_0 = arith.constant 0 : i32
    %c0_i32_1 = arith.constant 0 : i32
    return %c0_i32, %c0_i32_0 : i32, i32
  }
  func.func @transform_5(%arg0: i32) -> (i32, i32) {
    %c0_i32 = arith.constant 0 : i32
    %c0_i32_0 = arith.constant 0 : i32
    return %arg0, %c0_i32 : i32, i32
  }
  func.func @transform_6(%arg0: i32) -> (i32, i32) {
    %c0_i32 = arith.constant 0 : i32
    %c0_i32_0 = arith.constant 0 : i32
    %c0_i32_1 = arith.constant 0 : i32
    return %c0_i32, %c0_i32_0 : i32, i32
  }
}

module attributes {stable_mosaic.version = 14 : i64} {
  func.func @_head_body(%arg0: i32, %arg1: memref<1x128xf32, #tpu.memory_space<vmem>>, %arg2: memref<128x128xf32, #tpu.memory_space<vmem>>, %arg3: memref<1x128xf32, #tpu.memory_space<vmem>>, %arg4: memref<1x128xf32, #tpu.memory_space<vmem>>, %arg5: memref<1x128xf32, #tpu.memory_space<vmem>>, %arg6: memref<128x2xf32, #tpu.memory_space<vmem>>, %arg7: memref<1x2xf32, #tpu.memory_space<vmem>>, %arg8: memref<1x2xf32, #tpu.memory_space<vmem>>) attributes {dimension_semantics = [#tpu.dimension_semantics<arbitrary>], iteration_bounds = array<i64: 1>, scalar_prefetch = 0 : i64, scratch_operands = 0 : i64, tpu.core_type = #tpu.core_type<tc>, window_params = [{pipeline_mode = #tpu.pipeline_mode<synchronous>, transform_indices = @transform_0, window_bounds = array<i64: 1, 128>}, {pipeline_mode = #tpu.pipeline_mode<synchronous>, transform_indices = @transform_1, window_bounds = array<i64: 128, 128>}, {pipeline_mode = #tpu.pipeline_mode<synchronous>, transform_indices = @transform_2, window_bounds = array<i64: 1, 128>}, {pipeline_mode = #tpu.pipeline_mode<synchronous>, transform_indices = @transform_3, window_bounds = array<i64: 1, 128>}, {pipeline_mode = #tpu.pipeline_mode<synchronous>, transform_indices = @transform_4, window_bounds = array<i64: 1, 128>}, {pipeline_mode = #tpu.pipeline_mode<synchronous>, transform_indices = @transform_5, window_bounds = array<i64: 128, 2>}, {pipeline_mode = #tpu.pipeline_mode<synchronous>, transform_indices = @transform_6, window_bounds = array<i64: 1, 2>}, {pipeline_mode = #tpu.pipeline_mode<synchronous>, transform_indices = @transform_7, window_bounds = array<i64: 1, 2>}]} {
    %get3A = arith.constant 0 : index
    %get3A_0 = arith.constant 0 : index
    %get3A_1 = vector.load %arg1[%get3A, %get3A_0] : memref<1x128xf32, #tpu.memory_space<vmem>>, vector<1x128xf32>
    %mul3A = arith.constant 9.99999974E-5 : f32
    %mul3A_2 = vector.broadcast %mul3A : f32 to vector<1x128xf32>
    %mul3A_3 = arith.mulf %get3A_1, %mul3A_2 : vector<1x128xf32>
    %get3A_4 = arith.constant 0 : index
    %get3A_5 = arith.constant 0 : index
    %get3A_6 = vector.load %arg2[%get3A_4, %get3A_5] : memref<128x128xf32, #tpu.memory_space<vmem>>, vector<128x128xf32>
    %dot_general3A = arith.constant dense<0.000000e+00> : vector<1x128xf32>
    %dot_general3A_7 = tpu.matmul %mul3A_3, %get3A_6, %dot_general3A {dimension_numbers = #tpu.dot_dimension_numbers<[1], [0], [0], [1], [0, 0, 1, 1], [], []>, transpose_lhs_hint = false} : vector<1x128xf32>, vector<128x128xf32>, vector<1x128xf32> -> vector<1x128xf32>
    %get3A_8 = arith.constant 0 : index
    %get3A_9 = arith.constant 0 : index
    %get3A_10 = vector.load %arg3[%get3A_8, %get3A_9] : memref<1x128xf32, #tpu.memory_space<vmem>>, vector<1x128xf32>
    %add3A = arith.addf %dot_general3A_7, %get3A_10 : vector<1x128xf32>
    %reduce_sum3A = arith.constant dense<0.000000e+00> : vector<1xf32>
    %reduce_sum3A_11 = vector.multi_reduction <add>, %add3A, %reduce_sum3A [1] : vector<1x128xf32> to vector<1xf32>
    %broadcast_in_dim3A = vector.shape_cast %reduce_sum3A_11 : vector<1xf32> to vector<1x1xf32>
    %div3A = arith.constant 1.280000e+02 : f32
    %div3A_12 = vector.broadcast %div3A : f32 to vector<1x1xf32>
    %div3A_13 = arith.divf %broadcast_in_dim3A, %div3A_12 : vector<1x1xf32>
    %sub3A = vector.broadcast %div3A_13 : vector<1x1xf32> to vector<1x128xf32>
    %sub3A_14 = arith.subf %add3A, %sub3A : vector<1x128xf32>
    %mul3A_15 = arith.mulf %sub3A_14, %sub3A_14 : vector<1x128xf32>
    %reduce_sum3A_16 = arith.constant dense<0.000000e+00> : vector<1xf32>
    %reduce_sum3A_17 = vector.multi_reduction <add>, %mul3A_15, %reduce_sum3A_16 [1] : vector<1x128xf32> to vector<1xf32>
    %broadcast_in_dim3A_18 = vector.shape_cast %reduce_sum3A_17 : vector<1xf32> to vector<1x1xf32>
    %div3A_19 = arith.constant 1.280000e+02 : f32
    %div3A_20 = vector.broadcast %div3A_19 : f32 to vector<1x1xf32>
    %div3A_21 = arith.divf %broadcast_in_dim3A_18, %div3A_20 : vector<1x1xf32>
    %add3A_22 = arith.constant 9.99999974E-6 : f32
    %add3A_23 = vector.broadcast %add3A_22 : f32 to vector<1x1xf32>
    %add3A_24 = arith.addf %div3A_21, %add3A_23 : vector<1x1xf32>
    %rsqrt3A = math.rsqrt %add3A_24 : vector<1x1xf32>
    %mul3A_25 = vector.broadcast %rsqrt3A : vector<1x1xf32> to vector<1x128xf32>
    %mul3A_26 = arith.mulf %sub3A_14, %mul3A_25 : vector<1x128xf32>
    %get3A_27 = arith.constant 0 : index
    %get3A_28 = arith.constant 0 : index
    %get3A_29 = vector.load %arg4[%get3A_27, %get3A_28] : memref<1x128xf32, #tpu.memory_space<vmem>>, vector<1x128xf32>
    %mul3A_30 = arith.mulf %mul3A_26, %get3A_29 : vector<1x128xf32>
    %get3A_31 = arith.constant 0 : index
    %get3A_32 = arith.constant 0 : index
    %get3A_33 = vector.load %arg5[%get3A_31, %get3A_32] : memref<1x128xf32, #tpu.memory_space<vmem>>, vector<1x128xf32>
    %add3A_34 = arith.addf %mul3A_30, %get3A_33 : vector<1x128xf32>
    %max3A = arith.constant 0.000000e+00 : f32
    %max3A_35 = vector.broadcast %max3A : f32 to vector<1x128xf32>
    %max3A_36 = arith.maximumf %add3A_34, %max3A_35 : vector<1x128xf32>
    %get3A_37 = arith.constant 0 : index
    %get3A_38 = arith.constant 0 : index
    %get3A_39 = vector.load %arg6[%get3A_37, %get3A_38] : memref<128x2xf32, #tpu.memory_space<vmem>>, vector<128x2xf32>
    %dot_general3A_40 = arith.constant dense<0.000000e+00> : vector<1x2xf32>
    %dot_general3A_41 = tpu.matmul %max3A_36, %get3A_39, %dot_general3A_40 {dimension_numbers = #tpu.dot_dimension_numbers<[1], [0], [0], [1], [0, 0, 1, 1], [], []>, transpose_lhs_hint = false} : vector<1x128xf32>, vector<128x2xf32>, vector<1x2xf32> -> vector<1x2xf32>
    %get3A_42 = arith.constant 0 : index
    %get3A_43 = arith.constant 0 : index
    %get3A_44 = vector.load %arg7[%get3A_42, %get3A_43] : memref<1x2xf32, #tpu.memory_space<vmem>>, vector<1x2xf32>
    %add3A_45 = arith.addf %dot_general3A_41, %get3A_44 : vector<1x2xf32>
    %swap3A = arith.constant 0 : index
    %swap3A_46 = arith.constant 0 : index
    %swap3A_47 = vector.load %arg8[%swap3A, %swap3A_46] : memref<1x2xf32, #tpu.memory_space<vmem>>, vector<1x2xf32>
    tpu.vector_store %arg8[%swap3A, %swap3A_46], %add3A_45 {strides = array<i32>} : memref<1x2xf32, #tpu.memory_space<vmem>>, vector<1x2xf32>,
    return
  }
  func.func @transform_0(%arg0: i32) -> (i32, i32) {
    %c0_i32 = arith.constant 0 : i32
    %c0_i32_0 = arith.constant 0 : i32
    %c0_i32_1 = arith.constant 0 : i32
    return %c0_i32, %c0_i32_0 : i32, i32
  }
  func.func @transform_1(%arg0: i32) -> (i32, i32) {
    %c0_i32 = arith.constant 0 : i32
    %c0_i32_0 = arith.constant 0 : i32
    %c0_i32_1 = arith.constant 0 : i32
    return %c0_i32, %c0_i32_0 : i32, i32
  }
  func.func @transform_2(%arg0: i32) -> (i32, i32) {
    %c0_i32 = arith.constant 0 : i32
    %c0_i32_0 = arith.constant 0 : i32
    %c0_i32_1 = arith.constant 0 : i32
    return %c0_i32, %c0_i32_0 : i32, i32
  }
  func.func @transform_3(%arg0: i32) -> (i32, i32) {
    %c0_i32 = arith.constant 0 : i32
    %c0_i32_0 = arith.constant 0 : i32
    %c0_i32_1 = arith.constant 0 : i32
    return %c0_i32, %c0_i32_0 : i32, i32
  }
  func.func @transform_4(%arg0: i32) -> (i32, i32) {
    %c0_i32 = arith.constant 0 : i32
    %c0_i32_0 = arith.constant 0 : i32
    %c0_i32_1 = arith.constant 0 : i32
    return %c0_i32, %c0_i32_0 : i32, i32
  }
  func.func @transform_5(%arg0: i32) -> (i32, i32) {
    %c0_i32 = arith.constant 0 : i32
    %c0_i32_0 = arith.constant 0 : i32
    %c0_i32_1 = arith.constant 0 : i32
    return %c0_i32, %c0_i32_0 : i32, i32
  }
  func.func @transform_6(%arg0: i32) -> (i32, i32) {
    %c0_i32 = arith.constant 0 : i32
    %c0_i32_0 = arith.constant 0 : i32
    %c0_i32_1 = arith.constant 0 : i32
    return %c0_i32, %c0_i32_0 : i32, i32
  }
  func.func @transform_7(%arg0: i32) -> (i32, i32) {
    %c0_i32 = arith.constant 0 : i32
    %c0_i32_0 = arith.constant 0 : i32
    %c0_i32_1 = arith.constant 0 : i32
    return %c0_i32, %c0_i32_0 : i32, i32
  }
}

</mosaic_0001>

<sc_bundles>
// kernel: kernel.13.cloned.1.call-start
scs
__scs_entry_jumppad:
0x0: {  	(pc) =	sbr.rel $0x88, $3  }
0x1: {  	(tag) =	ssettag $0x0;
	lr =	simm.s32 $0x1  }
0x2: {  	[smem:$0x3F91] =	sst lr;
	_ =	strace $0xD0000000  }
0x3: {  	_ = 	snop  }
0x4: {  	_ = 	snop  }
0x5: {  	_ = 	snop  }
0x6: {  	_ = 	snop  }
0x7: {  	_ = 	snop  }
__scs_overlays_trampoline_lowered:
0x8: {  	[smem:$0x3FA0] =	sst s0  }
0x9: {  	[smem:$0x3FA1] =	sst s1  }
0xa: {  	[smem:$0x3FA2] =	sst s2  }
0xb: {  	[smem:$0x3FA3] =	sst s3  }
0xc: {  	[smem:$0x3FA4] =	sst s4  }
0xd: {  	[smem:$0x3FA5] =	sst s5  }
0xe: {  	[smem:$0x3FA6] =	sst s6  }
0xf: {  	[smem:$0x3FA7] =	sst s7  }
0x10: {  	[smem:$0x3FA8] =	sst s8  }
0x11: {  	[smem:$0x3FA9] =	sst s9;
	s0 =	simm.s32 @!p0 $0x0  }
0x12: {  	s1 =	sld [smem:$0x3F8F];
	s0 =	simm.s32 @p0 $0x1  }
0x13: {  	[smem:$0x3FAA] =	sst s0;
	s0 =	simm.s32 @!p1 $0x0  }
0x14: {  	s2 =	sld [smem:$0x3F8E];
	s0 =	simm.s32 @p1 $0x1  }
0x15: {  	[smem:$0x3FAB] =	sst s0;
	s0 =	simm.s32 @!p2 $0x0  }
0x16: {  	s3 =	sld [smem:$0x3FDB];
	s0 =	simm.s32 @p2 $0x1  }
0x17: {  	s4 =	simm.s32 $0x1BF5;
	[smem:$0x3FAD] =	sst s0  }
0x18: {  	s0 =	sld [smem:$0x3F90];
	_ =	swait.ge [sflag:s4], $0x0  }
0x19: {  	s7 =	sld [smem:$0x3F91]  }
0x1a: {  	s8 =	sadd.s32 $0xFFFFE003, lr  }
0x1b: {  	s9 =	sadd.s32 $0xFFFFFEF7, lr;
	s5 =	simm.s32 $0xFFFFFFFF;
	p2 =	slt.u32 s8, $0xFFFFF086  }
0x1c: {  	p1 =	slt.u32 s9, $0xF7A;
	s5 =	simm.s32 @!p2 $0x0  }
0x1d: {  	s5 =	simm.s32 @p1 $0x1;
	p0 =	seq.s32 s7, s2  }
0x1e: {  	s7 =	smul.u32 @!p0 $0xF7A, s2;
	p2 =	seq.s32 @!p0 s5, $0x0  }
0x1f: {  	s9 =	smul.u32 $0xF7A, s1;
	s8 =	simm.s32 @!p0 $0x1BF5;
	p2 =	por !p2, p0  }
0x20: {  	[sflag:s8] =	ssyncset.s32 @!p0 $0xFFFFF086;
	s6 =	sadd.s32 @!p0 s3, s7;
	s7 =	simm.s32 @!p0 $0x108  }
0x21: {  	s3 =	sadd.s32 s3, s9;
	s6 =	sadd.s32 @!p0 $0x88, s6;
	s7 =	simm.s32 @p2 $0x1082  }
0x22: {  	[simem:s7], [sflag:s8] =	dma.local @!p0 [hbm:s6], $0xF7A  }
0x23: {  	s9 =	sor.u32 $0xD0000000, s2;
	s6 =	simm.s32 $0x108;
	_ =	swait.ge @!p0 [sflag:s8], $0x0  }
0x24: {  	s3 =	sadd.s32 $0x88, s3;
	s6 =	simm.s32 @!p1 $0x1082;
	[sflag:s4] =	ssyncset.s32 $0xFFFFF086  }
0x25: {  	[simem:s6], [sflag:s4] =	dma.local [hbm:s3], $0xF7A  }
0x26: {  	[smem:$0x3F91] =	sst s1;
	(tag) =	ssettag s2;
	_ =	strace s9  }
0x27: {  	s1 =	sld [smem:$0x3FA1]  }
0x28: {  	s2 =	sld [smem:$0x3FA2]  }
0x29: {  	s4 =	sld [smem:$0x3FA4]  }
0x2a: {  	p0 =	seq.s32 s5, $0x0;
	s5 =	sld [smem:$0x3FA5]  }
0x2b: {  	s6 =	sld [smem:$0x3FA6]  }
0x2c: {  	s7 =	sld [smem:$0x3FA7]  }
0x2d: {  	s3 =	simm.s32 $0x108;
	s8 =	sld [smem:$0x3FA8]  }
0x2e: {  	s3 =	simm.s32 @!p0 $0x1082;
	s9 =	sld [smem:$0x3FA9]  }
0x2f: {  	lr =	sadd.s32 s0, s3;
	s0 =	sld [smem:$0x3FA0]  }
0x30: {  	s3 =	sld [smem:$0x3FA3]  }
0x31: {  	[smem:$0x3FAC] =	sst s10  }
0x32: {  	s10 =	sld [smem:$0x3FAA];
	_ =	sdelay $0x3  }
0x33: {  	p0 =	seq.s32 s10, $0x1;
	s10 =	sld [smem:$0x3FAC];
	_ =	sdelay $0x3  }
0x34: {  	[smem:$0x3FAC] =	sst s10  }
0x35: {  	s10 =	sld [smem:$0x3FAB];
	_ =	sdelay $0x3  }
0x36: {  	p1 =	seq.s32 s10, $0x1;
	s10 =	sld [smem:$0x3FAC];
	_ =	sdelay $0x3  }
0x37: {  	[smem:$0x3FAC] =	sst s10  }
0x38: {  	s10 =	sld [smem:$0x3FAD]  }
0x39: {  	_ = 	snop;
	(pc) =	sbr.ind lr, $3  }
0x3a: {  	_ = 	snop  }
0x3b: {  	_ = 	snop  }
0x3c: {  	p2 =	seq.s32 s10, $0x1;
	s10 =	sld [smem:$0x3FAC]  }
0x3d: {  	_ =	shalt  }
0x3e: {  	_ =	shalt  }
0x3f: {  	_ =	shalt  }
0x40: {  	_ =	shalt  }
0x41: {  	_ =	shalt  }
0x42: {  	_ =	shalt  }
0x43: {  	_ =	shalt  }
0x44: {  	_ =	shalt  }
0x45: {  	_ =	shalt  }
0x46: {  	_ =	shalt  }
0x47: {  	_ =	shalt  }
0x48: {  	_ =	shalt  }
0x49: {  	_ =	shalt  }
0x4a: {  	_ =	shalt  }
0x4b: {  	_ =	shalt  }
0x4c: {  	_ =	shalt  }
0x4d: {  	_ =	shalt  }
0x4e: {  	_ =	shalt  }
0x4f: {  	_ =	shalt  }
0x50: {  	_ =	shalt  }
0x51: {  	_ =	shalt  }
0x52: {  	_ =	shalt  }
0x53: {  	_ =	shalt  }
0x54: {  	_ =	shalt  }
0x55: {  	_ =	shalt  }
0x56: {  	_ =	shalt  }
0x57: {  	_ =	shalt  }
0x58: {  	_ =	shalt  }
0x59: {  	_ =	shalt  }
0x5a: {  	_ =	shalt  }
0x5b: {  	_ =	shalt  }
0x5c: {  	_ =	shalt  }
0x5d: {  	_ =	shalt  }
0x5e: {  	_ =	shalt  }
0x5f: {  	_ =	shalt  }
0x60: {  	_ =	shalt  }
0x61: {  	_ =	shalt  }
0x62: {  	_ =	shalt  }
0x63: {  	_ =	shalt  }
0x64: {  	_ =	shalt  }
0x65: {  	_ =	shalt  }
0x66: {  	_ =	shalt  }
0x67: {  	_ =	shalt  }
0x68: {  	_ =	shalt  }
0x69: {  	_ =	shalt  }
0x6a: {  	_ =	shalt  }
0x6b: {  	_ =	shalt  }
0x6c: {  	_ =	shalt  }
0x6d: {  	_ =	shalt  }
0x6e: {  	_ =	shalt  }
0x6f: {  	_ =	shalt  }
0x70: {  	_ =	shalt  }
0x71: {  	_ =	shalt  }
0x72: {  	_ =	shalt  }
0x73: {  	_ =	shalt  }
0x74: {  	_ =	shalt  }
0x75: {  	_ =	shalt  }
0x76: {  	_ =	shalt  }
0x77: {  	_ =	shalt  }
0x78: {  	_ =	shalt  }
0x79: {  	_ =	shalt  }
0x7a: {  	_ =	shalt  }
0x7b: {  	_ =	shalt  }
0x7c: {  	_ =	shalt  }
0x7d: {  	_ =	shalt  }
0x7e: {  	_ =	shalt  }
0x7f: {  	_ =	shalt  }
0x80: {  	_ =	shalt  }
0x81: {  	_ =	shalt  }
0x82: {  	_ =	shalt  }
0x83: {  	_ =	shalt  }
0x84: {  	_ =	shalt  }
0x85: {  	_ =	shalt  }
0x86: {  	_ =	shalt  }
0x87: {  	_ =	shalt  }
.Lfunc_end0:
.L_simem_size_0:
called_computation_lowered:
.L_overlay_start_0:
0x88: {  	s2 =	sld [smem:$0x3FD9]  }
0x89: {  	s3 =	sld [smem:$0x3FFE];
	_ =	sdelay $0x1  }
0x8a: {  	s1 =	srdreg.scid  }
0x8b: {  	s0 =	sand.u32 $0x1, s1  }
0x8c: {  	s16 =	sshll.u32 s0, $0xA;
	s2 =	sadd.s32 s3, s2  }
0x8d: {  	s2 =	sadd.s32 s2, s16  }
0x8e: {  	[smem:$0x3FB8] =	sst s2  }
0x8f: {  	_ = 	snop  }
0x90: {  	(tm) =	ssettm $0x1  }
0x91: {  	s17 =	sld [smem:$0x3FFB];
	_ =	sdelay $0x3  }
0x92: {  	_ =	strace s17  }
0x93: {  	s2 =	sld [smem:$0x3FFC];
	_ =	sdelay $0x3  }
0x94: {  	_ =	strace s2  }
0x95: {  	s2 =	sld [smem:$0x3FFD];
	_ =	sdelay $0x3  }
0x96: {  	_ =	strace s2  }
0x97: {  	_ =	strace $0x8FFFFFFF  }
0x98: {  	s18 =	sld [smem:$0x3FDB];
	_ =	sdelay $0x1  }
0x99: {  	s19 =	simm.s32 $_scs_section_size  }
0x9a: {  	s4 =	simm.s32 $_size__tile_overlayer_lowered;
	s5 =	simm.s32 $_tile_overlayer_lowered  }
0x9b: {  	s22 =	simm.s32 $0x1BFF;
	s21 =	sshll.u32 s5, $0x1;
	s2 =	sadd.s32 s19, s18  }
0x9c: {  	s6 =	simm.s32 $0x0;
	s20 =	sshll.u32 s4, $0x1;
	s4 =	sadd.s32 s21, s2  }
0x9d: {  	[timem:s6], [sflag:s22] =	dma.local [hbm:s4], s20  }
0x9e: {  	_ =	swait.ge [sflag:s22], s20  }
0x9f: {  	s3 =	ssub.s32 $0x0, s20;
	[sflag:s22] =	ssyncset.done $0x0  }
0xa0: {  	[sflag:s22] =	ssyncadd.s32 s3;
	_ =	sdelay $0x1  }
0xa1: {  	s23 =	simm.s32 $0x1B8B  }
0xa2: {  	_ =	swait.ge [sflag:s23], $0x1  }
0xa3: {  	[sflag:s23] =	ssyncset.done $0x0  }
0xa4: {  	s25 =	simm.s32 $0x1B8E;
	s24 =	sld [smem:$0x3FFE];
	[sflag:s23] =	ssyncadd.s32 $0xFFFFFFFF  }
0xa5: {  	s26 =	simm.s32 $execute0_lowered;
	[smem:$0x3FD2] =	sst s25  }
0xa6: {  	s4 =	sshll.u32 s26, $0x1;
	_ =	strace $0x80000046;
	[dreg:$0x1] =	wrdreg $0xFFFFFFFF  }
0xa7: {  	s28 =	simm.s32 $_size_execute0_lowered;
	s2 =	sadd.s32 s2, s4;
	[dreg:$0x0] =	wrdreg $0x0  }
0xa8: {  	s4 =	sshll.u32 s28, $0x1;
	[dreg:$0x2] =	wrdreg s2  }
0xa9: {  	[dreg:$0x3] =	wrdreg s4  }
0xaa: {  	[dreg:$0x4] =	wrdreg $0xC0  }
0xab: {  	_ =	task [dreg:s6], $0x5FFFF  }
0xac: {  	[dreg:$0x1] =	wrdreg $0xFFFFFFFF  }
0xad: {  	[dreg:$0x0] =	wrdreg $0x60  }
0xae: {  	[dreg:$0x2] =	wrdreg s24  }
0xaf: {  	[dreg:$0x3] =	wrdreg $0xA000  }
0xb0: {  	[dreg:$0x4] =	wrdreg $0x9  }
0xb1: {  	_ =	task.clear_ibuf [dreg:s6], $0x5FFFF;
	_ =	strace $0x90000046  }
0xb2: {  	s29 =	simm.s32 $0x9;
	_ =	strace $0x80000048  }
0xb3: {  	_ =	swait.ge [sflag:s29], $0x1  }
0xb4: {  	[sflag:s29] =	ssyncadd.s32 $0xFFFFFFFF  }
0xb5: {  	_ =	strace $0x90000048  }
0xb6: {  	_ =	sfence  }
0xb7: {  	s30 =	sld [smem:$0x0];
	_ =	sdelay $0x2  }
0xb8: {  	s31 =	sshll.u32 s1, $0xD;
	s1 =	sshrl.u32 s1, $0x2  }
0xb9: {  	s3 =	sand.u32 $0x4000, s31;
	s1 =	sadd.s32 s1, s30  }
0xba: {  	s0 =	sor.u32 s3, s0;
	s1 =	sshll.u32 s1, $0x11  }
0xbb: {  	s0 =	sor.u32 s1, s0  }
0xbc: {  	s0 =	sadd.s32 $0x8F2B, s0  }
0xbd: {  	[sflag:s0] =	ssyncadd.remote.s32 $0x1  }
0xbe: {  	_ =	sfence.sel $0xFFFF  }
0xbf: {  	[dreg:$0x0] =	wrdreg $0xFFFFFFFF;
	(pc) =	sbr.abs _section_cstart, $3  }
0xc0: {  	[dreg:$0x1] =	wrdreg $0xFFFFFFFF  }
0xc1: {  	_ =	task.clear_ibuf [dreg:s6], $0x2FFFF;
	_ =	strace $0x9FFFFFFF  }
0xc2: {  	(tm) =	ssettm $0x7FFFFFFF  }
0xc3: {  	_ =	shalt  }
tec
execute0_lowered:
.L_overlay_start_1:
0x0: {  	(tag) =	ssettag $0x1  }
0x1: {  	s6 =	rddreg [dreg:$0x0]  }
0x2: {  	s2 =	rddreg [dreg:$0x1];
	s4 =	srdreg.scid  }
0x3: {  	s1 =	stileid.u32;
	s3 =	simm.s32 $0x0;
	s16 =	simm.s32 $0x200  }
0x4: {  	s17 =	simm.s32 $0x80;
	s18 =	simm.s32 $0x4E200;
	s19 =	simm.s32 $0x100  }
0x5: {  	s20 =	simm.s32 $0x3;
	s21 =	simm.s32 $0x4;
	s22 =	simm.s32 $0x0  }
0x6: {  	s7 =	sand.u32 $0x1, s4;
	s8 =	smul.u32 $0x2800, s1;
	[smem:$0x7FF] =	sst s3  }
0x7: {  	s11 =	sadd.s32 $0x4600, s6;
	s9 =	sshll.u32 s1, $0x1;
	s13 =	smul.u32 $0xA0, s1  }
0x8: {  	s4 =	sadd.s32 $0x18600, s6;
	s29 =	sshll.u32 s1, $0x6;
	s5 =	smul.u32 $0x28000, s7  }
0x9: {  	s9 =	sor.u32 s7, s9;
	s28 =	ssub.s32 $0x2, s7;
	s7 =	smul.u32 $0x50, s7  }
0xa: {  	_ =	strace $0x80000047;
	s12 =	smul.u32 $0x50, s9;
	s14 =	sshrl.u32 s28, $0x1  }
0xb: {  	s9 =	smul.u32 $0x500, s9;
	s15 =	sadd.s32 s8, s2;
	s10 =	sadd.s32 s8, s5  }
0xc: {  	s5 =	sadd.s32 $0x18000, s6;
	s14 =	ssub.s32 s28, s14;
	s30 =	sadd.s32 s7, s13  }
0xd: {  	s7 =	sor.u32 $0x1C05, s29;
	s10 =	sshrl.u32 s10, $0x3;
	s12 =	ssub.s32 $0x9C4, s12  }
0xe: {  	s8 =	sadd.s32 s11, s9;
	s10 =	sadd.s32 s10, s6;
	s6 =	smin.u32 s12, $0x50  }
0xf: {  	s12 =	sshll.u32 s30, $0x4;
	s9 =	sadd.s32 $0x10, s8;
	s10 =	sadd.s32 $0x18800, s10  }
0x10: {  	s31 =	sadd.s32 s12, s11;
	s11 =	smax.u32 s14, $0x1;
	s14 =	sshrl.u32 s15, $0x3  }
0x11: {  	s15 =	simm.s32 $0x5;
	s12 =	sadd.s32 $0x20, s31;
	s13 =	sadd.s32 $0x30, s31  }
.LBB2_1:
0x12: {  	[spmem:s14], [sflag:s7] =	dma.local [hbm:s5], $0x500  }
0x13: {  	_ =	swait.ge [sflag:s15], $0x500  }
0x14: {  	[sflag:s15] =	ssyncset.done $0x0  }
0x15: {  	[sflag:s15] =	ssyncadd.s32 $0xFFFFFB00  }
0x16: {  	[tilespmem:s16], [sflag:$0x5] =	stream.linear.gather [hbm4b:s4+s3], $0x800, $0x38;
	[tilespmem:$0x3200] =	vst v63  }
0x17: {  	_ =	swait.ge [sflag:s15], $0x800  }
0x18: {  	[sflag:s15] =	ssyncset.done $0x0  }
0x19: {  	[sflag:s15] =	ssyncadd.s32 $0xFFFFF800  }
0x1a: {  	p0 =	sle.u32 s6, $0x0;
	[bflag:$0x0] =	sbarrier.arrive $0xFFFF  }
0x1b: {  	[tilespmem:s3], [sflag:$0x1] =	stream.strided.gather [hbm4b:s8+s17], $0x100, s18, s17, $0x38;
	[tilespmem:$0x3200] =	vst v63  }
0x1c: {  	s23 =	simm.s32 @!p0 $0x1  }
0x1d: {  	[tilespmem:s19], [sflag:$0x2] =	stream.strided.gather [hbm4b:s9+s17], $0x100, s18, s17, $0x38;
	[tilespmem:$0x3200] =	vst v63  }
0x1e: {  	p1 =	sle.u32 @!p0 s6, $0x2;
	_ =	swait.ge @!p0 [sflag:s23], $0x100  }
0x1f: {  	s24 =	simm.s32 @!p0 $0x200;
	p1 =	por p1, p0;
	[sflag:s23] =	ssyncset.done @!p0 $0x0  }
0x20: {  	s25 =	simm.s32 @!p1 $0x3;
	[sflag:s23] =	ssyncadd.s32 @!p0 $0xFFFFFF00;
	s23 =	simm.s32 @!p0 $0x80  }
0x21: {  	[spmem:s2] =	stream.indirect.scatter.add.f32 @!p0 [tilespmem:s24], [sflag:$0x3], $0x10, s23, s23, $0xb8;
	[tilespmem:$0x3200] =	vst v63  }
0x22: {  	s23 =	simm.s32 @!p1 $0x4E200;
	_ =	swait.ge @!p1 [sflag:s25], $0x800  }
0x23: {  	s24 =	simm.s32 @!p1 $0x0;
	p0 =	sle.u32 s6, $0x1;
	[sflag:s25] =	ssyncset.done @!p1 $0x0  }
0x24: {  	s26 =	simm.s32 @!p0 $0x200;
	[sflag:s25] =	ssyncadd.s32 @!p1 $0xFFFFF800;
	s25 =	simm.s32 @!p1 $0x80  }
0x25: {  	[tilespmem:s24], [sflag:$0x1] =	stream.strided.gather @!p1 [hbm4b:s12+s25], $0x100, s23, s25, $0x38;
	[tilespmem:$0x3200] =	vst v63  }
0x26: {  	s29 =	simm.s32 @!p0 $0x80;
	s24 =	simm.s32 @!p0 $0x2;
	p1 =	sle.u32 @!p0 s6, $0x3  }
0x27: {  	s23 =	simm.s32 $0x5;
	_ =	swait.ge @!p0 [sflag:s24], $0x100;
	p1 =	por p1, p0  }
0x28: {  	s25 =	simm.s32 @!p0 $0x180;
	[sflag:s24] =	ssyncset.done @!p0 $0x0;
	s28 =	simm.s32 @!p1 $0x4  }
0x29: {  	s30 =	simm.s32 @!p1 $0x80;
	s31 =	simm.s32 @!p1 $0x4E200;
	[sflag:s24] =	ssyncadd.s32 @!p0 $0xFFFFFF00  }
0x2a: {  	[spmem:s2] =	stream.indirect.scatter.add.f32 @!p0 [tilespmem:s26], [sflag:$0x4], $0x10, s25, s29, $0xb8;
	[tilespmem:$0x3200] =	vst v63  }
0x2b: {  	s24 =	sadd.s32 $0x20, s13;
	s29 =	simm.s32 @!p1 $0x100;
	_ =	swait.ge @!p1 [sflag:s28], $0x800  }
0x2c: {  	s25 =	sadd.s32 $0x20, s12;
	s26 =	smov.u32 s13;
	[sflag:s28] =	ssyncset.done @!p1 $0x0  }
.LBB2_2:
0x2d: {  	s0 =	sadd.s32 $0xFFFFFFFD, s23  }
0x2e: {  	[sflag:s28] =	ssyncadd.s32 @!p1 $0xFFFFF800;
	s28 =	smov.u32 s23;
	s23 =	sadd.s32 $0x2, s23  }
0x2f: {  	[tilespmem:s29], [sflag:$0x2] =	stream.strided.gather @!p1 [hbm4b:s26+s30], $0x100, s31, s30, $0x38;
	[tilespmem:$0x3200] =	vst v63  }
0x30: {  	p2 =	sge.u32 s0, s6;
	p0 =	sne.s32 s23, $0x53;
	s26 =	smov.u32 s24  }
0x31: {  	s0 =	simm.s32 @!p2 $0x1;
	s29 =	sadd.s32 @!p2 $0xFFFFFFFF, s28  }
0x32: {  	p1 =	sge.u32 @!p2 s29, s6;
	_ =	swait.ge @!p2 [sflag:s0], $0x100  }
0x33: {  	s29 =	simm.s32 @!p2 $0x200;
	p1 =	por p1, p2;
	[sflag:s0] =	ssyncset.done @!p2 $0x0  }
0x34: {  	s30 =	simm.s32 @!p1 $0x3;
	[sflag:s0] =	ssyncadd.s32 @!p2 $0xFFFFFF00;
	s0 =	simm.s32 @!p2 $0x80  }
0x35: {  	[spmem:s2] =	stream.indirect.scatter.add.f32 @!p2 [tilespmem:s29], [sflag:$0x3], $0x10, s0, s0, $0xb8;
	[tilespmem:$0x3200] =	vst v63  }
0x36: {  	s0 =	simm.s32 @!p1 $0x4E200;
	_ =	swait.ge @!p1 [sflag:s30], $0x800  }
0x37: {  	s31 =	sadd.s32 $0xFFFFFFFE, s28;
	s29 =	simm.s32 @!p1 $0x0;
	[sflag:s30] =	ssyncset.done @!p1 $0x0  }
0x38: {  	p2 =	sge.u32 s31, s6;
	[sflag:s30] =	ssyncadd.s32 @!p1 $0xFFFFF800;
	s30 =	simm.s32 @!p1 $0x80  }
0x39: {  	[tilespmem:s29], [sflag:$0x1] =	stream.strided.gather @!p1 [hbm4b:s25+s30], $0x100, s0, s30, $0x38;
	[tilespmem:$0x3200] =	vst v63  }
0x3a: {  	s31 =	simm.s32 @!p2 $0x80;
	s0 =	simm.s32 @!p2 $0x2;
	p1 =	sge.u32 @!p2 s28, s6  }
0x3b: {  	s29 =	simm.s32 @!p2 $0x180;
	s30 =	simm.s32 @!p2 $0x200;
	_ =	swait.ge @!p2 [sflag:s0], $0x100  }
.Ltmp0:
0x3c: {  	p1 =	por p1, p2;
	[sflag:s0] =	ssyncset.done @!p2 $0x0;
	(pc) =	sbr.rel @p0 .LBB2_2-.Ltmp0, $4  }
0x3d: {  	s24 =	sadd.s32 $0x20, s24;
	s28 =	simm.s32 @!p1 $0x4;
	[sflag:s0] =	ssyncadd.s32 @!p2 $0xFFFFFF00  }
0x3e: {  	[spmem:s2] =	stream.indirect.scatter.add.f32 @!p2 [tilespmem:s30], [sflag:$0x4], $0x10, s29, s31, $0xb8;
	[tilespmem:$0x3200] =	vst v63  }
0x3f: {  	s25 =	sadd.s32 $0x20, s25;
	s29 =	simm.s32 @!p1 $0x100;
	_ =	swait.ge @!p1 [sflag:s28], $0x800  }
0x40: {  	s30 =	simm.s32 @!p1 $0x80;
	s31 =	simm.s32 @!p1 $0x4E200;
	[sflag:s28] =	ssyncset.done @!p1 $0x0  }
0x41: {  	[sflag:s28] =	ssyncadd.s32 @!p1 $0xFFFFF800  }
0x42: {  	[tilespmem:s29], [sflag:$0x2] =	stream.strided.gather @!p1 [hbm4b:s26+s30], $0x100, s31, s30, $0x38;
	[tilespmem:$0x3200] =	vst v63  }
0x43: {  	_ =	swait.ge [sflag:s20], $0x800  }
0x44: {  	[sflag:s20] =	ssyncset.done $0x0  }
0x45: {  	[sflag:s20] =	ssyncadd.s32 $0xFFFFF800  }
0x46: {  	_ =	swait.ge [sflag:s21], $0x800  }
0x47: {  	s22 =	sadd.s32 $0x1, s22;
	[sflag:s21] =	ssyncset.done $0x0  }
0x48: {  	p0 =	sne.s32 s22, s11;
	[sflag:s21] =	ssyncadd.s32 $0xFFFFF800  }
.Ltmp1:
0x49: {  	[bflag:$0x0] =	sbarrier.arrive $0xFFFF;
	(pc) =	sbr.rel @p0 .LBB2_1-.Ltmp1, $4  }
0x4a: {  	[hbm:s10], [sflag:s7] =	dma.local [spmem:s14], $0x500  }
0x4b: {  	_ =	swait.ge [sflag:s15], $0x500  }
0x4c: {  	[sflag:s15] =	ssyncset.done $0x0  }
0x4d: {  	[sflag:s15] =	ssyncadd.s32 $0xFFFFFB00  }
0x4e: {  	_ =	sfence.sel $0x180000  }
0x4f: {  	[bflag:$0x0] =	sbarrier.arrive $0xFFFF  }
0x50: {  	_ =	strace $0x90000047  }
0x51: {  	[bflag:$0x2] =	sbarrier.arrive $0xFFFF  }
0x52: {  	p0 =	sne.s32 s1, $0x0;
	s0 =	rddreg [dreg:$0x2]  }
0x53: {  	s0 =	sadd.s32 @!p0 $0x100000, s0  }
0x54: {  	[sflag:s0] =	ssyncadd.tile.s32 @!p0 $0x1;
	_ =	shalt  }
.Lfunc_end2:
_tile_overlayer_lowered:
.L_overlay_start_2:
0x55: {  	(tag) =	ssettag $0x2  }
0x56: {  	s0 =	rddreg [dreg:$0x0];
	s2 =	stileid.u32  }
0x57: {  	s1 =	rddreg [dreg:$0x1];
	p0 =	sne.s32 s2, $0x0  }
0x58: {  	s3 =	rddreg [dreg:$0x2];
	[bflag:$0x3] =	sbarrier.arrive $0xFFFF;
	s2 =	simm.s32 @!p0 $0x1C05  }
0x59: {  	[timem:s3], [sflag:s2] =	dma.local @!p0 [hbm:s0], s1  }
0x5a: {  	s0 =	simm.s32 @!p0 $0x5  }
0x5b: {  	_ =	swait.ge @!p0 [sflag:s0], s1  }
0x5c: {  	s1 =	ssub.s32 @!p0 $0x0, s1;
	[sflag:s0] =	ssyncset.done @!p0 $0x0  }
0x5d: {  	[sflag:s0] =	ssyncadd.s32 @!p0 s1  }
0x5e: {  	[bflag:$0x3] =	sbarrier.arrive $0xFFFF  }
0x5f: {  	_ =	shalt  }

// kernel: kernel.16.cloned.1.call-start
scs
__scs_entry_jumppad:
0x0: {  	(pc) =	sbr.rel $0x88, $3  }
0x1: {  	(tag) =	ssettag $0x0;
	lr =	simm.s32 $0x1  }
0x2: {  	[smem:$0x3F91] =	sst lr;
	_ =	strace $0xD0000000  }
0x3: {  	_ = 	snop  }
0x4: {  	_ = 	snop  }
0x5: {  	_ = 	snop  }
0x6: {  	_ = 	snop  }
0x7: {  	_ = 	snop  }
__scs_overlays_trampoline_lowered:
0x8: {  	[smem:$0x3FA0] =	sst s0  }
0x9: {  	[smem:$0x3FA1] =	sst s1  }
0xa: {  	[smem:$0x3FA2] =	sst s2  }
0xb: {  	[smem:$0x3FA3] =	sst s3  }
0xc: {  	[smem:$0x3FA4] =	sst s4  }
0xd: {  	[smem:$0x3FA5] =	sst s5  }
0xe: {  	[smem:$0x3FA6] =	sst s6  }
0xf: {  	[smem:$0x3FA7] =	sst s7  }
0x10: {  	[smem:$0x3FA8] =	sst s8  }
0x11: {  	[smem:$0x3FA9] =	sst s9;
	s0 =	simm.s32 @!p0 $0x0  }
0x12: {  	s1 =	sld [smem:$0x3F8F];
	s0 =	simm.s32 @p0 $0x1  }
0x13: {  	[smem:$0x3FAA] =	sst s0;
	s0 =	simm.s32 @!p1 $0x0  }
0x14: {  	s2 =	sld [smem:$0x3F8E];
	s0 =	simm.s32 @p1 $0x1  }
0x15: {  	[smem:$0x3FAB] =	sst s0;
	s0 =	simm.s32 @!p2 $0x0  }
0x16: {  	s3 =	sld [smem:$0x3FDB];
	s0 =	simm.s32 @p2 $0x1  }
0x17: {  	s4 =	simm.s32 $0x1BF5;
	[smem:$0x3FAD] =	sst s0  }
0x18: {  	s0 =	sld [smem:$0x3F90];
	_ =	swait.ge [sflag:s4], $0x0  }
0x19: {  	s7 =	sld [smem:$0x3F91]  }
0x1a: {  	s8 =	sadd.s32 $0xFFFFE003, lr  }
0x1b: {  	s9 =	sadd.s32 $0xFFFFFEF7, lr;
	s5 =	simm.s32 $0xFFFFFFFF;
	p2 =	slt.u32 s8, $0xFFFFF086  }
0x1c: {  	p1 =	slt.u32 s9, $0xF7A;
	s5 =	simm.s32 @!p2 $0x0  }
0x1d: {  	s5 =	simm.s32 @p1 $0x1;
	p0 =	seq.s32 s7, s2  }
0x1e: {  	s7 =	smul.u32 @!p0 $0xF7A, s2;
	p2 =	seq.s32 @!p0 s5, $0x0  }
0x1f: {  	s9 =	smul.u32 $0xF7A, s1;
	s8 =	simm.s32 @!p0 $0x1BF5;
	p2 =	por !p2, p0  }
0x20: {  	[sflag:s8] =	ssyncset.s32 @!p0 $0xFFFFF086;
	s6 =	sadd.s32 @!p0 s3, s7;
	s7 =	simm.s32 @!p0 $0x108  }
0x21: {  	s3 =	sadd.s32 s3, s9;
	s6 =	sadd.s32 @!p0 $0x88, s6;
	s7 =	simm.s32 @p2 $0x1082  }
0x22: {  	[simem:s7], [sflag:s8] =	dma.local @!p0 [hbm:s6], $0xF7A  }
0x23: {  	s9 =	sor.u32 $0xD0000000, s2;
	s6 =	simm.s32 $0x108;
	_ =	swait.ge @!p0 [sflag:s8], $0x0  }
0x24: {  	s3 =	sadd.s32 $0x88, s3;
	s6 =	simm.s32 @!p1 $0x1082;
	[sflag:s4] =	ssyncset.s32 $0xFFFFF086  }
0x25: {  	[simem:s6], [sflag:s4] =	dma.local [hbm:s3], $0xF7A  }
0x26: {  	[smem:$0x3F91] =	sst s1;
	(tag) =	ssettag s2;
	_ =	strace s9  }
0x27: {  	s1 =	sld [smem:$0x3FA1]  }
0x28: {  	s2 =	sld [smem:$0x3FA2]  }
0x29: {  	s4 =	sld [smem:$0x3FA4]  }
0x2a: {  	p0 =	seq.s32 s5, $0x0;
	s5 =	sld [smem:$0x3FA5]  }
0x2b: {  	s6 =	sld [smem:$0x3FA6]  }
0x2c: {  	s7 =	sld [smem:$0x3FA7]  }
0x2d: {  	s3 =	simm.s32 $0x108;
	s8 =	sld [smem:$0x3FA8]  }
0x2e: {  	s3 =	simm.s32 @!p0 $0x1082;
	s9 =	sld [smem:$0x3FA9]  }
0x2f: {  	lr =	sadd.s32 s0, s3;
	s0 =	sld [smem:$0x3FA0]  }
0x30: {  	s3 =	sld [smem:$0x3FA3]  }
0x31: {  	[smem:$0x3FAC] =	sst s10  }
0x32: {  	s10 =	sld [smem:$0x3FAA];
	_ =	sdelay $0x3  }
0x33: {  	p0 =	seq.s32 s10, $0x1;
	s10 =	sld [smem:$0x3FAC];
	_ =	sdelay $0x3  }
0x34: {  	[smem:$0x3FAC] =	sst s10  }
0x35: {  	s10 =	sld [smem:$0x3FAB];
	_ =	sdelay $0x3  }
0x36: {  	p1 =	seq.s32 s10, $0x1;
	s10 =	sld [smem:$0x3FAC];
	_ =	sdelay $0x3  }
0x37: {  	[smem:$0x3FAC] =	sst s10  }
0x38: {  	s10 =	sld [smem:$0x3FAD]  }
0x39: {  	_ = 	snop;
	(pc) =	sbr.ind lr, $3  }
0x3a: {  	_ = 	snop  }
0x3b: {  	_ = 	snop  }
0x3c: {  	p2 =	seq.s32 s10, $0x1;
	s10 =	sld [smem:$0x3FAC]  }
0x3d: {  	_ =	shalt  }
0x3e: {  	_ =	shalt  }
0x3f: {  	_ =	shalt  }
0x40: {  	_ =	shalt  }
0x41: {  	_ =	shalt  }
0x42: {  	_ =	shalt  }
0x43: {  	_ =	shalt  }
0x44: {  	_ =	shalt  }
0x45: {  	_ =	shalt  }
0x46: {  	_ =	shalt  }
0x47: {  	_ =	shalt  }
0x48: {  	_ =	shalt  }
0x49: {  	_ =	shalt  }
0x4a: {  	_ =	shalt  }
0x4b: {  	_ =	shalt  }
0x4c: {  	_ =	shalt  }
0x4d: {  	_ =	shalt  }
0x4e: {  	_ =	shalt  }
0x4f: {  	_ =	shalt  }
0x50: {  	_ =	shalt  }
0x51: {  	_ =	shalt  }
0x52: {  	_ =	shalt  }
0x53: {  	_ =	shalt  }
0x54: {  	_ =	shalt  }
0x55: {  	_ =	shalt  }
0x56: {  	_ =	shalt  }
0x57: {  	_ =	shalt  }
0x58: {  	_ =	shalt  }
0x59: {  	_ =	shalt  }
0x5a: {  	_ =	shalt  }
0x5b: {  	_ =	shalt  }
0x5c: {  	_ =	shalt  }
0x5d: {  	_ =	shalt  }
0x5e: {  	_ =	shalt  }
0x5f: {  	_ =	shalt  }
0x60: {  	_ =	shalt  }
0x61: {  	_ =	shalt  }
0x62: {  	_ =	shalt  }
0x63: {  	_ =	shalt  }
0x64: {  	_ =	shalt  }
0x65: {  	_ =	shalt  }
0x66: {  	_ =	shalt  }
0x67: {  	_ =	shalt  }
0x68: {  	_ =	shalt  }
0x69: {  	_ =	shalt  }
0x6a: {  	_ =	shalt  }
0x6b: {  	_ =	shalt  }
0x6c: {  	_ =	shalt  }
0x6d: {  	_ =	shalt  }
0x6e: {  	_ =	shalt  }
0x6f: {  	_ =	shalt  }
0x70: {  	_ =	shalt  }
0x71: {  	_ =	shalt  }
0x72: {  	_ =	shalt  }
0x73: {  	_ =	shalt  }
0x74: {  	_ =	shalt  }
0x75: {  	_ =	shalt  }
0x76: {  	_ =	shalt  }
0x77: {  	_ =	shalt  }
0x78: {  	_ =	shalt  }
0x79: {  	_ =	shalt  }
0x7a: {  	_ =	shalt  }
0x7b: {  	_ =	shalt  }
0x7c: {  	_ =	shalt  }
0x7d: {  	_ =	shalt  }
0x7e: {  	_ =	shalt  }
0x7f: {  	_ =	shalt  }
0x80: {  	_ =	shalt  }
0x81: {  	_ =	shalt  }
0x82: {  	_ =	shalt  }
0x83: {  	_ =	shalt  }
0x84: {  	_ =	shalt  }
0x85: {  	_ =	shalt  }
0x86: {  	_ =	shalt  }
0x87: {  	_ =	shalt  }
.Lfunc_end0:
.L_simem_size_0:
called_computation.1_lowered:
.L_overlay_start_0:
0x88: {  	s2 =	sld [smem:$0x3FD9]  }
0x89: {  	s3 =	sld [smem:$0x3FFE];
	_ =	sdelay $0x1  }
0x8a: {  	s1 =	srdreg.scid  }
0x8b: {  	s0 =	sand.u32 $0x1, s1  }
0x8c: {  	s16 =	sshll.u32 s0, $0xA;
	s2 =	sadd.s32 s3, s2  }
0x8d: {  	s2 =	sadd.s32 s2, s16  }
0x8e: {  	[smem:$0x3FB8] =	sst s2  }
0x8f: {  	_ = 	snop  }
0x90: {  	(tm) =	ssettm $0x1  }
0x91: {  	s17 =	sld [smem:$0x3FFB];
	_ =	sdelay $0x3  }
0x92: {  	_ =	strace s17  }
0x93: {  	s2 =	sld [smem:$0x3FFC];
	_ =	sdelay $0x3  }
0x94: {  	_ =	strace s2  }
0x95: {  	s2 =	sld [smem:$0x3FFD];
	_ =	sdelay $0x3  }
0x96: {  	_ =	strace s2  }
0x97: {  	_ =	strace $0x8FFFFFFF  }
0x98: {  	s18 =	sld [smem:$0x3FDB];
	_ =	sdelay $0x1  }
0x99: {  	s19 =	simm.s32 $_scs_section_size  }
0x9a: {  	s4 =	simm.s32 $_size__tile_overlayer_lowered;
	s5 =	simm.s32 $_tile_overlayer_lowered  }
0x9b: {  	s22 =	simm.s32 $0x1BFF;
	s21 =	sshll.u32 s5, $0x1;
	s2 =	sadd.s32 s19, s18  }
0x9c: {  	s6 =	simm.s32 $0x0;
	s20 =	sshll.u32 s4, $0x1;
	s4 =	sadd.s32 s21, s2  }
0x9d: {  	[timem:s6], [sflag:s22] =	dma.local [hbm:s4], s20  }
0x9e: {  	_ =	swait.ge [sflag:s22], s20  }
0x9f: {  	s3 =	ssub.s32 $0x0, s20;
	[sflag:s22] =	ssyncset.done $0x0  }
0xa0: {  	[sflag:s22] =	ssyncadd.s32 s3;
	_ =	sdelay $0x1  }
0xa1: {  	s23 =	simm.s32 $0x1B8B  }
0xa2: {  	_ =	swait.ge [sflag:s23], $0x1  }
0xa3: {  	[sflag:s23] =	ssyncset.done $0x0  }
0xa4: {  	s25 =	simm.s32 $0x1B8E;
	s24 =	sld [smem:$0x3FFE];
	[sflag:s23] =	ssyncadd.s32 $0xFFFFFFFF  }
0xa5: {  	s26 =	simm.s32 $execute0_lowered;
	[smem:$0x3FD2] =	sst s25  }
0xa6: {  	s4 =	sshll.u32 s26, $0x1;
	_ =	strace $0x80000049;
	[dreg:$0x1] =	wrdreg $0xFFFFFFFF  }
0xa7: {  	s28 =	simm.s32 $_size_execute0_lowered;
	s2 =	sadd.s32 s2, s4;
	[dreg:$0x0] =	wrdreg $0x0  }
0xa8: {  	s4 =	sshll.u32 s28, $0x1;
	[dreg:$0x2] =	wrdreg s2  }
0xa9: {  	[dreg:$0x3] =	wrdreg s4  }
0xaa: {  	[dreg:$0x4] =	wrdreg $0xC0  }
0xab: {  	_ =	task [dreg:s6], $0x5FFFF  }
0xac: {  	[dreg:$0x1] =	wrdreg $0xFFFFFFFF  }
0xad: {  	[dreg:$0x0] =	wrdreg $0x60  }
0xae: {  	[dreg:$0x2] =	wrdreg s24  }
0xaf: {  	[dreg:$0x3] =	wrdreg $0x108000  }
0xb0: {  	[dreg:$0x4] =	wrdreg $0x9  }
0xb1: {  	_ =	task.clear_ibuf [dreg:s6], $0x5FFFF;
	_ =	strace $0x90000049  }
0xb2: {  	s29 =	simm.s32 $0x9;
	_ =	strace $0x8000004B  }
0xb3: {  	_ =	swait.ge [sflag:s29], $0x1  }
0xb4: {  	[sflag:s29] =	ssyncadd.s32 $0xFFFFFFFF  }
0xb5: {  	_ =	strace $0x9000004B  }
0xb6: {  	_ =	sfence  }
0xb7: {  	s30 =	sld [smem:$0x0];
	_ =	sdelay $0x2  }
0xb8: {  	s31 =	sshll.u32 s1, $0xD;
	s1 =	sshrl.u32 s1, $0x2  }
0xb9: {  	s3 =	sand.u32 $0x4000, s31;
	s1 =	sadd.s32 s1, s30  }
0xba: {  	s0 =	sor.u32 s3, s0;
	s1 =	sshll.u32 s1, $0x11  }
0xbb: {  	s0 =	sor.u32 s1, s0  }
0xbc: {  	s0 =	sadd.s32 $0x8F2B, s0  }
0xbd: {  	[sflag:s0] =	ssyncadd.remote.s32 $0x1  }
0xbe: {  	_ =	sfence.sel $0xFFFF  }
0xbf: {  	[dreg:$0x0] =	wrdreg $0xFFFFFFFF;
	(pc) =	sbr.abs _section_cstart, $3  }
0xc0: {  	[dreg:$0x1] =	wrdreg $0xFFFFFFFF  }
0xc1: {  	_ =	task.clear_ibuf [dreg:s6], $0x2FFFF;
	_ =	strace $0x9FFFFFFF  }
0xc2: {  	(tm) =	ssettm $0x7FFFFFFF  }
0xc3: {  	_ =	shalt  }
tec
execute0_lowered:
.L_overlay_start_1:
0x0: {  	(tag) =	ssettag $0x1  }
0x1: {  	s9 =	rddreg [dreg:$0x0]  }
0x2: {  	s2 =	rddreg [dreg:$0x1]  }
0x3: {  	s0 =	stileid.u32;
	s4 =	srdreg.scid;
	s3 =	simm.s32 $0x0  }
0x4: {  	s16 =	simm.s32 $0x200;
	s17 =	simm.s32 $0x4E200;
	s19 =	simm.s32 $0x400  }
0x5: {  	s20 =	simm.s32 $0x8800;
	s21 =	simm.s32 $0x3;
	s5 =	smul.u32 $0xA00, s0  }
0x6: {  	s22 =	simm.s32 $0x4;
	s23 =	simm.s32 $0x0;
	s6 =	smul.u32 $0xA000, s0  }
0x7: {  	s10 =	sand.u32 $0x1, s4;
	[smem:$0x7FF] =	sst s3;
	s8 =	smul.u32 $0x28, s0  }
0x8: {  	s18 =	sadd.s32 $0x18000, s9;
	s31 =	sshll.u32 s0, $0x6;
	s7 =	smul.u32 $0xA0000, s10  }
0x9: {  	_ =	strace $0x8000004A;
	s29 =	ssub.s32 $0x2, s10;
	p0 =	seq.s32 s10, $0x1  }
0xa: {  	s1 =	smov.u32 s18;
	s13 =	sadd.s32 s5, s9;
	s30 =	sshrl.u32 s29, $0x1  }
0xb: {  	s8 =	ssub.s32 $0x271, s8;
	s15 =	sadd.s32 s6, s2;
	s28 =	sadd.s32 s6, s7  }
0xc: {  	s14 =	ssub.s32 s29, s30;
	s5 =	smin.u32 s8, $0x28;
	s7 =	sor.u32 $0x1C05, s31  }
0xd: {  	s8 =	sadd.s32 $0x4600, s13;
	s10 =	sadd.s32 $0x4640, s13;
	s11 =	sshrl.u32 s28, $0x3  }
0xe: {  	s13 =	sadd.s32 $0x4680, s13;
	s12 =	sadd.s32 s11, s9;
	s6 =	sadd.s32 s18, s11  }
0xf: {  	s9 =	sadd.s32 $0x2C000, s9;
	s11 =	sadd.s32 $0x40000, s12;
	s12 =	smax.u32 s14, $0x1  }
0x10: {  	s14 =	sshrl.u32 s15, $0x3;
	s15 =	simm.s32 $0x5;
	s1 =	smov.u32 @p0 s9  }
.LBB2_1:
0x11: {  	[spmem:s14], [sflag:s7] =	dma.local [hbm:s6], $0x1400  }
0x12: {  	_ =	swait.ge [sflag:s15], $0x1400  }
0x13: {  	[sflag:s15] =	ssyncset.done $0x0  }
0x14: {  	[sflag:s15] =	ssyncadd.s32 $0xFFFFEC00  }
0x15: {  	[bflag:$0x0] =	sbarrier.arrive $0xFFFF  }
0x16: {  	[tilespmem:s3], [sflag:$0x5] =	stream.strided.gather [hbm4b:s8+s16], $0x400, s17, s16, $0x38;
	[tilespmem:$0x1A800] =	vst v63  }
0x17: {  	_ =	swait.ge [sflag:s15], $0x400  }
0x18: {  	s24 =	simm.s32 @!p0 $0x200;
	[sflag:s15] =	ssyncset.done $0x0  }
0x19: {  	s25 =	simm.s32 @!p0 $0x0;
	s26 =	simm.s32 @!p0 $0x800;
	[sflag:s15] =	ssyncadd.s32 $0xFFFFFC00  }
0x1a: {  	[tilespmem:s26], [sflag:$0x1] =	stream.indirect.gather @!p0 [hbm4b:s18+s24], $0x40, s25, s24, $0xb8;
	[tilespmem:$0x1A800] =	vst v63  }
0x1b: {  	s25 =	simm.s32 @!p0 $0x4E200;
	s26 =	simm.s32 @!p0 $0x400  }
0x1c: {  	[tilespmem:s26], [sflag:$0x5] =	stream.strided.gather @!p0 [hbm4b:s10+s24], $0x400, s25, s24, $0x38;
	[tilespmem:$0x1A800] =	vst v63  }
0x1d: {  	s24 =	simm.s32 @!p0 $0x5  }
0x1e: {  	_ =	swait.ge @!p0 [sflag:s24], $0x400  }
0x1f: {  	s25 =	simm.s32 @p0 $0x0;
	[sflag:s24] =	ssyncset.done @!p0 $0x0  }
0x20: {  	s26 =	simm.s32 @p0 $0x800;
	[sflag:s24] =	ssyncadd.s32 @!p0 $0xFFFFFC00;
	s24 =	simm.s32 @p0 $0x200  }
0x21: {  	[tilespmem:s26], [sflag:$0x1] =	stream.indirect.gather @p0 [hbm4b:s9+s24], $0x40, s25, s24, $0xb8;
	[tilespmem:$0x1A800] =	vst v63  }
0x22: {  	s25 =	simm.s32 @p0 $0x4E200;
	s26 =	simm.s32 @p0 $0x400  }
0x23: {  	[tilespmem:s26], [sflag:$0x5] =	stream.strided.gather @p0 [hbm4b:s10+s24], $0x400, s25, s24, $0x38;
	[tilespmem:$0x1A800] =	vst v63  }
0x24: {  	s24 =	simm.s32 @p0 $0x5  }
0x25: {  	_ =	swait.ge @p0 [sflag:s24], $0x400  }
0x26: {  	p1 =	sle.u32 s5, $0x0;
	[sflag:s24] =	ssyncset.done @p0 $0x0  }
0x27: {  	[sflag:s24] =	ssyncadd.s32 @p0 $0xFFFFFC00;
	s24 =	simm.s32 @!p1 $0x1  }
0x28: {  	[tilespmem:s20], [sflag:$0x2] =	stream.indirect.gather [hbm4b:s1+s16], $0x40, s19, s16, $0xb8;
	[tilespmem:$0x1A800] =	vst v63  }
0x29: {  	p3 =	sle.u32 @!p1 s5, $0x2;
	_ =	swait.ge @!p1 [sflag:s24], $0x8000  }
0x2a: {  	p2 =	por p3, p1;
	[sflag:s24] =	ssyncset.done @!p1 $0x0  }
0x2b: {  	s25 =	simm.s32 @!p1 $0x800;
	[sflag:s24] =	ssyncadd.s32 @!p1 $0xFFFF8000;
	s24 =	simm.s32 @!p1 $0x200  }
0x2c: {  	[spmem:s2] =	stream.indirect.scatter.add.f32 @!p1 [tilespmem:s25], [sflag:$0x3], $0x40, s24, s24, $0xb8;
	[tilespmem:$0x1A800] =	vst v63  }
0x2d: {  	s30 =	smov.u32 s18;
	s24 =	simm.s32 @!p2 $0x3  }
0x2e: {  	p3 =	por @!p1 !p0, p3;
	s28 =	simm.s32 @!p2 $0x4E200;
	_ =	swait.ge @!p2 [sflag:s24], $0x8000  }
0x2f: {  	s29 =	simm.s32 @!p2 $0x5;
	p3 =	por !p3, p1;
	[sflag:s24] =	ssyncset.done @!p2 $0x0  }
0x30: {  	s26 =	simm.s32 @!p2 $0x200;
	s25 =	simm.s32 @!p2 $0x0;
	[sflag:s24] =	ssyncadd.s32 @!p2 $0xFFFF8000  }
0x31: {  	[tilespmem:s25], [sflag:$0x5] =	stream.strided.gather @!p2 [hbm4b:s13+s26], $0x400, s28, s26, $0x38;
	[tilespmem:$0x1A800] =	vst v63  }
0x32: {  	s30 =	smov.u32 @p3 s9;
	p1 =	sle.u32 s5, $0x1;
	_ =	swait.ge @!p2 [sflag:s29], $0x400  }
0x33: {  	p3 =	sle.u32 @!p1 s5, $0x3;
	s24 =	simm.s32 $0x2;
	[sflag:s29] =	ssyncset.done @!p2 $0x0  }
0x34: {  	s28 =	simm.s32 @!p2 $0x800;
	[sflag:s29] =	ssyncadd.s32 @!p2 $0xFFFFFC00;
	s29 =	simm.s32 @!p1 $0x2  }
0x35: {  	[tilespmem:s28], [sflag:$0x1] =	stream.indirect.gather @!p2 [hbm4b:s30+s26], $0x40, s25, s26, $0xb8;
	[tilespmem:$0x1A800] =	vst v63  }
0x36: {  	s25 =	simm.s32 @!p1 $0x600;
	s26 =	simm.s32 @!p1 $0x200;
	_ =	swait.ge @!p1 [sflag:s29], $0x8000  }
0x37: {  	p2 =	por p3, p1;
	s28 =	simm.s32 @!p1 $0x8800;
	[sflag:s29] =	ssyncset.done @!p1 $0x0  }
0x38: {  	p3 =	por @!p1 !p0, p3;
	[sflag:s29] =	ssyncadd.s32 @!p1 $0xFFFF8000;
	s29 =	simm.s32 @!p2 $0x4  }
0x39: {  	[spmem:s2] =	stream.indirect.scatter.add.f32 @!p1 [tilespmem:s28], [sflag:$0x4], $0x40, s25, s26, $0xb8;
	[tilespmem:$0x1A800] =	vst v63  }
0x3a: {  	s30 =	sadd.s32 @!p2 $0x40, s13;
	s31 =	simm.s32 @!p2 $0x8800;
	_ =	swait.ge @!p2 [sflag:s29], $0x8000  }
0x3b: {  	s25 =	simm.s32 @!p2 $0x4E200;
	s26 =	simm.s32 @!p2 $0x400;
	[sflag:s29] =	ssyncset.done @!p2 $0x0  }
0x3c: {  	s28 =	simm.s32 @!p2 $0x200;
	[sflag:s29] =	ssyncadd.s32 @!p2 $0xFFFF8000;
	s29 =	simm.s32 @!p2 $0x5  }
0x3d: {  	[tilespmem:s26], [sflag:$0x5] =	stream.strided.gather @!p2 [hbm4b:s30+s28], $0x400, s25, s28, $0x38;
	[tilespmem:$0x1A800] =	vst v63  }
0x3e: {  	p1 =	por !p3, p1;
	s30 =	smov.u32 s18;
	_ =	swait.ge @!p2 [sflag:s29], $0x400  }
0x3f: {  	s25 =	sadd.s32 $0x80, s13;
	s30 =	smov.u32 @p1 s9;
	[sflag:s29] =	ssyncset.done @!p2 $0x0  }
.LBB2_2:
0x40: {  	p3 =	sge.u32 s24, s5  }
0x41: {  	[sflag:s29] =	ssyncadd.s32 @!p2 $0xFFFFFC00;
	s29 =	smov.u32 s24;
	s24 =	sadd.s32 $0x2, s24  }
0x42: {  	[tilespmem:s31], [sflag:$0x2] =	stream.indirect.gather @!p2 [hbm4b:s30+s28], $0x40, s26, s28, $0xb8;
	[tilespmem:$0x1A800] =	vst v63  }
0x43: {  	s26 =	simm.s32 @!p3 $0x1;
	s28 =	sadd.s32 @!p3 $0x2, s29;
	p1 =	sne.s32 s24, $0x28  }
0x44: {  	p2 =	sge.u32 @!p3 s28, s5;
	_ =	swait.ge @!p3 [sflag:s26], $0x8000  }
0x45: {  	s28 =	simm.s32 @!p3 $0x800;
	p4 =	por @!p3 !p0, p2;
	[sflag:s26] =	ssyncset.done @!p3 $0x0  }
0x46: {  	p2 =	por p2, p3;
	[sflag:s26] =	ssyncadd.s32 @!p3 $0xFFFF8000;
	s26 =	simm.s32 @!p3 $0x200  }
0x47: {  	[spmem:s2] =	stream.indirect.scatter.add.f32 @!p3 [tilespmem:s28], [sflag:$0x3], $0x40, s26, s26, $0xb8;
	[tilespmem:$0x1A800] =	vst v63  }
0x48: {  	s26 =	simm.s32 @!p2 $0x3;
	p3 =	por !p4, p3  }
0x49: {  	s28 =	simm.s32 @!p2 $0x0;
	_ =	swait.ge @!p2 [sflag:s26], $0x8000  }
0x4a: {  	s30 =	simm.s32 @!p2 $0x200;
	s31 =	simm.s32 @!p2 $0x4E200;
	[sflag:s26] =	ssyncset.done @!p2 $0x0  }
0x4b: {  	s4 =	smov.u32 s18;
	[sflag:s26] =	ssyncadd.s32 @!p2 $0xFFFF8000;
	s26 =	simm.s32 @!p2 $0x5  }
0x4c: {  	[tilespmem:s28], [sflag:$0x5] =	stream.strided.gather @!p2 [hbm4b:s25+s30], $0x400, s31, s30, $0x38;
	[tilespmem:$0x1A800] =	vst v63  }
0x4d: {  	s0 =	sadd.s32 $0x1, s29;
	s31 =	simm.s32 @!p2 $0x800;
	_ =	swait.ge @!p2 [sflag:s26], $0x400  }
0x4e: {  	s4 =	smov.u32 @p3 s9;
	p3 =	sge.u32 s0, s5;
	[sflag:s26] =	ssyncset.done @!p2 $0x0  }
0x4f: {  	s0 =	simm.s32 @!p3 $0x2;
	[sflag:s26] =	ssyncadd.s32 @!p2 $0xFFFFFC00;
	s26 =	sadd.s32 @!p3 $0x3, s29  }
0x50: {  	[tilespmem:s31], [sflag:$0x1] =	stream.indirect.gather @!p2 [hbm4b:s4+s30], $0x40, s28, s30, $0xb8;
	[tilespmem:$0x1A800] =	vst v63  }
0x51: {  	s4 =	simm.s32 @!p3 $0x600;
	p4 =	sge.u32 @!p3 s26, s5  }
0x52: {  	s26 =	simm.s32 @!p3 $0x200;
	_ =	swait.ge @!p3 [sflag:s0], $0x8000;
	p2 =	por p4, p3  }
0x53: {  	s30 =	smov.u32 s18;
	[sflag:s0] =	ssyncset.done @!p3 $0x0;
	s29 =	simm.s32 @!p2 $0x4  }
0x54: {  	s28 =	simm.s32 @!p2 $0x200;
	[sflag:s0] =	ssyncadd.s32 @!p3 $0xFFFF8000;
	s0 =	simm.s32 @!p3 $0x8800  }
0x55: {  	[spmem:s2] =	stream.indirect.scatter.add.f32 @!p3 [tilespmem:s0], [sflag:$0x4], $0x40, s4, s26, $0xb8;
	[tilespmem:$0x1A800] =	vst v63  }
0x56: {  	s0 =	simm.s32 @!p2 $0x4E200;
	s26 =	simm.s32 @!p2 $0x400;
	_ =	swait.ge @!p2 [sflag:s29], $0x8000  }
.Ltmp0:
0x57: {  	s4 =	sadd.s32 @!p2 $0x40, s25;
	[sflag:s29] =	ssyncset.done @!p2 $0x0;
	(pc) =	sbr.rel @p1 .LBB2_2-.Ltmp0, $4  }
0x58: {  	p4 =	por @!p3 !p0, p4;
	[sflag:s29] =	ssyncadd.s32 @!p2 $0xFFFF8000;
	s29 =	simm.s32 @!p2 $0x5  }
0x59: {  	[tilespmem:s26], [sflag:$0x5] =	stream.strided.gather @!p2 [hbm4b:s4+s28], $0x400, s0, s28, $0x38;
	[tilespmem:$0x1A800] =	vst v63  }
0x5a: {  	p3 =	por !p4, p3;
	s25 =	sadd.s32 $0x80, s25;
	_ =	swait.ge @!p2 [sflag:s29], $0x400  }
0x5b: {  	s31 =	simm.s32 @!p2 $0x8800;
	s30 =	smov.u32 @p3 s9;
	[sflag:s29] =	ssyncset.done @!p2 $0x0  }
0x5c: {  	[sflag:s29] =	ssyncadd.s32 @!p2 $0xFFFFFC00  }
0x5d: {  	[tilespmem:s31], [sflag:$0x2] =	stream.indirect.gather @!p2 [hbm4b:s30+s28], $0x40, s26, s28, $0xb8;
	[tilespmem:$0x1A800] =	vst v63  }
0x5e: {  	_ =	swait.ge [sflag:s21], $0x8000  }
0x5f: {  	[sflag:s21] =	ssyncset.done $0x0  }
0x60: {  	[sflag:s21] =	ssyncadd.s32 $0xFFFF8000  }
0x61: {  	_ =	swait.ge [sflag:s22], $0x8000  }
0x62: {  	s23 =	sadd.s32 $0x1, s23;
	[sflag:s22] =	ssyncset.done $0x0  }
0x63: {  	p1 =	sne.s32 s23, s12;
	[sflag:s22] =	ssyncadd.s32 $0xFFFF8000  }
.Ltmp1:
0x64: {  	[bflag:$0x0] =	sbarrier.arrive $0xFFFF;
	(pc) =	sbr.rel @p1 .LBB2_1-.Ltmp1, $4  }
0x65: {  	[hbm:s11], [sflag:s7] =	dma.local [spmem:s14], $0x1400  }
0x66: {  	_ =	swait.ge [sflag:s15], $0x1400  }
0x67: {  	[sflag:s15] =	ssyncset.done $0x0  }
0x68: {  	[sflag:s15] =	ssyncadd.s32 $0xFFFFEC00  }
0x69: {  	_ =	sfence.sel $0x180000  }
0x6a: {  	[bflag:$0x0] =	sbarrier.arrive $0xFFFF  }
0x6b: {  	_ =	strace $0x9000004A  }
0x6c: {  	s0 =	stileid.u32;
	[bflag:$0x2] =	sbarrier.arrive $0xFFFF  }
0x6d: {  	p0 =	sne.s32 s0, $0x0;
	s0 =	rddreg [dreg:$0x2]  }
0x6e: {  	s0 =	sadd.s32 @!p0 $0x100000, s0  }
0x6f: {  	[sflag:s0] =	ssyncadd.tile.s32 @!p0 $0x1;
	_ =	shalt  }
.Lfunc_end2:
_tile_overlayer_lowered:
.L_overlay_start_2:
0x70: {  	(tag) =	ssettag $0x2  }
0x71: {  	s0 =	rddreg [dreg:$0x0];
	s2 =	stileid.u32  }
0x72: {  	s1 =	rddreg [dreg:$0x1];
	p0 =	sne.s32 s2, $0x0  }
0x73: {  	s3 =	rddreg [dreg:$0x2];
	[bflag:$0x3] =	sbarrier.arrive $0xFFFF;
	s2 =	simm.s32 @!p0 $0x1C05  }
0x74: {  	[timem:s3], [sflag:s2] =	dma.local @!p0 [hbm:s0], s1  }
0x75: {  	s0 =	simm.s32 @!p0 $0x5  }
0x76: {  	_ =	swait.ge @!p0 [sflag:s0], s1  }
0x77: {  	s1 =	ssub.s32 @!p0 $0x0, s1;
	[sflag:s0] =	ssyncset.done @!p0 $0x0  }
0x78: {  	[sflag:s0] =	ssyncadd.s32 @!p0 s1  }
0x79: {  	[bflag:$0x3] =	sbarrier.arrive $0xFFFF  }
0x7a: {  	_ =	shalt  }

// kernel: kernel.19.cloned.1.call-start
scs
__scs_entry_jumppad:
0x0: {  	(pc) =	sbr.rel $0x88, $3  }
0x1: {  	(tag) =	ssettag $0x0;
	lr =	simm.s32 $0x1  }
0x2: {  	[smem:$0x3F91] =	sst lr;
	_ =	strace $0xD0000000  }
0x3: {  	_ = 	snop  }
0x4: {  	_ = 	snop  }
0x5: {  	_ = 	snop  }
0x6: {  	_ = 	snop  }
0x7: {  	_ = 	snop  }
__scs_overlays_trampoline_lowered:
0x8: {  	[smem:$0x3FA0] =	sst s0  }
0x9: {  	[smem:$0x3FA1] =	sst s1  }
0xa: {  	[smem:$0x3FA2] =	sst s2  }
0xb: {  	[smem:$0x3FA3] =	sst s3  }
0xc: {  	[smem:$0x3FA4] =	sst s4  }
0xd: {  	[smem:$0x3FA5] =	sst s5  }
0xe: {  	[smem:$0x3FA6] =	sst s6  }
0xf: {  	[smem:$0x3FA7] =	sst s7  }
0x10: {  	[smem:$0x3FA8] =	sst s8  }
0x11: {  	[smem:$0x3FA9] =	sst s9;
	s0 =	simm.s32 @!p0 $0x0  }
0x12: {  	s1 =	sld [smem:$0x3F8F];
	s0 =	simm.s32 @p0 $0x1  }
0x13: {  	[smem:$0x3FAA] =	sst s0;
	s0 =	simm.s32 @!p1 $0x0  }
0x14: {  	s2 =	sld [smem:$0x3F8E];
	s0 =	simm.s32 @p1 $0x1  }
0x15: {  	[smem:$0x3FAB] =	sst s0;
	s0 =	simm.s32 @!p2 $0x0  }
0x16: {  	s3 =	sld [smem:$0x3FDB];
	s0 =	simm.s32 @p2 $0x1  }
0x17: {  	s4 =	simm.s32 $0x1BF5;
	[smem:$0x3FAD] =	sst s0  }
0x18: {  	s0 =	sld [smem:$0x3F90];
	_ =	swait.ge [sflag:s4], $0x0  }
0x19: {  	s7 =	sld [smem:$0x3F91]  }
0x1a: {  	s8 =	sadd.s32 $0xFFFFE003, lr  }
0x1b: {  	s9 =	sadd.s32 $0xFFFFFEF7, lr;
	s5 =	simm.s32 $0xFFFFFFFF;
	p2 =	slt.u32 s8, $0xFFFFF086  }
0x1c: {  	p1 =	slt.u32 s9, $0xF7A;
	s5 =	simm.s32 @!p2 $0x0  }
0x1d: {  	s5 =	simm.s32 @p1 $0x1;
	p0 =	seq.s32 s7, s2  }
0x1e: {  	s7 =	smul.u32 @!p0 $0xF7A, s2;
	p2 =	seq.s32 @!p0 s5, $0x0  }
0x1f: {  	s9 =	smul.u32 $0xF7A, s1;
	s8 =	simm.s32 @!p0 $0x1BF5;
	p2 =	por !p2, p0  }
0x20: {  	[sflag:s8] =	ssyncset.s32 @!p0 $0xFFFFF086;
	s6 =	sadd.s32 @!p0 s3, s7;
	s7 =	simm.s32 @!p0 $0x108  }
0x21: {  	s3 =	sadd.s32 s3, s9;
	s6 =	sadd.s32 @!p0 $0x88, s6;
	s7 =	simm.s32 @p2 $0x1082  }
0x22: {  	[simem:s7], [sflag:s8] =	dma.local @!p0 [hbm:s6], $0xF7A  }
0x23: {  	s9 =	sor.u32 $0xD0000000, s2;
	s6 =	simm.s32 $0x108;
	_ =	swait.ge @!p0 [sflag:s8], $0x0  }
0x24: {  	s3 =	sadd.s32 $0x88, s3;
	s6 =	simm.s32 @!p1 $0x1082;
	[sflag:s4] =	ssyncset.s32 $0xFFFFF086  }
0x25: {  	[simem:s6], [sflag:s4] =	dma.local [hbm:s3], $0xF7A  }
0x26: {  	[smem:$0x3F91] =	sst s1;
	(tag) =	ssettag s2;
	_ =	strace s9  }
0x27: {  	s1 =	sld [smem:$0x3FA1]  }
0x28: {  	s2 =	sld [smem:$0x3FA2]  }
0x29: {  	s4 =	sld [smem:$0x3FA4]  }
0x2a: {  	p0 =	seq.s32 s5, $0x0;
	s5 =	sld [smem:$0x3FA5]  }
0x2b: {  	s6 =	sld [smem:$0x3FA6]  }
0x2c: {  	s7 =	sld [smem:$0x3FA7]  }
0x2d: {  	s3 =	simm.s32 $0x108;
	s8 =	sld [smem:$0x3FA8]  }
0x2e: {  	s3 =	simm.s32 @!p0 $0x1082;
	s9 =	sld [smem:$0x3FA9]  }
0x2f: {  	lr =	sadd.s32 s0, s3;
	s0 =	sld [smem:$0x3FA0]  }
0x30: {  	s3 =	sld [smem:$0x3FA3]  }
0x31: {  	[smem:$0x3FAC] =	sst s10  }
0x32: {  	s10 =	sld [smem:$0x3FAA];
	_ =	sdelay $0x3  }
0x33: {  	p0 =	seq.s32 s10, $0x1;
	s10 =	sld [smem:$0x3FAC];
	_ =	sdelay $0x3  }
0x34: {  	[smem:$0x3FAC] =	sst s10  }
0x35: {  	s10 =	sld [smem:$0x3FAB];
	_ =	sdelay $0x3  }
0x36: {  	p1 =	seq.s32 s10, $0x1;
	s10 =	sld [smem:$0x3FAC];
	_ =	sdelay $0x3  }
0x37: {  	[smem:$0x3FAC] =	sst s10  }
0x38: {  	s10 =	sld [smem:$0x3FAD]  }
0x39: {  	_ = 	snop;
	(pc) =	sbr.ind lr, $3  }
0x3a: {  	_ = 	snop  }
0x3b: {  	_ = 	snop  }
0x3c: {  	p2 =	seq.s32 s10, $0x1;
	s10 =	sld [smem:$0x3FAC]  }
0x3d: {  	_ =	shalt  }
0x3e: {  	_ =	shalt  }
0x3f: {  	_ =	shalt  }
0x40: {  	_ =	shalt  }
0x41: {  	_ =	shalt  }
0x42: {  	_ =	shalt  }
0x43: {  	_ =	shalt  }
0x44: {  	_ =	shalt  }
0x45: {  	_ =	shalt  }
0x46: {  	_ =	shalt  }
0x47: {  	_ =	shalt  }
0x48: {  	_ =	shalt  }
0x49: {  	_ =	shalt  }
0x4a: {  	_ =	shalt  }
0x4b: {  	_ =	shalt  }
0x4c: {  	_ =	shalt  }
0x4d: {  	_ =	shalt  }
0x4e: {  	_ =	shalt  }
0x4f: {  	_ =	shalt  }
0x50: {  	_ =	shalt  }
0x51: {  	_ =	shalt  }
0x52: {  	_ =	shalt  }
0x53: {  	_ =	shalt  }
0x54: {  	_ =	shalt  }
0x55: {  	_ =	shalt  }
0x56: {  	_ =	shalt  }
0x57: {  	_ =	shalt  }
0x58: {  	_ =	shalt  }
0x59: {  	_ =	shalt  }
0x5a: {  	_ =	shalt  }
0x5b: {  	_ =	shalt  }
0x5c: {  	_ =	shalt  }
0x5d: {  	_ =	shalt  }
0x5e: {  	_ =	shalt  }
0x5f: {  	_ =	shalt  }
0x60: {  	_ =	shalt  }
0x61: {  	_ =	shalt  }
0x62: {  	_ =	shalt  }
0x63: {  	_ =	shalt  }
0x64: {  	_ =	shalt  }
0x65: {  	_ =	shalt  }
0x66: {  	_ =	shalt  }
0x67: {  	_ =	shalt  }
0x68: {  	_ =	shalt  }
0x69: {  	_ =	shalt  }
0x6a: {  	_ =	shalt  }
0x6b: {  	_ =	shalt  }
0x6c: {  	_ =	shalt  }
0x6d: {  	_ =	shalt  }
0x6e: {  	_ =	shalt  }
0x6f: {  	_ =	shalt  }
0x70: {  	_ =	shalt  }
0x71: {  	_ =	shalt  }
0x72: {  	_ =	shalt  }
0x73: {  	_ =	shalt  }
0x74: {  	_ =	shalt  }
0x75: {  	_ =	shalt  }
0x76: {  	_ =	shalt  }
0x77: {  	_ =	shalt  }
0x78: {  	_ =	shalt  }
0x79: {  	_ =	shalt  }
0x7a: {  	_ =	shalt  }
0x7b: {  	_ =	shalt  }
0x7c: {  	_ =	shalt  }
0x7d: {  	_ =	shalt  }
0x7e: {  	_ =	shalt  }
0x7f: {  	_ =	shalt  }
0x80: {  	_ =	shalt  }
0x81: {  	_ =	shalt  }
0x82: {  	_ =	shalt  }
0x83: {  	_ =	shalt  }
0x84: {  	_ =	shalt  }
0x85: {  	_ =	shalt  }
0x86: {  	_ =	shalt  }
0x87: {  	_ =	shalt  }
.Lfunc_end0:
.L_simem_size_0:
called_computation.2_lowered:
.L_overlay_start_0:
0x88: {  	s2 =	sld [smem:$0x3FD9]  }
0x89: {  	s3 =	sld [smem:$0x3FFE];
	_ =	sdelay $0x1  }
0x8a: {  	s1 =	srdreg.scid  }
0x8b: {  	s0 =	sand.u32 $0x1, s1  }
0x8c: {  	s16 =	sshll.u32 s0, $0xA;
	s2 =	sadd.s32 s3, s2  }
0x8d: {  	s2 =	sadd.s32 s2, s16  }
0x8e: {  	[smem:$0x3FB8] =	sst s2  }
0x8f: {  	_ = 	snop  }
0x90: {  	(tm) =	ssettm $0x1  }
0x91: {  	s17 =	sld [smem:$0x3FFB];
	_ =	sdelay $0x3  }
0x92: {  	_ =	strace s17  }
0x93: {  	s2 =	sld [smem:$0x3FFC];
	_ =	sdelay $0x3  }
0x94: {  	_ =	strace s2  }
0x95: {  	s2 =	sld [smem:$0x3FFD];
	_ =	sdelay $0x3  }
0x96: {  	_ =	strace s2  }
0x97: {  	_ =	strace $0x8FFFFFFF  }
0x98: {  	s18 =	sld [smem:$0x3FDB];
	_ =	sdelay $0x1  }
0x99: {  	s19 =	simm.s32 $_scs_section_size  }
0x9a: {  	s4 =	simm.s32 $_size__tile_overlayer_lowered;
	s5 =	simm.s32 $_tile_overlayer_lowered  }
0x9b: {  	s22 =	simm.s32 $0x1BFF;
	s21 =	sshll.u32 s5, $0x1;
	s2 =	sadd.s32 s19, s18  }
0x9c: {  	s6 =	simm.s32 $0x0;
	s20 =	sshll.u32 s4, $0x1;
	s4 =	sadd.s32 s21, s2  }
0x9d: {  	[timem:s6], [sflag:s22] =	dma.local [hbm:s4], s20  }
0x9e: {  	_ =	swait.ge [sflag:s22], s20  }
0x9f: {  	s3 =	ssub.s32 $0x0, s20;
	[sflag:s22] =	ssyncset.done $0x0  }
0xa0: {  	[sflag:s22] =	ssyncadd.s32 s3;
	_ =	sdelay $0x1  }
0xa1: {  	s23 =	simm.s32 $0x1B8B  }
0xa2: {  	_ =	swait.ge [sflag:s23], $0x1  }
0xa3: {  	[sflag:s23] =	ssyncset.done $0x0  }
0xa4: {  	s25 =	simm.s32 $0x1B8E;
	s24 =	sld [smem:$0x3FFE];
	[sflag:s23] =	ssyncadd.s32 $0xFFFFFFFF  }
0xa5: {  	s26 =	simm.s32 $execute0_lowered;
	[smem:$0x3FD2] =	sst s25  }
0xa6: {  	s4 =	sshll.u32 s26, $0x1;
	_ =	strace $0x8000004C;
	[dreg:$0x1] =	wrdreg $0xFFFFFFFF  }
0xa7: {  	s28 =	simm.s32 $_size_execute0_lowered;
	s2 =	sadd.s32 s2, s4;
	[dreg:$0x0] =	wrdreg $0x0  }
0xa8: {  	s4 =	sshll.u32 s28, $0x1;
	[dreg:$0x2] =	wrdreg s2  }
0xa9: {  	[dreg:$0x3] =	wrdreg s4  }
0xaa: {  	[dreg:$0x4] =	wrdreg $0xC0  }
0xab: {  	_ =	task [dreg:s6], $0x5FFFF  }
0xac: {  	[dreg:$0x1] =	wrdreg $0xFFFFFFFF  }
0xad: {  	[dreg:$0x0] =	wrdreg $0x60  }
0xae: {  	[dreg:$0x2] =	wrdreg s24  }
0xaf: {  	[dreg:$0x3] =	wrdreg $0x108000  }
0xb0: {  	[dreg:$0x4] =	wrdreg $0x9  }
0xb1: {  	_ =	task.clear_ibuf [dreg:s6], $0x5FFFF;
	_ =	strace $0x9000004C  }
0xb2: {  	s29 =	simm.s32 $0x9;
	_ =	strace $0x8000004E  }
0xb3: {  	_ =	swait.ge [sflag:s29], $0x1  }
0xb4: {  	[sflag:s29] =	ssyncadd.s32 $0xFFFFFFFF  }
0xb5: {  	_ =	strace $0x9000004E  }
0xb6: {  	_ =	sfence  }
0xb7: {  	s30 =	sld [smem:$0x0];
	_ =	sdelay $0x2  }
0xb8: {  	s31 =	sshll.u32 s1, $0xD;
	s1 =	sshrl.u32 s1, $0x2  }
0xb9: {  	s3 =	sand.u32 $0x4000, s31;
	s1 =	sadd.s32 s1, s30  }
0xba: {  	s0 =	sor.u32 s3, s0;
	s1 =	sshll.u32 s1, $0x11  }
0xbb: {  	s0 =	sor.u32 s1, s0  }
0xbc: {  	s0 =	sadd.s32 $0x8F2B, s0  }
0xbd: {  	[sflag:s0] =	ssyncadd.remote.s32 $0x1  }
0xbe: {  	_ =	sfence.sel $0xFFFF  }
0xbf: {  	[dreg:$0x0] =	wrdreg $0xFFFFFFFF;
	(pc) =	sbr.abs _section_cstart, $3  }
0xc0: {  	[dreg:$0x1] =	wrdreg $0xFFFFFFFF  }
0xc1: {  	_ =	task.clear_ibuf [dreg:s6], $0x2FFFF;
	_ =	strace $0x9FFFFFFF  }
0xc2: {  	(tm) =	ssettm $0x7FFFFFFF  }
0xc3: {  	_ =	shalt  }
tec
execute0_lowered:
.L_overlay_start_1:
0x0: {  	(tag) =	ssettag $0x1  }
0x1: {  	s9 =	rddreg [dreg:$0x0]  }
0x2: {  	s2 =	rddreg [dreg:$0x1]  }
0x3: {  	s0 =	stileid.u32;
	s4 =	srdreg.scid;
	s3 =	simm.s32 $0x0  }
0x4: {  	s16 =	simm.s32 $0x200;
	s17 =	simm.s32 $0x4E200;
	s19 =	simm.s32 $0x400  }
0x5: {  	s20 =	simm.s32 $0x8800;
	s21 =	simm.s32 $0x3;
	s5 =	smul.u32 $0xA00, s0  }
0x6: {  	s22 =	simm.s32 $0x4;
	s23 =	simm.s32 $0x0;
	s6 =	smul.u32 $0xA000, s0  }
0x7: {  	s10 =	sand.u32 $0x1, s4;
	[smem:$0x7FF] =	sst s3;
	s8 =	smul.u32 $0x28, s0  }
0x8: {  	s18 =	sadd.s32 $0x68000, s9;
	s31 =	sshll.u32 s0, $0x6;
	s7 =	smul.u32 $0xA0000, s10  }
0x9: {  	_ =	strace $0x8000004D;
	s29 =	ssub.s32 $0x2, s10;
	p0 =	seq.s32 s10, $0x1  }
0xa: {  	s1 =	smov.u32 s18;
	s13 =	sadd.s32 s5, s9;
	s30 =	sshrl.u32 s29, $0x1  }
0xb: {  	s8 =	ssub.s32 $0x271, s8;
	s15 =	sadd.s32 s6, s2;
	s28 =	sadd.s32 s6, s7  }
0xc: {  	s14 =	ssub.s32 s29, s30;
	s5 =	smin.u32 s8, $0x28;
	s7 =	sor.u32 $0x1C05, s31  }
0xd: {  	s8 =	sadd.s32 $0x4600, s13;
	s10 =	sadd.s32 $0x4640, s13;
	s11 =	sshrl.u32 s28, $0x3  }
0xe: {  	s13 =	sadd.s32 $0x4680, s13;
	s12 =	sadd.s32 s11, s9;
	s6 =	sadd.s32 s18, s11  }
0xf: {  	s9 =	sadd.s32 $0x7C000, s9;
	s11 =	sadd.s32 $0x18000, s12;
	s12 =	smax.u32 s14, $0x1  }
0x10: {  	s14 =	sshrl.u32 s15, $0x3;
	s15 =	simm.s32 $0x5;
	s1 =	smov.u32 @p0 s9  }
.LBB2_1:
0x11: {  	[spmem:s14], [sflag:s7] =	dma.local [hbm:s6], $0x1400  }
0x12: {  	_ =	swait.ge [sflag:s15], $0x1400  }
0x13: {  	[sflag:s15] =	ssyncset.done $0x0  }
0x14: {  	[sflag:s15] =	ssyncadd.s32 $0xFFFFEC00  }
0x15: {  	[bflag:$0x0] =	sbarrier.arrive $0xFFFF  }
0x16: {  	[tilespmem:s3], [sflag:$0x5] =	stream.strided.gather [hbm4b:s8+s16], $0x400, s17, s16, $0x38;
	[tilespmem:$0x1A800] =	vst v63  }
0x17: {  	_ =	swait.ge [sflag:s15], $0x400  }
0x18: {  	s24 =	simm.s32 @!p0 $0x200;
	[sflag:s15] =	ssyncset.done $0x0  }
0x19: {  	s25 =	simm.s32 @!p0 $0x0;
	s26 =	simm.s32 @!p0 $0x800;
	[sflag:s15] =	ssyncadd.s32 $0xFFFFFC00  }
0x1a: {  	[tilespmem:s26], [sflag:$0x1] =	stream.indirect.gather @!p0 [hbm4b:s18+s24], $0x40, s25, s24, $0xb8;
	[tilespmem:$0x1A800] =	vst v63  }
0x1b: {  	s25 =	simm.s32 @!p0 $0x4E200;
	s26 =	simm.s32 @!p0 $0x400  }
0x1c: {  	[tilespmem:s26], [sflag:$0x5] =	stream.strided.gather @!p0 [hbm4b:s10+s24], $0x400, s25, s24, $0x38;
	[tilespmem:$0x1A800] =	vst v63  }
0x1d: {  	s24 =	simm.s32 @!p0 $0x5  }
0x1e: {  	_ =	swait.ge @!p0 [sflag:s24], $0x400  }
0x1f: {  	s25 =	simm.s32 @p0 $0x0;
	[sflag:s24] =	ssyncset.done @!p0 $0x0  }
0x20: {  	s26 =	simm.s32 @p0 $0x800;
	[sflag:s24] =	ssyncadd.s32 @!p0 $0xFFFFFC00;
	s24 =	simm.s32 @p0 $0x200  }
0x21: {  	[tilespmem:s26], [sflag:$0x1] =	stream.indirect.gather @p0 [hbm4b:s9+s24], $0x40, s25, s24, $0xb8;
	[tilespmem:$0x1A800] =	vst v63  }
0x22: {  	s25 =	simm.s32 @p0 $0x4E200;
	s26 =	simm.s32 @p0 $0x400  }
0x23: {  	[tilespmem:s26], [sflag:$0x5] =	stream.strided.gather @p0 [hbm4b:s10+s24], $0x400, s25, s24, $0x38;
	[tilespmem:$0x1A800] =	vst v63  }
0x24: {  	s24 =	simm.s32 @p0 $0x5  }
0x25: {  	_ =	swait.ge @p0 [sflag:s24], $0x400  }
0x26: {  	p1 =	sle.u32 s5, $0x0;
	[sflag:s24] =	ssyncset.done @p0 $0x0  }
0x27: {  	[sflag:s24] =	ssyncadd.s32 @p0 $0xFFFFFC00;
	s24 =	simm.s32 @!p1 $0x1  }
0x28: {  	[tilespmem:s20], [sflag:$0x2] =	stream.indirect.gather [hbm4b:s1+s16], $0x40, s19, s16, $0xb8;
	[tilespmem:$0x1A800] =	vst v63  }
0x29: {  	p3 =	sle.u32 @!p1 s5, $0x2;
	_ =	swait.ge @!p1 [sflag:s24], $0x8000  }
0x2a: {  	p2 =	por p3, p1;
	[sflag:s24] =	ssyncset.done @!p1 $0x0  }
0x2b: {  	s25 =	simm.s32 @!p1 $0x800;
	[sflag:s24] =	ssyncadd.s32 @!p1 $0xFFFF8000;
	s24 =	simm.s32 @!p1 $0x200  }
0x2c: {  	[spmem:s2] =	stream.indirect.scatter.add.f32 @!p1 [tilespmem:s25], [sflag:$0x3], $0x40, s24, s24, $0xb8;
	[tilespmem:$0x1A800] =	vst v63  }
0x2d: {  	s30 =	smov.u32 s18;
	s24 =	simm.s32 @!p2 $0x3  }
0x2e: {  	p3 =	por @!p1 !p0, p3;
	s28 =	simm.s32 @!p2 $0x4E200;
	_ =	swait.ge @!p2 [sflag:s24], $0x8000  }
0x2f: {  	s29 =	simm.s32 @!p2 $0x5;
	p3 =	por !p3, p1;
	[sflag:s24] =	ssyncset.done @!p2 $0x0  }
0x30: {  	s26 =	simm.s32 @!p2 $0x200;
	s25 =	simm.s32 @!p2 $0x0;
	[sflag:s24] =	ssyncadd.s32 @!p2 $0xFFFF8000  }
0x31: {  	[tilespmem:s25], [sflag:$0x5] =	stream.strided.gather @!p2 [hbm4b:s13+s26], $0x400, s28, s26, $0x38;
	[tilespmem:$0x1A800] =	vst v63  }
0x32: {  	s30 =	smov.u32 @p3 s9;
	p1 =	sle.u32 s5, $0x1;
	_ =	swait.ge @!p2 [sflag:s29], $0x400  }
0x33: {  	p3 =	sle.u32 @!p1 s5, $0x3;
	s24 =	simm.s32 $0x2;
	[sflag:s29] =	ssyncset.done @!p2 $0x0  }
0x34: {  	s28 =	simm.s32 @!p2 $0x800;
	[sflag:s29] =	ssyncadd.s32 @!p2 $0xFFFFFC00;
	s29 =	simm.s32 @!p1 $0x2  }
0x35: {  	[tilespmem:s28], [sflag:$0x1] =	stream.indirect.gather @!p2 [hbm4b:s30+s26], $0x40, s25, s26, $0xb8;
	[tilespmem:$0x1A800] =	vst v63  }
0x36: {  	s25 =	simm.s32 @!p1 $0x600;
	s26 =	simm.s32 @!p1 $0x200;
	_ =	swait.ge @!p1 [sflag:s29], $0x8000  }
0x37: {  	p2 =	por p3, p1;
	s28 =	simm.s32 @!p1 $0x8800;
	[sflag:s29] =	ssyncset.done @!p1 $0x0  }
0x38: {  	p3 =	por @!p1 !p0, p3;
	[sflag:s29] =	ssyncadd.s32 @!p1 $0xFFFF8000;
	s29 =	simm.s32 @!p2 $0x4  }
0x39: {  	[spmem:s2] =	stream.indirect.scatter.add.f32 @!p1 [tilespmem:s28], [sflag:$0x4], $0x40, s25, s26, $0xb8;
	[tilespmem:$0x1A800] =	vst v63  }
0x3a: {  	s30 =	sadd.s32 @!p2 $0x40, s13;
	s31 =	simm.s32 @!p2 $0x8800;
	_ =	swait.ge @!p2 [sflag:s29], $0x8000  }
0x3b: {  	s25 =	simm.s32 @!p2 $0x4E200;
	s26 =	simm.s32 @!p2 $0x400;
	[sflag:s29] =	ssyncset.done @!p2 $0x0  }
0x3c: {  	s28 =	simm.s32 @!p2 $0x200;
	[sflag:s29] =	ssyncadd.s32 @!p2 $0xFFFF8000;
	s29 =	simm.s32 @!p2 $0x5  }
0x3d: {  	[tilespmem:s26], [sflag:$0x5] =	stream.strided.gather @!p2 [hbm4b:s30+s28], $0x400, s25, s28, $0x38;
	[tilespmem:$0x1A800] =	vst v63  }
0x3e: {  	p1 =	por !p3, p1;
	s30 =	smov.u32 s18;
	_ =	swait.ge @!p2 [sflag:s29], $0x400  }
0x3f: {  	s25 =	sadd.s32 $0x80, s13;
	s30 =	smov.u32 @p1 s9;
	[sflag:s29] =	ssyncset.done @!p2 $0x0  }
.LBB2_2:
0x40: {  	p3 =	sge.u32 s24, s5  }
0x41: {  	[sflag:s29] =	ssyncadd.s32 @!p2 $0xFFFFFC00;
	s29 =	smov.u32 s24;
	s24 =	sadd.s32 $0x2, s24  }
0x42: {  	[tilespmem:s31], [sflag:$0x2] =	stream.indirect.gather @!p2 [hbm4b:s30+s28], $0x40, s26, s28, $0xb8;
	[tilespmem:$0x1A800] =	vst v63  }
0x43: {  	s26 =	simm.s32 @!p3 $0x1;
	s28 =	sadd.s32 @!p3 $0x2, s29;
	p1 =	sne.s32 s24, $0x28  }
0x44: {  	p2 =	sge.u32 @!p3 s28, s5;
	_ =	swait.ge @!p3 [sflag:s26], $0x8000  }
0x45: {  	s28 =	simm.s32 @!p3 $0x800;
	p4 =	por @!p3 !p0, p2;
	[sflag:s26] =	ssyncset.done @!p3 $0x0  }
0x46: {  	p2 =	por p2, p3;
	[sflag:s26] =	ssyncadd.s32 @!p3 $0xFFFF8000;
	s26 =	simm.s32 @!p3 $0x200  }
0x47: {  	[spmem:s2] =	stream.indirect.scatter.add.f32 @!p3 [tilespmem:s28], [sflag:$0x3], $0x40, s26, s26, $0xb8;
	[tilespmem:$0x1A800] =	vst v63  }
0x48: {  	s26 =	simm.s32 @!p2 $0x3;
	p3 =	por !p4, p3  }
0x49: {  	s28 =	simm.s32 @!p2 $0x0;
	_ =	swait.ge @!p2 [sflag:s26], $0x8000  }
0x4a: {  	s30 =	simm.s32 @!p2 $0x200;
	s31 =	simm.s32 @!p2 $0x4E200;
	[sflag:s26] =	ssyncset.done @!p2 $0x0  }
0x4b: {  	s4 =	smov.u32 s18;
	[sflag:s26] =	ssyncadd.s32 @!p2 $0xFFFF8000;
	s26 =	simm.s32 @!p2 $0x5  }
0x4c: {  	[tilespmem:s28], [sflag:$0x5] =	stream.strided.gather @!p2 [hbm4b:s25+s30], $0x400, s31, s30, $0x38;
	[tilespmem:$0x1A800] =	vst v63  }
0x4d: {  	s0 =	sadd.s32 $0x1, s29;
	s31 =	simm.s32 @!p2 $0x800;
	_ =	swait.ge @!p2 [sflag:s26], $0x400  }
0x4e: {  	s4 =	smov.u32 @p3 s9;
	p3 =	sge.u32 s0, s5;
	[sflag:s26] =	ssyncset.done @!p2 $0x0  }
0x4f: {  	s0 =	simm.s32 @!p3 $0x2;
	[sflag:s26] =	ssyncadd.s32 @!p2 $0xFFFFFC00;
	s26 =	sadd.s32 @!p3 $0x3, s29  }
0x50: {  	[tilespmem:s31], [sflag:$0x1] =	stream.indirect.gather @!p2 [hbm4b:s4+s30], $0x40, s28, s30, $0xb8;
	[tilespmem:$0x1A800] =	vst v63  }
0x51: {  	s4 =	simm.s32 @!p3 $0x600;
	p4 =	sge.u32 @!p3 s26, s5  }
0x52: {  	s26 =	simm.s32 @!p3 $0x200;
	_ =	swait.ge @!p3 [sflag:s0], $0x8000;
	p2 =	por p4, p3  }
0x53: {  	s30 =	smov.u32 s18;
	[sflag:s0] =	ssyncset.done @!p3 $0x0;
	s29 =	simm.s32 @!p2 $0x4  }
0x54: {  	s28 =	simm.s32 @!p2 $0x200;
	[sflag:s0] =	ssyncadd.s32 @!p3 $0xFFFF8000;
	s0 =	simm.s32 @!p3 $0x8800  }
0x55: {  	[spmem:s2] =	stream.indirect.scatter.add.f32 @!p3 [tilespmem:s0], [sflag:$0x4], $0x40, s4, s26, $0xb8;
	[tilespmem:$0x1A800] =	vst v63  }
0x56: {  	s0 =	simm.s32 @!p2 $0x4E200;
	s26 =	simm.s32 @!p2 $0x400;
	_ =	swait.ge @!p2 [sflag:s29], $0x8000  }
.Ltmp0:
0x57: {  	s4 =	sadd.s32 @!p2 $0x40, s25;
	[sflag:s29] =	ssyncset.done @!p2 $0x0;
	(pc) =	sbr.rel @p1 .LBB2_2-.Ltmp0, $4  }
0x58: {  	p4 =	por @!p3 !p0, p4;
	[sflag:s29] =	ssyncadd.s32 @!p2 $0xFFFF8000;
	s29 =	simm.s32 @!p2 $0x5  }
0x59: {  	[tilespmem:s26], [sflag:$0x5] =	stream.strided.gather @!p2 [hbm4b:s4+s28], $0x400, s0, s28, $0x38;
	[tilespmem:$0x1A800] =	vst v63  }
0x5a: {  	p3 =	por !p4, p3;
	s25 =	sadd.s32 $0x80, s25;
	_ =	swait.ge @!p2 [sflag:s29], $0x400  }
0x5b: {  	s31 =	simm.s32 @!p2 $0x8800;
	s30 =	smov.u32 @p3 s9;
	[sflag:s29] =	ssyncset.done @!p2 $0x0  }
0x5c: {  	[sflag:s29] =	ssyncadd.s32 @!p2 $0xFFFFFC00  }
0x5d: {  	[tilespmem:s31], [sflag:$0x2] =	stream.indirect.gather @!p2 [hbm4b:s30+s28], $0x40, s26, s28, $0xb8;
	[tilespmem:$0x1A800] =	vst v63  }
0x5e: {  	_ =	swait.ge [sflag:s21], $0x8000  }
0x5f: {  	[sflag:s21] =	ssyncset.done $0x0  }
0x60: {  	[sflag:s21] =	ssyncadd.s32 $0xFFFF8000  }
0x61: {  	_ =	swait.ge [sflag:s22], $0x8000  }
0x62: {  	s23 =	sadd.s32 $0x1, s23;
	[sflag:s22] =	ssyncset.done $0x0  }
0x63: {  	p1 =	sne.s32 s23, s12;
	[sflag:s22] =	ssyncadd.s32 $0xFFFF8000  }
.Ltmp1:
0x64: {  	[bflag:$0x0] =	sbarrier.arrive $0xFFFF;
	(pc) =	sbr.rel @p1 .LBB2_1-.Ltmp1, $4  }
0x65: {  	[hbm:s11], [sflag:s7] =	dma.local [spmem:s14], $0x1400  }
0x66: {  	_ =	swait.ge [sflag:s15], $0x1400  }
0x67: {  	[sflag:s15] =	ssyncset.done $0x0  }
0x68: {  	[sflag:s15] =	ssyncadd.s32 $0xFFFFEC00  }
0x69: {  	_ =	sfence.sel $0x180000  }
0x6a: {  	[bflag:$0x0] =	sbarrier.arrive $0xFFFF  }
0x6b: {  	_ =	strace $0x9000004D  }
0x6c: {  	s0 =	stileid.u32;
	[bflag:$0x2] =	sbarrier.arrive $0xFFFF  }
0x6d: {  	p0 =	sne.s32 s0, $0x0;
	s0 =	rddreg [dreg:$0x2]  }
0x6e: {  	s0 =	sadd.s32 @!p0 $0x100000, s0  }
0x6f: {  	[sflag:s0] =	ssyncadd.tile.s32 @!p0 $0x1;
	_ =	shalt  }
.Lfunc_end2:
_tile_overlayer_lowered:
.L_overlay_start_2:
0x70: {  	(tag) =	ssettag $0x2  }
0x71: {  	s0 =	rddreg [dreg:$0x0];
	s2 =	stileid.u32  }
0x72: {  	s1 =	rddreg [dreg:$0x1];
	p0 =	sne.s32 s2, $0x0  }
0x73: {  	s3 =	rddreg [dreg:$0x2];
	[bflag:$0x3] =	sbarrier.arrive $0xFFFF;
	s2 =	simm.s32 @!p0 $0x1C05  }
0x74: {  	[timem:s3], [sflag:s2] =	dma.local @!p0 [hbm:s0], s1  }
0x75: {  	s0 =	simm.s32 @!p0 $0x5  }
0x76: {  	_ =	swait.ge @!p0 [sflag:s0], s1  }
0x77: {  	s1 =	ssub.s32 @!p0 $0x0, s1;
	[sflag:s0] =	ssyncset.done @!p0 $0x0  }
0x78: {  	[sflag:s0] =	ssyncadd.s32 @!p0 s1  }
0x79: {  	[bflag:$0x3] =	sbarrier.arrive $0xFFFF  }
0x7a: {  	_ =	shalt  }

// kernel: kernel.22.cloned.1.call-start
scs
__scs_entry_jumppad:
0x0: {  	(pc) =	sbr.rel $0x88, $3  }
0x1: {  	(tag) =	ssettag $0x0;
	lr =	simm.s32 $0x1  }
0x2: {  	[smem:$0x3F91] =	sst lr;
	_ =	strace $0xD0000000  }
0x3: {  	_ = 	snop  }
0x4: {  	_ = 	snop  }
0x5: {  	_ = 	snop  }
0x6: {  	_ = 	snop  }
0x7: {  	_ = 	snop  }
__scs_overlays_trampoline_lowered:
0x8: {  	[smem:$0x3FA0] =	sst s0  }
0x9: {  	[smem:$0x3FA1] =	sst s1  }
0xa: {  	[smem:$0x3FA2] =	sst s2  }
0xb: {  	[smem:$0x3FA3] =	sst s3  }
0xc: {  	[smem:$0x3FA4] =	sst s4  }
0xd: {  	[smem:$0x3FA5] =	sst s5  }
0xe: {  	[smem:$0x3FA6] =	sst s6  }
0xf: {  	[smem:$0x3FA7] =	sst s7  }
0x10: {  	[smem:$0x3FA8] =	sst s8  }
0x11: {  	[smem:$0x3FA9] =	sst s9;
	s0 =	simm.s32 @!p0 $0x0  }
0x12: {  	s1 =	sld [smem:$0x3F8F];
	s0 =	simm.s32 @p0 $0x1  }
0x13: {  	[smem:$0x3FAA] =	sst s0;
	s0 =	simm.s32 @!p1 $0x0  }
0x14: {  	s2 =	sld [smem:$0x3F8E];
	s0 =	simm.s32 @p1 $0x1  }
0x15: {  	[smem:$0x3FAB] =	sst s0;
	s0 =	simm.s32 @!p2 $0x0  }
0x16: {  	s3 =	sld [smem:$0x3FDB];
	s0 =	simm.s32 @p2 $0x1  }
0x17: {  	s4 =	simm.s32 $0x1BF5;
	[smem:$0x3FAD] =	sst s0  }
0x18: {  	s0 =	sld [smem:$0x3F90];
	_ =	swait.ge [sflag:s4], $0x0  }
0x19: {  	s7 =	sld [smem:$0x3F91]  }
0x1a: {  	s8 =	sadd.s32 $0xFFFFE003, lr  }
0x1b: {  	s9 =	sadd.s32 $0xFFFFFEF7, lr;
	s5 =	simm.s32 $0xFFFFFFFF;
	p2 =	slt.u32 s8, $0xFFFFF086  }
0x1c: {  	p1 =	slt.u32 s9, $0xF7A;
	s5 =	simm.s32 @!p2 $0x0  }
0x1d: {  	s5 =	simm.s32 @p1 $0x1;
	p0 =	seq.s32 s7, s2  }
0x1e: {  	s7 =	smul.u32 @!p0 $0xF7A, s2;
	p2 =	seq.s32 @!p0 s5, $0x0  }
0x1f: {  	s9 =	smul.u32 $0xF7A, s1;
	s8 =	simm.s32 @!p0 $0x1BF5;
	p2 =	por !p2, p0  }
0x20: {  	[sflag:s8] =	ssyncset.s32 @!p0 $0xFFFFF086;
	s6 =	sadd.s32 @!p0 s3, s7;
	s7 =	simm.s32 @!p0 $0x108  }
0x21: {  	s3 =	sadd.s32 s3, s9;
	s6 =	sadd.s32 @!p0 $0x88, s6;
	s7 =	simm.s32 @p2 $0x1082  }
0x22: {  	[simem:s7], [sflag:s8] =	dma.local @!p0 [hbm:s6], $0xF7A  }
0x23: {  	s9 =	sor.u32 $0xD0000000, s2;
	s6 =	simm.s32 $0x108;
	_ =	swait.ge @!p0 [sflag:s8], $0x0  }
0x24: {  	s3 =	sadd.s32 $0x88, s3;
	s6 =	simm.s32 @!p1 $0x1082;
	[sflag:s4] =	ssyncset.s32 $0xFFFFF086  }
0x25: {  	[simem:s6], [sflag:s4] =	dma.local [hbm:s3], $0xF7A  }
0x26: {  	[smem:$0x3F91] =	sst s1;
	(tag) =	ssettag s2;
	_ =	strace s9  }
0x27: {  	s1 =	sld [smem:$0x3FA1]  }
0x28: {  	s2 =	sld [smem:$0x3FA2]  }
0x29: {  	s4 =	sld [smem:$0x3FA4]  }
0x2a: {  	p0 =	seq.s32 s5, $0x0;
	s5 =	sld [smem:$0x3FA5]  }
0x2b: {  	s6 =	sld [smem:$0x3FA6]  }
0x2c: {  	s7 =	sld [smem:$0x3FA7]  }
0x2d: {  	s3 =	simm.s32 $0x108;
	s8 =	sld [smem:$0x3FA8]  }
0x2e: {  	s3 =	simm.s32 @!p0 $0x1082;
	s9 =	sld [smem:$0x3FA9]  }
0x2f: {  	lr =	sadd.s32 s0, s3;
	s0 =	sld [smem:$0x3FA0]  }
0x30: {  	s3 =	sld [smem:$0x3FA3]  }
0x31: {  	[smem:$0x3FAC] =	sst s10  }
0x32: {  	s10 =	sld [smem:$0x3FAA];
	_ =	sdelay $0x3  }
0x33: {  	p0 =	seq.s32 s10, $0x1;
	s10 =	sld [smem:$0x3FAC];
	_ =	sdelay $0x3  }
0x34: {  	[smem:$0x3FAC] =	sst s10  }
0x35: {  	s10 =	sld [smem:$0x3FAB];
	_ =	sdelay $0x3  }
0x36: {  	p1 =	seq.s32 s10, $0x1;
	s10 =	sld [smem:$0x3FAC];
	_ =	sdelay $0x3  }
0x37: {  	[smem:$0x3FAC] =	sst s10  }
0x38: {  	s10 =	sld [smem:$0x3FAD]  }
0x39: {  	_ = 	snop;
	(pc) =	sbr.ind lr, $3  }
0x3a: {  	_ = 	snop  }
0x3b: {  	_ = 	snop  }
0x3c: {  	p2 =	seq.s32 s10, $0x1;
	s10 =	sld [smem:$0x3FAC]  }
0x3d: {  	_ =	shalt  }
0x3e: {  	_ =	shalt  }
0x3f: {  	_ =	shalt  }
0x40: {  	_ =	shalt  }
0x41: {  	_ =	shalt  }
0x42: {  	_ =	shalt  }
0x43: {  	_ =	shalt  }
0x44: {  	_ =	shalt  }
0x45: {  	_ =	shalt  }
0x46: {  	_ =	shalt  }
0x47: {  	_ =	shalt  }
0x48: {  	_ =	shalt  }
0x49: {  	_ =	shalt  }
0x4a: {  	_ =	shalt  }
0x4b: {  	_ =	shalt  }
0x4c: {  	_ =	shalt  }
0x4d: {  	_ =	shalt  }
0x4e: {  	_ =	shalt  }
0x4f: {  	_ =	shalt  }
0x50: {  	_ =	shalt  }
0x51: {  	_ =	shalt  }
0x52: {  	_ =	shalt  }
0x53: {  	_ =	shalt  }
0x54: {  	_ =	shalt  }
0x55: {  	_ =	shalt  }
0x56: {  	_ =	shalt  }
0x57: {  	_ =	shalt  }
0x58: {  	_ =	shalt  }
0x59: {  	_ =	shalt  }
0x5a: {  	_ =	shalt  }
0x5b: {  	_ =	shalt  }
0x5c: {  	_ =	shalt  }
0x5d: {  	_ =	shalt  }
0x5e: {  	_ =	shalt  }
0x5f: {  	_ =	shalt  }
0x60: {  	_ =	shalt  }
0x61: {  	_ =	shalt  }
0x62: {  	_ =	shalt  }
0x63: {  	_ =	shalt  }
0x64: {  	_ =	shalt  }
0x65: {  	_ =	shalt  }
0x66: {  	_ =	shalt  }
0x67: {  	_ =	shalt  }
0x68: {  	_ =	shalt  }
0x69: {  	_ =	shalt  }
0x6a: {  	_ =	shalt  }
0x6b: {  	_ =	shalt  }
0x6c: {  	_ =	shalt  }
0x6d: {  	_ =	shalt  }
0x6e: {  	_ =	shalt  }
0x6f: {  	_ =	shalt  }
0x70: {  	_ =	shalt  }
0x71: {  	_ =	shalt  }
0x72: {  	_ =	shalt  }
0x73: {  	_ =	shalt  }
0x74: {  	_ =	shalt  }
0x75: {  	_ =	shalt  }
0x76: {  	_ =	shalt  }
0x77: {  	_ =	shalt  }
0x78: {  	_ =	shalt  }
0x79: {  	_ =	shalt  }
0x7a: {  	_ =	shalt  }
0x7b: {  	_ =	shalt  }
0x7c: {  	_ =	shalt  }
0x7d: {  	_ =	shalt  }
0x7e: {  	_ =	shalt  }
0x7f: {  	_ =	shalt  }
0x80: {  	_ =	shalt  }
0x81: {  	_ =	shalt  }
0x82: {  	_ =	shalt  }
0x83: {  	_ =	shalt  }
0x84: {  	_ =	shalt  }
0x85: {  	_ =	shalt  }
0x86: {  	_ =	shalt  }
0x87: {  	_ =	shalt  }
.Lfunc_end0:
.L_simem_size_0:
called_computation.3_lowered:
.L_overlay_start_0:
0x88: {  	s2 =	sld [smem:$0x3FD9]  }
0x89: {  	s3 =	sld [smem:$0x3FFE];
	_ =	sdelay $0x1  }
0x8a: {  	s1 =	srdreg.scid  }
0x8b: {  	s0 =	sand.u32 $0x1, s1  }
0x8c: {  	s16 =	sshll.u32 s0, $0xA;
	s2 =	sadd.s32 s3, s2  }
0x8d: {  	s2 =	sadd.s32 s2, s16  }
0x8e: {  	[smem:$0x3FB8] =	sst s2  }
0x8f: {  	_ = 	snop  }
0x90: {  	(tm) =	ssettm $0x1  }
0x91: {  	s17 =	sld [smem:$0x3FFB];
	_ =	sdelay $0x3  }
0x92: {  	_ =	strace s17  }
0x93: {  	s2 =	sld [smem:$0x3FFC];
	_ =	sdelay $0x3  }
0x94: {  	_ =	strace s2  }
0x95: {  	s2 =	sld [smem:$0x3FFD];
	_ =	sdelay $0x3  }
0x96: {  	_ =	strace s2  }
0x97: {  	_ =	strace $0x8FFFFFFF  }
0x98: {  	s18 =	sld [smem:$0x3FDB];
	_ =	sdelay $0x1  }
0x99: {  	s19 =	simm.s32 $_scs_section_size  }
0x9a: {  	s4 =	simm.s32 $_size__tile_overlayer_lowered;
	s5 =	simm.s32 $_tile_overlayer_lowered  }
0x9b: {  	s22 =	simm.s32 $0x1BFF;
	s21 =	sshll.u32 s5, $0x1;
	s2 =	sadd.s32 s19, s18  }
0x9c: {  	s6 =	simm.s32 $0x0;
	s20 =	sshll.u32 s4, $0x1;
	s4 =	sadd.s32 s21, s2  }
0x9d: {  	[timem:s6], [sflag:s22] =	dma.local [hbm:s4], s20  }
0x9e: {  	_ =	swait.ge [sflag:s22], s20  }
0x9f: {  	s3 =	ssub.s32 $0x0, s20;
	[sflag:s22] =	ssyncset.done $0x0  }
0xa0: {  	[sflag:s22] =	ssyncadd.s32 s3;
	_ =	sdelay $0x1  }
0xa1: {  	s23 =	simm.s32 $0x1B8B  }
0xa2: {  	_ =	swait.ge [sflag:s23], $0x1  }
0xa3: {  	[sflag:s23] =	ssyncset.done $0x0  }
0xa4: {  	s25 =	simm.s32 $0x1B8E;
	s24 =	sld [smem:$0x3FFE];
	[sflag:s23] =	ssyncadd.s32 $0xFFFFFFFF  }
0xa5: {  	s26 =	simm.s32 $execute0_lowered;
	[smem:$0x3FD2] =	sst s25  }
0xa6: {  	s4 =	sshll.u32 s26, $0x1;
	_ =	strace $0x8000004F;
	[dreg:$0x1] =	wrdreg $0xFFFFFFFF  }
0xa7: {  	s28 =	simm.s32 $_size_execute0_lowered;
	s2 =	sadd.s32 s2, s4;
	[dreg:$0x0] =	wrdreg $0x0  }
0xa8: {  	s4 =	sshll.u32 s28, $0x1;
	[dreg:$0x2] =	wrdreg s2  }
0xa9: {  	[dreg:$0x3] =	wrdreg s4  }
0xaa: {  	[dreg:$0x4] =	wrdreg $0xC0  }
0xab: {  	_ =	task [dreg:s6], $0x5FFFF  }
0xac: {  	[dreg:$0x1] =	wrdreg $0xFFFFFFFF  }
0xad: {  	[dreg:$0x0] =	wrdreg $0x60  }
0xae: {  	[dreg:$0x2] =	wrdreg s24  }
0xaf: {  	[dreg:$0x3] =	wrdreg $0x108000  }
0xb0: {  	[dreg:$0x4] =	wrdreg $0x9  }
0xb1: {  	_ =	task.clear_ibuf [dreg:s6], $0x5FFFF;
	_ =	strace $0x9000004F  }
0xb2: {  	s29 =	simm.s32 $0x9;
	_ =	strace $0x80000051  }
0xb3: {  	_ =	swait.ge [sflag:s29], $0x1  }
0xb4: {  	[sflag:s29] =	ssyncadd.s32 $0xFFFFFFFF  }
0xb5: {  	_ =	strace $0x90000051  }
0xb6: {  	_ =	sfence  }
0xb7: {  	s30 =	sld [smem:$0x0];
	_ =	sdelay $0x2  }
0xb8: {  	s31 =	sshll.u32 s1, $0xD;
	s1 =	sshrl.u32 s1, $0x2  }
0xb9: {  	s3 =	sand.u32 $0x4000, s31;
	s1 =	sadd.s32 s1, s30  }
0xba: {  	s0 =	sor.u32 s3, s0;
	s1 =	sshll.u32 s1, $0x11  }
0xbb: {  	s0 =	sor.u32 s1, s0  }
0xbc: {  	s0 =	sadd.s32 $0x8F2B, s0  }
0xbd: {  	[sflag:s0] =	ssyncadd.remote.s32 $0x1  }
0xbe: {  	_ =	sfence.sel $0xFFFF  }
0xbf: {  	[dreg:$0x0] =	wrdreg $0xFFFFFFFF;
	(pc) =	sbr.abs _section_cstart, $3  }
0xc0: {  	[dreg:$0x1] =	wrdreg $0xFFFFFFFF  }
0xc1: {  	_ =	task.clear_ibuf [dreg:s6], $0x2FFFF;
	_ =	strace $0x9FFFFFFF  }
0xc2: {  	(tm) =	ssettm $0x7FFFFFFF  }
0xc3: {  	_ =	shalt  }
tec
execute0_lowered:
.L_overlay_start_1:
0x0: {  	(tag) =	ssettag $0x1  }
0x1: {  	s9 =	rddreg [dreg:$0x0]  }
0x2: {  	s2 =	rddreg [dreg:$0x1]  }
0x3: {  	s0 =	stileid.u32;
	s4 =	srdreg.scid;
	s3 =	simm.s32 $0x0  }
0x4: {  	s16 =	simm.s32 $0x200;
	s17 =	simm.s32 $0x4E200;
	s19 =	simm.s32 $0x400  }
0x5: {  	s20 =	simm.s32 $0x8800;
	s21 =	simm.s32 $0x3;
	s5 =	smul.u32 $0xA00, s0  }
0x6: {  	s22 =	simm.s32 $0x4;
	s23 =	simm.s32 $0x0;
	s6 =	smul.u32 $0xA000, s0  }
0x7: {  	s10 =	sand.u32 $0x1, s4;
	[smem:$0x7FF] =	sst s3;
	s8 =	smul.u32 $0x28, s0  }
0x8: {  	s18 =	sadd.s32 $0x18000, s9;
	s31 =	sshll.u32 s0, $0x6;
	s7 =	smul.u32 $0xA0000, s10  }
0x9: {  	_ =	strace $0x80000050;
	s29 =	ssub.s32 $0x2, s10;
	p0 =	seq.s32 s10, $0x1  }
0xa: {  	s1 =	smov.u32 s18;
	s13 =	sadd.s32 s5, s9;
	s30 =	sshrl.u32 s29, $0x1  }
0xb: {  	s8 =	ssub.s32 $0x271, s8;
	s15 =	sadd.s32 s6, s2;
	s28 =	sadd.s32 s6, s7  }
0xc: {  	s14 =	ssub.s32 s29, s30;
	s5 =	smin.u32 s8, $0x28;
	s7 =	sor.u32 $0x1C05, s31  }
0xd: {  	s8 =	sadd.s32 $0x4600, s13;
	s10 =	sadd.s32 $0x4640, s13;
	s11 =	sshrl.u32 s28, $0x3  }
0xe: {  	s13 =	sadd.s32 $0x4680, s13;
	s12 =	sadd.s32 s11, s9;
	s6 =	sadd.s32 s18, s11  }
0xf: {  	s9 =	sadd.s32 $0x2C000, s9;
	s11 =	sadd.s32 $0x40000, s12;
	s12 =	smax.u32 s14, $0x1  }
0x10: {  	s14 =	sshrl.u32 s15, $0x3;
	s15 =	simm.s32 $0x5;
	s1 =	smov.u32 @p0 s9  }
.LBB2_1:
0x11: {  	[spmem:s14], [sflag:s7] =	dma.local [hbm:s6], $0x1400  }
0x12: {  	_ =	swait.ge [sflag:s15], $0x1400  }
0x13: {  	[sflag:s15] =	ssyncset.done $0x0  }
0x14: {  	[sflag:s15] =	ssyncadd.s32 $0xFFFFEC00  }
0x15: {  	[bflag:$0x0] =	sbarrier.arrive $0xFFFF  }
0x16: {  	[tilespmem:s3], [sflag:$0x5] =	stream.strided.gather [hbm4b:s8+s16], $0x400, s17, s16, $0x38;
	[tilespmem:$0x1A800] =	vst v63  }
0x17: {  	_ =	swait.ge [sflag:s15], $0x400  }
0x18: {  	s24 =	simm.s32 @!p0 $0x200;
	[sflag:s15] =	ssyncset.done $0x0  }
0x19: {  	s25 =	simm.s32 @!p0 $0x0;
	s26 =	simm.s32 @!p0 $0x800;
	[sflag:s15] =	ssyncadd.s32 $0xFFFFFC00  }
0x1a: {  	[tilespmem:s26], [sflag:$0x1] =	stream.indirect.gather @!p0 [hbm4b:s18+s24], $0x40, s25, s24, $0xb8;
	[tilespmem:$0x1A800] =	vst v63  }
0x1b: {  	s25 =	simm.s32 @!p0 $0x4E200;
	s26 =	simm.s32 @!p0 $0x400  }
0x1c: {  	[tilespmem:s26], [sflag:$0x5] =	stream.strided.gather @!p0 [hbm4b:s10+s24], $0x400, s25, s24, $0x38;
	[tilespmem:$0x1A800] =	vst v63  }
0x1d: {  	s24 =	simm.s32 @!p0 $0x5  }
0x1e: {  	_ =	swait.ge @!p0 [sflag:s24], $0x400  }
0x1f: {  	s25 =	simm.s32 @p0 $0x0;
	[sflag:s24] =	ssyncset.done @!p0 $0x0  }
0x20: {  	s26 =	simm.s32 @p0 $0x800;
	[sflag:s24] =	ssyncadd.s32 @!p0 $0xFFFFFC00;
	s24 =	simm.s32 @p0 $0x200  }
0x21: {  	[tilespmem:s26], [sflag:$0x1] =	stream.indirect.gather @p0 [hbm4b:s9+s24], $0x40, s25, s24, $0xb8;
	[tilespmem:$0x1A800] =	vst v63  }
0x22: {  	s25 =	simm.s32 @p0 $0x4E200;
	s26 =	simm.s32 @p0 $0x400  }
0x23: {  	[tilespmem:s26], [sflag:$0x5] =	stream.strided.gather @p0 [hbm4b:s10+s24], $0x400, s25, s24, $0x38;
	[tilespmem:$0x1A800] =	vst v63  }
0x24: {  	s24 =	simm.s32 @p0 $0x5  }
0x25: {  	_ =	swait.ge @p0 [sflag:s24], $0x400  }
0x26: {  	p1 =	sle.u32 s5, $0x0;
	[sflag:s24] =	ssyncset.done @p0 $0x0  }
0x27: {  	[sflag:s24] =	ssyncadd.s32 @p0 $0xFFFFFC00;
	s24 =	simm.s32 @!p1 $0x1  }
0x28: {  	[tilespmem:s20], [sflag:$0x2] =	stream.indirect.gather [hbm4b:s1+s16], $0x40, s19, s16, $0xb8;
	[tilespmem:$0x1A800] =	vst v63  }
0x29: {  	p3 =	sle.u32 @!p1 s5, $0x2;
	_ =	swait.ge @!p1 [sflag:s24], $0x8000  }
0x2a: {  	p2 =	por p3, p1;
	[sflag:s24] =	ssyncset.done @!p1 $0x0  }
0x2b: {  	s25 =	simm.s32 @!p1 $0x800;
	[sflag:s24] =	ssyncadd.s32 @!p1 $0xFFFF8000;
	s24 =	simm.s32 @!p1 $0x200  }
0x2c: {  	[spmem:s2] =	stream.indirect.scatter.add.f32 @!p1 [tilespmem:s25], [sflag:$0x3], $0x40, s24, s24, $0xb8;
	[tilespmem:$0x1A800] =	vst v63  }
0x2d: {  	s30 =	smov.u32 s18;
	s24 =	simm.s32 @!p2 $0x3  }
0x2e: {  	p3 =	por @!p1 !p0, p3;
	s28 =	simm.s32 @!p2 $0x4E200;
	_ =	swait.ge @!p2 [sflag:s24], $0x8000  }
0x2f: {  	s29 =	simm.s32 @!p2 $0x5;
	p3 =	por !p3, p1;
	[sflag:s24] =	ssyncset.done @!p2 $0x0  }
0x30: {  	s26 =	simm.s32 @!p2 $0x200;
	s25 =	simm.s32 @!p2 $0x0;
	[sflag:s24] =	ssyncadd.s32 @!p2 $0xFFFF8000  }
0x31: {  	[tilespmem:s25], [sflag:$0x5] =	stream.strided.gather @!p2 [hbm4b:s13+s26], $0x400, s28, s26, $0x38;
	[tilespmem:$0x1A800] =	vst v63  }
0x32: {  	s30 =	smov.u32 @p3 s9;
	p1 =	sle.u32 s5, $0x1;
	_ =	swait.ge @!p2 [sflag:s29], $0x400  }
0x33: {  	p3 =	sle.u32 @!p1 s5, $0x3;
	s24 =	simm.s32 $0x2;
	[sflag:s29] =	ssyncset.done @!p2 $0x0  }
0x34: {  	s28 =	simm.s32 @!p2 $0x800;
	[sflag:s29] =	ssyncadd.s32 @!p2 $0xFFFFFC00;
	s29 =	simm.s32 @!p1 $0x2  }
0x35: {  	[tilespmem:s28], [sflag:$0x1] =	stream.indirect.gather @!p2 [hbm4b:s30+s26], $0x40, s25, s26, $0xb8;
	[tilespmem:$0x1A800] =	vst v63  }
0x36: {  	s25 =	simm.s32 @!p1 $0x600;
	s26 =	simm.s32 @!p1 $0x200;
	_ =	swait.ge @!p1 [sflag:s29], $0x8000  }
0x37: {  	p2 =	por p3, p1;
	s28 =	simm.s32 @!p1 $0x8800;
	[sflag:s29] =	ssyncset.done @!p1 $0x0  }
0x38: {  	p3 =	por @!p1 !p0, p3;
	[sflag:s29] =	ssyncadd.s32 @!p1 $0xFFFF8000;
	s29 =	simm.s32 @!p2 $0x4  }
0x39: {  	[spmem:s2] =	stream.indirect.scatter.add.f32 @!p1 [tilespmem:s28], [sflag:$0x4], $0x40, s25, s26, $0xb8;
	[tilespmem:$0x1A800] =	vst v63  }
0x3a: {  	s30 =	sadd.s32 @!p2 $0x40, s13;
	s31 =	simm.s32 @!p2 $0x8800;
	_ =	swait.ge @!p2 [sflag:s29], $0x8000  }
0x3b: {  	s25 =	simm.s32 @!p2 $0x4E200;
	s26 =	simm.s32 @!p2 $0x400;
	[sflag:s29] =	ssyncset.done @!p2 $0x0  }
0x3c: {  	s28 =	simm.s32 @!p2 $0x200;
	[sflag:s29] =	ssyncadd.s32 @!p2 $0xFFFF8000;
	s29 =	simm.s32 @!p2 $0x5  }
0x3d: {  	[tilespmem:s26], [sflag:$0x5] =	stream.strided.gather @!p2 [hbm4b:s30+s28], $0x400, s25, s28, $0x38;
	[tilespmem:$0x1A800] =	vst v63  }
0x3e: {  	p1 =	por !p3, p1;
	s30 =	smov.u32 s18;
	_ =	swait.ge @!p2 [sflag:s29], $0x400  }
0x3f: {  	s25 =	sadd.s32 $0x80, s13;
	s30 =	smov.u32 @p1 s9;
	[sflag:s29] =	ssyncset.done @!p2 $0x0  }
.LBB2_2:
0x40: {  	p3 =	sge.u32 s24, s5  }
0x41: {  	[sflag:s29] =	ssyncadd.s32 @!p2 $0xFFFFFC00;
	s29 =	smov.u32 s24;
	s24 =	sadd.s32 $0x2, s24  }
0x42: {  	[tilespmem:s31], [sflag:$0x2] =	stream.indirect.gather @!p2 [hbm4b:s30+s28], $0x40, s26, s28, $0xb8;
	[tilespmem:$0x1A800] =	vst v63  }
0x43: {  	s26 =	simm.s32 @!p3 $0x1;
	s28 =	sadd.s32 @!p3 $0x2, s29;
	p1 =	sne.s32 s24, $0x28  }
0x44: {  	p2 =	sge.u32 @!p3 s28, s5;
	_ =	swait.ge @!p3 [sflag:s26], $0x8000  }
0x45: {  	s28 =	simm.s32 @!p3 $0x800;
	p4 =	por @!p3 !p0, p2;
	[sflag:s26] =	ssyncset.done @!p3 $0x0  }
0x46: {  	p2 =	por p2, p3;
	[sflag:s26] =	ssyncadd.s32 @!p3 $0xFFFF8000;
	s26 =	simm.s32 @!p3 $0x200  }
0x47: {  	[spmem:s2] =	stream.indirect.scatter.add.f32 @!p3 [tilespmem:s28], [sflag:$0x3], $0x40, s26, s26, $0xb8;
	[tilespmem:$0x1A800] =	vst v63  }
0x48: {  	s26 =	simm.s32 @!p2 $0x3;
	p3 =	por !p4, p3  }
0x49: {  	s28 =	simm.s32 @!p2 $0x0;
	_ =	swait.ge @!p2 [sflag:s26], $0x8000  }
0x4a: {  	s30 =	simm.s32 @!p2 $0x200;
	s31 =	simm.s32 @!p2 $0x4E200;
	[sflag:s26] =	ssyncset.done @!p2 $0x0  }
0x4b: {  	s4 =	smov.u32 s18;
	[sflag:s26] =	ssyncadd.s32 @!p2 $0xFFFF8000;
	s26 =	simm.s32 @!p2 $0x5  }
0x4c: {  	[tilespmem:s28], [sflag:$0x5] =	stream.strided.gather @!p2 [hbm4b:s25+s30], $0x400, s31, s30, $0x38;
	[tilespmem:$0x1A800] =	vst v63  }
0x4d: {  	s0 =	sadd.s32 $0x1, s29;
	s31 =	simm.s32 @!p2 $0x800;
	_ =	swait.ge @!p2 [sflag:s26], $0x400  }
0x4e: {  	s4 =	smov.u32 @p3 s9;
	p3 =	sge.u32 s0, s5;
	[sflag:s26] =	ssyncset.done @!p2 $0x0  }
0x4f: {  	s0 =	simm.s32 @!p3 $0x2;
	[sflag:s26] =	ssyncadd.s32 @!p2 $0xFFFFFC00;
	s26 =	sadd.s32 @!p3 $0x3, s29  }
0x50: {  	[tilespmem:s31], [sflag:$0x1] =	stream.indirect.gather @!p2 [hbm4b:s4+s30], $0x40, s28, s30, $0xb8;
	[tilespmem:$0x1A800] =	vst v63  }
0x51: {  	s4 =	simm.s32 @!p3 $0x600;
	p4 =	sge.u32 @!p3 s26, s5  }
0x52: {  	s26 =	simm.s32 @!p3 $0x200;
	_ =	swait.ge @!p3 [sflag:s0], $0x8000;
	p2 =	por p4, p3  }
0x53: {  	s30 =	smov.u32 s18;
	[sflag:s0] =	ssyncset.done @!p3 $0x0;
	s29 =	simm.s32 @!p2 $0x4  }
0x54: {  	s28 =	simm.s32 @!p2 $0x200;
	[sflag:s0] =	ssyncadd.s32 @!p3 $0xFFFF8000;
	s0 =	simm.s32 @!p3 $0x8800  }
0x55: {  	[spmem:s2] =	stream.indirect.scatter.add.f32 @!p3 [tilespmem:s0], [sflag:$0x4], $0x40, s4, s26, $0xb8;
	[tilespmem:$0x1A800] =	vst v63  }
0x56: {  	s0 =	simm.s32 @!p2 $0x4E200;
	s26 =	simm.s32 @!p2 $0x400;
	_ =	swait.ge @!p2 [sflag:s29], $0x8000  }
.Ltmp0:
0x57: {  	s4 =	sadd.s32 @!p2 $0x40, s25;
	[sflag:s29] =	ssyncset.done @!p2 $0x0;
	(pc) =	sbr.rel @p1 .LBB2_2-.Ltmp0, $4  }
0x58: {  	p4 =	por @!p3 !p0, p4;
	[sflag:s29] =	ssyncadd.s32 @!p2 $0xFFFF8000;
	s29 =	simm.s32 @!p2 $0x5  }
0x59: {  	[tilespmem:s26], [sflag:$0x5] =	stream.strided.gather @!p2 [hbm4b:s4+s28], $0x400, s0, s28, $0x38;
	[tilespmem:$0x1A800] =	vst v63  }
0x5a: {  	p3 =	por !p4, p3;
	s25 =	sadd.s32 $0x80, s25;
	_ =	swait.ge @!p2 [sflag:s29], $0x400  }
0x5b: {  	s31 =	simm.s32 @!p2 $0x8800;
	s30 =	smov.u32 @p3 s9;
	[sflag:s29] =	ssyncset.done @!p2 $0x0  }
0x5c: {  	[sflag:s29] =	ssyncadd.s32 @!p2 $0xFFFFFC00  }
0x5d: {  	[tilespmem:s31], [sflag:$0x2] =	stream.indirect.gather @!p2 [hbm4b:s30+s28], $0x40, s26, s28, $0xb8;
	[tilespmem:$0x1A800] =	vst v63  }
0x5e: {  	_ =	swait.ge [sflag:s21], $0x8000  }
0x5f: {  	[sflag:s21] =	ssyncset.done $0x0  }
0x60: {  	[sflag:s21] =	ssyncadd.s32 $0xFFFF8000  }
0x61: {  	_ =	swait.ge [sflag:s22], $0x8000  }
0x62: {  	s23 =	sadd.s32 $0x1, s23;
	[sflag:s22] =	ssyncset.done $0x0  }
0x63: {  	p1 =	sne.s32 s23, s12;
	[sflag:s22] =	ssyncadd.s32 $0xFFFF8000  }
.Ltmp1:
0x64: {  	[bflag:$0x0] =	sbarrier.arrive $0xFFFF;
	(pc) =	sbr.rel @p1 .LBB2_1-.Ltmp1, $4  }
0x65: {  	[hbm:s11], [sflag:s7] =	dma.local [spmem:s14], $0x1400  }
0x66: {  	_ =	swait.ge [sflag:s15], $0x1400  }
0x67: {  	[sflag:s15] =	ssyncset.done $0x0  }
0x68: {  	[sflag:s15] =	ssyncadd.s32 $0xFFFFEC00  }
0x69: {  	_ =	sfence.sel $0x180000  }
0x6a: {  	[bflag:$0x0] =	sbarrier.arrive $0xFFFF  }
0x6b: {  	_ =	strace $0x90000050  }
0x6c: {  	s0 =	stileid.u32;
	[bflag:$0x2] =	sbarrier.arrive $0xFFFF  }
0x6d: {  	p0 =	sne.s32 s0, $0x0;
	s0 =	rddreg [dreg:$0x2]  }
0x6e: {  	s0 =	sadd.s32 @!p0 $0x100000, s0  }
0x6f: {  	[sflag:s0] =	ssyncadd.tile.s32 @!p0 $0x1;
	_ =	shalt  }
.Lfunc_end2:
_tile_overlayer_lowered:
.L_overlay_start_2:
0x70: {  	(tag) =	ssettag $0x2  }
0x71: {  	s0 =	rddreg [dreg:$0x0];
	s2 =	stileid.u32  }
0x72: {  	s1 =	rddreg [dreg:$0x1];
	p0 =	sne.s32 s2, $0x0  }
0x73: {  	s3 =	rddreg [dreg:$0x2];
	[bflag:$0x3] =	sbarrier.arrive $0xFFFF;
	s2 =	simm.s32 @!p0 $0x1C05  }
0x74: {  	[timem:s3], [sflag:s2] =	dma.local @!p0 [hbm:s0], s1  }
0x75: {  	s0 =	simm.s32 @!p0 $0x5  }
0x76: {  	_ =	swait.ge @!p0 [sflag:s0], s1  }
0x77: {  	s1 =	ssub.s32 @!p0 $0x0, s1;
	[sflag:s0] =	ssyncset.done @!p0 $0x0  }
0x78: {  	[sflag:s0] =	ssyncadd.s32 @!p0 s1  }
0x79: {  	[bflag:$0x3] =	sbarrier.arrive $0xFFFF  }
0x7a: {  	_ =	shalt  }

// kernel: kernel.25.cloned.1.call-start
scs
__scs_entry_jumppad:
0x0: {  	(pc) =	sbr.rel $0x88, $3  }
0x1: {  	(tag) =	ssettag $0x0;
	lr =	simm.s32 $0x1  }
0x2: {  	[smem:$0x3F91] =	sst lr;
	_ =	strace $0xD0000000  }
0x3: {  	_ = 	snop  }
0x4: {  	_ = 	snop  }
0x5: {  	_ = 	snop  }
0x6: {  	_ = 	snop  }
0x7: {  	_ = 	snop  }
__scs_overlays_trampoline_lowered:
0x8: {  	[smem:$0x3FA0] =	sst s0  }
0x9: {  	[smem:$0x3FA1] =	sst s1  }
0xa: {  	[smem:$0x3FA2] =	sst s2  }
0xb: {  	[smem:$0x3FA3] =	sst s3  }
0xc: {  	[smem:$0x3FA4] =	sst s4  }
0xd: {  	[smem:$0x3FA5] =	sst s5  }
0xe: {  	[smem:$0x3FA6] =	sst s6  }
0xf: {  	[smem:$0x3FA7] =	sst s7  }
0x10: {  	[smem:$0x3FA8] =	sst s8  }
0x11: {  	[smem:$0x3FA9] =	sst s9;
	s0 =	simm.s32 @!p0 $0x0  }
0x12: {  	s1 =	sld [smem:$0x3F8F];
	s0 =	simm.s32 @p0 $0x1  }
0x13: {  	[smem:$0x3FAA] =	sst s0;
	s0 =	simm.s32 @!p1 $0x0  }
0x14: {  	s2 =	sld [smem:$0x3F8E];
	s0 =	simm.s32 @p1 $0x1  }
0x15: {  	[smem:$0x3FAB] =	sst s0;
	s0 =	simm.s32 @!p2 $0x0  }
0x16: {  	s3 =	sld [smem:$0x3FDB];
	s0 =	simm.s32 @p2 $0x1  }
0x17: {  	s4 =	simm.s32 $0x1BF5;
	[smem:$0x3FAD] =	sst s0  }
0x18: {  	s0 =	sld [smem:$0x3F90];
	_ =	swait.ge [sflag:s4], $0x0  }
0x19: {  	s7 =	sld [smem:$0x3F91]  }
0x1a: {  	s8 =	sadd.s32 $0xFFFFE003, lr  }
0x1b: {  	s9 =	sadd.s32 $0xFFFFFEF7, lr;
	s5 =	simm.s32 $0xFFFFFFFF;
	p2 =	slt.u32 s8, $0xFFFFF086  }
0x1c: {  	p1 =	slt.u32 s9, $0xF7A;
	s5 =	simm.s32 @!p2 $0x0  }
0x1d: {  	s5 =	simm.s32 @p1 $0x1;
	p0 =	seq.s32 s7, s2  }
0x1e: {  	s7 =	smul.u32 @!p0 $0xF7A, s2;
	p2 =	seq.s32 @!p0 s5, $0x0  }
0x1f: {  	s9 =	smul.u32 $0xF7A, s1;
	s8 =	simm.s32 @!p0 $0x1BF5;
	p2 =	por !p2, p0  }
0x20: {  	[sflag:s8] =	ssyncset.s32 @!p0 $0xFFFFF086;
	s6 =	sadd.s32 @!p0 s3, s7;
	s7 =	simm.s32 @!p0 $0x108  }
0x21: {  	s3 =	sadd.s32 s3, s9;
	s6 =	sadd.s32 @!p0 $0x88, s6;
	s7 =	simm.s32 @p2 $0x1082  }
0x22: {  	[simem:s7], [sflag:s8] =	dma.local @!p0 [hbm:s6], $0xF7A  }
0x23: {  	s9 =	sor.u32 $0xD0000000, s2;
	s6 =	simm.s32 $0x108;
	_ =	swait.ge @!p0 [sflag:s8], $0x0  }
0x24: {  	s3 =	sadd.s32 $0x88, s3;
	s6 =	simm.s32 @!p1 $0x1082;
	[sflag:s4] =	ssyncset.s32 $0xFFFFF086  }
0x25: {  	[simem:s6], [sflag:s4] =	dma.local [hbm:s3], $0xF7A  }
0x26: {  	[smem:$0x3F91] =	sst s1;
	(tag) =	ssettag s2;
	_ =	strace s9  }
0x27: {  	s1 =	sld [smem:$0x3FA1]  }
0x28: {  	s2 =	sld [smem:$0x3FA2]  }
0x29: {  	s4 =	sld [smem:$0x3FA4]  }
0x2a: {  	p0 =	seq.s32 s5, $0x0;
	s5 =	sld [smem:$0x3FA5]  }
0x2b: {  	s6 =	sld [smem:$0x3FA6]  }
0x2c: {  	s7 =	sld [smem:$0x3FA7]  }
0x2d: {  	s3 =	simm.s32 $0x108;
	s8 =	sld [smem:$0x3FA8]  }
0x2e: {  	s3 =	simm.s32 @!p0 $0x1082;
	s9 =	sld [smem:$0x3FA9]  }
0x2f: {  	lr =	sadd.s32 s0, s3;
	s0 =	sld [smem:$0x3FA0]  }
0x30: {  	s3 =	sld [smem:$0x3FA3]  }
0x31: {  	[smem:$0x3FAC] =	sst s10  }
0x32: {  	s10 =	sld [smem:$0x3FAA];
	_ =	sdelay $0x3  }
0x33: {  	p0 =	seq.s32 s10, $0x1;
	s10 =	sld [smem:$0x3FAC];
	_ =	sdelay $0x3  }
0x34: {  	[smem:$0x3FAC] =	sst s10  }
0x35: {  	s10 =	sld [smem:$0x3FAB];
	_ =	sdelay $0x3  }
0x36: {  	p1 =	seq.s32 s10, $0x1;
	s10 =	sld [smem:$0x3FAC];
	_ =	sdelay $0x3  }
0x37: {  	[smem:$0x3FAC] =	sst s10  }
0x38: {  	s10 =	sld [smem:$0x3FAD]  }
0x39: {  	_ = 	snop;
	(pc) =	sbr.ind lr, $3  }
0x3a: {  	_ = 	snop  }
0x3b: {  	_ = 	snop  }
0x3c: {  	p2 =	seq.s32 s10, $0x1;
	s10 =	sld [smem:$0x3FAC]  }
0x3d: {  	_ =	shalt  }
0x3e: {  	_ =	shalt  }
0x3f: {  	_ =	shalt  }
0x40: {  	_ =	shalt  }
0x41: {  	_ =	shalt  }
0x42: {  	_ =	shalt  }
0x43: {  	_ =	shalt  }
0x44: {  	_ =	shalt  }
0x45: {  	_ =	shalt  }
0x46: {  	_ =	shalt  }
0x47: {  	_ =	shalt  }
0x48: {  	_ =	shalt  }
0x49: {  	_ =	shalt  }
0x4a: {  	_ =	shalt  }
0x4b: {  	_ =	shalt  }
0x4c: {  	_ =	shalt  }
0x4d: {  	_ =	shalt  }
0x4e: {  	_ =	shalt  }
0x4f: {  	_ =	shalt  }
0x50: {  	_ =	shalt  }
0x51: {  	_ =	shalt  }
0x52: {  	_ =	shalt  }
0x53: {  	_ =	shalt  }
0x54: {  	_ =	shalt  }
0x55: {  	_ =	shalt  }
0x56: {  	_ =	shalt  }
0x57: {  	_ =	shalt  }
0x58: {  	_ =	shalt  }
0x59: {  	_ =	shalt  }
0x5a: {  	_ =	shalt  }
0x5b: {  	_ =	shalt  }
0x5c: {  	_ =	shalt  }
0x5d: {  	_ =	shalt  }
0x5e: {  	_ =	shalt  }
0x5f: {  	_ =	shalt  }
0x60: {  	_ =	shalt  }
0x61: {  	_ =	shalt  }
0x62: {  	_ =	shalt  }
0x63: {  	_ =	shalt  }
0x64: {  	_ =	shalt  }
0x65: {  	_ =	shalt  }
0x66: {  	_ =	shalt  }
0x67: {  	_ =	shalt  }
0x68: {  	_ =	shalt  }
0x69: {  	_ =	shalt  }
0x6a: {  	_ =	shalt  }
0x6b: {  	_ =	shalt  }
0x6c: {  	_ =	shalt  }
0x6d: {  	_ =	shalt  }
0x6e: {  	_ =	shalt  }
0x6f: {  	_ =	shalt  }
0x70: {  	_ =	shalt  }
0x71: {  	_ =	shalt  }
0x72: {  	_ =	shalt  }
0x73: {  	_ =	shalt  }
0x74: {  	_ =	shalt  }
0x75: {  	_ =	shalt  }
0x76: {  	_ =	shalt  }
0x77: {  	_ =	shalt  }
0x78: {  	_ =	shalt  }
0x79: {  	_ =	shalt  }
0x7a: {  	_ =	shalt  }
0x7b: {  	_ =	shalt  }
0x7c: {  	_ =	shalt  }
0x7d: {  	_ =	shalt  }
0x7e: {  	_ =	shalt  }
0x7f: {  	_ =	shalt  }
0x80: {  	_ =	shalt  }
0x81: {  	_ =	shalt  }
0x82: {  	_ =	shalt  }
0x83: {  	_ =	shalt  }
0x84: {  	_ =	shalt  }
0x85: {  	_ =	shalt  }
0x86: {  	_ =	shalt  }
0x87: {  	_ =	shalt  }
.Lfunc_end0:
.L_simem_size_0:
called_computation.4_lowered:
.L_overlay_start_0:
0x88: {  	s2 =	sld [smem:$0x3FD9]  }
0x89: {  	s3 =	sld [smem:$0x3FFE];
	_ =	sdelay $0x1  }
0x8a: {  	s1 =	srdreg.scid  }
0x8b: {  	s0 =	sand.u32 $0x1, s1  }
0x8c: {  	s16 =	sshll.u32 s0, $0xA;
	s2 =	sadd.s32 s3, s2  }
0x8d: {  	s2 =	sadd.s32 s2, s16  }
0x8e: {  	[smem:$0x3FB8] =	sst s2  }
0x8f: {  	_ = 	snop  }
0x90: {  	(tm) =	ssettm $0x1  }
0x91: {  	s17 =	sld [smem:$0x3FFB];
	_ =	sdelay $0x3  }
0x92: {  	_ =	strace s17  }
0x93: {  	s2 =	sld [smem:$0x3FFC];
	_ =	sdelay $0x3  }
0x94: {  	_ =	strace s2  }
0x95: {  	s2 =	sld [smem:$0x3FFD];
	_ =	sdelay $0x3  }
0x96: {  	_ =	strace s2  }
0x97: {  	_ =	strace $0x8FFFFFFF  }
0x98: {  	s18 =	sld [smem:$0x3FDB];
	_ =	sdelay $0x1  }
0x99: {  	s19 =	simm.s32 $_scs_section_size  }
0x9a: {  	s4 =	simm.s32 $_size__tile_overlayer_lowered;
	s5 =	simm.s32 $_tile_overlayer_lowered  }
0x9b: {  	s22 =	simm.s32 $0x1BFF;
	s21 =	sshll.u32 s5, $0x1;
	s2 =	sadd.s32 s19, s18  }
0x9c: {  	s6 =	simm.s32 $0x0;
	s20 =	sshll.u32 s4, $0x1;
	s4 =	sadd.s32 s21, s2  }
0x9d: {  	[timem:s6], [sflag:s22] =	dma.local [hbm:s4], s20  }
0x9e: {  	_ =	swait.ge [sflag:s22], s20  }
0x9f: {  	s3 =	ssub.s32 $0x0, s20;
	[sflag:s22] =	ssyncset.done $0x0  }
0xa0: {  	[sflag:s22] =	ssyncadd.s32 s3;
	_ =	sdelay $0x1  }
0xa1: {  	s23 =	simm.s32 $0x1B8B  }
0xa2: {  	_ =	swait.ge [sflag:s23], $0x1  }
0xa3: {  	[sflag:s23] =	ssyncset.done $0x0  }
0xa4: {  	s25 =	simm.s32 $0x1B8E;
	s24 =	sld [smem:$0x3FFE];
	[sflag:s23] =	ssyncadd.s32 $0xFFFFFFFF  }
0xa5: {  	s26 =	simm.s32 $execute0_lowered;
	[smem:$0x3FD2] =	sst s25  }
0xa6: {  	s4 =	sshll.u32 s26, $0x1;
	_ =	strace $0x80000052;
	[dreg:$0x1] =	wrdreg $0xFFFFFFFF  }
0xa7: {  	s28 =	simm.s32 $_size_execute0_lowered;
	s2 =	sadd.s32 s2, s4;
	[dreg:$0x0] =	wrdreg $0x0  }
0xa8: {  	s4 =	sshll.u32 s28, $0x1;
	[dreg:$0x2] =	wrdreg s2  }
0xa9: {  	[dreg:$0x3] =	wrdreg s4  }
0xaa: {  	[dreg:$0x4] =	wrdreg $0xC0  }
0xab: {  	_ =	task [dreg:s6], $0x5FFFF  }
0xac: {  	[dreg:$0x1] =	wrdreg $0xFFFFFFFF  }
0xad: {  	[dreg:$0x0] =	wrdreg $0x60  }
0xae: {  	[dreg:$0x2] =	wrdreg s24  }
0xaf: {  	[dreg:$0x3] =	wrdreg $0x108000  }
0xb0: {  	[dreg:$0x4] =	wrdreg $0x9  }
0xb1: {  	_ =	task.clear_ibuf [dreg:s6], $0x5FFFF;
	_ =	strace $0x90000052  }
0xb2: {  	s29 =	simm.s32 $0x9;
	_ =	strace $0x80000054  }
0xb3: {  	_ =	swait.ge [sflag:s29], $0x1  }
0xb4: {  	[sflag:s29] =	ssyncadd.s32 $0xFFFFFFFF  }
0xb5: {  	_ =	strace $0x90000054  }
0xb6: {  	_ =	sfence  }
0xb7: {  	s30 =	sld [smem:$0x0];
	_ =	sdelay $0x2  }
0xb8: {  	s31 =	sshll.u32 s1, $0xD;
	s1 =	sshrl.u32 s1, $0x2  }
0xb9: {  	s3 =	sand.u32 $0x4000, s31;
	s1 =	sadd.s32 s1, s30  }
0xba: {  	s0 =	sor.u32 s3, s0;
	s1 =	sshll.u32 s1, $0x11  }
0xbb: {  	s0 =	sor.u32 s1, s0  }
0xbc: {  	s0 =	sadd.s32 $0x8F2B, s0  }
0xbd: {  	[sflag:s0] =	ssyncadd.remote.s32 $0x1  }
0xbe: {  	_ =	sfence.sel $0xFFFF  }
0xbf: {  	[dreg:$0x0] =	wrdreg $0xFFFFFFFF;
	(pc) =	sbr.abs _section_cstart, $3  }
0xc0: {  	[dreg:$0x1] =	wrdreg $0xFFFFFFFF  }
0xc1: {  	_ =	task.clear_ibuf [dreg:s6], $0x2FFFF;
	_ =	strace $0x9FFFFFFF  }
0xc2: {  	(tm) =	ssettm $0x7FFFFFFF  }
0xc3: {  	_ =	shalt  }
tec
execute0_lowered:
.L_overlay_start_1:
0x0: {  	(tag) =	ssettag $0x1  }
0x1: {  	s9 =	rddreg [dreg:$0x0]  }
0x2: {  	s2 =	rddreg [dreg:$0x1]  }
0x3: {  	s0 =	stileid.u32;
	s4 =	srdreg.scid;
	s3 =	simm.s32 $0x0  }
0x4: {  	s16 =	simm.s32 $0x200;
	s17 =	simm.s32 $0x4E200;
	s19 =	simm.s32 $0x400  }
0x5: {  	s20 =	simm.s32 $0x8800;
	s21 =	simm.s32 $0x3;
	s5 =	smul.u32 $0xA00, s0  }
0x6: {  	s22 =	simm.s32 $0x4;
	s23 =	simm.s32 $0x0;
	s6 =	smul.u32 $0xA000, s0  }
0x7: {  	s10 =	sand.u32 $0x1, s4;
	[smem:$0x7FF] =	sst s3;
	s8 =	smul.u32 $0x28, s0  }
0x8: {  	s18 =	sadd.s32 $0x68000, s9;
	s31 =	sshll.u32 s0, $0x6;
	s7 =	smul.u32 $0xA0000, s10  }
0x9: {  	_ =	strace $0x80000053;
	s29 =	ssub.s32 $0x2, s10;
	p0 =	seq.s32 s10, $0x1  }
0xa: {  	s1 =	smov.u32 s18;
	s13 =	sadd.s32 s5, s9;
	s30 =	sshrl.u32 s29, $0x1  }
0xb: {  	s8 =	ssub.s32 $0x271, s8;
	s15 =	sadd.s32 s6, s2;
	s28 =	sadd.s32 s6, s7  }
0xc: {  	s14 =	ssub.s32 s29, s30;
	s5 =	smin.u32 s8, $0x28;
	s7 =	sor.u32 $0x1C05, s31  }
0xd: {  	s8 =	sadd.s32 $0x4600, s13;
	s10 =	sadd.s32 $0x4640, s13;
	s11 =	sshrl.u32 s28, $0x3  }
0xe: {  	s13 =	sadd.s32 $0x4680, s13;
	s12 =	sadd.s32 s11, s9;
	s6 =	sadd.s32 s18, s11  }
0xf: {  	s9 =	sadd.s32 $0x7C000, s9;
	s11 =	sadd.s32 $0x18000, s12;
	s12 =	smax.u32 s14, $0x1  }
0x10: {  	s14 =	sshrl.u32 s15, $0x3;
	s15 =	simm.s32 $0x5;
	s1 =	smov.u32 @p0 s9  }
.LBB2_1:
0x11: {  	[spmem:s14], [sflag:s7] =	dma.local [hbm:s6], $0x1400  }
0x12: {  	_ =	swait.ge [sflag:s15], $0x1400  }
0x13: {  	[sflag:s15] =	ssyncset.done $0x0  }
0x14: {  	[sflag:s15] =	ssyncadd.s32 $0xFFFFEC00  }
0x15: {  	[bflag:$0x0] =	sbarrier.arrive $0xFFFF  }
0x16: {  	[tilespmem:s3], [sflag:$0x5] =	stream.strided.gather [hbm4b:s8+s16], $0x400, s17, s16, $0x38;
	[tilespmem:$0x1A800] =	vst v63  }
0x17: {  	_ =	swait.ge [sflag:s15], $0x400  }
0x18: {  	s24 =	simm.s32 @!p0 $0x200;
	[sflag:s15] =	ssyncset.done $0x0  }
0x19: {  	s25 =	simm.s32 @!p0 $0x0;
	s26 =	simm.s32 @!p0 $0x800;
	[sflag:s15] =	ssyncadd.s32 $0xFFFFFC00  }
0x1a: {  	[tilespmem:s26], [sflag:$0x1] =	stream.indirect.gather @!p0 [hbm4b:s18+s24], $0x40, s25, s24, $0xb8;
	[tilespmem:$0x1A800] =	vst v63  }
0x1b: {  	s25 =	simm.s32 @!p0 $0x4E200;
	s26 =	simm.s32 @!p0 $0x400  }
0x1c: {  	[tilespmem:s26], [sflag:$0x5] =	stream.strided.gather @!p0 [hbm4b:s10+s24], $0x400, s25, s24, $0x38;
	[tilespmem:$0x1A800] =	vst v63  }
0x1d: {  	s24 =	simm.s32 @!p0 $0x5  }
0x1e: {  	_ =	swait.ge @!p0 [sflag:s24], $0x400  }
0x1f: {  	s25 =	simm.s32 @p0 $0x0;
	[sflag:s24] =	ssyncset.done @!p0 $0x0  }
0x20: {  	s26 =	simm.s32 @p0 $0x800;
	[sflag:s24] =	ssyncadd.s32 @!p0 $0xFFFFFC00;
	s24 =	simm.s32 @p0 $0x200  }
0x21: {  	[tilespmem:s26], [sflag:$0x1] =	stream.indirect.gather @p0 [hbm4b:s9+s24], $0x40, s25, s24, $0xb8;
	[tilespmem:$0x1A800] =	vst v63  }
0x22: {  	s25 =	simm.s32 @p0 $0x4E200;
	s26 =	simm.s32 @p0 $0x400  }
0x23: {  	[tilespmem:s26], [sflag:$0x5] =	stream.strided.gather @p0 [hbm4b:s10+s24], $0x400, s25, s24, $0x38;
	[tilespmem:$0x1A800] =	vst v63  }
0x24: {  	s24 =	simm.s32 @p0 $0x5  }
0x25: {  	_ =	swait.ge @p0 [sflag:s24], $0x400  }
0x26: {  	p1 =	sle.u32 s5, $0x0;
	[sflag:s24] =	ssyncset.done @p0 $0x0  }
0x27: {  	[sflag:s24] =	ssyncadd.s32 @p0 $0xFFFFFC00;
	s24 =	simm.s32 @!p1 $0x1  }
0x28: {  	[tilespmem:s20], [sflag:$0x2] =	stream.indirect.gather [hbm4b:s1+s16], $0x40, s19, s16, $0xb8;
	[tilespmem:$0x1A800] =	vst v63  }
0x29: {  	p3 =	sle.u32 @!p1 s5, $0x2;
	_ =	swait.ge @!p1 [sflag:s24], $0x8000  }
0x2a: {  	p2 =	por p3, p1;
	[sflag:s24] =	ssyncset.done @!p1 $0x0  }
0x2b: {  	s25 =	simm.s32 @!p1 $0x800;
	[sflag:s24] =	ssyncadd.s32 @!p1 $0xFFFF8000;
	s24 =	simm.s32 @!p1 $0x200  }
0x2c: {  	[spmem:s2] =	stream.indirect.scatter.add.f32 @!p1 [tilespmem:s25], [sflag:$0x3], $0x40, s24, s24, $0xb8;
	[tilespmem:$0x1A800] =	vst v63  }
0x2d: {  	s30 =	smov.u32 s18;
	s24 =	simm.s32 @!p2 $0x3  }
0x2e: {  	p3 =	por @!p1 !p0, p3;
	s28 =	simm.s32 @!p2 $0x4E200;
	_ =	swait.ge @!p2 [sflag:s24], $0x8000  }
0x2f: {  	s29 =	simm.s32 @!p2 $0x5;
	p3 =	por !p3, p1;
	[sflag:s24] =	ssyncset.done @!p2 $0x0  }
0x30: {  	s26 =	simm.s32 @!p2 $0x200;
	s25 =	simm.s32 @!p2 $0x0;
	[sflag:s24] =	ssyncadd.s32 @!p2 $0xFFFF8000  }
0x31: {  	[tilespmem:s25], [sflag:$0x5] =	stream.strided.gather @!p2 [hbm4b:s13+s26], $0x400, s28, s26, $0x38;
	[tilespmem:$0x1A800] =	vst v63  }
0x32: {  	s30 =	smov.u32 @p3 s9;
	p1 =	sle.u32 s5, $0x1;
	_ =	swait.ge @!p2 [sflag:s29], $0x400  }
0x33: {  	p3 =	sle.u32 @!p1 s5, $0x3;
	s24 =	simm.s32 $0x2;
	[sflag:s29] =	ssyncset.done @!p2 $0x0  }
0x34: {  	s28 =	simm.s32 @!p2 $0x800;
	[sflag:s29] =	ssyncadd.s32 @!p2 $0xFFFFFC00;
	s29 =	simm.s32 @!p1 $0x2  }
0x35: {  	[tilespmem:s28], [sflag:$0x1] =	stream.indirect.gather @!p2 [hbm4b:s30+s26], $0x40, s25, s26, $0xb8;
	[tilespmem:$0x1A800] =	vst v63  }
0x36: {  	s25 =	simm.s32 @!p1 $0x600;
	s26 =	simm.s32 @!p1 $0x200;
	_ =	swait.ge @!p1 [sflag:s29], $0x8000  }
0x37: {  	p2 =	por p3, p1;
	s28 =	simm.s32 @!p1 $0x8800;
	[sflag:s29] =	ssyncset.done @!p1 $0x0  }
0x38: {  	p3 =	por @!p1 !p0, p3;
	[sflag:s29] =	ssyncadd.s32 @!p1 $0xFFFF8000;
	s29 =	simm.s32 @!p2 $0x4  }
0x39: {  	[spmem:s2] =	stream.indirect.scatter.add.f32 @!p1 [tilespmem:s28], [sflag:$0x4], $0x40, s25, s26, $0xb8;
	[tilespmem:$0x1A800] =	vst v63  }
0x3a: {  	s30 =	sadd.s32 @!p2 $0x40, s13;
	s31 =	simm.s32 @!p2 $0x8800;
	_ =	swait.ge @!p2 [sflag:s29], $0x8000  }
0x3b: {  	s25 =	simm.s32 @!p2 $0x4E200;
	s26 =	simm.s32 @!p2 $0x400;
	[sflag:s29] =	ssyncset.done @!p2 $0x0  }
0x3c: {  	s28 =	simm.s32 @!p2 $0x200;
	[sflag:s29] =	ssyncadd.s32 @!p2 $0xFFFF8000;
	s29 =	simm.s32 @!p2 $0x5  }
0x3d: {  	[tilespmem:s26], [sflag:$0x5] =	stream.strided.gather @!p2 [hbm4b:s30+s28], $0x400, s25, s28, $0x38;
	[tilespmem:$0x1A800] =	vst v63  }
0x3e: {  	p1 =	por !p3, p1;
	s30 =	smov.u32 s18;
	_ =	swait.ge @!p2 [sflag:s29], $0x400  }
0x3f: {  	s25 =	sadd.s32 $0x80, s13;
	s30 =	smov.u32 @p1 s9;
	[sflag:s29] =	ssyncset.done @!p2 $0x0  }
.LBB2_2:
0x40: {  	p3 =	sge.u32 s24, s5  }
0x41: {  	[sflag:s29] =	ssyncadd.s32 @!p2 $0xFFFFFC00;
	s29 =	smov.u32 s24;
	s24 =	sadd.s32 $0x2, s24  }
0x42: {  	[tilespmem:s31], [sflag:$0x2] =	stream.indirect.gather @!p2 [hbm4b:s30+s28], $0x40, s26, s28, $0xb8;
	[tilespmem:$0x1A800] =	vst v63  }
0x43: {  	s26 =	simm.s32 @!p3 $0x1;
	s28 =	sadd.s32 @!p3 $0x2, s29;
	p1 =	sne.s32 s24, $0x28  }
0x44: {  	p2 =	sge.u32 @!p3 s28, s5;
	_ =	swait.ge @!p3 [sflag:s26], $0x8000  }
0x45: {  	s28 =	simm.s32 @!p3 $0x800;
	p4 =	por @!p3 !p0, p2;
	[sflag:s26] =	ssyncset.done @!p3 $0x0  }
0x46: {  	p2 =	por p2, p3;
	[sflag:s26] =	ssyncadd.s32 @!p3 $0xFFFF8000;
	s26 =	simm.s32 @!p3 $0x200  }
0x47: {  	[spmem:s2] =	stream.indirect.scatter.add.f32 @!p3 [tilespmem:s28], [sflag:$0x3], $0x40, s26, s26, $0xb8;
	[tilespmem:$0x1A800] =	vst v63  }
0x48: {  	s26 =	simm.s32 @!p2 $0x3;
	p3 =	por !p4, p3  }
0x49: {  	s28 =	simm.s32 @!p2 $0x0;
	_ =	swait.ge @!p2 [sflag:s26], $0x8000  }
0x4a: {  	s30 =	simm.s32 @!p2 $0x200;
	s31 =	simm.s32 @!p2 $0x4E200;
	[sflag:s26] =	ssyncset.done @!p2 $0x0  }
0x4b: {  	s4 =	smov.u32 s18;
	[sflag:s26] =	ssyncadd.s32 @!p2 $0xFFFF8000;
	s26 =	simm.s32 @!p2 $0x5  }
0x4c: {  	[tilespmem:s28], [sflag:$0x5] =	stream.strided.gather @!p2 [hbm4b:s25+s30], $0x400, s31, s30, $0x38;
	[tilespmem:$0x1A800] =	vst v63  }
0x4d: {  	s0 =	sadd.s32 $0x1, s29;
	s31 =	simm.s32 @!p2 $0x800;
	_ =	swait.ge @!p2 [sflag:s26], $0x400  }
0x4e: {  	s4 =	smov.u32 @p3 s9;
	p3 =	sge.u32 s0, s5;
	[sflag:s26] =	ssyncset.done @!p2 $0x0  }
0x4f: {  	s0 =	simm.s32 @!p3 $0x2;
	[sflag:s26] =	ssyncadd.s32 @!p2 $0xFFFFFC00;
	s26 =	sadd.s32 @!p3 $0x3, s29  }
0x50: {  	[tilespmem:s31], [sflag:$0x1] =	stream.indirect.gather @!p2 [hbm4b:s4+s30], $0x40, s28, s30, $0xb8;
	[tilespmem:$0x1A800] =	vst v63  }
0x51: {  	s4 =	simm.s32 @!p3 $0x600;
	p4 =	sge.u32 @!p3 s26, s5  }
0x52: {  	s26 =	simm.s32 @!p3 $0x200;
	_ =	swait.ge @!p3 [sflag:s0], $0x8000;
	p2 =	por p4, p3  }
0x53: {  	s30 =	smov.u32 s18;
	[sflag:s0] =	ssyncset.done @!p3 $0x0;
	s29 =	simm.s32 @!p2 $0x4  }
0x54: {  	s28 =	simm.s32 @!p2 $0x200;
	[sflag:s0] =	ssyncadd.s32 @!p3 $0xFFFF8000;
	s0 =	simm.s32 @!p3 $0x8800  }
0x55: {  	[spmem:s2] =	stream.indirect.scatter.add.f32 @!p3 [tilespmem:s0], [sflag:$0x4], $0x40, s4, s26, $0xb8;
	[tilespmem:$0x1A800] =	vst v63  }
0x56: {  	s0 =	simm.s32 @!p2 $0x4E200;
	s26 =	simm.s32 @!p2 $0x400;
	_ =	swait.ge @!p2 [sflag:s29], $0x8000  }
.Ltmp0:
0x57: {  	s4 =	sadd.s32 @!p2 $0x40, s25;
	[sflag:s29] =	ssyncset.done @!p2 $0x0;
	(pc) =	sbr.rel @p1 .LBB2_2-.Ltmp0, $4  }
0x58: {  	p4 =	por @!p3 !p0, p4;
	[sflag:s29] =	ssyncadd.s32 @!p2 $0xFFFF8000;
	s29 =	simm.s32 @!p2 $0x5  }
0x59: {  	[tilespmem:s26], [sflag:$0x5] =	stream.strided.gather @!p2 [hbm4b:s4+s28], $0x400, s0, s28, $0x38;
	[tilespmem:$0x1A800] =	vst v63  }
0x5a: {  	p3 =	por !p4, p3;
	s25 =	sadd.s32 $0x80, s25;
	_ =	swait.ge @!p2 [sflag:s29], $0x400  }
0x5b: {  	s31 =	simm.s32 @!p2 $0x8800;
	s30 =	smov.u32 @p3 s9;
	[sflag:s29] =	ssyncset.done @!p2 $0x0  }
0x5c: {  	[sflag:s29] =	ssyncadd.s32 @!p2 $0xFFFFFC00  }
0x5d: {  	[tilespmem:s31], [sflag:$0x2] =	stream.indirect.gather @!p2 [hbm4b:s30+s28], $0x40, s26, s28, $0xb8;
	[tilespmem:$0x1A800] =	vst v63  }
0x5e: {  	_ =	swait.ge [sflag:s21], $0x8000  }
0x5f: {  	[sflag:s21] =	ssyncset.done $0x0  }
0x60: {  	[sflag:s21] =	ssyncadd.s32 $0xFFFF8000  }
0x61: {  	_ =	swait.ge [sflag:s22], $0x8000  }
0x62: {  	s23 =	sadd.s32 $0x1, s23;
	[sflag:s22] =	ssyncset.done $0x0  }
0x63: {  	p1 =	sne.s32 s23, s12;
	[sflag:s22] =	ssyncadd.s32 $0xFFFF8000  }
.Ltmp1:
0x64: {  	[bflag:$0x0] =	sbarrier.arrive $0xFFFF;
	(pc) =	sbr.rel @p1 .LBB2_1-.Ltmp1, $4  }
0x65: {  	[hbm:s11], [sflag:s7] =	dma.local [spmem:s14], $0x1400  }
0x66: {  	_ =	swait.ge [sflag:s15], $0x1400  }
0x67: {  	[sflag:s15] =	ssyncset.done $0x0  }
0x68: {  	[sflag:s15] =	ssyncadd.s32 $0xFFFFEC00  }
0x69: {  	_ =	sfence.sel $0x180000  }
0x6a: {  	[bflag:$0x0] =	sbarrier.arrive $0xFFFF  }
0x6b: {  	_ =	strace $0x90000053  }
0x6c: {  	s0 =	stileid.u32;
	[bflag:$0x2] =	sbarrier.arrive $0xFFFF  }
0x6d: {  	p0 =	sne.s32 s0, $0x0;
	s0 =	rddreg [dreg:$0x2]  }
0x6e: {  	s0 =	sadd.s32 @!p0 $0x100000, s0  }
0x6f: {  	[sflag:s0] =	ssyncadd.tile.s32 @!p0 $0x1;
	_ =	shalt  }
.Lfunc_end2:
_tile_overlayer_lowered:
.L_overlay_start_2:
0x70: {  	(tag) =	ssettag $0x2  }
0x71: {  	s0 =	rddreg [dreg:$0x0];
	s2 =	stileid.u32  }
0x72: {  	s1 =	rddreg [dreg:$0x1];
	p0 =	sne.s32 s2, $0x0  }
0x73: {  	s3 =	rddreg [dreg:$0x2];
	[bflag:$0x3] =	sbarrier.arrive $0xFFFF;
	s2 =	simm.s32 @!p0 $0x1C05  }
0x74: {  	[timem:s3], [sflag:s2] =	dma.local @!p0 [hbm:s0], s1  }
0x75: {  	s0 =	simm.s32 @!p0 $0x5  }
0x76: {  	_ =	swait.ge @!p0 [sflag:s0], s1  }
0x77: {  	s1 =	ssub.s32 @!p0 $0x0, s1;
	[sflag:s0] =	ssyncset.done @!p0 $0x0  }
0x78: {  	[sflag:s0] =	ssyncadd.s32 @!p0 s1  }
0x79: {  	[bflag:$0x3] =	sbarrier.arrive $0xFFFF  }
0x7a: {  	_ =	shalt  }

</sc_bundles>
